<compile_context>
chip_gen: v7x
topology: tpu7x:2x2x1
jax: 0.10.2.dev20260603
libtpu: 0.0.44.dev20260713+nightly
codegen_flags: <defaults>
</compile_context>

<pallas_src>
import jax
import jax.numpy as jnp
from jax import lax
from jax.experimental import pallas as pl
from jax.experimental.pallas import tpu as pltpu
from jax.experimental.pallas import tpu_sc as plsc

_N = 10000
_E = 320000
_F = 128
_C = 40
_NW = 32
_NCH = _E // (_NW * _C)
_NSUB = 16
_RPS = 624
_RPS_LAST = _N - 15 * _RPS
_BM = 1000


_G = 4
_L = 1
_K = _G + _L
_ST = 10
_SCH = _NCH // _ST
_NT = _SCH // _K


def _make_segsum(with_counts: bool):
    mesh = plsc.VectorSubcoreMesh(core_axis_name="c", subcore_axis_name="s")
    out_type = [jax.ShapeDtypeStruct((2, _N, _F), jnp.float32)]
    scratch = [
        [pltpu.VMEM((_SCH, _C), jnp.int32) for _ in range(2)],
        [pltpu.VMEM((_SCH, _C), jnp.int32) for _ in range(2)],
        [pltpu.VMEM((_C, _F), jnp.float32) for _ in range(_K)],
        pltpu.VMEM_SHARED((_N, _F), jnp.float32),
        [pltpu.SemaphoreType.DMA for _ in range(_K)],
        [pltpu.SemaphoreType.DMA for _ in range(_K)],
        pltpu.SemaphoreType.DMA,
    ]
    if with_counts:
        out_type.append(jax.ShapeDtypeStruct((2, _N), jnp.float32))
        scratch += [
            pltpu.VMEM((_C,), jnp.float32),
            pltpu.VMEM_SHARED((_N,), jnp.float32),
            [pltpu.SemaphoreType.DMA for _ in range(_K)],
        ]

    def body(y, src_i, dst_i, zrow, zc, ones, parts, counts,
             src_v, dst_v, rows, acc, gsem, ssem, isem,
             ones_v=None, cacc=None, csem=None):
        c = lax.axis_index("c")
        s = lax.axis_index("s")
        wid = c * _NSUB + s

        def g_start(b, sb, j):
            pltpu.async_copy(y.at[sb.at[j]], rows[b], gsem[b])

        def g_wait(b):
            pltpu.make_async_copy(y.at[src_v[0].at[0]], rows[b],
                                  gsem[b]).wait()

        def s_start(b, db, j):
            pltpu.async_copy(rows[b], acc.at[db.at[j]], ssem[b], add=True)
            if with_counts:
                pltpu.async_copy(ones_v, cacc.at[db.at[j]], csem[b],
                                 add=True)

        def s_wait(b):
            pltpu.make_async_copy(rows[b], acc.at[dst_v[0].at[0]],
                                  ssem[b]).wait()
            if with_counts:
                pltpu.make_async_copy(ones_v, cacc.at[dst_v[0].at[0]],
                                      csem[b]).wait()

        def i_start(t_next, nsb, ndb):
            pltpu.async_copy(src_i.at[wid, t_next], nsb, isem)
            pltpu.async_copy(dst_i.at[wid, t_next], ndb, isem)

        def i_wait(nsb, ndb):
            pltpu.make_async_copy(src_i.at[wid, 0], nsb, isem).wait()
            pltpu.make_async_copy(dst_i.at[wid, 0], ndb, isem).wait()

        def phase(sb, db, nsb, ndb, t_next, pre, sw0):
            if pre is None:
                i_start(t_next, nsb, ndb)
            else:
                @pl.when(pre)
                def _():
                    i_start(t_next, nsb, ndb)

            def turn_reg(i, c2):
                for u in range(_K):
                    j = i * _K + u
                    g_wait(u)
                    s_start(u, db, j)
                    d = (u + _G) % _K
                    if u < _L and sw0 is not None:
                        @pl.when(sw0 | (i > 0))
                        def _():
                            s_wait(d)
                    else:
                        s_wait(d)
                    g_start(d, sb, j + _G)
                return c2

            lax.fori_loop(0, _NT - 1, turn_reg, 0)
            for u in range(_K):
                j = (_NT - 1) * _K + u
                g_wait(u)
                s_start(u, db, j)
                d = (u + _G) % _K
                s_wait(d)
                if u < _L:
                    g_start(d, sb, j + _G)
                else:
                    if u == _L:
                        if pre is None:
                            i_wait(nsb, ndb)
                        else:
                            @pl.when(pre)
                            def _():
                                i_wait(nsb, ndb)
                    if pre is None:
                        g_start(d, nsb, j + _G - _SCH)
                    else:
                        @pl.when(pre)
                        def _():
                            g_start(d, nsb, j + _G - _SCH)

        pltpu.sync_copy(src_i.at[wid, 0], src_v[0])
        pltpu.sync_copy(dst_i.at[wid, 0], dst_v[0])
        for b in range(_G):
            g_start(b, src_v[0], b)

        @pl.when(s < 15)
        def _():
            pltpu.sync_copy(zrow.at[pl.ds(0, _RPS)],
                            acc.at[pl.ds(s * _RPS, _RPS)])

        @pl.when(s == 15)
        def _():
            pltpu.sync_copy(zrow, acc.at[pl.ds(15 * _RPS, _RPS_LAST)])
        if with_counts:
            @pl.when(s == 0)
            def _():
                pltpu.sync_copy(zc, cacc)
            pltpu.sync_copy(ones, ones_v)
        plsc.subcore_barrier()

        def pair(p, carry):
            phase(src_v[0], dst_v[0], src_v[1], dst_v[1],
                  2 * p + 1, None, p > 0)
            phase(src_v[1], dst_v[1], src_v[0], dst_v[0],
                  2 * p + 2, p + 1 < _ST // 2, None)
            return carry

        lax.fori_loop(0, _ST // 2, pair, 0)
        for b in range(_K - _L, _K):
            s_wait(b)
        plsc.subcore_barrier()

        @pl.when(s < 15)
        def _():
            pltpu.sync_copy(acc.at[pl.ds(s * _RPS, _RPS)],
                            parts.at[c, pl.ds(s * _RPS, _RPS)])

        @pl.when(s == 15)
        def _():
            pltpu.sync_copy(acc.at[pl.ds(15 * _RPS, _RPS_LAST)],
                            parts.at[c, pl.ds(15 * _RPS, _RPS_LAST)])
        if with_counts:
            @pl.when(s == 0)
            def _():
                pltpu.sync_copy(cacc, counts.at[c])

    if with_counts:
        def body_wc(y, src_i, dst_i, zrow, zc, ones, parts, counts,
                    src_v, dst_v, rows, acc, gsem, ssem, isem,
                    ones_v, cacc, csem):
            body(y, src_i, dst_i, zrow, zc, ones, parts, counts,
                 src_v, dst_v, rows, acc, gsem, ssem, isem,
                 ones_v, cacc, csem)
        fn = body_wc
    else:
        def body_nc(y, src_i, dst_i, zrow, zc, ones, parts,
                    src_v, dst_v, rows, acc, gsem, ssem, isem):
            body(y, src_i, dst_i, zrow, zc, ones, parts, None,
                 src_v, dst_v, rows, acc, gsem, ssem, isem)
        fn = body_nc

    return pl.kernel(fn, mesh=mesh, out_type=out_type, scratch_types=scratch)


_segsum_counts = _make_segsum(True)
_segsum = _make_segsum(False)


def _mm2_body(x_ref, wl_ref, wr_ref, b_ref, y_ref, r_ref):
    xb = x_ref[...]
    y_ref[...] = jnp.dot(xb, wl_ref[...], preferred_element_type=jnp.float32)
    r_ref[...] = (jnp.dot(xb, wr_ref[...], preferred_element_type=jnp.float32)
                  + b_ref[...])


_mm2 = pl.pallas_call(
    _mm2_body,
    grid=(_N // _BM,),
    in_specs=[
        pl.BlockSpec((_BM, _F), lambda i: (i, 0)),
        pl.BlockSpec((_F, _F), lambda i: (0, 0)),
        pl.BlockSpec((_F, _F), lambda i: (0, 0)),
        pl.BlockSpec((1, _F), lambda i: (0, 0)),
    ],
    out_specs=[pl.BlockSpec((_BM, _F), lambda i: (i, 0))] * 2,
    out_shape=[jax.ShapeDtypeStruct((_N, _F), jnp.float32)] * 2,
)


def _comb1_body(p_ref, c_ref, r1_ref, wl_ref, wr_ref, b_ref,
                y2_ref, r2_ref, inv_ref):
    p = p_ref[0] + p_ref[1]
    cnt = c_ref[0] + c_ref[1]
    inv = 1.0 / jnp.maximum(cnt, 1.0)
    h = jnp.maximum(p * inv + r1_ref[...], 0.0)
    y2_ref[...] = jnp.dot(h, wl_ref[...], preferred_element_type=jnp.float32)
    r2_ref[...] = (jnp.dot(h, wr_ref[...], preferred_element_type=jnp.float32)
                   + b_ref[...])
    inv_ref[...] = inv


_comb1 = pl.pallas_call(
    _comb1_body,
    grid=(_N // _BM,),
    in_specs=[
        pl.BlockSpec((2, _BM, _F), lambda i: (0, i, 0)),
        pl.BlockSpec((2, _BM, 1), lambda i: (0, i, 0)),
        pl.BlockSpec((_BM, _F), lambda i: (i, 0)),
        pl.BlockSpec((_F, _F), lambda i: (0, 0)),
        pl.BlockSpec((_F, _F), lambda i: (0, 0)),
        pl.BlockSpec((1, _F), lambda i: (0, 0)),
    ],
    out_specs=[
        pl.BlockSpec((_BM, _F), lambda i: (i, 0)),
        pl.BlockSpec((_BM, _F), lambda i: (i, 0)),
        pl.BlockSpec((_BM, 1), lambda i: (i, 0)),
    ],
    out_shape=[
        jax.ShapeDtypeStruct((_N, _F), jnp.float32),
        jax.ShapeDtypeStruct((_N, _F), jnp.float32),
        jax.ShapeDtypeStruct((_N, 1), jnp.float32),
    ],
)


def _comb2_body(p_ref, inv_ref, r2_ref, o_ref):
    p = p_ref[0] + p_ref[1]
    o_ref[...] = p * inv_ref[...] + r2_ref[...]


_comb2 = pl.pallas_call(
    _comb2_body,
    grid=(_N // _BM,),
    in_specs=[
        pl.BlockSpec((2, _BM, _F), lambda i: (0, i, 0)),
        pl.BlockSpec((_BM, 1), lambda i: (i, 0)),
        pl.BlockSpec((_BM, _F), lambda i: (i, 0)),
    ],
    out_specs=pl.BlockSpec((_BM, _F), lambda i: (i, 0)),
    out_shape=jax.ShapeDtypeStruct((_N, _F), jnp.float32),
)


def kernel(x, edge_index, edge_attr, W1_l, b1, W1_r, W2_l, b2, W2_r):
    del edge_attr
    src = edge_index[0].reshape(_NW, _ST, _SCH, _C).astype(jnp.int32)
    dst = edge_index[1].reshape(_NW, _ST, _SCH, _C).astype(jnp.int32)
    zrow = jnp.zeros((_RPS_LAST, _F), jnp.float32)
    zc = jnp.zeros((_N,), jnp.float32)
    ones = jnp.ones((_C,), jnp.float32)

    y1, r1 = _mm2(x, W1_l, W1_r, b1.reshape(1, _F))
    parts1, cnts = _segsum_counts(y1, src, dst, zrow, zc, ones)
    y2, r2, inv = _comb1(parts1, cnts.reshape(2, _N, 1), r1,
                         W2_l, W2_r, b2.reshape(1, _F))
    parts2, = _segsum(y2, src, dst, zrow, zc, ones)
    out = _comb2(parts2, inv, r2)
    return out

# --- scband reference (transcript-rebuilt; emitter-appended) ---
"""Pipeline reference for scband-sageencoder-65171833749590 (READ-ONLY COPY).

The authoritative reference and input builder live on the scoring server;
editing this copy changes nothing except your own understanding.
"""

import jax, jax.numpy as jnp
import numpy as np

N = 10000
E = 320000
D = 128
H = 128
O = 128
D_EDGE = 4


def _glorot(key, shape):
    fan_in, fan_out = shape[0], shape[1]
    limit = np.sqrt(6.0 / (fan_in + fan_out))
    return jax.random.uniform(key, shape, jnp.float32, -limit, limit)


def setup_inputs(seed: int = 0) -> dict:
    key = jax.random.key(seed)
    ks = jax.random.split(key, 10)
    x = jax.random.normal(ks[0], (N, D), dtype=jnp.float32)
    edge_index = jax.random.randint(ks[1], (2, E), 0, N)
    edge_attr = jax.random.normal(ks[2], (E, D_EDGE), dtype=jnp.float32)
    # SAGEConv #1 (hidden): lin_l (neighbor aggregation, with bias), lin_r (root, no bias)
    W1_l = _glorot(ks[3], (D, H))
    b1 = jnp.zeros((H,), dtype=jnp.float32)
    W1_r = _glorot(ks[4], (D, H))
    # SAGEConv #2 (last): out_channels
    W2_l = _glorot(ks[5], (H, O))
    b2 = jnp.zeros((O,), dtype=jnp.float32)
    W2_r = _glorot(ks[6], (H, O))
    return {
        "x": x,
        "edge_index": edge_index,
        "edge_attr": edge_attr,
        "W1_l": W1_l,
        "b1": b1,
        "W1_r": W1_r,
        "W2_l": W2_l,
        "b2": b2,
        "W2_r": W2_r,
    }


def _sage_conv(x, src, dst, W_l, b, W_r, num_nodes):
    # message: x_j = x[src]; aggregate: mean at dst; update: lin_l(agg) + lin_r(x)
    msgs = jnp.take(x, src, axis=0)
    summed = jax.ops.segment_sum(msgs, dst, num_segments=num_nodes)
    ones = jnp.ones((src.shape[0], 1), dtype=x.dtype)
    counts = jax.ops.segment_sum(ones, dst, num_segments=num_nodes)
    agg = summed / jnp.maximum(counts, 1.0)
    return agg @ W_l + b + x @ W_r


def reference(x, edge_index, edge_attr, W1_l, b1, W1_r, W2_l, b2, W2_r):
    # edge_attr is accepted by the forward signature but unused (matches original module)
    src = edge_index[0]
    dst = edge_index[1]
    h = _sage_conv(x, src, dst, W1_l, b1, W1_r, N)
    h = jax.nn.relu(h)
    out = _sage_conv(h, src, dst, W2_l, b2, W2_r, N)
    # final_activation = False -> no relu on the last layer
    return out

if __name__ == "__main__":
    import jax
    _d = setup_inputs()
    print(jax.jit(kernel)(*tuple(_d.values())))

</pallas_src>

<mosaic_0001>
#map = affine_map<(d0, d1) -> (0, 0)>
#map1 = affine_map<(d0, d1) -> (0, 0, 0, 0)>
#map2 = affine_map<(d0, d1) -> (0)>
#map3 = affine_map<(d0, d1) -> (0, 0, 0)>
module attributes {stable_mosaic.version = 14 : i64} {
  func.func @body_wc(%arg0: i32, %arg1: i32, %arg2: memref<10000x128xf32, #tpu.memory_space<hbm>>, %arg3: memref<32x10x25x40xi32, #tpu.memory_space<hbm>>, %arg4: memref<32x10x25x40xi32, #tpu.memory_space<hbm>>, %arg5: memref<640x128xf32, #tpu.memory_space<hbm>>, %arg6: memref<10000xf32, #tpu.memory_space<hbm>>, %arg7: memref<40xf32, #tpu.memory_space<hbm>>, %arg8: memref<2x10000x128xf32, #tpu.memory_space<hbm>>, %arg9: memref<2x10000xf32, #tpu.memory_space<hbm>>, %arg10: memref<25x40xi32, #tpu.memory_space<vmem>>, %arg11: memref<25x40xi32, #tpu.memory_space<vmem>>, %arg12: memref<25x40xi32, #tpu.memory_space<vmem>>, %arg13: memref<25x40xi32, #tpu.memory_space<vmem>>, %arg14: memref<40x128xf32, #tpu.memory_space<vmem>>, %arg15: memref<40x128xf32, #tpu.memory_space<vmem>>, %arg16: memref<40x128xf32, #tpu.memory_space<vmem>>, %arg17: memref<40x128xf32, #tpu.memory_space<vmem>>, %arg18: memref<40x128xf32, #tpu.memory_space<vmem>>, %arg19: memref<10000x128xf32, #tpu.memory_space<vmem_shared>>, %arg20: memref<!tpu.dma_semaphore, #tpu.memory_space<semaphore_mem>>, %arg21: memref<!tpu.dma_semaphore, #tpu.memory_space<semaphore_mem>>, %arg22: memref<!tpu.dma_semaphore, #tpu.memory_space<semaphore_mem>>, %arg23: memref<!tpu.dma_semaphore, #tpu.memory_space<semaphore_mem>>, %arg24: memref<!tpu.dma_semaphore, #tpu.memory_space<semaphore_mem>>, %arg25: memref<!tpu.dma_semaphore, #tpu.memory_space<semaphore_mem>>, %arg26: memref<!tpu.dma_semaphore, #tpu.memory_space<semaphore_mem>>, %arg27: memref<!tpu.dma_semaphore, #tpu.memory_space<semaphore_mem>>, %arg28: memref<!tpu.dma_semaphore, #tpu.memory_space<semaphore_mem>>, %arg29: memref<!tpu.dma_semaphore, #tpu.memory_space<semaphore_mem>>, %arg30: memref<!tpu.dma_semaphore, #tpu.memory_space<semaphore_mem>>, %arg31: memref<40xf32, #tpu.memory_space<vmem>>, %arg32: memref<10000xf32, #tpu.memory_space<vmem_shared>>, %arg33: memref<!tpu.dma_semaphore, #tpu.memory_space<semaphore_mem>>, %arg34: memref<!tpu.dma_semaphore, #tpu.memory_space<semaphore_mem>>, %arg35: memref<!tpu.dma_semaphore, #tpu.memory_space<semaphore_mem>>, %arg36: memref<!tpu.dma_semaphore, #tpu.memory_space<semaphore_mem>>, %arg37: memref<!tpu.dma_semaphore, #tpu.memory_space<semaphore_mem>>) attributes {dimension_semantics = [#tpu.dimension_semantics<core_parallel>, #tpu.dimension_semantics<subcore_parallel>], iteration_bounds = array<i64: 2, 16>, scalar_prefetch = 0 : i64, scratch_operands = 28 : i64, tpu.core_type = #tpu.core_type<sc_vector_subcore>, window_params = [{transform_indices = #map}, {transform_indices = #map1}, {transform_indices = #map1}, {transform_indices = #map}, {transform_indices = #map2}, {transform_indices = #map2}, {transform_indices = #map3}, {transform_indices = #map}]} {
    %mul3A = arith.constant 16 : i32
    %mul3A_0 = arith.muli %arg0, %mul3A : i32
    %add3A = arith.addi %mul3A_0, %arg1 : i32
    %run_scoped3A = arith.constant 0 : i32
    "tpu.region"() ({
      %run_scoped3A_73 = tpu.sem_alloc : memref<!tpu.dma_semaphore, #tpu.memory_space<semaphore_mem>>
      %dma_start3A_74 = arith.constant 0 : i32
      %dma_start3A_75 = arith.constant 0 : i32
      %dma_start3A_76 = tpu.memref_slice %arg3[%add3A, %run_scoped3A, %dma_start3A_74, %dma_start3A_75] : memref<32x10x25x40xi32, #tpu.memory_space<hbm>> -> memref<1x1x25x40xi32, #tpu.memory_space<hbm>>
      %dma_start3A_77 = tpu.memref_squeeze %dma_start3A_76 : memref<1x1x25x40xi32, #tpu.memory_space<hbm>> -> memref<25x40xi32, #tpu.memory_space<hbm>>
      %dma_start3A_78 = arith.constant 0 : i32
      %dma_start3A_79 = arith.constant 0 : i32
      %dma_start3A_80 = tpu.memref_slice %arg3[%add3A, %run_scoped3A, %dma_start3A_78, %dma_start3A_79] : memref<32x10x25x40xi32, #tpu.memory_space<hbm>> -> memref<1x1x25x40xi32, #tpu.memory_space<hbm>>
      %dma_start3A_81 = tpu.memref_squeeze %dma_start3A_80 : memref<1x1x25x40xi32, #tpu.memory_space<hbm>> -> memref<25x40xi32, #tpu.memory_space<hbm>>
      tpu.enqueue_dma source(%dma_start3A_81 : memref<25x40xi32, #tpu.memory_space<hbm>>) target(%arg10 : memref<25x40xi32, #tpu.memory_space<vmem>>) target_semaphore(%run_scoped3A_73 : memref<!tpu.dma_semaphore, #tpu.memory_space<semaphore_mem>>)
      %dma_wait3A_82 = arith.constant 0 : i32
      %dma_wait3A_83 = arith.constant 0 : i32
      %dma_wait3A_84 = tpu.memref_slice %arg3[%add3A, %run_scoped3A, %dma_wait3A_82, %dma_wait3A_83] : memref<32x10x25x40xi32, #tpu.memory_space<hbm>> -> memref<1x1x25x40xi32, #tpu.memory_space<hbm>>
      %dma_wait3A_85 = tpu.memref_squeeze %dma_wait3A_84 : memref<1x1x25x40xi32, #tpu.memory_space<hbm>> -> memref<25x40xi32, #tpu.memory_space<hbm>>
      %dma_wait3A_86 = arith.constant 0 : i32
      %dma_wait3A_87 = arith.constant 0 : i32
      %dma_wait3A_88 = tpu.memref_slice %arg3[%add3A, %run_scoped3A, %dma_wait3A_86, %dma_wait3A_87] : memref<32x10x25x40xi32, #tpu.memory_space<hbm>> -> memref<1x1x25x40xi32, #tpu.memory_space<hbm>>
      %dma_wait3A_89 = tpu.memref_squeeze %dma_wait3A_88 : memref<1x1x25x40xi32, #tpu.memory_space<hbm>> -> memref<25x40xi32, #tpu.memory_space<hbm>>
      tpu.wait_dma2 semaphore(%run_scoped3A_73 : memref<!tpu.dma_semaphore, #tpu.memory_space<semaphore_mem>>) src(%dma_wait3A_89 : memref<25x40xi32, #tpu.memory_space<hbm>>) dst(%arg10 : memref<25x40xi32, #tpu.memory_space<vmem>>)
      tpu.yield
    }) : () -> ()
    %run_scoped3A_1 = arith.constant 0 : i32
    "tpu.region"() ({
      %run_scoped3A_73 = tpu.sem_alloc : memref<!tpu.dma_semaphore, #tpu.memory_space<semaphore_mem>>
      %dma_start3A_74 = arith.constant 0 : i32
      %dma_start3A_75 = arith.constant 0 : i32
      %dma_start3A_76 = tpu.memref_slice %arg4[%add3A, %run_scoped3A_1, %dma_start3A_74, %dma_start3A_75] : memref<32x10x25x40xi32, #tpu.memory_space<hbm>> -> memref<1x1x25x40xi32, #tpu.memory_space<hbm>>
      %dma_start3A_77 = tpu.memref_squeeze %dma_start3A_76 : memref<1x1x25x40xi32, #tpu.memory_space<hbm>> -> memref<25x40xi32, #tpu.memory_space<hbm>>
      %dma_start3A_78 = arith.constant 0 : i32
      %dma_start3A_79 = arith.constant 0 : i32
      %dma_start3A_80 = tpu.memref_slice %arg4[%add3A, %run_scoped3A_1, %dma_start3A_78, %dma_start3A_79] : memref<32x10x25x40xi32, #tpu.memory_space<hbm>> -> memref<1x1x25x40xi32, #tpu.memory_space<hbm>>
      %dma_start3A_81 = tpu.memref_squeeze %dma_start3A_80 : memref<1x1x25x40xi32, #tpu.memory_space<hbm>> -> memref<25x40xi32, #tpu.memory_space<hbm>>
      tpu.enqueue_dma source(%dma_start3A_81 : memref<25x40xi32, #tpu.memory_space<hbm>>) target(%arg12 : memref<25x40xi32, #tpu.memory_space<vmem>>) target_semaphore(%run_scoped3A_73 : memref<!tpu.dma_semaphore, #tpu.memory_space<semaphore_mem>>)
      %dma_wait3A_82 = arith.constant 0 : i32
      %dma_wait3A_83 = arith.constant 0 : i32
      %dma_wait3A_84 = tpu.memref_slice %arg4[%add3A, %run_scoped3A_1, %dma_wait3A_82, %dma_wait3A_83] : memref<32x10x25x40xi32, #tpu.memory_space<hbm>> -> memref<1x1x25x40xi32, #tpu.memory_space<hbm>>
      %dma_wait3A_85 = tpu.memref_squeeze %dma_wait3A_84 : memref<1x1x25x40xi32, #tpu.memory_space<hbm>> -> memref<25x40xi32, #tpu.memory_space<hbm>>
      %dma_wait3A_86 = arith.constant 0 : i32
      %dma_wait3A_87 = arith.constant 0 : i32
      %dma_wait3A_88 = tpu.memref_slice %arg4[%add3A, %run_scoped3A_1, %dma_wait3A_86, %dma_wait3A_87] : memref<32x10x25x40xi32, #tpu.memory_space<hbm>> -> memref<1x1x25x40xi32, #tpu.memory_space<hbm>>
      %dma_wait3A_89 = tpu.memref_squeeze %dma_wait3A_88 : memref<1x1x25x40xi32, #tpu.memory_space<hbm>> -> memref<25x40xi32, #tpu.memory_space<hbm>>
      tpu.wait_dma2 semaphore(%run_scoped3A_73 : memref<!tpu.dma_semaphore, #tpu.memory_space<semaphore_mem>>) src(%dma_wait3A_89 : memref<25x40xi32, #tpu.memory_space<hbm>>) dst(%arg12 : memref<25x40xi32, #tpu.memory_space<vmem>>)
      tpu.yield
    }) : () -> ()
    %dma_start3A = arith.constant 0 : i32
    %dma_start3A_2 = arith.constant 0 : i32
    %dma_start3A_3 = tpu.memref_slice %arg10[%dma_start3A, %dma_start3A_2] : memref<25x40xi32, #tpu.memory_space<vmem>> -> memref<1x40xi32, #tpu.memory_space<vmem>>
    %dma_start3A_4 = tpu.memref_squeeze %dma_start3A_3 : memref<1x40xi32, #tpu.memory_space<vmem>> -> memref<40xi32, #tpu.memory_space<vmem>>
    %dma_start3A_5 = arith.constant 0 : i32
    %dma_start3A_6 = arith.constant 0 : i32
    %dma_start3A_7 = tpu.memref_slice %arg2[%dma_start3A_5, %dma_start3A_6] : memref<10000x128xf32, #tpu.memory_space<hbm>> -> memref<10000x128xf32, #tpu.memory_space<hbm>>
    tpu.enqueue_indirect_dma source(%dma_start3A_7 : memref<10000x128xf32, #tpu.memory_space<hbm>>) target(%arg14 : memref<40x128xf32, #tpu.memory_space<vmem>>) offsets(%dma_start3A_4 : memref<40xi32, #tpu.memory_space<vmem>>) semaphore(%arg20 : memref<!tpu.dma_semaphore, #tpu.memory_space<semaphore_mem>>)
    %dma_start3A_8 = arith.constant 1 : i32
    %dma_start3A_9 = arith.constant 0 : i32
    %dma_start3A_10 = tpu.memref_slice %arg10[%dma_start3A_8, %dma_start3A_9] : memref<25x40xi32, #tpu.memory_space<vmem>> -> memref<1x40xi32, #tpu.memory_space<vmem>>
    %dma_start3A_11 = tpu.memref_squeeze %dma_start3A_10 : memref<1x40xi32, #tpu.memory_space<vmem>> -> memref<40xi32, #tpu.memory_space<vmem>>
    %dma_start3A_12 = arith.constant 0 : i32
    %dma_start3A_13 = arith.constant 0 : i32
    %dma_start3A_14 = tpu.memref_slice %arg2[%dma_start3A_12, %dma_start3A_13] : memref<10000x128xf32, #tpu.memory_space<hbm>> -> memref<10000x128xf32, #tpu.memory_space<hbm>>
    tpu.enqueue_indirect_dma source(%dma_start3A_14 : memref<10000x128xf32, #tpu.memory_space<hbm>>) target(%arg15 : memref<40x128xf32, #tpu.memory_space<vmem>>) offsets(%dma_start3A_11 : memref<40xi32, #tpu.memory_space<vmem>>) semaphore(%arg21 : memref<!tpu.dma_semaphore, #tpu.memory_space<semaphore_mem>>)
    %dma_start3A_15 = arith.constant 2 : i32
    %dma_start3A_16 = arith.constant 0 : i32
    %dma_start3A_17 = tpu.memref_slice %arg10[%dma_start3A_15, %dma_start3A_16] : memref<25x40xi32, #tpu.memory_space<vmem>> -> memref<1x40xi32, #tpu.memory_space<vmem>>
    %dma_start3A_18 = tpu.memref_squeeze %dma_start3A_17 : memref<1x40xi32, #tpu.memory_space<vmem>> -> memref<40xi32, #tpu.memory_space<vmem>>
    %dma_start3A_19 = arith.constant 0 : i32
    %dma_start3A_20 = arith.constant 0 : i32
    %dma_start3A_21 = tpu.memref_slice %arg2[%dma_start3A_19, %dma_start3A_20] : memref<10000x128xf32, #tpu.memory_space<hbm>> -> memref<10000x128xf32, #tpu.memory_space<hbm>>
    tpu.enqueue_indirect_dma source(%dma_start3A_21 : memref<10000x128xf32, #tpu.memory_space<hbm>>) target(%arg16 : memref<40x128xf32, #tpu.memory_space<vmem>>) offsets(%dma_start3A_18 : memref<40xi32, #tpu.memory_space<vmem>>) semaphore(%arg22 : memref<!tpu.dma_semaphore, #tpu.memory_space<semaphore_mem>>)
    %dma_start3A_22 = arith.constant 3 : i32
    %dma_start3A_23 = arith.constant 0 : i32
    %dma_start3A_24 = tpu.memref_slice %arg10[%dma_start3A_22, %dma_start3A_23] : memref<25x40xi32, #tpu.memory_space<vmem>> -> memref<1x40xi32, #tpu.memory_space<vmem>>
    %dma_start3A_25 = tpu.memref_squeeze %dma_start3A_24 : memref<1x40xi32, #tpu.memory_space<vmem>> -> memref<40xi32, #tpu.memory_space<vmem>>
    %dma_start3A_26 = arith.constant 0 : i32
    %dma_start3A_27 = arith.constant 0 : i32
    %dma_start3A_28 = tpu.memref_slice %arg2[%dma_start3A_26, %dma_start3A_27] : memref<10000x128xf32, #tpu.memory_space<hbm>> -> memref<10000x128xf32, #tpu.memory_space<hbm>>
    tpu.enqueue_indirect_dma source(%dma_start3A_28 : memref<10000x128xf32, #tpu.memory_space<hbm>>) target(%arg17 : memref<40x128xf32, #tpu.memory_space<vmem>>) offsets(%dma_start3A_25 : memref<40xi32, #tpu.memory_space<vmem>>) semaphore(%arg23 : memref<!tpu.dma_semaphore, #tpu.memory_space<semaphore_mem>>)
    %lt3A = arith.constant 15 : i32
    %lt3A_29 = arith.cmpi slt, %arg1, %lt3A : i32
    %convert_element_type3A = arith.extui %lt3A_29 : i1 to i32
    %cond3A = arith.constant 0 : i32
    %cond3A_30 = arith.cmpi ne, %convert_element_type3A, %cond3A : i32
    scf.if %cond3A_30 {
      %mul3A_73 = arith.constant 624 : i32
      %mul3A_74 = arith.muli %arg1, %mul3A_73 : i32
      "tpu.region"() ({
        %run_scoped3A_75 = tpu.sem_alloc : memref<!tpu.dma_semaphore, #tpu.memory_space<semaphore_mem>>
        %dma_start3A_76 = arith.constant 0 : i32
        %dma_start3A_77 = tpu.memref_slice %arg19[%mul3A_74, %dma_start3A_76] : memref<10000x128xf32, #tpu.memory_space<vmem_shared>> -> memref<624x128xf32, #tpu.memory_space<vmem_shared>>
        %dma_start3A_78 = arith.constant 0 : i32
        %dma_start3A_79 = arith.constant 0 : i32
        %dma_start3A_80 = tpu.memref_slice %arg5[%dma_start3A_78, %dma_start3A_79] : memref<640x128xf32, #tpu.memory_space<hbm>> -> memref<624x128xf32, #tpu.memory_space<hbm>>
        tpu.enqueue_dma source(%dma_start3A_80 : memref<624x128xf32, #tpu.memory_space<hbm>>) target(%dma_start3A_77 : memref<624x128xf32, #tpu.memory_space<vmem_shared>>) target_semaphore(%run_scoped3A_75 : memref<!tpu.dma_semaphore, #tpu.memory_space<semaphore_mem>>)
        %dma_wait3A_81 = arith.constant 0 : i32
        %dma_wait3A_82 = tpu.memref_slice %arg19[%mul3A_74, %dma_wait3A_81] : memref<10000x128xf32, #tpu.memory_space<vmem_shared>> -> memref<624x128xf32, #tpu.memory_space<vmem_shared>>
        %dma_wait3A_83 = arith.constant 0 : i32
        %dma_wait3A_84 = arith.constant 0 : i32
        %dma_wait3A_85 = tpu.memref_slice %arg5[%dma_wait3A_83, %dma_wait3A_84] : memref<640x128xf32, #tpu.memory_space<hbm>> -> memref<624x128xf32, #tpu.memory_space<hbm>>
        tpu.wait_dma2 semaphore(%run_scoped3A_75 : memref<!tpu.dma_semaphore, #tpu.memory_space<semaphore_mem>>) src(%dma_wait3A_85 : memref<624x128xf32, #tpu.memory_space<hbm>>) dst(%dma_wait3A_82 : memref<624x128xf32, #tpu.memory_space<vmem_shared>>)
        tpu.yield
      }) : () -> ()
    } else {
    }
    %eq3A = arith.constant 15 : i32
    %eq3A_31 = arith.cmpi eq, %arg1, %eq3A : i32
    %convert_element_type3A_32 = arith.extui %eq3A_31 : i1 to i32
    %cond3A_33 = arith.constant 0 : i32
    %cond3A_34 = arith.cmpi ne, %convert_element_type3A_32, %cond3A_33 : i32
    scf.if %cond3A_34 {
      "tpu.region"() ({
        %run_scoped3A_73 = tpu.sem_alloc : memref<!tpu.dma_semaphore, #tpu.memory_space<semaphore_mem>>
        %dma_start3A_74 = arith.constant 9360 : i32
        %dma_start3A_75 = arith.constant 0 : i32
        %dma_start3A_76 = tpu.memref_slice %arg19[%dma_start3A_74, %dma_start3A_75] : memref<10000x128xf32, #tpu.memory_space<vmem_shared>> -> memref<640x128xf32, #tpu.memory_space<vmem_shared>>
        tpu.enqueue_dma source(%arg5 : memref<640x128xf32, #tpu.memory_space<hbm>>) target(%dma_start3A_76 : memref<640x128xf32, #tpu.memory_space<vmem_shared>>) target_semaphore(%run_scoped3A_73 : memref<!tpu.dma_semaphore, #tpu.memory_space<semaphore_mem>>)
        %dma_wait3A_77 = arith.constant 9360 : i32
        %dma_wait3A_78 = arith.constant 0 : i32
        %dma_wait3A_79 = tpu.memref_slice %arg19[%dma_wait3A_77, %dma_wait3A_78] : memref<10000x128xf32, #tpu.memory_space<vmem_shared>> -> memref<640x128xf32, #tpu.memory_space<vmem_shared>>
        tpu.wait_dma2 semaphore(%run_scoped3A_73 : memref<!tpu.dma_semaphore, #tpu.memory_space<semaphore_mem>>) src(%arg5 : memref<640x128xf32, #tpu.memory_space<hbm>>) dst(%dma_wait3A_79 : memref<640x128xf32, #tpu.memory_space<vmem_shared>>)
        tpu.yield
      }) : () -> ()
    } else {
    }
    %eq3A_35 = arith.constant 0 : i32
    %eq3A_36 = arith.cmpi eq, %arg1, %eq3A_35 : i32
    %convert_element_type3A_37 = arith.extui %eq3A_36 : i1 to i32
    %cond3A_38 = arith.constant 0 : i32
    %cond3A_39 = arith.cmpi ne, %convert_element_type3A_37, %cond3A_38 : i32
    scf.if %cond3A_39 {
      "tpu.region"() ({
        %run_scoped3A_73 = tpu.sem_alloc : memref<!tpu.dma_semaphore, #tpu.memory_space<semaphore_mem>>
        tpu.enqueue_dma source(%arg6 : memref<10000xf32, #tpu.memory_space<hbm>>) target(%arg32 : memref<10000xf32, #tpu.memory_space<vmem_shared>>) target_semaphore(%run_scoped3A_73 : memref<!tpu.dma_semaphore, #tpu.memory_space<semaphore_mem>>)
        tpu.wait_dma2 semaphore(%run_scoped3A_73 : memref<!tpu.dma_semaphore, #tpu.memory_space<semaphore_mem>>) src(%arg6 : memref<10000xf32, #tpu.memory_space<hbm>>) dst(%arg32 : memref<10000xf32, #tpu.memory_space<vmem_shared>>)
        tpu.yield
      }) : () -> ()
    } else {
    }
    "tpu.region"() ({
      %run_scoped3A_73 = tpu.sem_alloc : memref<!tpu.dma_semaphore, #tpu.memory_space<semaphore_mem>>
      tpu.enqueue_dma source(%arg7 : memref<40xf32, #tpu.memory_space<hbm>>) target(%arg31 : memref<40xf32, #tpu.memory_space<vmem>>) target_semaphore(%run_scoped3A_73 : memref<!tpu.dma_semaphore, #tpu.memory_space<semaphore_mem>>)
      tpu.wait_dma2 semaphore(%run_scoped3A_73 : memref<!tpu.dma_semaphore, #tpu.memory_space<semaphore_mem>>) src(%arg7 : memref<40xf32, #tpu.memory_space<hbm>>) dst(%arg31 : memref<40xf32, #tpu.memory_space<vmem>>)
      tpu.yield
    }) : () -> ()
    %barrier3A = arith.constant 0 : index
    tpu.barrier barrier_id(%barrier3A)
    %scan3A = arith.constant 0 : i32
    %scan3A_40 = arith.constant 0 : i32
    %scan3A_41 = arith.constant 5 : i32
    %scan3A_42 = arith.addi %scan3A_40, %scan3A_41 : i32
    %scan3A_43 = arith.constant 1 : i32
    scf.for %scan3A_73 = %scan3A_40 to %scan3A_42 step %scan3A_43  : i32 {
      %mul3A_74 = arith.constant 2 : i32
      %mul3A_75 = arith.muli %mul3A_74, %scan3A_73 : i32
      %add3A_76 = arith.constant 1 : i32
      %add3A_77 = arith.addi %mul3A_75, %add3A_76 : i32
      %gt3A = arith.constant 0 : i32
      %gt3A_78 = arith.cmpi sgt, %scan3A_73, %gt3A : i32
      %dma_start3A_79 = arith.constant 0 : i32
      %dma_start3A_80 = arith.constant 0 : i32
      %dma_start3A_81 = tpu.memref_slice %arg3[%add3A, %add3A_77, %dma_start3A_79, %dma_start3A_80] : memref<32x10x25x40xi32, #tpu.memory_space<hbm>> -> memref<1x1x25x40xi32, #tpu.memory_space<hbm>>
      %dma_start3A_82 = tpu.memref_squeeze %dma_start3A_81 : memref<1x1x25x40xi32, #tpu.memory_space<hbm>> -> memref<25x40xi32, #tpu.memory_space<hbm>>
      %dma_start3A_83 = arith.constant 0 : i32
      %dma_start3A_84 = arith.constant 0 : i32
      %dma_start3A_85 = tpu.memref_slice %arg3[%add3A, %add3A_77, %dma_start3A_83, %dma_start3A_84] : memref<32x10x25x40xi32, #tpu.memory_space<hbm>> -> memref<1x1x25x40xi32, #tpu.memory_space<hbm>>
      %dma_start3A_86 = tpu.memref_squeeze %dma_start3A_85 : memref<1x1x25x40xi32, #tpu.memory_space<hbm>> -> memref<25x40xi32, #tpu.memory_space<hbm>>
      tpu.enqueue_dma source(%dma_start3A_86 : memref<25x40xi32, #tpu.memory_space<hbm>>) target(%arg11 : memref<25x40xi32, #tpu.memory_space<vmem>>) target_semaphore(%arg30 : memref<!tpu.dma_semaphore, #tpu.memory_space<semaphore_mem>>)
      %dma_start3A_87 = arith.constant 0 : i32
      %dma_start3A_88 = arith.constant 0 : i32
      %dma_start3A_89 = tpu.memref_slice %arg4[%add3A, %add3A_77, %dma_start3A_87, %dma_start3A_88] : memref<32x10x25x40xi32, #tpu.memory_space<hbm>> -> memref<1x1x25x40xi32, #tpu.memory_space<hbm>>
      %dma_start3A_90 = tpu.memref_squeeze %dma_start3A_89 : memref<1x1x25x40xi32, #tpu.memory_space<hbm>> -> memref<25x40xi32, #tpu.memory_space<hbm>>
      %dma_start3A_91 = arith.constant 0 : i32
      %dma_start3A_92 = arith.constant 0 : i32
      %dma_start3A_93 = tpu.memref_slice %arg4[%add3A, %add3A_77, %dma_start3A_91, %dma_start3A_92] : memref<32x10x25x40xi32, #tpu.memory_space<hbm>> -> memref<1x1x25x40xi32, #tpu.memory_space<hbm>>
      %dma_start3A_94 = tpu.memref_squeeze %dma_start3A_93 : memref<1x1x25x40xi32, #tpu.memory_space<hbm>> -> memref<25x40xi32, #tpu.memory_space<hbm>>
      tpu.enqueue_dma source(%dma_start3A_94 : memref<25x40xi32, #tpu.memory_space<hbm>>) target(%arg13 : memref<25x40xi32, #tpu.memory_space<vmem>>) target_semaphore(%arg30 : memref<!tpu.dma_semaphore, #tpu.memory_space<semaphore_mem>>)
      %scan3A_95 = arith.constant 0 : i32
      %scan3A_96 = arith.constant 0 : i32
      %scan3A_97 = arith.constant 4 : i32
      %scan3A_98 = arith.addi %scan3A_96, %scan3A_97 : i32
      %scan3A_99 = arith.constant 1 : i32
      scf.for %scan3A_523 = %scan3A_96 to %scan3A_98 step %scan3A_99  : i32 {
        %mul3A_524 = arith.constant 5 : i32
        %mul3A_525 = arith.muli %scan3A_523, %mul3A_524 : i32
        %add3A_526 = arith.constant 0 : i32
        %add3A_527 = arith.addi %mul3A_525, %add3A_526 : i32
        %dma_wait3A_528 = arith.constant 0 : i32
        %dma_wait3A_529 = arith.constant 0 : i32
        %dma_wait3A_530 = tpu.memref_slice %arg10[%dma_wait3A_528, %dma_wait3A_529] : memref<25x40xi32, #tpu.memory_space<vmem>> -> memref<1x40xi32, #tpu.memory_space<vmem>>
        %dma_wait3A_531 = tpu.memref_squeeze %dma_wait3A_530 : memref<1x40xi32, #tpu.memory_space<vmem>> -> memref<40xi32, #tpu.memory_space<vmem>>
        %dma_wait3A_532 = arith.constant 0 : i32
        %dma_wait3A_533 = arith.constant 0 : i32
        %dma_wait3A_534 = tpu.memref_slice %arg2[%dma_wait3A_532, %dma_wait3A_533] : memref<10000x128xf32, #tpu.memory_space<hbm>> -> memref<10000x128xf32, #tpu.memory_space<hbm>>
        tpu.wait_indirect_dma semaphore(%arg20 : memref<!tpu.dma_semaphore, #tpu.memory_space<semaphore_mem>>) src(%dma_wait3A_534 : memref<10000x128xf32, #tpu.memory_space<hbm>>) dst(%arg14 : memref<40x128xf32, #tpu.memory_space<vmem>>)
        %dma_start3A_535 = arith.constant 0 : i32
        %dma_start3A_536 = tpu.memref_slice %arg12[%add3A_527, %dma_start3A_535] : memref<25x40xi32, #tpu.memory_space<vmem>> -> memref<1x40xi32, #tpu.memory_space<vmem>>
        %dma_start3A_537 = tpu.memref_squeeze %dma_start3A_536 : memref<1x40xi32, #tpu.memory_space<vmem>> -> memref<40xi32, #tpu.memory_space<vmem>>
        %dma_start3A_538 = arith.constant 0 : i32
        %dma_start3A_539 = arith.constant 0 : i32
        %dma_start3A_540 = tpu.memref_slice %arg19[%dma_start3A_538, %dma_start3A_539] : memref<10000x128xf32, #tpu.memory_space<vmem_shared>> -> memref<10000x128xf32, #tpu.memory_space<vmem_shared>>
        tpu.enqueue_indirect_dma source(%arg14 : memref<40x128xf32, #tpu.memory_space<vmem>>) target(%dma_start3A_540 : memref<10000x128xf32, #tpu.memory_space<vmem_shared>>) offsets(%dma_start3A_537 : memref<40xi32, #tpu.memory_space<vmem>>) semaphore(%arg25 : memref<!tpu.dma_semaphore, #tpu.memory_space<semaphore_mem>>) {add = true}
        %dma_start3A_541 = arith.constant 0 : i32
        %dma_start3A_542 = tpu.memref_slice %arg12[%add3A_527, %dma_start3A_541] : memref<25x40xi32, #tpu.memory_space<vmem>> -> memref<1x40xi32, #tpu.memory_space<vmem>>
        %dma_start3A_543 = tpu.memref_squeeze %dma_start3A_542 : memref<1x40xi32, #tpu.memory_space<vmem>> -> memref<40xi32, #tpu.memory_space<vmem>>
        %dma_start3A_544 = arith.constant 0 : i32
        %dma_start3A_545 = tpu.memref_slice %arg32[%dma_start3A_544] : memref<10000xf32, #tpu.memory_space<vmem_shared>> -> memref<10000xf32, #tpu.memory_space<vmem_shared>>
        tpu.enqueue_indirect_dma source(%arg31 : memref<40xf32, #tpu.memory_space<vmem>>) target(%dma_start3A_545 : memref<10000xf32, #tpu.memory_space<vmem_shared>>) offsets(%dma_start3A_543 : memref<40xi32, #tpu.memory_space<vmem>>) semaphore(%arg33 : memref<!tpu.dma_semaphore, #tpu.memory_space<semaphore_mem>>) {add = true}
        %gt3A_546 = arith.constant 0 : i32
        %gt3A_547 = arith.cmpi sgt, %scan3A_523, %gt3A_546 : i32
        %or3A = arith.ori %gt3A_78, %gt3A_547 : i1
        %convert_element_type3A_548 = arith.extui %or3A : i1 to i32
        %cond3A_549 = arith.constant 0 : i32
        %cond3A_550 = arith.cmpi ne, %convert_element_type3A_548, %cond3A_549 : i32
        scf.if %cond3A_550 {
          %dma_wait3A_731 = arith.constant 0 : i32
          %dma_wait3A_732 = arith.constant 0 : i32
          %dma_wait3A_733 = tpu.memref_slice %arg12[%dma_wait3A_731, %dma_wait3A_732] : memref<25x40xi32, #tpu.memory_space<vmem>> -> memref<1x40xi32, #tpu.memory_space<vmem>>
          %dma_wait3A_734 = tpu.memref_squeeze %dma_wait3A_733 : memref<1x40xi32, #tpu.memory_space<vmem>> -> memref<40xi32, #tpu.memory_space<vmem>>
          %dma_wait3A_735 = arith.constant 0 : i32
          %dma_wait3A_736 = arith.constant 0 : i32
          %dma_wait3A_737 = tpu.memref_slice %arg19[%dma_wait3A_735, %dma_wait3A_736] : memref<10000x128xf32, #tpu.memory_space<vmem_shared>> -> memref<10000x128xf32, #tpu.memory_space<vmem_shared>>
          tpu.wait_indirect_dma semaphore(%arg29 : memref<!tpu.dma_semaphore, #tpu.memory_space<semaphore_mem>>) src(%arg18 : memref<40x128xf32, #tpu.memory_space<vmem>>) dst(%dma_wait3A_737 : memref<10000x128xf32, #tpu.memory_space<vmem_shared>>)
          %dma_wait3A_738 = arith.constant 0 : i32
          %dma_wait3A_739 = arith.constant 0 : i32
          %dma_wait3A_740 = tpu.memref_slice %arg12[%dma_wait3A_738, %dma_wait3A_739] : memref<25x40xi32, #tpu.memory_space<vmem>> -> memref<1x40xi32, #tpu.memory_space<vmem>>
          %dma_wait3A_741 = tpu.memref_squeeze %dma_wait3A_740 : memref<1x40xi32, #tpu.memory_space<vmem>> -> memref<40xi32, #tpu.memory_space<vmem>>
          %dma_wait3A_742 = arith.constant 0 : i32
          %dma_wait3A_743 = tpu.memref_slice %arg32[%dma_wait3A_742] : memref<10000xf32, #tpu.memory_space<vmem_shared>> -> memref<10000xf32, #tpu.memory_space<vmem_shared>>
          tpu.wait_indirect_dma semaphore(%arg37 : memref<!tpu.dma_semaphore, #tpu.memory_space<semaphore_mem>>) src(%arg31 : memref<40xf32, #tpu.memory_space<vmem>>) dst(%dma_wait3A_743 : memref<10000xf32, #tpu.memory_space<vmem_shared>>)
        } else {
        }
        %add3A_551 = arith.constant 4 : i32
        %add3A_552 = arith.addi %add3A_527, %add3A_551 : i32
        %dma_start3A_553 = arith.constant 0 : i32
        %dma_start3A_554 = tpu.memref_slice %arg10[%add3A_552, %dma_start3A_553] : memref<25x40xi32, #tpu.memory_space<vmem>> -> memref<1x40xi32, #tpu.memory_space<vmem>>
        %dma_start3A_555 = tpu.memref_squeeze %dma_start3A_554 : memref<1x40xi32, #tpu.memory_space<vmem>> -> memref<40xi32, #tpu.memory_space<vmem>>
        %dma_start3A_556 = arith.constant 0 : i32
        %dma_start3A_557 = arith.constant 0 : i32
        %dma_start3A_558 = tpu.memref_slice %arg2[%dma_start3A_556, %dma_start3A_557] : memref<10000x128xf32, #tpu.memory_space<hbm>> -> memref<10000x128xf32, #tpu.memory_space<hbm>>
        tpu.enqueue_indirect_dma source(%dma_start3A_558 : memref<10000x128xf32, #tpu.memory_space<hbm>>) target(%arg18 : memref<40x128xf32, #tpu.memory_space<vmem>>) offsets(%dma_start3A_555 : memref<40xi32, #tpu.memory_space<vmem>>) semaphore(%arg24 : memref<!tpu.dma_semaphore, #tpu.memory_space<semaphore_mem>>)
        %mul3A_559 = arith.constant 5 : i32
        %mul3A_560 = arith.muli %scan3A_523, %mul3A_559 : i32
        %add3A_561 = arith.constant 1 : i32
        %add3A_562 = arith.addi %mul3A_560, %add3A_561 : i32
        %dma_wait3A_563 = arith.constant 0 : i32
        %dma_wait3A_564 = arith.constant 0 : i32
        %dma_wait3A_565 = tpu.memref_slice %arg10[%dma_wait3A_563, %dma_wait3A_564] : memref<25x40xi32, #tpu.memory_space<vmem>> -> memref<1x40xi32, #tpu.memory_space<vmem>>
        %dma_wait3A_566 = tpu.memref_squeeze %dma_wait3A_565 : memref<1x40xi32, #tpu.memory_space<vmem>> -> memref<40xi32, #tpu.memory_space<vmem>>
        %dma_wait3A_567 = arith.constant 0 : i32
        %dma_wait3A_568 = arith.constant 0 : i32
        %dma_wait3A_569 = tpu.memref_slice %arg2[%dma_wait3A_567, %dma_wait3A_568] : memref<10000x128xf32, #tpu.memory_space<hbm>> -> memref<10000x128xf32, #tpu.memory_space<hbm>>
        tpu.wait_indirect_dma semaphore(%arg21 : memref<!tpu.dma_semaphore, #tpu.memory_space<semaphore_mem>>) src(%dma_wait3A_569 : memref<10000x128xf32, #tpu.memory_space<hbm>>) dst(%arg15 : memref<40x128xf32, #tpu.memory_space<vmem>>)
        %dma_start3A_570 = arith.constant 0 : i32
        %dma_start3A_571 = tpu.memref_slice %arg12[%add3A_562, %dma_start3A_570] : memref<25x40xi32, #tpu.memory_space<vmem>> -> memref<1x40xi32, #tpu.memory_space<vmem>>
        %dma_start3A_572 = tpu.memref_squeeze %dma_start3A_571 : memref<1x40xi32, #tpu.memory_space<vmem>> -> memref<40xi32, #tpu.memory_space<vmem>>
        %dma_start3A_573 = arith.constant 0 : i32
        %dma_start3A_574 = arith.constant 0 : i32
        %dma_start3A_575 = tpu.memref_slice %arg19[%dma_start3A_573, %dma_start3A_574] : memref<10000x128xf32, #tpu.memory_space<vmem_shared>> -> memref<10000x128xf32, #tpu.memory_space<vmem_shared>>
        tpu.enqueue_indirect_dma source(%arg15 : memref<40x128xf32, #tpu.memory_space<vmem>>) target(%dma_start3A_575 : memref<10000x128xf32, #tpu.memory_space<vmem_shared>>) offsets(%dma_start3A_572 : memref<40xi32, #tpu.memory_space<vmem>>) semaphore(%arg26 : memref<!tpu.dma_semaphore, #tpu.memory_space<semaphore_mem>>) {add = true}
        %dma_start3A_576 = arith.constant 0 : i32
        %dma_start3A_577 = tpu.memref_slice %arg12[%add3A_562, %dma_start3A_576] : memref<25x40xi32, #tpu.memory_space<vmem>> -> memref<1x40xi32, #tpu.memory_space<vmem>>
        %dma_start3A_578 = tpu.memref_squeeze %dma_start3A_577 : memref<1x40xi32, #tpu.memory_space<vmem>> -> memref<40xi32, #tpu.memory_space<vmem>>
        %dma_start3A_579 = arith.constant 0 : i32
        %dma_start3A_580 = tpu.memref_slice %arg32[%dma_start3A_579] : memref<10000xf32, #tpu.memory_space<vmem_shared>> -> memref<10000xf32, #tpu.memory_space<vmem_shared>>
        tpu.enqueue_indirect_dma source(%arg31 : memref<40xf32, #tpu.memory_space<vmem>>) target(%dma_start3A_580 : memref<10000xf32, #tpu.memory_space<vmem_shared>>) offsets(%dma_start3A_578 : memref<40xi32, #tpu.memory_space<vmem>>) semaphore(%arg34 : memref<!tpu.dma_semaphore, #tpu.memory_space<semaphore_mem>>) {add = true}
        %dma_wait3A_581 = arith.constant 0 : i32
        %dma_wait3A_582 = arith.constant 0 : i32
        %dma_wait3A_583 = tpu.memref_slice %arg12[%dma_wait3A_581, %dma_wait3A_582] : memref<25x40xi32, #tpu.memory_space<vmem>> -> memref<1x40xi32, #tpu.memory_space<vmem>>
        %dma_wait3A_584 = tpu.memref_squeeze %dma_wait3A_583 : memref<1x40xi32, #tpu.memory_space<vmem>> -> memref<40xi32, #tpu.memory_space<vmem>>
        %dma_wait3A_585 = arith.constant 0 : i32
        %dma_wait3A_586 = arith.constant 0 : i32
        %dma_wait3A_587 = tpu.memref_slice %arg19[%dma_wait3A_585, %dma_wait3A_586] : memref<10000x128xf32, #tpu.memory_space<vmem_shared>> -> memref<10000x128xf32, #tpu.memory_space<vmem_shared>>
        tpu.wait_indirect_dma semaphore(%arg25 : memref<!tpu.dma_semaphore, #tpu.memory_space<semaphore_mem>>) src(%arg14 : memref<40x128xf32, #tpu.memory_space<vmem>>) dst(%dma_wait3A_587 : memref<10000x128xf32, #tpu.memory_space<vmem_shared>>)
        %dma_wait3A_588 = arith.constant 0 : i32
        %dma_wait3A_589 = arith.constant 0 : i32
        %dma_wait3A_590 = tpu.memref_slice %arg12[%dma_wait3A_588, %dma_wait3A_589] : memref<25x40xi32, #tpu.memory_space<vmem>> -> memref<1x40xi32, #tpu.memory_space<vmem>>
        %dma_wait3A_591 = tpu.memref_squeeze %dma_wait3A_590 : memref<1x40xi32, #tpu.memory_space<vmem>> -> memref<40xi32, #tpu.memory_space<vmem>>
        %dma_wait3A_592 = arith.constant 0 : i32
        %dma_wait3A_593 = tpu.memref_slice %arg32[%dma_wait3A_592] : memref<10000xf32, #tpu.memory_space<vmem_shared>> -> memref<10000xf32, #tpu.memory_space<vmem_shared>>
        tpu.wait_indirect_dma semaphore(%arg33 : memref<!tpu.dma_semaphore, #tpu.memory_space<semaphore_mem>>) src(%arg31 : memref<40xf32, #tpu.memory_space<vmem>>) dst(%dma_wait3A_593 : memref<10000xf32, #tpu.memory_space<vmem_shared>>)
        %add3A_594 = arith.constant 4 : i32
        %add3A_595 = arith.addi %add3A_562, %add3A_594 : i32
        %dma_start3A_596 = arith.constant 0 : i32
        %dma_start3A_597 = tpu.memref_slice %arg10[%add3A_595, %dma_start3A_596] : memref<25x40xi32, #tpu.memory_space<vmem>> -> memref<1x40xi32, #tpu.memory_space<vmem>>
        %dma_start3A_598 = tpu.memref_squeeze %dma_start3A_597 : memref<1x40xi32, #tpu.memory_space<vmem>> -> memref<40xi32, #tpu.memory_space<vmem>>
        %dma_start3A_599 = arith.constant 0 : i32
        %dma_start3A_600 = arith.constant 0 : i32
        %dma_start3A_601 = tpu.memref_slice %arg2[%dma_start3A_599, %dma_start3A_600] : memref<10000x128xf32, #tpu.memory_space<hbm>> -> memref<10000x128xf32, #tpu.memory_space<hbm>>
        tpu.enqueue_indirect_dma source(%dma_start3A_601 : memref<10000x128xf32, #tpu.memory_space<hbm>>) target(%arg14 : memref<40x128xf32, #tpu.memory_space<vmem>>) offsets(%dma_start3A_598 : memref<40xi32, #tpu.memory_space<vmem>>) semaphore(%arg20 : memref<!tpu.dma_semaphore, #tpu.memory_space<semaphore_mem>>)
        %mul3A_602 = arith.constant 5 : i32
        %mul3A_603 = arith.muli %scan3A_523, %mul3A_602 : i32
        %add3A_604 = arith.constant 2 : i32
        %add3A_605 = arith.addi %mul3A_603, %add3A_604 : i32
        %dma_wait3A_606 = arith.constant 0 : i32
        %dma_wait3A_607 = arith.constant 0 : i32
        %dma_wait3A_608 = tpu.memref_slice %arg10[%dma_wait3A_606, %dma_wait3A_607] : memref<25x40xi32, #tpu.memory_space<vmem>> -> memref<1x40xi32, #tpu.memory_space<vmem>>
        %dma_wait3A_609 = tpu.memref_squeeze %dma_wait3A_608 : memref<1x40xi32, #tpu.memory_space<vmem>> -> memref<40xi32, #tpu.memory_space<vmem>>
        %dma_wait3A_610 = arith.constant 0 : i32
        %dma_wait3A_611 = arith.constant 0 : i32
        %dma_wait3A_612 = tpu.memref_slice %arg2[%dma_wait3A_610, %dma_wait3A_611] : memref<10000x128xf32, #tpu.memory_space<hbm>> -> memref<10000x128xf32, #tpu.memory_space<hbm>>
        tpu.wait_indirect_dma semaphore(%arg22 : memref<!tpu.dma_semaphore, #tpu.memory_space<semaphore_mem>>) src(%dma_wait3A_612 : memref<10000x128xf32, #tpu.memory_space<hbm>>) dst(%arg16 : memref<40x128xf32, #tpu.memory_space<vmem>>)
        %dma_start3A_613 = arith.constant 0 : i32
        %dma_start3A_614 = tpu.memref_slice %arg12[%add3A_605, %dma_start3A_613] : memref<25x40xi32, #tpu.memory_space<vmem>> -> memref<1x40xi32, #tpu.memory_space<vmem>>
        %dma_start3A_615 = tpu.memref_squeeze %dma_start3A_614 : memref<1x40xi32, #tpu.memory_space<vmem>> -> memref<40xi32, #tpu.memory_space<vmem>>
        %dma_start3A_616 = arith.constant 0 : i32
        %dma_start3A_617 = arith.constant 0 : i32
        %dma_start3A_618 = tpu.memref_slice %arg19[%dma_start3A_616, %dma_start3A_617] : memref<10000x128xf32, #tpu.memory_space<vmem_shared>> -> memref<10000x128xf32, #tpu.memory_space<vmem_shared>>
        tpu.enqueue_indirect_dma source(%arg16 : memref<40x128xf32, #tpu.memory_space<vmem>>) target(%dma_start3A_618 : memref<10000x128xf32, #tpu.memory_space<vmem_shared>>) offsets(%dma_start3A_615 : memref<40xi32, #tpu.memory_space<vmem>>) semaphore(%arg27 : memref<!tpu.dma_semaphore, #tpu.memory_space<semaphore_mem>>) {add = true}
        %dma_start3A_619 = arith.constant 0 : i32
        %dma_start3A_620 = tpu.memref_slice %arg12[%add3A_605, %dma_start3A_619] : memref<25x40xi32, #tpu.memory_space<vmem>> -> memref<1x40xi32, #tpu.memory_space<vmem>>
        %dma_start3A_621 = tpu.memref_squeeze %dma_start3A_620 : memref<1x40xi32, #tpu.memory_space<vmem>> -> memref<40xi32, #tpu.memory_space<vmem>>
        %dma_start3A_622 = arith.constant 0 : i32
        %dma_start3A_623 = tpu.memref_slice %arg32[%dma_start3A_622] : memref<10000xf32, #tpu.memory_space<vmem_shared>> -> memref<10000xf32, #tpu.memory_space<vmem_shared>>
        tpu.enqueue_indirect_dma source(%arg31 : memref<40xf32, #tpu.memory_space<vmem>>) target(%dma_start3A_623 : memref<10000xf32, #tpu.memory_space<vmem_shared>>) offsets(%dma_start3A_621 : memref<40xi32, #tpu.memory_space<vmem>>) semaphore(%arg35 : memref<!tpu.dma_semaphore, #tpu.memory_space<semaphore_mem>>) {add = true}
        %dma_wait3A_624 = arith.constant 0 : i32
        %dma_wait3A_625 = arith.constant 0 : i32
        %dma_wait3A_626 = tpu.memref_slice %arg12[%dma_wait3A_624, %dma_wait3A_625] : memref<25x40xi32, #tpu.memory_space<vmem>> -> memref<1x40xi32, #tpu.memory_space<vmem>>
        %dma_wait3A_627 = tpu.memref_squeeze %dma_wait3A_626 : memref<1x40xi32, #tpu.memory_space<vmem>> -> memref<40xi32, #tpu.memory_space<vmem>>
        %dma_wait3A_628 = arith.constant 0 : i32
        %dma_wait3A_629 = arith.constant 0 : i32
        %dma_wait3A_630 = tpu.memref_slice %arg19[%dma_wait3A_628, %dma_wait3A_629] : memref<10000x128xf32, #tpu.memory_space<vmem_shared>> -> memref<10000x128xf32, #tpu.memory_space<vmem_shared>>
        tpu.wait_indirect_dma semaphore(%arg26 : memref<!tpu.dma_semaphore, #tpu.memory_space<semaphore_mem>>) src(%arg15 : memref<40x128xf32, #tpu.memory_space<vmem>>) dst(%dma_wait3A_630 : memref<10000x128xf32, #tpu.memory_space<vmem_shared>>)
        %dma_wait3A_631 = arith.constant 0 : i32
        %dma_wait3A_632 = arith.constant 0 : i32
        %dma_wait3A_633 = tpu.memref_slice %arg12[%dma_wait3A_631, %dma_wait3A_632] : memref<25x40xi32, #tpu.memory_space<vmem>> -> memref<1x40xi32, #tpu.memory_space<vmem>>
        %dma_wait3A_634 = tpu.memref_squeeze %dma_wait3A_633 : memref<1x40xi32, #tpu.memory_space<vmem>> -> memref<40xi32, #tpu.memory_space<vmem>>
        %dma_wait3A_635 = arith.constant 0 : i32
        %dma_wait3A_636 = tpu.memref_slice %arg32[%dma_wait3A_635] : memref<10000xf32, #tpu.memory_space<vmem_shared>> -> memref<10000xf32, #tpu.memory_space<vmem_shared>>
        tpu.wait_indirect_dma semaphore(%arg34 : memref<!tpu.dma_semaphore, #tpu.memory_space<semaphore_mem>>) src(%arg31 : memref<40xf32, #tpu.memory_space<vmem>>) dst(%dma_wait3A_636 : memref<10000xf32, #tpu.memory_space<vmem_shared>>)
        %add3A_637 = arith.constant 4 : i32
        %add3A_638 = arith.addi %add3A_605, %add3A_637 : i32
        %dma_start3A_639 = arith.constant 0 : i32
        %dma_start3A_640 = tpu.memref_slice %arg10[%add3A_638, %dma_start3A_639] : memref<25x40xi32, #tpu.memory_space<vmem>> -> memref<1x40xi32, #tpu.memory_space<vmem>>
        %dma_start3A_641 = tpu.memref_squeeze %dma_start3A_640 : memref<1x40xi32, #tpu.memory_space<vmem>> -> memref<40xi32, #tpu.memory_space<vmem>>
        %dma_start3A_642 = arith.constant 0 : i32
        %dma_start3A_643 = arith.constant 0 : i32
        %dma_start3A_644 = tpu.memref_slice %arg2[%dma_start3A_642, %dma_start3A_643] : memref<10000x128xf32, #tpu.memory_space<hbm>> -> memref<10000x128xf32, #tpu.memory_space<hbm>>
        tpu.enqueue_indirect_dma source(%dma_start3A_644 : memref<10000x128xf32, #tpu.memory_space<hbm>>) target(%arg15 : memref<40x128xf32, #tpu.memory_space<vmem>>) offsets(%dma_start3A_641 : memref<40xi32, #tpu.memory_space<vmem>>) semaphore(%arg21 : memref<!tpu.dma_semaphore, #tpu.memory_space<semaphore_mem>>)
        %mul3A_645 = arith.constant 5 : i32
        %mul3A_646 = arith.muli %scan3A_523, %mul3A_645 : i32
        %add3A_647 = arith.constant 3 : i32
        %add3A_648 = arith.addi %mul3A_646, %add3A_647 : i32
        %dma_wait3A_649 = arith.constant 0 : i32
        %dma_wait3A_650 = arith.constant 0 : i32
        %dma_wait3A_651 = tpu.memref_slice %arg10[%dma_wait3A_649, %dma_wait3A_650] : memref<25x40xi32, #tpu.memory_space<vmem>> -> memref<1x40xi32, #tpu.memory_space<vmem>>
        %dma_wait3A_652 = tpu.memref_squeeze %dma_wait3A_651 : memref<1x40xi32, #tpu.memory_space<vmem>> -> memref<40xi32, #tpu.memory_space<vmem>>
        %dma_wait3A_653 = arith.constant 0 : i32
        %dma_wait3A_654 = arith.constant 0 : i32
        %dma_wait3A_655 = tpu.memref_slice %arg2[%dma_wait3A_653, %dma_wait3A_654] : memref<10000x128xf32, #tpu.memory_space<hbm>> -> memref<10000x128xf32, #tpu.memory_space<hbm>>
        tpu.wait_indirect_dma semaphore(%arg23 : memref<!tpu.dma_semaphore, #tpu.memory_space<semaphore_mem>>) src(%dma_wait3A_655 : memref<10000x128xf32, #tpu.memory_space<hbm>>) dst(%arg17 : memref<40x128xf32, #tpu.memory_space<vmem>>)
        %dma_start3A_656 = arith.constant 0 : i32
        %dma_start3A_657 = tpu.memref_slice %arg12[%add3A_648, %dma_start3A_656] : memref<25x40xi32, #tpu.memory_space<vmem>> -> memref<1x40xi32, #tpu.memory_space<vmem>>
        %dma_start3A_658 = tpu.memref_squeeze %dma_start3A_657 : memref<1x40xi32, #tpu.memory_space<vmem>> -> memref<40xi32, #tpu.memory_space<vmem>>
        %dma_start3A_659 = arith.constant 0 : i32
        %dma_start3A_660 = arith.constant 0 : i32
        %dma_start3A_661 = tpu.memref_slice %arg19[%dma_start3A_659, %dma_start3A_660] : memref<10000x128xf32, #tpu.memory_space<vmem_shared>> -> memref<10000x128xf32, #tpu.memory_space<vmem_shared>>
        tpu.enqueue_indirect_dma source(%arg17 : memref<40x128xf32, #tpu.memory_space<vmem>>) target(%dma_start3A_661 : memref<10000x128xf32, #tpu.memory_space<vmem_shared>>) offsets(%dma_start3A_658 : memref<40xi32, #tpu.memory_space<vmem>>) semaphore(%arg28 : memref<!tpu.dma_semaphore, #tpu.memory_space<semaphore_mem>>) {add = true}
        %dma_start3A_662 = arith.constant 0 : i32
        %dma_start3A_663 = tpu.memref_slice %arg12[%add3A_648, %dma_start3A_662] : memref<25x40xi32, #tpu.memory_space<vmem>> -> memref<1x40xi32, #tpu.memory_space<vmem>>
        %dma_start3A_664 = tpu.memref_squeeze %dma_start3A_663 : memref<1x40xi32, #tpu.memory_space<vmem>> -> memref<40xi32, #tpu.memory_space<vmem>>
        %dma_start3A_665 = arith.constant 0 : i32
        %dma_start3A_666 = tpu.memref_slice %arg32[%dma_start3A_665] : memref<10000xf32, #tpu.memory_space<vmem_shared>> -> memref<10000xf32, #tpu.memory_space<vmem_shared>>
        tpu.enqueue_indirect_dma source(%arg31 : memref<40xf32, #tpu.memory_space<vmem>>) target(%dma_start3A_666 : memref<10000xf32, #tpu.memory_space<vmem_shared>>) offsets(%dma_start3A_664 : memref<40xi32, #tpu.memory_space<vmem>>) semaphore(%arg36 : memref<!tpu.dma_semaphore, #tpu.memory_space<semaphore_mem>>) {add = true}
        %dma_wait3A_667 = arith.constant 0 : i32
        %dma_wait3A_668 = arith.constant 0 : i32
        %dma_wait3A_669 = tpu.memref_slice %arg12[%dma_wait3A_667, %dma_wait3A_668] : memref<25x40xi32, #tpu.memory_space<vmem>> -> memref<1x40xi32, #tpu.memory_space<vmem>>
        %dma_wait3A_670 = tpu.memref_squeeze %dma_wait3A_669 : memref<1x40xi32, #tpu.memory_space<vmem>> -> memref<40xi32, #tpu.memory_space<vmem>>
        %dma_wait3A_671 = arith.constant 0 : i32
        %dma_wait3A_672 = arith.constant 0 : i32
        %dma_wait3A_673 = tpu.memref_slice %arg19[%dma_wait3A_671, %dma_wait3A_672] : memref<10000x128xf32, #tpu.memory_space<vmem_shared>> -> memref<10000x128xf32, #tpu.memory_space<vmem_shared>>
        tpu.wait_indirect_dma semaphore(%arg27 : memref<!tpu.dma_semaphore, #tpu.memory_space<semaphore_mem>>) src(%arg16 : memref<40x128xf32, #tpu.memory_space<vmem>>) dst(%dma_wait3A_673 : memref<10000x128xf32, #tpu.memory_space<vmem_shared>>)
        %dma_wait3A_674 = arith.constant 0 : i32
        %dma_wait3A_675 = arith.constant 0 : i32
        %dma_wait3A_676 = tpu.memref_slice %arg12[%dma_wait3A_674, %dma_wait3A_675] : memref<25x40xi32, #tpu.memory_space<vmem>> -> memref<1x40xi32, #tpu.memory_space<vmem>>
        %dma_wait3A_677 = tpu.memref_squeeze %dma_wait3A_676 : memref<1x40xi32, #tpu.memory_space<vmem>> -> memref<40xi32, #tpu.memory_space<vmem>>
        %dma_wait3A_678 = arith.constant 0 : i32
        %dma_wait3A_679 = tpu.memref_slice %arg32[%dma_wait3A_678] : memref<10000xf32, #tpu.memory_space<vmem_shared>> -> memref<10000xf32, #tpu.memory_space<vmem_shared>>
        tpu.wait_indirect_dma semaphore(%arg35 : memref<!tpu.dma_semaphore, #tpu.memory_space<semaphore_mem>>) src(%arg31 : memref<40xf32, #tpu.memory_space<vmem>>) dst(%dma_wait3A_679 : memref<10000xf32, #tpu.memory_space<vmem_shared>>)
        %add3A_680 = arith.constant 4 : i32
        %add3A_681 = arith.addi %add3A_648, %add3A_680 : i32
        %dma_start3A_682 = arith.constant 0 : i32
        %dma_start3A_683 = tpu.memref_slice %arg10[%add3A_681, %dma_start3A_682] : memref<25x40xi32, #tpu.memory_space<vmem>> -> memref<1x40xi32, #tpu.memory_space<vmem>>
        %dma_start3A_684 = tpu.memref_squeeze %dma_start3A_683 : memref<1x40xi32, #tpu.memory_space<vmem>> -> memref<40xi32, #tpu.memory_space<vmem>>
        %dma_start3A_685 = arith.constant 0 : i32
        %dma_start3A_686 = arith.constant 0 : i32
        %dma_start3A_687 = tpu.memref_slice %arg2[%dma_start3A_685, %dma_start3A_686] : memref<10000x128xf32, #tpu.memory_space<hbm>> -> memref<10000x128xf32, #tpu.memory_space<hbm>>
        tpu.enqueue_indirect_dma source(%dma_start3A_687 : memref<10000x128xf32, #tpu.memory_space<hbm>>) target(%arg16 : memref<40x128xf32, #tpu.memory_space<vmem>>) offsets(%dma_start3A_684 : memref<40xi32, #tpu.memory_space<vmem>>) semaphore(%arg22 : memref<!tpu.dma_semaphore, #tpu.memory_space<semaphore_mem>>)
        %mul3A_688 = arith.constant 5 : i32
        %mul3A_689 = arith.muli %scan3A_523, %mul3A_688 : i32
        %add3A_690 = arith.constant 4 : i32
        %add3A_691 = arith.addi %mul3A_689, %add3A_690 : i32
        %dma_wait3A_692 = arith.constant 0 : i32
        %dma_wait3A_693 = arith.constant 0 : i32
        %dma_wait3A_694 = tpu.memref_slice %arg10[%dma_wait3A_692, %dma_wait3A_693] : memref<25x40xi32, #tpu.memory_space<vmem>> -> memref<1x40xi32, #tpu.memory_space<vmem>>
        %dma_wait3A_695 = tpu.memref_squeeze %dma_wait3A_694 : memref<1x40xi32, #tpu.memory_space<vmem>> -> memref<40xi32, #tpu.memory_space<vmem>>
        %dma_wait3A_696 = arith.constant 0 : i32
        %dma_wait3A_697 = arith.constant 0 : i32
        %dma_wait3A_698 = tpu.memref_slice %arg2[%dma_wait3A_696, %dma_wait3A_697] : memref<10000x128xf32, #tpu.memory_space<hbm>> -> memref<10000x128xf32, #tpu.memory_space<hbm>>
        tpu.wait_indirect_dma semaphore(%arg24 : memref<!tpu.dma_semaphore, #tpu.memory_space<semaphore_mem>>) src(%dma_wait3A_698 : memref<10000x128xf32, #tpu.memory_space<hbm>>) dst(%arg18 : memref<40x128xf32, #tpu.memory_space<vmem>>)
        %dma_start3A_699 = arith.constant 0 : i32
        %dma_start3A_700 = tpu.memref_slice %arg12[%add3A_691, %dma_start3A_699] : memref<25x40xi32, #tpu.memory_space<vmem>> -> memref<1x40xi32, #tpu.memory_space<vmem>>
        %dma_start3A_701 = tpu.memref_squeeze %dma_start3A_700 : memref<1x40xi32, #tpu.memory_space<vmem>> -> memref<40xi32, #tpu.memory_space<vmem>>
        %dma_start3A_702 = arith.constant 0 : i32
        %dma_start3A_703 = arith.constant 0 : i32
        %dma_start3A_704 = tpu.memref_slice %arg19[%dma_start3A_702, %dma_start3A_703] : memref<10000x128xf32, #tpu.memory_space<vmem_shared>> -> memref<10000x128xf32, #tpu.memory_space<vmem_shared>>
        tpu.enqueue_indirect_dma source(%arg18 : memref<40x128xf32, #tpu.memory_space<vmem>>) target(%dma_start3A_704 : memref<10000x128xf32, #tpu.memory_space<vmem_shared>>) offsets(%dma_start3A_701 : memref<40xi32, #tpu.memory_space<vmem>>) semaphore(%arg29 : memref<!tpu.dma_semaphore, #tpu.memory_space<semaphore_mem>>) {add = true}
        %dma_start3A_705 = arith.constant 0 : i32
        %dma_start3A_706 = tpu.memref_slice %arg12[%add3A_691, %dma_start3A_705] : memref<25x40xi32, #tpu.memory_space<vmem>> -> memref<1x40xi32, #tpu.memory_space<vmem>>
        %dma_start3A_707 = tpu.memref_squeeze %dma_start3A_706 : memref<1x40xi32, #tpu.memory_space<vmem>> -> memref<40xi32, #tpu.memory_space<vmem>>
        %dma_start3A_708 = arith.constant 0 : i32
        %dma_start3A_709 = tpu.memref_slice %arg32[%dma_start3A_708] : memref<10000xf32, #tpu.memory_space<vmem_shared>> -> memref<10000xf32, #tpu.memory_space<vmem_shared>>
        tpu.enqueue_indirect_dma source(%arg31 : memref<40xf32, #tpu.memory_space<vmem>>) target(%dma_start3A_709 : memref<10000xf32, #tpu.memory_space<vmem_shared>>) offsets(%dma_start3A_707 : memref<40xi32, #tpu.memory_space<vmem>>) semaphore(%arg37 : memref<!tpu.dma_semaphore, #tpu.memory_space<semaphore_mem>>) {add = true}
        %dma_wait3A_710 = arith.constant 0 : i32
        %dma_wait3A_711 = arith.constant 0 : i32
        %dma_wait3A_712 = tpu.memref_slice %arg12[%dma_wait3A_710, %dma_wait3A_711] : memref<25x40xi32, #tpu.memory_space<vmem>> -> memref<1x40xi32, #tpu.memory_space<vmem>>
        %dma_wait3A_713 = tpu.memref_squeeze %dma_wait3A_712 : memref<1x40xi32, #tpu.memory_space<vmem>> -> memref<40xi32, #tpu.memory_space<vmem>>
        %dma_wait3A_714 = arith.constant 0 : i32
        %dma_wait3A_715 = arith.constant 0 : i32
        %dma_wait3A_716 = tpu.memref_slice %arg19[%dma_wait3A_714, %dma_wait3A_715] : memref<10000x128xf32, #tpu.memory_space<vmem_shared>> -> memref<10000x128xf32, #tpu.memory_space<vmem_shared>>
        tpu.wait_indirect_dma semaphore(%arg28 : memref<!tpu.dma_semaphore, #tpu.memory_space<semaphore_mem>>) src(%arg17 : memref<40x128xf32, #tpu.memory_space<vmem>>) dst(%dma_wait3A_716 : memref<10000x128xf32, #tpu.memory_space<vmem_shared>>)
        %dma_wait3A_717 = arith.constant 0 : i32
        %dma_wait3A_718 = arith.constant 0 : i32
        %dma_wait3A_719 = tpu.memref_slice %arg12[%dma_wait3A_717, %dma_wait3A_718] : memref<25x40xi32, #tpu.memory_space<vmem>> -> memref<1x40xi32, #tpu.memory_space<vmem>>
        %dma_wait3A_720 = tpu.memref_squeeze %dma_wait3A_719 : memref<1x40xi32, #tpu.memory_space<vmem>> -> memref<40xi32, #tpu.memory_space<vmem>>
        %dma_wait3A_721 = arith.constant 0 : i32
        %dma_wait3A_722 = tpu.memref_slice %arg32[%dma_wait3A_721] : memref<10000xf32, #tpu.memory_space<vmem_shared>> -> memref<10000xf32, #tpu.memory_space<vmem_shared>>
        tpu.wait_indirect_dma semaphore(%arg36 : memref<!tpu.dma_semaphore, #tpu.memory_space<semaphore_mem>>) src(%arg31 : memref<40xf32, #tpu.memory_space<vmem>>) dst(%dma_wait3A_722 : memref<10000xf32, #tpu.memory_space<vmem_shared>>)
        %add3A_723 = arith.constant 4 : i32
        %add3A_724 = arith.addi %add3A_691, %add3A_723 : i32
        %dma_start3A_725 = arith.constant 0 : i32
        %dma_start3A_726 = tpu.memref_slice %arg10[%add3A_724, %dma_start3A_725] : memref<25x40xi32, #tpu.memory_space<vmem>> -> memref<1x40xi32, #tpu.memory_space<vmem>>
        %dma_start3A_727 = tpu.memref_squeeze %dma_start3A_726 : memref<1x40xi32, #tpu.memory_space<vmem>> -> memref<40xi32, #tpu.memory_space<vmem>>
        %dma_start3A_728 = arith.constant 0 : i32
        %dma_start3A_729 = arith.constant 0 : i32
        %dma_start3A_730 = tpu.memref_slice %arg2[%dma_start3A_728, %dma_start3A_729] : memref<10000x128xf32, #tpu.memory_space<hbm>> -> memref<10000x128xf32, #tpu.memory_space<hbm>>
        tpu.enqueue_indirect_dma source(%dma_start3A_730 : memref<10000x128xf32, #tpu.memory_space<hbm>>) target(%arg17 : memref<40x128xf32, #tpu.memory_space<vmem>>) offsets(%dma_start3A_727 : memref<40xi32, #tpu.memory_space<vmem>>) semaphore(%arg23 : memref<!tpu.dma_semaphore, #tpu.memory_space<semaphore_mem>>)
      }
      %scan3A_100 = arith.constant 4 : i32
      %dma_wait3A_101 = arith.constant 0 : i32
      %dma_wait3A_102 = arith.constant 0 : i32
      %dma_wait3A_103 = tpu.memref_slice %arg10[%dma_wait3A_101, %dma_wait3A_102] : memref<25x40xi32, #tpu.memory_space<vmem>> -> memref<1x40xi32, #tpu.memory_space<vmem>>
      %dma_wait3A_104 = tpu.memref_squeeze %dma_wait3A_103 : memref<1x40xi32, #tpu.memory_space<vmem>> -> memref<40xi32, #tpu.memory_space<vmem>>
      %dma_wait3A_105 = arith.constant 0 : i32
      %dma_wait3A_106 = arith.constant 0 : i32
      %dma_wait3A_107 = tpu.memref_slice %arg2[%dma_wait3A_105, %dma_wait3A_106] : memref<10000x128xf32, #tpu.memory_space<hbm>> -> memref<10000x128xf32, #tpu.memory_space<hbm>>
      tpu.wait_indirect_dma semaphore(%arg20 : memref<!tpu.dma_semaphore, #tpu.memory_space<semaphore_mem>>) src(%dma_wait3A_107 : memref<10000x128xf32, #tpu.memory_space<hbm>>) dst(%arg14 : memref<40x128xf32, #tpu.memory_space<vmem>>)
      %dma_start3A_108 = arith.constant 20 : i32
      %dma_start3A_109 = arith.constant 0 : i32
      %dma_start3A_110 = tpu.memref_slice %arg12[%dma_start3A_108, %dma_start3A_109] : memref<25x40xi32, #tpu.memory_space<vmem>> -> memref<1x40xi32, #tpu.memory_space<vmem>>
      %dma_start3A_111 = tpu.memref_squeeze %dma_start3A_110 : memref<1x40xi32, #tpu.memory_space<vmem>> -> memref<40xi32, #tpu.memory_space<vmem>>
      %dma_start3A_112 = arith.constant 0 : i32
      %dma_start3A_113 = arith.constant 0 : i32
      %dma_start3A_114 = tpu.memref_slice %arg19[%dma_start3A_112, %dma_start3A_113] : memref<10000x128xf32, #tpu.memory_space<vmem_shared>> -> memref<10000x128xf32, #tpu.memory_space<vmem_shared>>
      tpu.enqueue_indirect_dma source(%arg14 : memref<40x128xf32, #tpu.memory_space<vmem>>) target(%dma_start3A_114 : memref<10000x128xf32, #tpu.memory_space<vmem_shared>>) offsets(%dma_start3A_111 : memref<40xi32, #tpu.memory_space<vmem>>) semaphore(%arg25 : memref<!tpu.dma_semaphore, #tpu.memory_space<semaphore_mem>>) {add = true}
      %dma_start3A_115 = arith.constant 20 : i32
      %dma_start3A_116 = arith.constant 0 : i32
      %dma_start3A_117 = tpu.memref_slice %arg12[%dma_start3A_115, %dma_start3A_116] : memref<25x40xi32, #tpu.memory_space<vmem>> -> memref<1x40xi32, #tpu.memory_space<vmem>>
      %dma_start3A_118 = tpu.memref_squeeze %dma_start3A_117 : memref<1x40xi32, #tpu.memory_space<vmem>> -> memref<40xi32, #tpu.memory_space<vmem>>
      %dma_start3A_119 = arith.constant 0 : i32
      %dma_start3A_120 = tpu.memref_slice %arg32[%dma_start3A_119] : memref<10000xf32, #tpu.memory_space<vmem_shared>> -> memref<10000xf32, #tpu.memory_space<vmem_shared>>
      tpu.enqueue_indirect_dma source(%arg31 : memref<40xf32, #tpu.memory_space<vmem>>) target(%dma_start3A_120 : memref<10000xf32, #tpu.memory_space<vmem_shared>>) offsets(%dma_start3A_118 : memref<40xi32, #tpu.memory_space<vmem>>) semaphore(%arg33 : memref<!tpu.dma_semaphore, #tpu.memory_space<semaphore_mem>>) {add = true}
      %dma_wait3A_121 = arith.constant 0 : i32
      %dma_wait3A_122 = arith.constant 0 : i32
      %dma_wait3A_123 = tpu.memref_slice %arg12[%dma_wait3A_121, %dma_wait3A_122] : memref<25x40xi32, #tpu.memory_space<vmem>> -> memref<1x40xi32, #tpu.memory_space<vmem>>
      %dma_wait3A_124 = tpu.memref_squeeze %dma_wait3A_123 : memref<1x40xi32, #tpu.memory_space<vmem>> -> memref<40xi32, #tpu.memory_space<vmem>>
      %dma_wait3A_125 = arith.constant 0 : i32
      %dma_wait3A_126 = arith.constant 0 : i32
      %dma_wait3A_127 = tpu.memref_slice %arg19[%dma_wait3A_125, %dma_wait3A_126] : memref<10000x128xf32, #tpu.memory_space<vmem_shared>> -> memref<10000x128xf32, #tpu.memory_space<vmem_shared>>
      tpu.wait_indirect_dma semaphore(%arg29 : memref<!tpu.dma_semaphore, #tpu.memory_space<semaphore_mem>>) src(%arg18 : memref<40x128xf32, #tpu.memory_space<vmem>>) dst(%dma_wait3A_127 : memref<10000x128xf32, #tpu.memory_space<vmem_shared>>)
      %dma_wait3A_128 = arith.constant 0 : i32
      %dma_wait3A_129 = arith.constant 0 : i32
      %dma_wait3A_130 = tpu.memref_slice %arg12[%dma_wait3A_128, %dma_wait3A_129] : memref<25x40xi32, #tpu.memory_space<vmem>> -> memref<1x40xi32, #tpu.memory_space<vmem>>
      %dma_wait3A_131 = tpu.memref_squeeze %dma_wait3A_130 : memref<1x40xi32, #tpu.memory_space<vmem>> -> memref<40xi32, #tpu.memory_space<vmem>>
      %dma_wait3A_132 = arith.constant 0 : i32
      %dma_wait3A_133 = tpu.memref_slice %arg32[%dma_wait3A_132] : memref<10000xf32, #tpu.memory_space<vmem_shared>> -> memref<10000xf32, #tpu.memory_space<vmem_shared>>
      tpu.wait_indirect_dma semaphore(%arg37 : memref<!tpu.dma_semaphore, #tpu.memory_space<semaphore_mem>>) src(%arg31 : memref<40xf32, #tpu.memory_space<vmem>>) dst(%dma_wait3A_133 : memref<10000xf32, #tpu.memory_space<vmem_shared>>)
      %dma_start3A_134 = arith.constant 24 : i32
      %dma_start3A_135 = arith.constant 0 : i32
      %dma_start3A_136 = tpu.memref_slice %arg10[%dma_start3A_134, %dma_start3A_135] : memref<25x40xi32, #tpu.memory_space<vmem>> -> memref<1x40xi32, #tpu.memory_space<vmem>>
      %dma_start3A_137 = tpu.memref_squeeze %dma_start3A_136 : memref<1x40xi32, #tpu.memory_space<vmem>> -> memref<40xi32, #tpu.memory_space<vmem>>
      %dma_start3A_138 = arith.constant 0 : i32
      %dma_start3A_139 = arith.constant 0 : i32
      %dma_start3A_140 = tpu.memref_slice %arg2[%dma_start3A_138, %dma_start3A_139] : memref<10000x128xf32, #tpu.memory_space<hbm>> -> memref<10000x128xf32, #tpu.memory_space<hbm>>
      tpu.enqueue_indirect_dma source(%dma_start3A_140 : memref<10000x128xf32, #tpu.memory_space<hbm>>) target(%arg18 : memref<40x128xf32, #tpu.memory_space<vmem>>) offsets(%dma_start3A_137 : memref<40xi32, #tpu.memory_space<vmem>>) semaphore(%arg24 : memref<!tpu.dma_semaphore, #tpu.memory_space<semaphore_mem>>)
      %dma_wait3A_141 = arith.constant 0 : i32
      %dma_wait3A_142 = arith.constant 0 : i32
      %dma_wait3A_143 = tpu.memref_slice %arg10[%dma_wait3A_141, %dma_wait3A_142] : memref<25x40xi32, #tpu.memory_space<vmem>> -> memref<1x40xi32, #tpu.memory_space<vmem>>
      %dma_wait3A_144 = tpu.memref_squeeze %dma_wait3A_143 : memref<1x40xi32, #tpu.memory_space<vmem>> -> memref<40xi32, #tpu.memory_space<vmem>>
      %dma_wait3A_145 = arith.constant 0 : i32
      %dma_wait3A_146 = arith.constant 0 : i32
      %dma_wait3A_147 = tpu.memref_slice %arg2[%dma_wait3A_145, %dma_wait3A_146] : memref<10000x128xf32, #tpu.memory_space<hbm>> -> memref<10000x128xf32, #tpu.memory_space<hbm>>
      tpu.wait_indirect_dma semaphore(%arg21 : memref<!tpu.dma_semaphore, #tpu.memory_space<semaphore_mem>>) src(%dma_wait3A_147 : memref<10000x128xf32, #tpu.memory_space<hbm>>) dst(%arg15 : memref<40x128xf32, #tpu.memory_space<vmem>>)
      %dma_start3A_148 = arith.constant 21 : i32
      %dma_start3A_149 = arith.constant 0 : i32
      %dma_start3A_150 = tpu.memref_slice %arg12[%dma_start3A_148, %dma_start3A_149] : memref<25x40xi32, #tpu.memory_space<vmem>> -> memref<1x40xi32, #tpu.memory_space<vmem>>
      %dma_start3A_151 = tpu.memref_squeeze %dma_start3A_150 : memref<1x40xi32, #tpu.memory_space<vmem>> -> memref<40xi32, #tpu.memory_space<vmem>>
      %dma_start3A_152 = arith.constant 0 : i32
      %dma_start3A_153 = arith.constant 0 : i32
      %dma_start3A_154 = tpu.memref_slice %arg19[%dma_start3A_152, %dma_start3A_153] : memref<10000x128xf32, #tpu.memory_space<vmem_shared>> -> memref<10000x128xf32, #tpu.memory_space<vmem_shared>>
      tpu.enqueue_indirect_dma source(%arg15 : memref<40x128xf32, #tpu.memory_space<vmem>>) target(%dma_start3A_154 : memref<10000x128xf32, #tpu.memory_space<vmem_shared>>) offsets(%dma_start3A_151 : memref<40xi32, #tpu.memory_space<vmem>>) semaphore(%arg26 : memref<!tpu.dma_semaphore, #tpu.memory_space<semaphore_mem>>) {add = true}
      %dma_start3A_155 = arith.constant 21 : i32
      %dma_start3A_156 = arith.constant 0 : i32
      %dma_start3A_157 = tpu.memref_slice %arg12[%dma_start3A_155, %dma_start3A_156] : memref<25x40xi32, #tpu.memory_space<vmem>> -> memref<1x40xi32, #tpu.memory_space<vmem>>
      %dma_start3A_158 = tpu.memref_squeeze %dma_start3A_157 : memref<1x40xi32, #tpu.memory_space<vmem>> -> memref<40xi32, #tpu.memory_space<vmem>>
      %dma_start3A_159 = arith.constant 0 : i32
      %dma_start3A_160 = tpu.memref_slice %arg32[%dma_start3A_159] : memref<10000xf32, #tpu.memory_space<vmem_shared>> -> memref<10000xf32, #tpu.memory_space<vmem_shared>>
      tpu.enqueue_indirect_dma source(%arg31 : memref<40xf32, #tpu.memory_space<vmem>>) target(%dma_start3A_160 : memref<10000xf32, #tpu.memory_space<vmem_shared>>) offsets(%dma_start3A_158 : memref<40xi32, #tpu.memory_space<vmem>>) semaphore(%arg34 : memref<!tpu.dma_semaphore, #tpu.memory_space<semaphore_mem>>) {add = true}
      %dma_wait3A_161 = arith.constant 0 : i32
      %dma_wait3A_162 = arith.constant 0 : i32
      %dma_wait3A_163 = tpu.memref_slice %arg12[%dma_wait3A_161, %dma_wait3A_162] : memref<25x40xi32, #tpu.memory_space<vmem>> -> memref<1x40xi32, #tpu.memory_space<vmem>>
      %dma_wait3A_164 = tpu.memref_squeeze %dma_wait3A_163 : memref<1x40xi32, #tpu.memory_space<vmem>> -> memref<40xi32, #tpu.memory_space<vmem>>
      %dma_wait3A_165 = arith.constant 0 : i32
      %dma_wait3A_166 = arith.constant 0 : i32
      %dma_wait3A_167 = tpu.memref_slice %arg19[%dma_wait3A_165, %dma_wait3A_166] : memref<10000x128xf32, #tpu.memory_space<vmem_shared>> -> memref<10000x128xf32, #tpu.memory_space<vmem_shared>>
      tpu.wait_indirect_dma semaphore(%arg25 : memref<!tpu.dma_semaphore, #tpu.memory_space<semaphore_mem>>) src(%arg14 : memref<40x128xf32, #tpu.memory_space<vmem>>) dst(%dma_wait3A_167 : memref<10000x128xf32, #tpu.memory_space<vmem_shared>>)
      %dma_wait3A_168 = arith.constant 0 : i32
      %dma_wait3A_169 = arith.constant 0 : i32
      %dma_wait3A_170 = tpu.memref_slice %arg12[%dma_wait3A_168, %dma_wait3A_169] : memref<25x40xi32, #tpu.memory_space<vmem>> -> memref<1x40xi32, #tpu.memory_space<vmem>>
      %dma_wait3A_171 = tpu.memref_squeeze %dma_wait3A_170 : memref<1x40xi32, #tpu.memory_space<vmem>> -> memref<40xi32, #tpu.memory_space<vmem>>
      %dma_wait3A_172 = arith.constant 0 : i32
      %dma_wait3A_173 = tpu.memref_slice %arg32[%dma_wait3A_172] : memref<10000xf32, #tpu.memory_space<vmem_shared>> -> memref<10000xf32, #tpu.memory_space<vmem_shared>>
      tpu.wait_indirect_dma semaphore(%arg33 : memref<!tpu.dma_semaphore, #tpu.memory_space<semaphore_mem>>) src(%arg31 : memref<40xf32, #tpu.memory_space<vmem>>) dst(%dma_wait3A_173 : memref<10000xf32, #tpu.memory_space<vmem_shared>>)
      %dma_wait3A_174 = arith.constant 0 : i32
      %dma_wait3A_175 = arith.constant 0 : i32
      %dma_wait3A_176 = arith.constant 0 : i32
      %dma_wait3A_177 = tpu.memref_slice %arg3[%add3A, %dma_wait3A_174, %dma_wait3A_175, %dma_wait3A_176] : memref<32x10x25x40xi32, #tpu.memory_space<hbm>> -> memref<1x1x25x40xi32, #tpu.memory_space<hbm>>
      %dma_wait3A_178 = tpu.memref_squeeze %dma_wait3A_177 : memref<1x1x25x40xi32, #tpu.memory_space<hbm>> -> memref<25x40xi32, #tpu.memory_space<hbm>>
      %dma_wait3A_179 = arith.constant 0 : i32
      %dma_wait3A_180 = arith.constant 0 : i32
      %dma_wait3A_181 = tpu.memref_slice %arg3[%add3A, %dma_wait3A_174, %dma_wait3A_179, %dma_wait3A_180] : memref<32x10x25x40xi32, #tpu.memory_space<hbm>> -> memref<1x1x25x40xi32, #tpu.memory_space<hbm>>
      %dma_wait3A_182 = tpu.memref_squeeze %dma_wait3A_181 : memref<1x1x25x40xi32, #tpu.memory_space<hbm>> -> memref<25x40xi32, #tpu.memory_space<hbm>>
      tpu.wait_dma2 semaphore(%arg30 : memref<!tpu.dma_semaphore, #tpu.memory_space<semaphore_mem>>) src(%dma_wait3A_182 : memref<25x40xi32, #tpu.memory_space<hbm>>) dst(%arg11 : memref<25x40xi32, #tpu.memory_space<vmem>>)
      %dma_wait3A_183 = arith.constant 0 : i32
      %dma_wait3A_184 = arith.constant 0 : i32
      %dma_wait3A_185 = arith.constant 0 : i32
      %dma_wait3A_186 = tpu.memref_slice %arg4[%add3A, %dma_wait3A_183, %dma_wait3A_184, %dma_wait3A_185] : memref<32x10x25x40xi32, #tpu.memory_space<hbm>> -> memref<1x1x25x40xi32, #tpu.memory_space<hbm>>
      %dma_wait3A_187 = tpu.memref_squeeze %dma_wait3A_186 : memref<1x1x25x40xi32, #tpu.memory_space<hbm>> -> memref<25x40xi32, #tpu.memory_space<hbm>>
      %dma_wait3A_188 = arith.constant 0 : i32
      %dma_wait3A_189 = arith.constant 0 : i32
      %dma_wait3A_190 = tpu.memref_slice %arg4[%add3A, %dma_wait3A_183, %dma_wait3A_188, %dma_wait3A_189] : memref<32x10x25x40xi32, #tpu.memory_space<hbm>> -> memref<1x1x25x40xi32, #tpu.memory_space<hbm>>
      %dma_wait3A_191 = tpu.memref_squeeze %dma_wait3A_190 : memref<1x1x25x40xi32, #tpu.memory_space<hbm>> -> memref<25x40xi32, #tpu.memory_space<hbm>>
      tpu.wait_dma2 semaphore(%arg30 : memref<!tpu.dma_semaphore, #tpu.memory_space<semaphore_mem>>) src(%dma_wait3A_191 : memref<25x40xi32, #tpu.memory_space<hbm>>) dst(%arg13 : memref<25x40xi32, #tpu.memory_space<vmem>>)
      %dma_start3A_192 = arith.constant 0 : i32
      %dma_start3A_193 = arith.constant 0 : i32
      %dma_start3A_194 = tpu.memref_slice %arg11[%dma_start3A_192, %dma_start3A_193] : memref<25x40xi32, #tpu.memory_space<vmem>> -> memref<1x40xi32, #tpu.memory_space<vmem>>
      %dma_start3A_195 = tpu.memref_squeeze %dma_start3A_194 : memref<1x40xi32, #tpu.memory_space<vmem>> -> memref<40xi32, #tpu.memory_space<vmem>>
      %dma_start3A_196 = arith.constant 0 : i32
      %dma_start3A_197 = arith.constant 0 : i32
      %dma_start3A_198 = tpu.memref_slice %arg2[%dma_start3A_196, %dma_start3A_197] : memref<10000x128xf32, #tpu.memory_space<hbm>> -> memref<10000x128xf32, #tpu.memory_space<hbm>>
      tpu.enqueue_indirect_dma source(%dma_start3A_198 : memref<10000x128xf32, #tpu.memory_space<hbm>>) target(%arg14 : memref<40x128xf32, #tpu.memory_space<vmem>>) offsets(%dma_start3A_195 : memref<40xi32, #tpu.memory_space<vmem>>) semaphore(%arg20 : memref<!tpu.dma_semaphore, #tpu.memory_space<semaphore_mem>>)
      %dma_wait3A_199 = arith.constant 0 : i32
      %dma_wait3A_200 = arith.constant 0 : i32
      %dma_wait3A_201 = tpu.memref_slice %arg10[%dma_wait3A_199, %dma_wait3A_200] : memref<25x40xi32, #tpu.memory_space<vmem>> -> memref<1x40xi32, #tpu.memory_space<vmem>>
      %dma_wait3A_202 = tpu.memref_squeeze %dma_wait3A_201 : memref<1x40xi32, #tpu.memory_space<vmem>> -> memref<40xi32, #tpu.memory_space<vmem>>
      %dma_wait3A_203 = arith.constant 0 : i32
      %dma_wait3A_204 = arith.constant 0 : i32
      %dma_wait3A_205 = tpu.memref_slice %arg2[%dma_wait3A_203, %dma_wait3A_204] : memref<10000x128xf32, #tpu.memory_space<hbm>> -> memref<10000x128xf32, #tpu.memory_space<hbm>>
      tpu.wait_indirect_dma semaphore(%arg22 : memref<!tpu.dma_semaphore, #tpu.memory_space<semaphore_mem>>) src(%dma_wait3A_205 : memref<10000x128xf32, #tpu.memory_space<hbm>>) dst(%arg16 : memref<40x128xf32, #tpu.memory_space<vmem>>)
      %dma_start3A_206 = arith.constant 22 : i32
      %dma_start3A_207 = arith.constant 0 : i32
      %dma_start3A_208 = tpu.memref_slice %arg12[%dma_start3A_206, %dma_start3A_207] : memref<25x40xi32, #tpu.memory_space<vmem>> -> memref<1x40xi32, #tpu.memory_space<vmem>>
      %dma_start3A_209 = tpu.memref_squeeze %dma_start3A_208 : memref<1x40xi32, #tpu.memory_space<vmem>> -> memref<40xi32, #tpu.memory_space<vmem>>
      %dma_start3A_210 = arith.constant 0 : i32
      %dma_start3A_211 = arith.constant 0 : i32
      %dma_start3A_212 = tpu.memref_slice %arg19[%dma_start3A_210, %dma_start3A_211] : memref<10000x128xf32, #tpu.memory_space<vmem_shared>> -> memref<10000x128xf32, #tpu.memory_space<vmem_shared>>
      tpu.enqueue_indirect_dma source(%arg16 : memref<40x128xf32, #tpu.memory_space<vmem>>) target(%dma_start3A_212 : memref<10000x128xf32, #tpu.memory_space<vmem_shared>>) offsets(%dma_start3A_209 : memref<40xi32, #tpu.memory_space<vmem>>) semaphore(%arg27 : memref<!tpu.dma_semaphore, #tpu.memory_space<semaphore_mem>>) {add = true}
      %dma_start3A_213 = arith.constant 22 : i32
      %dma_start3A_214 = arith.constant 0 : i32
      %dma_start3A_215 = tpu.memref_slice %arg12[%dma_start3A_213, %dma_start3A_214] : memref<25x40xi32, #tpu.memory_space<vmem>> -> memref<1x40xi32, #tpu.memory_space<vmem>>
      %dma_start3A_216 = tpu.memref_squeeze %dma_start3A_215 : memref<1x40xi32, #tpu.memory_space<vmem>> -> memref<40xi32, #tpu.memory_space<vmem>>
      %dma_start3A_217 = arith.constant 0 : i32
      %dma_start3A_218 = tpu.memref_slice %arg32[%dma_start3A_217] : memref<10000xf32, #tpu.memory_space<vmem_shared>> -> memref<10000xf32, #tpu.memory_space<vmem_shared>>
      tpu.enqueue_indirect_dma source(%arg31 : memref<40xf32, #tpu.memory_space<vmem>>) target(%dma_start3A_218 : memref<10000xf32, #tpu.memory_space<vmem_shared>>) offsets(%dma_start3A_216 : memref<40xi32, #tpu.memory_space<vmem>>) semaphore(%arg35 : memref<!tpu.dma_semaphore, #tpu.memory_space<semaphore_mem>>) {add = true}
      %dma_wait3A_219 = arith.constant 0 : i32
      %dma_wait3A_220 = arith.constant 0 : i32
      %dma_wait3A_221 = tpu.memref_slice %arg12[%dma_wait3A_219, %dma_wait3A_220] : memref<25x40xi32, #tpu.memory_space<vmem>> -> memref<1x40xi32, #tpu.memory_space<vmem>>
      %dma_wait3A_222 = tpu.memref_squeeze %dma_wait3A_221 : memref<1x40xi32, #tpu.memory_space<vmem>> -> memref<40xi32, #tpu.memory_space<vmem>>
      %dma_wait3A_223 = arith.constant 0 : i32
      %dma_wait3A_224 = arith.constant 0 : i32
      %dma_wait3A_225 = tpu.memref_slice %arg19[%dma_wait3A_223, %dma_wait3A_224] : memref<10000x128xf32, #tpu.memory_space<vmem_shared>> -> memref<10000x128xf32, #tpu.memory_space<vmem_shared>>
      tpu.wait_indirect_dma semaphore(%arg26 : memref<!tpu.dma_semaphore, #tpu.memory_space<semaphore_mem>>) src(%arg15 : memref<40x128xf32, #tpu.memory_space<vmem>>) dst(%dma_wait3A_225 : memref<10000x128xf32, #tpu.memory_space<vmem_shared>>)
      %dma_wait3A_226 = arith.constant 0 : i32
      %dma_wait3A_227 = arith.constant 0 : i32
      %dma_wait3A_228 = tpu.memref_slice %arg12[%dma_wait3A_226, %dma_wait3A_227] : memref<25x40xi32, #tpu.memory_space<vmem>> -> memref<1x40xi32, #tpu.memory_space<vmem>>
      %dma_wait3A_229 = tpu.memref_squeeze %dma_wait3A_228 : memref<1x40xi32, #tpu.memory_space<vmem>> -> memref<40xi32, #tpu.memory_space<vmem>>
      %dma_wait3A_230 = arith.constant 0 : i32
      %dma_wait3A_231 = tpu.memref_slice %arg32[%dma_wait3A_230] : memref<10000xf32, #tpu.memory_space<vmem_shared>> -> memref<10000xf32, #tpu.memory_space<vmem_shared>>
      tpu.wait_indirect_dma semaphore(%arg34 : memref<!tpu.dma_semaphore, #tpu.memory_space<semaphore_mem>>) src(%arg31 : memref<40xf32, #tpu.memory_space<vmem>>) dst(%dma_wait3A_231 : memref<10000xf32, #tpu.memory_space<vmem_shared>>)
      %dma_start3A_232 = arith.constant 1 : i32
      %dma_start3A_233 = arith.constant 0 : i32
      %dma_start3A_234 = tpu.memref_slice %arg11[%dma_start3A_232, %dma_start3A_233] : memref<25x40xi32, #tpu.memory_space<vmem>> -> memref<1x40xi32, #tpu.memory_space<vmem>>
      %dma_start3A_235 = tpu.memref_squeeze %dma_start3A_234 : memref<1x40xi32, #tpu.memory_space<vmem>> -> memref<40xi32, #tpu.memory_space<vmem>>
      %dma_start3A_236 = arith.constant 0 : i32
      %dma_start3A_237 = arith.constant 0 : i32
      %dma_start3A_238 = tpu.memref_slice %arg2[%dma_start3A_236, %dma_start3A_237] : memref<10000x128xf32, #tpu.memory_space<hbm>> -> memref<10000x128xf32, #tpu.memory_space<hbm>>
      tpu.enqueue_indirect_dma source(%dma_start3A_238 : memref<10000x128xf32, #tpu.memory_space<hbm>>) target(%arg15 : memref<40x128xf32, #tpu.memory_space<vmem>>) offsets(%dma_start3A_235 : memref<40xi32, #tpu.memory_space<vmem>>) semaphore(%arg21 : memref<!tpu.dma_semaphore, #tpu.memory_space<semaphore_mem>>)
      %dma_wait3A_239 = arith.constant 0 : i32
      %dma_wait3A_240 = arith.constant 0 : i32
      %dma_wait3A_241 = tpu.memref_slice %arg10[%dma_wait3A_239, %dma_wait3A_240] : memref<25x40xi32, #tpu.memory_space<vmem>> -> memref<1x40xi32, #tpu.memory_space<vmem>>
      %dma_wait3A_242 = tpu.memref_squeeze %dma_wait3A_241 : memref<1x40xi32, #tpu.memory_space<vmem>> -> memref<40xi32, #tpu.memory_space<vmem>>
      %dma_wait3A_243 = arith.constant 0 : i32
      %dma_wait3A_244 = arith.constant 0 : i32
      %dma_wait3A_245 = tpu.memref_slice %arg2[%dma_wait3A_243, %dma_wait3A_244] : memref<10000x128xf32, #tpu.memory_space<hbm>> -> memref<10000x128xf32, #tpu.memory_space<hbm>>
      tpu.wait_indirect_dma semaphore(%arg23 : memref<!tpu.dma_semaphore, #tpu.memory_space<semaphore_mem>>) src(%dma_wait3A_245 : memref<10000x128xf32, #tpu.memory_space<hbm>>) dst(%arg17 : memref<40x128xf32, #tpu.memory_space<vmem>>)
      %dma_start3A_246 = arith.constant 23 : i32
      %dma_start3A_247 = arith.constant 0 : i32
      %dma_start3A_248 = tpu.memref_slice %arg12[%dma_start3A_246, %dma_start3A_247] : memref<25x40xi32, #tpu.memory_space<vmem>> -> memref<1x40xi32, #tpu.memory_space<vmem>>
      %dma_start3A_249 = tpu.memref_squeeze %dma_start3A_248 : memref<1x40xi32, #tpu.memory_space<vmem>> -> memref<40xi32, #tpu.memory_space<vmem>>
      %dma_start3A_250 = arith.constant 0 : i32
      %dma_start3A_251 = arith.constant 0 : i32
      %dma_start3A_252 = tpu.memref_slice %arg19[%dma_start3A_250, %dma_start3A_251] : memref<10000x128xf32, #tpu.memory_space<vmem_shared>> -> memref<10000x128xf32, #tpu.memory_space<vmem_shared>>
      tpu.enqueue_indirect_dma source(%arg17 : memref<40x128xf32, #tpu.memory_space<vmem>>) target(%dma_start3A_252 : memref<10000x128xf32, #tpu.memory_space<vmem_shared>>) offsets(%dma_start3A_249 : memref<40xi32, #tpu.memory_space<vmem>>) semaphore(%arg28 : memref<!tpu.dma_semaphore, #tpu.memory_space<semaphore_mem>>) {add = true}
      %dma_start3A_253 = arith.constant 23 : i32
      %dma_start3A_254 = arith.constant 0 : i32
      %dma_start3A_255 = tpu.memref_slice %arg12[%dma_start3A_253, %dma_start3A_254] : memref<25x40xi32, #tpu.memory_space<vmem>> -> memref<1x40xi32, #tpu.memory_space<vmem>>
      %dma_start3A_256 = tpu.memref_squeeze %dma_start3A_255 : memref<1x40xi32, #tpu.memory_space<vmem>> -> memref<40xi32, #tpu.memory_space<vmem>>
      %dma_start3A_257 = arith.constant 0 : i32
      %dma_start3A_258 = tpu.memref_slice %arg32[%dma_start3A_257] : memref<10000xf32, #tpu.memory_space<vmem_shared>> -> memref<10000xf32, #tpu.memory_space<vmem_shared>>
      tpu.enqueue_indirect_dma source(%arg31 : memref<40xf32, #tpu.memory_space<vmem>>) target(%dma_start3A_258 : memref<10000xf32, #tpu.memory_space<vmem_shared>>) offsets(%dma_start3A_256 : memref<40xi32, #tpu.memory_space<vmem>>) semaphore(%arg36 : memref<!tpu.dma_semaphore, #tpu.memory_space<semaphore_mem>>) {add = true}
      %dma_wait3A_259 = arith.constant 0 : i32
      %dma_wait3A_260 = arith.constant 0 : i32
      %dma_wait3A_261 = tpu.memref_slice %arg12[%dma_wait3A_259, %dma_wait3A_260] : memref<25x40xi32, #tpu.memory_space<vmem>> -> memref<1x40xi32, #tpu.memory_space<vmem>>
      %dma_wait3A_262 = tpu.memref_squeeze %dma_wait3A_261 : memref<1x40xi32, #tpu.memory_space<vmem>> -> memref<40xi32, #tpu.memory_space<vmem>>
      %dma_wait3A_263 = arith.constant 0 : i32
      %dma_wait3A_264 = arith.constant 0 : i32
      %dma_wait3A_265 = tpu.memref_slice %arg19[%dma_wait3A_263, %dma_wait3A_264] : memref<10000x128xf32, #tpu.memory_space<vmem_shared>> -> memref<10000x128xf32, #tpu.memory_space<vmem_shared>>
      tpu.wait_indirect_dma semaphore(%arg27 : memref<!tpu.dma_semaphore, #tpu.memory_space<semaphore_mem>>) src(%arg16 : memref<40x128xf32, #tpu.memory_space<vmem>>) dst(%dma_wait3A_265 : memref<10000x128xf32, #tpu.memory_space<vmem_shared>>)
      %dma_wait3A_266 = arith.constant 0 : i32
      %dma_wait3A_267 = arith.constant 0 : i32
      %dma_wait3A_268 = tpu.memref_slice %arg12[%dma_wait3A_266, %dma_wait3A_267] : memref<25x40xi32, #tpu.memory_space<vmem>> -> memref<1x40xi32, #tpu.memory_space<vmem>>
      %dma_wait3A_269 = tpu.memref_squeeze %dma_wait3A_268 : memref<1x40xi32, #tpu.memory_space<vmem>> -> memref<40xi32, #tpu.memory_space<vmem>>
      %dma_wait3A_270 = arith.constant 0 : i32
      %dma_wait3A_271 = tpu.memref_slice %arg32[%dma_wait3A_270] : memref<10000xf32, #tpu.memory_space<vmem_shared>> -> memref<10000xf32, #tpu.memory_space<vmem_shared>>
      tpu.wait_indirect_dma semaphore(%arg35 : memref<!tpu.dma_semaphore, #tpu.memory_space<semaphore_mem>>) src(%arg31 : memref<40xf32, #tpu.memory_space<vmem>>) dst(%dma_wait3A_271 : memref<10000xf32, #tpu.memory_space<vmem_shared>>)
      %dma_start3A_272 = arith.constant 2 : i32
      %dma_start3A_273 = arith.constant 0 : i32
      %dma_start3A_274 = tpu.memref_slice %arg11[%dma_start3A_272, %dma_start3A_273] : memref<25x40xi32, #tpu.memory_space<vmem>> -> memref<1x40xi32, #tpu.memory_space<vmem>>
      %dma_start3A_275 = tpu.memref_squeeze %dma_start3A_274 : memref<1x40xi32, #tpu.memory_space<vmem>> -> memref<40xi32, #tpu.memory_space<vmem>>
      %dma_start3A_276 = arith.constant 0 : i32
      %dma_start3A_277 = arith.constant 0 : i32
      %dma_start3A_278 = tpu.memref_slice %arg2[%dma_start3A_276, %dma_start3A_277] : memref<10000x128xf32, #tpu.memory_space<hbm>> -> memref<10000x128xf32, #tpu.memory_space<hbm>>
      tpu.enqueue_indirect_dma source(%dma_start3A_278 : memref<10000x128xf32, #tpu.memory_space<hbm>>) target(%arg16 : memref<40x128xf32, #tpu.memory_space<vmem>>) offsets(%dma_start3A_275 : memref<40xi32, #tpu.memory_space<vmem>>) semaphore(%arg22 : memref<!tpu.dma_semaphore, #tpu.memory_space<semaphore_mem>>)
      %dma_wait3A_279 = arith.constant 0 : i32
      %dma_wait3A_280 = arith.constant 0 : i32
      %dma_wait3A_281 = tpu.memref_slice %arg10[%dma_wait3A_279, %dma_wait3A_280] : memref<25x40xi32, #tpu.memory_space<vmem>> -> memref<1x40xi32, #tpu.memory_space<vmem>>
      %dma_wait3A_282 = tpu.memref_squeeze %dma_wait3A_281 : memref<1x40xi32, #tpu.memory_space<vmem>> -> memref<40xi32, #tpu.memory_space<vmem>>
      %dma_wait3A_283 = arith.constant 0 : i32
      %dma_wait3A_284 = arith.constant 0 : i32
      %dma_wait3A_285 = tpu.memref_slice %arg2[%dma_wait3A_283, %dma_wait3A_284] : memref<10000x128xf32, #tpu.memory_space<hbm>> -> memref<10000x128xf32, #tpu.memory_space<hbm>>
      tpu.wait_indirect_dma semaphore(%arg24 : memref<!tpu.dma_semaphore, #tpu.memory_space<semaphore_mem>>) src(%dma_wait3A_285 : memref<10000x128xf32, #tpu.memory_space<hbm>>) dst(%arg18 : memref<40x128xf32, #tpu.memory_space<vmem>>)
      %dma_start3A_286 = arith.constant 24 : i32
      %dma_start3A_287 = arith.constant 0 : i32
      %dma_start3A_288 = tpu.memref_slice %arg12[%dma_start3A_286, %dma_start3A_287] : memref<25x40xi32, #tpu.memory_space<vmem>> -> memref<1x40xi32, #tpu.memory_space<vmem>>
      %dma_start3A_289 = tpu.memref_squeeze %dma_start3A_288 : memref<1x40xi32, #tpu.memory_space<vmem>> -> memref<40xi32, #tpu.memory_space<vmem>>
      %dma_start3A_290 = arith.constant 0 : i32
      %dma_start3A_291 = arith.constant 0 : i32
      %dma_start3A_292 = tpu.memref_slice %arg19[%dma_start3A_290, %dma_start3A_291] : memref<10000x128xf32, #tpu.memory_space<vmem_shared>> -> memref<10000x128xf32, #tpu.memory_space<vmem_shared>>
      tpu.enqueue_indirect_dma source(%arg18 : memref<40x128xf32, #tpu.memory_space<vmem>>) target(%dma_start3A_292 : memref<10000x128xf32, #tpu.memory_space<vmem_shared>>) offsets(%dma_start3A_289 : memref<40xi32, #tpu.memory_space<vmem>>) semaphore(%arg29 : memref<!tpu.dma_semaphore, #tpu.memory_space<semaphore_mem>>) {add = true}
      %dma_start3A_293 = arith.constant 24 : i32
      %dma_start3A_294 = arith.constant 0 : i32
      %dma_start3A_295 = tpu.memref_slice %arg12[%dma_start3A_293, %dma_start3A_294] : memref<25x40xi32, #tpu.memory_space<vmem>> -> memref<1x40xi32, #tpu.memory_space<vmem>>
      %dma_start3A_296 = tpu.memref_squeeze %dma_start3A_295 : memref<1x40xi32, #tpu.memory_space<vmem>> -> memref<40xi32, #tpu.memory_space<vmem>>
      %dma_start3A_297 = arith.constant 0 : i32
      %dma_start3A_298 = tpu.memref_slice %arg32[%dma_start3A_297] : memref<10000xf32, #tpu.memory_space<vmem_shared>> -> memref<10000xf32, #tpu.memory_space<vmem_shared>>
      tpu.enqueue_indirect_dma source(%arg31 : memref<40xf32, #tpu.memory_space<vmem>>) target(%dma_start3A_298 : memref<10000xf32, #tpu.memory_space<vmem_shared>>) offsets(%dma_start3A_296 : memref<40xi32, #tpu.memory_space<vmem>>) semaphore(%arg37 : memref<!tpu.dma_semaphore, #tpu.memory_space<semaphore_mem>>) {add = true}
      %dma_wait3A_299 = arith.constant 0 : i32
      %dma_wait3A_300 = arith.constant 0 : i32
      %dma_wait3A_301 = tpu.memref_slice %arg12[%dma_wait3A_299, %dma_wait3A_300] : memref<25x40xi32, #tpu.memory_space<vmem>> -> memref<1x40xi32, #tpu.memory_space<vmem>>
      %dma_wait3A_302 = tpu.memref_squeeze %dma_wait3A_301 : memref<1x40xi32, #tpu.memory_space<vmem>> -> memref<40xi32, #tpu.memory_space<vmem>>
      %dma_wait3A_303 = arith.constant 0 : i32
      %dma_wait3A_304 = arith.constant 0 : i32
      %dma_wait3A_305 = tpu.memref_slice %arg19[%dma_wait3A_303, %dma_wait3A_304] : memref<10000x128xf32, #tpu.memory_space<vmem_shared>> -> memref<10000x128xf32, #tpu.memory_space<vmem_shared>>
      tpu.wait_indirect_dma semaphore(%arg28 : memref<!tpu.dma_semaphore, #tpu.memory_space<semaphore_mem>>) src(%arg17 : memref<40x128xf32, #tpu.memory_space<vmem>>) dst(%dma_wait3A_305 : memref<10000x128xf32, #tpu.memory_space<vmem_shared>>)
      %dma_wait3A_306 = arith.constant 0 : i32
      %dma_wait3A_307 = arith.constant 0 : i32
      %dma_wait3A_308 = tpu.memref_slice %arg12[%dma_wait3A_306, %dma_wait3A_307] : memref<25x40xi32, #tpu.memory_space<vmem>> -> memref<1x40xi32, #tpu.memory_space<vmem>>
      %dma_wait3A_309 = tpu.memref_squeeze %dma_wait3A_308 : memref<1x40xi32, #tpu.memory_space<vmem>> -> memref<40xi32, #tpu.memory_space<vmem>>
      %dma_wait3A_310 = arith.constant 0 : i32
      %dma_wait3A_311 = tpu.memref_slice %arg32[%dma_wait3A_310] : memref<10000xf32, #tpu.memory_space<vmem_shared>> -> memref<10000xf32, #tpu.memory_space<vmem_shared>>
      tpu.wait_indirect_dma semaphore(%arg36 : memref<!tpu.dma_semaphore, #tpu.memory_space<semaphore_mem>>) src(%arg31 : memref<40xf32, #tpu.memory_space<vmem>>) dst(%dma_wait3A_311 : memref<10000xf32, #tpu.memory_space<vmem_shared>>)
      %dma_start3A_312 = arith.constant 3 : i32
      %dma_start3A_313 = arith.constant 0 : i32
      %dma_start3A_314 = tpu.memref_slice %arg11[%dma_start3A_312, %dma_start3A_313] : memref<25x40xi32, #tpu.memory_space<vmem>> -> memref<1x40xi32, #tpu.memory_space<vmem>>
      %dma_start3A_315 = tpu.memref_squeeze %dma_start3A_314 : memref<1x40xi32, #tpu.memory_space<vmem>> -> memref<40xi32, #tpu.memory_space<vmem>>
      %dma_start3A_316 = arith.constant 0 : i32
      %dma_start3A_317 = arith.constant 0 : i32
      %dma_start3A_318 = tpu.memref_slice %arg2[%dma_start3A_316, %dma_start3A_317] : memref<10000x128xf32, #tpu.memory_space<hbm>> -> memref<10000x128xf32, #tpu.memory_space<hbm>>
      tpu.enqueue_indirect_dma source(%dma_start3A_318 : memref<10000x128xf32, #tpu.memory_space<hbm>>) target(%arg17 : memref<40x128xf32, #tpu.memory_space<vmem>>) offsets(%dma_start3A_315 : memref<40xi32, #tpu.memory_space<vmem>>) semaphore(%arg23 : memref<!tpu.dma_semaphore, #tpu.memory_space<semaphore_mem>>)
      %mul3A_319 = arith.constant 2 : i32
      %mul3A_320 = arith.muli %mul3A_319, %scan3A_73 : i32
      %add3A_321 = arith.constant 2 : i32
      %add3A_322 = arith.addi %mul3A_320, %add3A_321 : i32
      %add3A_323 = arith.constant 1 : i32
      %add3A_324 = arith.addi %scan3A_73, %add3A_323 : i32
      %lt3A_325 = arith.constant 5 : i32
      %lt3A_326 = arith.cmpi slt, %add3A_324, %lt3A_325 : i32
      %convert_element_type3A_327 = arith.extui %lt3A_326 : i1 to i32
      %cond3A_328 = arith.constant 0 : i32
      %cond3A_329 = arith.cmpi ne, %convert_element_type3A_327, %cond3A_328 : i32
      scf.if %cond3A_329 {
        %dma_start3A_523 = arith.constant 0 : i32
        %dma_start3A_524 = arith.constant 0 : i32
        %dma_start3A_525 = tpu.memref_slice %arg3[%add3A, %add3A_322, %dma_start3A_523, %dma_start3A_524] : memref<32x10x25x40xi32, #tpu.memory_space<hbm>> -> memref<1x1x25x40xi32, #tpu.memory_space<hbm>>
        %dma_start3A_526 = tpu.memref_squeeze %dma_start3A_525 : memref<1x1x25x40xi32, #tpu.memory_space<hbm>> -> memref<25x40xi32, #tpu.memory_space<hbm>>
        %dma_start3A_527 = arith.constant 0 : i32
        %dma_start3A_528 = arith.constant 0 : i32
        %dma_start3A_529 = tpu.memref_slice %arg3[%add3A, %add3A_322, %dma_start3A_527, %dma_start3A_528] : memref<32x10x25x40xi32, #tpu.memory_space<hbm>> -> memref<1x1x25x40xi32, #tpu.memory_space<hbm>>
        %dma_start3A_530 = tpu.memref_squeeze %dma_start3A_529 : memref<1x1x25x40xi32, #tpu.memory_space<hbm>> -> memref<25x40xi32, #tpu.memory_space<hbm>>
        tpu.enqueue_dma source(%dma_start3A_530 : memref<25x40xi32, #tpu.memory_space<hbm>>) target(%arg10 : memref<25x40xi32, #tpu.memory_space<vmem>>) target_semaphore(%arg30 : memref<!tpu.dma_semaphore, #tpu.memory_space<semaphore_mem>>)
        %dma_start3A_531 = arith.constant 0 : i32
        %dma_start3A_532 = arith.constant 0 : i32
        %dma_start3A_533 = tpu.memref_slice %arg4[%add3A, %add3A_322, %dma_start3A_531, %dma_start3A_532] : memref<32x10x25x40xi32, #tpu.memory_space<hbm>> -> memref<1x1x25x40xi32, #tpu.memory_space<hbm>>
        %dma_start3A_534 = tpu.memref_squeeze %dma_start3A_533 : memref<1x1x25x40xi32, #tpu.memory_space<hbm>> -> memref<25x40xi32, #tpu.memory_space<hbm>>
        %dma_start3A_535 = arith.constant 0 : i32
        %dma_start3A_536 = arith.constant 0 : i32
        %dma_start3A_537 = tpu.memref_slice %arg4[%add3A, %add3A_322, %dma_start3A_535, %dma_start3A_536] : memref<32x10x25x40xi32, #tpu.memory_space<hbm>> -> memref<1x1x25x40xi32, #tpu.memory_space<hbm>>
        %dma_start3A_538 = tpu.memref_squeeze %dma_start3A_537 : memref<1x1x25x40xi32, #tpu.memory_space<hbm>> -> memref<25x40xi32, #tpu.memory_space<hbm>>
        tpu.enqueue_dma source(%dma_start3A_538 : memref<25x40xi32, #tpu.memory_space<hbm>>) target(%arg12 : memref<25x40xi32, #tpu.memory_space<vmem>>) target_semaphore(%arg30 : memref<!tpu.dma_semaphore, #tpu.memory_space<semaphore_mem>>)
      } else {
      }
      %scan3A_330 = arith.constant 0 : i32
      %scan3A_331 = arith.constant 0 : i32
      %scan3A_332 = arith.constant 4 : i32
      %scan3A_333 = arith.addi %scan3A_331, %scan3A_332 : i32
      %scan3A_334 = arith.constant 1 : i32
      scf.for %scan3A_523 = %scan3A_331 to %scan3A_333 step %scan3A_334  : i32 {
        %mul3A_524 = arith.constant 5 : i32
        %mul3A_525 = arith.muli %scan3A_523, %mul3A_524 : i32
        %add3A_526 = arith.constant 0 : i32
        %add3A_527 = arith.addi %mul3A_525, %add3A_526 : i32
        %dma_wait3A_528 = arith.constant 0 : i32
        %dma_wait3A_529 = arith.constant 0 : i32
        %dma_wait3A_530 = tpu.memref_slice %arg10[%dma_wait3A_528, %dma_wait3A_529] : memref<25x40xi32, #tpu.memory_space<vmem>> -> memref<1x40xi32, #tpu.memory_space<vmem>>
        %dma_wait3A_531 = tpu.memref_squeeze %dma_wait3A_530 : memref<1x40xi32, #tpu.memory_space<vmem>> -> memref<40xi32, #tpu.memory_space<vmem>>
        %dma_wait3A_532 = arith.constant 0 : i32
        %dma_wait3A_533 = arith.constant 0 : i32
        %dma_wait3A_534 = tpu.memref_slice %arg2[%dma_wait3A_532, %dma_wait3A_533] : memref<10000x128xf32, #tpu.memory_space<hbm>> -> memref<10000x128xf32, #tpu.memory_space<hbm>>
        tpu.wait_indirect_dma semaphore(%arg20 : memref<!tpu.dma_semaphore, #tpu.memory_space<semaphore_mem>>) src(%dma_wait3A_534 : memref<10000x128xf32, #tpu.memory_space<hbm>>) dst(%arg14 : memref<40x128xf32, #tpu.memory_space<vmem>>)
        %dma_start3A_535 = arith.constant 0 : i32
        %dma_start3A_536 = tpu.memref_slice %arg13[%add3A_527, %dma_start3A_535] : memref<25x40xi32, #tpu.memory_space<vmem>> -> memref<1x40xi32, #tpu.memory_space<vmem>>
        %dma_start3A_537 = tpu.memref_squeeze %dma_start3A_536 : memref<1x40xi32, #tpu.memory_space<vmem>> -> memref<40xi32, #tpu.memory_space<vmem>>
        %dma_start3A_538 = arith.constant 0 : i32
        %dma_start3A_539 = arith.constant 0 : i32
        %dma_start3A_540 = tpu.memref_slice %arg19[%dma_start3A_538, %dma_start3A_539] : memref<10000x128xf32, #tpu.memory_space<vmem_shared>> -> memref<10000x128xf32, #tpu.memory_space<vmem_shared>>
        tpu.enqueue_indirect_dma source(%arg14 : memref<40x128xf32, #tpu.memory_space<vmem>>) target(%dma_start3A_540 : memref<10000x128xf32, #tpu.memory_space<vmem_shared>>) offsets(%dma_start3A_537 : memref<40xi32, #tpu.memory_space<vmem>>) semaphore(%arg25 : memref<!tpu.dma_semaphore, #tpu.memory_space<semaphore_mem>>) {add = true}
        %dma_start3A_541 = arith.constant 0 : i32
        %dma_start3A_542 = tpu.memref_slice %arg13[%add3A_527, %dma_start3A_541] : memref<25x40xi32, #tpu.memory_space<vmem>> -> memref<1x40xi32, #tpu.memory_space<vmem>>
        %dma_start3A_543 = tpu.memref_squeeze %dma_start3A_542 : memref<1x40xi32, #tpu.memory_space<vmem>> -> memref<40xi32, #tpu.memory_space<vmem>>
        %dma_start3A_544 = arith.constant 0 : i32
        %dma_start3A_545 = tpu.memref_slice %arg32[%dma_start3A_544] : memref<10000xf32, #tpu.memory_space<vmem_shared>> -> memref<10000xf32, #tpu.memory_space<vmem_shared>>
        tpu.enqueue_indirect_dma source(%arg31 : memref<40xf32, #tpu.memory_space<vmem>>) target(%dma_start3A_545 : memref<10000xf32, #tpu.memory_space<vmem_shared>>) offsets(%dma_start3A_543 : memref<40xi32, #tpu.memory_space<vmem>>) semaphore(%arg33 : memref<!tpu.dma_semaphore, #tpu.memory_space<semaphore_mem>>) {add = true}
        %dma_wait3A_546 = arith.constant 0 : i32
        %dma_wait3A_547 = arith.constant 0 : i32
        %dma_wait3A_548 = tpu.memref_slice %arg12[%dma_wait3A_546, %dma_wait3A_547] : memref<25x40xi32, #tpu.memory_space<vmem>> -> memref<1x40xi32, #tpu.memory_space<vmem>>
        %dma_wait3A_549 = tpu.memref_squeeze %dma_wait3A_548 : memref<1x40xi32, #tpu.memory_space<vmem>> -> memref<40xi32, #tpu.memory_space<vmem>>
        %dma_wait3A_550 = arith.constant 0 : i32
        %dma_wait3A_551 = arith.constant 0 : i32
        %dma_wait3A_552 = tpu.memref_slice %arg19[%dma_wait3A_550, %dma_wait3A_551] : memref<10000x128xf32, #tpu.memory_space<vmem_shared>> -> memref<10000x128xf32, #tpu.memory_space<vmem_shared>>
        tpu.wait_indirect_dma semaphore(%arg29 : memref<!tpu.dma_semaphore, #tpu.memory_space<semaphore_mem>>) src(%arg18 : memref<40x128xf32, #tpu.memory_space<vmem>>) dst(%dma_wait3A_552 : memref<10000x128xf32, #tpu.memory_space<vmem_shared>>)
        %dma_wait3A_553 = arith.constant 0 : i32
        %dma_wait3A_554 = arith.constant 0 : i32
        %dma_wait3A_555 = tpu.memref_slice %arg12[%dma_wait3A_553, %dma_wait3A_554] : memref<25x40xi32, #tpu.memory_space<vmem>> -> memref<1x40xi32, #tpu.memory_space<vmem>>
        %dma_wait3A_556 = tpu.memref_squeeze %dma_wait3A_555 : memref<1x40xi32, #tpu.memory_space<vmem>> -> memref<40xi32, #tpu.memory_space<vmem>>
        %dma_wait3A_557 = arith.constant 0 : i32
        %dma_wait3A_558 = tpu.memref_slice %arg32[%dma_wait3A_557] : memref<10000xf32, #tpu.memory_space<vmem_shared>> -> memref<10000xf32, #tpu.memory_space<vmem_shared>>
        tpu.wait_indirect_dma semaphore(%arg37 : memref<!tpu.dma_semaphore, #tpu.memory_space<semaphore_mem>>) src(%arg31 : memref<40xf32, #tpu.memory_space<vmem>>) dst(%dma_wait3A_558 : memref<10000xf32, #tpu.memory_space<vmem_shared>>)
        %add3A_559 = arith.constant 4 : i32
        %add3A_560 = arith.addi %add3A_527, %add3A_559 : i32
        %dma_start3A_561 = arith.constant 0 : i32
        %dma_start3A_562 = tpu.memref_slice %arg11[%add3A_560, %dma_start3A_561] : memref<25x40xi32, #tpu.memory_space<vmem>> -> memref<1x40xi32, #tpu.memory_space<vmem>>
        %dma_start3A_563 = tpu.memref_squeeze %dma_start3A_562 : memref<1x40xi32, #tpu.memory_space<vmem>> -> memref<40xi32, #tpu.memory_space<vmem>>
        %dma_start3A_564 = arith.constant 0 : i32
        %dma_start3A_565 = arith.constant 0 : i32
        %dma_start3A_566 = tpu.memref_slice %arg2[%dma_start3A_564, %dma_start3A_565] : memref<10000x128xf32, #tpu.memory_space<hbm>> -> memref<10000x128xf32, #tpu.memory_space<hbm>>
        tpu.enqueue_indirect_dma source(%dma_start3A_566 : memref<10000x128xf32, #tpu.memory_space<hbm>>) target(%arg18 : memref<40x128xf32, #tpu.memory_space<vmem>>) offsets(%dma_start3A_563 : memref<40xi32, #tpu.memory_space<vmem>>) semaphore(%arg24 : memref<!tpu.dma_semaphore, #tpu.memory_space<semaphore_mem>>)
        %mul3A_567 = arith.constant 5 : i32
        %mul3A_568 = arith.muli %scan3A_523, %mul3A_567 : i32
        %add3A_569 = arith.constant 1 : i32
        %add3A_570 = arith.addi %mul3A_568, %add3A_569 : i32
        %dma_wait3A_571 = arith.constant 0 : i32
        %dma_wait3A_572 = arith.constant 0 : i32
        %dma_wait3A_573 = tpu.memref_slice %arg10[%dma_wait3A_571, %dma_wait3A_572] : memref<25x40xi32, #tpu.memory_space<vmem>> -> memref<1x40xi32, #tpu.memory_space<vmem>>
        %dma_wait3A_574 = tpu.memref_squeeze %dma_wait3A_573 : memref<1x40xi32, #tpu.memory_space<vmem>> -> memref<40xi32, #tpu.memory_space<vmem>>
        %dma_wait3A_575 = arith.constant 0 : i32
        %dma_wait3A_576 = arith.constant 0 : i32
        %dma_wait3A_577 = tpu.memref_slice %arg2[%dma_wait3A_575, %dma_wait3A_576] : memref<10000x128xf32, #tpu.memory_space<hbm>> -> memref<10000x128xf32, #tpu.memory_space<hbm>>
        tpu.wait_indirect_dma semaphore(%arg21 : memref<!tpu.dma_semaphore, #tpu.memory_space<semaphore_mem>>) src(%dma_wait3A_577 : memref<10000x128xf32, #tpu.memory_space<hbm>>) dst(%arg15 : memref<40x128xf32, #tpu.memory_space<vmem>>)
        %dma_start3A_578 = arith.constant 0 : i32
        %dma_start3A_579 = tpu.memref_slice %arg13[%add3A_570, %dma_start3A_578] : memref<25x40xi32, #tpu.memory_space<vmem>> -> memref<1x40xi32, #tpu.memory_space<vmem>>
        %dma_start3A_580 = tpu.memref_squeeze %dma_start3A_579 : memref<1x40xi32, #tpu.memory_space<vmem>> -> memref<40xi32, #tpu.memory_space<vmem>>
        %dma_start3A_581 = arith.constant 0 : i32
        %dma_start3A_582 = arith.constant 0 : i32
        %dma_start3A_583 = tpu.memref_slice %arg19[%dma_start3A_581, %dma_start3A_582] : memref<10000x128xf32, #tpu.memory_space<vmem_shared>> -> memref<10000x128xf32, #tpu.memory_space<vmem_shared>>
        tpu.enqueue_indirect_dma source(%arg15 : memref<40x128xf32, #tpu.memory_space<vmem>>) target(%dma_start3A_583 : memref<10000x128xf32, #tpu.memory_space<vmem_shared>>) offsets(%dma_start3A_580 : memref<40xi32, #tpu.memory_space<vmem>>) semaphore(%arg26 : memref<!tpu.dma_semaphore, #tpu.memory_space<semaphore_mem>>) {add = true}
        %dma_start3A_584 = arith.constant 0 : i32
        %dma_start3A_585 = tpu.memref_slice %arg13[%add3A_570, %dma_start3A_584] : memref<25x40xi32, #tpu.memory_space<vmem>> -> memref<1x40xi32, #tpu.memory_space<vmem>>
        %dma_start3A_586 = tpu.memref_squeeze %dma_start3A_585 : memref<1x40xi32, #tpu.memory_space<vmem>> -> memref<40xi32, #tpu.memory_space<vmem>>
        %dma_start3A_587 = arith.constant 0 : i32
        %dma_start3A_588 = tpu.memref_slice %arg32[%dma_start3A_587] : memref<10000xf32, #tpu.memory_space<vmem_shared>> -> memref<10000xf32, #tpu.memory_space<vmem_shared>>
        tpu.enqueue_indirect_dma source(%arg31 : memref<40xf32, #tpu.memory_space<vmem>>) target(%dma_start3A_588 : memref<10000xf32, #tpu.memory_space<vmem_shared>>) offsets(%dma_start3A_586 : memref<40xi32, #tpu.memory_space<vmem>>) semaphore(%arg34 : memref<!tpu.dma_semaphore, #tpu.memory_space<semaphore_mem>>) {add = true}
        %dma_wait3A_589 = arith.constant 0 : i32
        %dma_wait3A_590 = arith.constant 0 : i32
        %dma_wait3A_591 = tpu.memref_slice %arg12[%dma_wait3A_589, %dma_wait3A_590] : memref<25x40xi32, #tpu.memory_space<vmem>> -> memref<1x40xi32, #tpu.memory_space<vmem>>
        %dma_wait3A_592 = tpu.memref_squeeze %dma_wait3A_591 : memref<1x40xi32, #tpu.memory_space<vmem>> -> memref<40xi32, #tpu.memory_space<vmem>>
        %dma_wait3A_593 = arith.constant 0 : i32
        %dma_wait3A_594 = arith.constant 0 : i32
        %dma_wait3A_595 = tpu.memref_slice %arg19[%dma_wait3A_593, %dma_wait3A_594] : memref<10000x128xf32, #tpu.memory_space<vmem_shared>> -> memref<10000x128xf32, #tpu.memory_space<vmem_shared>>
        tpu.wait_indirect_dma semaphore(%arg25 : memref<!tpu.dma_semaphore, #tpu.memory_space<semaphore_mem>>) src(%arg14 : memref<40x128xf32, #tpu.memory_space<vmem>>) dst(%dma_wait3A_595 : memref<10000x128xf32, #tpu.memory_space<vmem_shared>>)
        %dma_wait3A_596 = arith.constant 0 : i32
        %dma_wait3A_597 = arith.constant 0 : i32
        %dma_wait3A_598 = tpu.memref_slice %arg12[%dma_wait3A_596, %dma_wait3A_597] : memref<25x40xi32, #tpu.memory_space<vmem>> -> memref<1x40xi32, #tpu.memory_space<vmem>>
        %dma_wait3A_599 = tpu.memref_squeeze %dma_wait3A_598 : memref<1x40xi32, #tpu.memory_space<vmem>> -> memref<40xi32, #tpu.memory_space<vmem>>
        %dma_wait3A_600 = arith.constant 0 : i32
        %dma_wait3A_601 = tpu.memref_slice %arg32[%dma_wait3A_600] : memref<10000xf32, #tpu.memory_space<vmem_shared>> -> memref<10000xf32, #tpu.memory_space<vmem_shared>>
        tpu.wait_indirect_dma semaphore(%arg33 : memref<!tpu.dma_semaphore, #tpu.memory_space<semaphore_mem>>) src(%arg31 : memref<40xf32, #tpu.memory_space<vmem>>) dst(%dma_wait3A_601 : memref<10000xf32, #tpu.memory_space<vmem_shared>>)
        %add3A_602 = arith.constant 4 : i32
        %add3A_603 = arith.addi %add3A_570, %add3A_602 : i32
        %dma_start3A_604 = arith.constant 0 : i32
        %dma_start3A_605 = tpu.memref_slice %arg11[%add3A_603, %dma_start3A_604] : memref<25x40xi32, #tpu.memory_space<vmem>> -> memref<1x40xi32, #tpu.memory_space<vmem>>
        %dma_start3A_606 = tpu.memref_squeeze %dma_start3A_605 : memref<1x40xi32, #tpu.memory_space<vmem>> -> memref<40xi32, #tpu.memory_space<vmem>>
        %dma_start3A_607 = arith.constant 0 : i32
        %dma_start3A_608 = arith.constant 0 : i32
        %dma_start3A_609 = tpu.memref_slice %arg2[%dma_start3A_607, %dma_start3A_608] : memref<10000x128xf32, #tpu.memory_space<hbm>> -> memref<10000x128xf32, #tpu.memory_space<hbm>>
        tpu.enqueue_indirect_dma source(%dma_start3A_609 : memref<10000x128xf32, #tpu.memory_space<hbm>>) target(%arg14 : memref<40x128xf32, #tpu.memory_space<vmem>>) offsets(%dma_start3A_606 : memref<40xi32, #tpu.memory_space<vmem>>) semaphore(%arg20 : memref<!tpu.dma_semaphore, #tpu.memory_space<semaphore_mem>>)
        %mul3A_610 = arith.constant 5 : i32
        %mul3A_611 = arith.muli %scan3A_523, %mul3A_610 : i32
        %add3A_612 = arith.constant 2 : i32
        %add3A_613 = arith.addi %mul3A_611, %add3A_612 : i32
        %dma_wait3A_614 = arith.constant 0 : i32
        %dma_wait3A_615 = arith.constant 0 : i32
        %dma_wait3A_616 = tpu.memref_slice %arg10[%dma_wait3A_614, %dma_wait3A_615] : memref<25x40xi32, #tpu.memory_space<vmem>> -> memref<1x40xi32, #tpu.memory_space<vmem>>
        %dma_wait3A_617 = tpu.memref_squeeze %dma_wait3A_616 : memref<1x40xi32, #tpu.memory_space<vmem>> -> memref<40xi32, #tpu.memory_space<vmem>>
        %dma_wait3A_618 = arith.constant 0 : i32
        %dma_wait3A_619 = arith.constant 0 : i32
        %dma_wait3A_620 = tpu.memref_slice %arg2[%dma_wait3A_618, %dma_wait3A_619] : memref<10000x128xf32, #tpu.memory_space<hbm>> -> memref<10000x128xf32, #tpu.memory_space<hbm>>
        tpu.wait_indirect_dma semaphore(%arg22 : memref<!tpu.dma_semaphore, #tpu.memory_space<semaphore_mem>>) src(%dma_wait3A_620 : memref<10000x128xf32, #tpu.memory_space<hbm>>) dst(%arg16 : memref<40x128xf32, #tpu.memory_space<vmem>>)
        %dma_start3A_621 = arith.constant 0 : i32
        %dma_start3A_622 = tpu.memref_slice %arg13[%add3A_613, %dma_start3A_621] : memref<25x40xi32, #tpu.memory_space<vmem>> -> memref<1x40xi32, #tpu.memory_space<vmem>>
        %dma_start3A_623 = tpu.memref_squeeze %dma_start3A_622 : memref<1x40xi32, #tpu.memory_space<vmem>> -> memref<40xi32, #tpu.memory_space<vmem>>
        %dma_start3A_624 = arith.constant 0 : i32
        %dma_start3A_625 = arith.constant 0 : i32
        %dma_start3A_626 = tpu.memref_slice %arg19[%dma_start3A_624, %dma_start3A_625] : memref<10000x128xf32, #tpu.memory_space<vmem_shared>> -> memref<10000x128xf32, #tpu.memory_space<vmem_shared>>
        tpu.enqueue_indirect_dma source(%arg16 : memref<40x128xf32, #tpu.memory_space<vmem>>) target(%dma_start3A_626 : memref<10000x128xf32, #tpu.memory_space<vmem_shared>>) offsets(%dma_start3A_623 : memref<40xi32, #tpu.memory_space<vmem>>) semaphore(%arg27 : memref<!tpu.dma_semaphore, #tpu.memory_space<semaphore_mem>>) {add = true}
        %dma_start3A_627 = arith.constant 0 : i32
        %dma_start3A_628 = tpu.memref_slice %arg13[%add3A_613, %dma_start3A_627] : memref<25x40xi32, #tpu.memory_space<vmem>> -> memref<1x40xi32, #tpu.memory_space<vmem>>
        %dma_start3A_629 = tpu.memref_squeeze %dma_start3A_628 : memref<1x40xi32, #tpu.memory_space<vmem>> -> memref<40xi32, #tpu.memory_space<vmem>>
        %dma_start3A_630 = arith.constant 0 : i32
        %dma_start3A_631 = tpu.memref_slice %arg32[%dma_start3A_630] : memref<10000xf32, #tpu.memory_space<vmem_shared>> -> memref<10000xf32, #tpu.memory_space<vmem_shared>>
        tpu.enqueue_indirect_dma source(%arg31 : memref<40xf32, #tpu.memory_space<vmem>>) target(%dma_start3A_631 : memref<10000xf32, #tpu.memory_space<vmem_shared>>) offsets(%dma_start3A_629 : memref<40xi32, #tpu.memory_space<vmem>>) semaphore(%arg35 : memref<!tpu.dma_semaphore, #tpu.memory_space<semaphore_mem>>) {add = true}
        %dma_wait3A_632 = arith.constant 0 : i32
        %dma_wait3A_633 = arith.constant 0 : i32
        %dma_wait3A_634 = tpu.memref_slice %arg12[%dma_wait3A_632, %dma_wait3A_633] : memref<25x40xi32, #tpu.memory_space<vmem>> -> memref<1x40xi32, #tpu.memory_space<vmem>>
        %dma_wait3A_635 = tpu.memref_squeeze %dma_wait3A_634 : memref<1x40xi32, #tpu.memory_space<vmem>> -> memref<40xi32, #tpu.memory_space<vmem>>
        %dma_wait3A_636 = arith.constant 0 : i32
        %dma_wait3A_637 = arith.constant 0 : i32
        %dma_wait3A_638 = tpu.memref_slice %arg19[%dma_wait3A_636, %dma_wait3A_637] : memref<10000x128xf32, #tpu.memory_space<vmem_shared>> -> memref<10000x128xf32, #tpu.memory_space<vmem_shared>>
        tpu.wait_indirect_dma semaphore(%arg26 : memref<!tpu.dma_semaphore, #tpu.memory_space<semaphore_mem>>) src(%arg15 : memref<40x128xf32, #tpu.memory_space<vmem>>) dst(%dma_wait3A_638 : memref<10000x128xf32, #tpu.memory_space<vmem_shared>>)
        %dma_wait3A_639 = arith.constant 0 : i32
        %dma_wait3A_640 = arith.constant 0 : i32
        %dma_wait3A_641 = tpu.memref_slice %arg12[%dma_wait3A_639, %dma_wait3A_640] : memref<25x40xi32, #tpu.memory_space<vmem>> -> memref<1x40xi32, #tpu.memory_space<vmem>>
        %dma_wait3A_642 = tpu.memref_squeeze %dma_wait3A_641 : memref<1x40xi32, #tpu.memory_space<vmem>> -> memref<40xi32, #tpu.memory_space<vmem>>
        %dma_wait3A_643 = arith.constant 0 : i32
        %dma_wait3A_644 = tpu.memref_slice %arg32[%dma_wait3A_643] : memref<10000xf32, #tpu.memory_space<vmem_shared>> -> memref<10000xf32, #tpu.memory_space<vmem_shared>>
        tpu.wait_indirect_dma semaphore(%arg34 : memref<!tpu.dma_semaphore, #tpu.memory_space<semaphore_mem>>) src(%arg31 : memref<40xf32, #tpu.memory_space<vmem>>) dst(%dma_wait3A_644 : memref<10000xf32, #tpu.memory_space<vmem_shared>>)
        %add3A_645 = arith.constant 4 : i32
        %add3A_646 = arith.addi %add3A_613, %add3A_645 : i32
        %dma_start3A_647 = arith.constant 0 : i32
        %dma_start3A_648 = tpu.memref_slice %arg11[%add3A_646, %dma_start3A_647] : memref<25x40xi32, #tpu.memory_space<vmem>> -> memref<1x40xi32, #tpu.memory_space<vmem>>
        %dma_start3A_649 = tpu.memref_squeeze %dma_start3A_648 : memref<1x40xi32, #tpu.memory_space<vmem>> -> memref<40xi32, #tpu.memory_space<vmem>>
        %dma_start3A_650 = arith.constant 0 : i32
        %dma_start3A_651 = arith.constant 0 : i32
        %dma_start3A_652 = tpu.memref_slice %arg2[%dma_start3A_650, %dma_start3A_651] : memref<10000x128xf32, #tpu.memory_space<hbm>> -> memref<10000x128xf32, #tpu.memory_space<hbm>>
        tpu.enqueue_indirect_dma source(%dma_start3A_652 : memref<10000x128xf32, #tpu.memory_space<hbm>>) target(%arg15 : memref<40x128xf32, #tpu.memory_space<vmem>>) offsets(%dma_start3A_649 : memref<40xi32, #tpu.memory_space<vmem>>) semaphore(%arg21 : memref<!tpu.dma_semaphore, #tpu.memory_space<semaphore_mem>>)
        %mul3A_653 = arith.constant 5 : i32
        %mul3A_654 = arith.muli %scan3A_523, %mul3A_653 : i32
        %add3A_655 = arith.constant 3 : i32
        %add3A_656 = arith.addi %mul3A_654, %add3A_655 : i32
        %dma_wait3A_657 = arith.constant 0 : i32
        %dma_wait3A_658 = arith.constant 0 : i32
        %dma_wait3A_659 = tpu.memref_slice %arg10[%dma_wait3A_657, %dma_wait3A_658] : memref<25x40xi32, #tpu.memory_space<vmem>> -> memref<1x40xi32, #tpu.memory_space<vmem>>
        %dma_wait3A_660 = tpu.memref_squeeze %dma_wait3A_659 : memref<1x40xi32, #tpu.memory_space<vmem>> -> memref<40xi32, #tpu.memory_space<vmem>>
        %dma_wait3A_661 = arith.constant 0 : i32
        %dma_wait3A_662 = arith.constant 0 : i32
        %dma_wait3A_663 = tpu.memref_slice %arg2[%dma_wait3A_661, %dma_wait3A_662] : memref<10000x128xf32, #tpu.memory_space<hbm>> -> memref<10000x128xf32, #tpu.memory_space<hbm>>
        tpu.wait_indirect_dma semaphore(%arg23 : memref<!tpu.dma_semaphore, #tpu.memory_space<semaphore_mem>>) src(%dma_wait3A_663 : memref<10000x128xf32, #tpu.memory_space<hbm>>) dst(%arg17 : memref<40x128xf32, #tpu.memory_space<vmem>>)
        %dma_start3A_664 = arith.constant 0 : i32
        %dma_start3A_665 = tpu.memref_slice %arg13[%add3A_656, %dma_start3A_664] : memref<25x40xi32, #tpu.memory_space<vmem>> -> memref<1x40xi32, #tpu.memory_space<vmem>>
        %dma_start3A_666 = tpu.memref_squeeze %dma_start3A_665 : memref<1x40xi32, #tpu.memory_space<vmem>> -> memref<40xi32, #tpu.memory_space<vmem>>
        %dma_start3A_667 = arith.constant 0 : i32
        %dma_start3A_668 = arith.constant 0 : i32
        %dma_start3A_669 = tpu.memref_slice %arg19[%dma_start3A_667, %dma_start3A_668] : memref<10000x128xf32, #tpu.memory_space<vmem_shared>> -> memref<10000x128xf32, #tpu.memory_space<vmem_shared>>
        tpu.enqueue_indirect_dma source(%arg17 : memref<40x128xf32, #tpu.memory_space<vmem>>) target(%dma_start3A_669 : memref<10000x128xf32, #tpu.memory_space<vmem_shared>>) offsets(%dma_start3A_666 : memref<40xi32, #tpu.memory_space<vmem>>) semaphore(%arg28 : memref<!tpu.dma_semaphore, #tpu.memory_space<semaphore_mem>>) {add = true}
        %dma_start3A_670 = arith.constant 0 : i32
        %dma_start3A_671 = tpu.memref_slice %arg13[%add3A_656, %dma_start3A_670] : memref<25x40xi32, #tpu.memory_space<vmem>> -> memref<1x40xi32, #tpu.memory_space<vmem>>
        %dma_start3A_672 = tpu.memref_squeeze %dma_start3A_671 : memref<1x40xi32, #tpu.memory_space<vmem>> -> memref<40xi32, #tpu.memory_space<vmem>>
        %dma_start3A_673 = arith.constant 0 : i32
        %dma_start3A_674 = tpu.memref_slice %arg32[%dma_start3A_673] : memref<10000xf32, #tpu.memory_space<vmem_shared>> -> memref<10000xf32, #tpu.memory_space<vmem_shared>>
        tpu.enqueue_indirect_dma source(%arg31 : memref<40xf32, #tpu.memory_space<vmem>>) target(%dma_start3A_674 : memref<10000xf32, #tpu.memory_space<vmem_shared>>) offsets(%dma_start3A_672 : memref<40xi32, #tpu.memory_space<vmem>>) semaphore(%arg36 : memref<!tpu.dma_semaphore, #tpu.memory_space<semaphore_mem>>) {add = true}
        %dma_wait3A_675 = arith.constant 0 : i32
        %dma_wait3A_676 = arith.constant 0 : i32
        %dma_wait3A_677 = tpu.memref_slice %arg12[%dma_wait3A_675, %dma_wait3A_676] : memref<25x40xi32, #tpu.memory_space<vmem>> -> memref<1x40xi32, #tpu.memory_space<vmem>>
        %dma_wait3A_678 = tpu.memref_squeeze %dma_wait3A_677 : memref<1x40xi32, #tpu.memory_space<vmem>> -> memref<40xi32, #tpu.memory_space<vmem>>
        %dma_wait3A_679 = arith.constant 0 : i32
        %dma_wait3A_680 = arith.constant 0 : i32
        %dma_wait3A_681 = tpu.memref_slice %arg19[%dma_wait3A_679, %dma_wait3A_680] : memref<10000x128xf32, #tpu.memory_space<vmem_shared>> -> memref<10000x128xf32, #tpu.memory_space<vmem_shared>>
        tpu.wait_indirect_dma semaphore(%arg27 : memref<!tpu.dma_semaphore, #tpu.memory_space<semaphore_mem>>) src(%arg16 : memref<40x128xf32, #tpu.memory_space<vmem>>) dst(%dma_wait3A_681 : memref<10000x128xf32, #tpu.memory_space<vmem_shared>>)
        %dma_wait3A_682 = arith.constant 0 : i32
        %dma_wait3A_683 = arith.constant 0 : i32
        %dma_wait3A_684 = tpu.memref_slice %arg12[%dma_wait3A_682, %dma_wait3A_683] : memref<25x40xi32, #tpu.memory_space<vmem>> -> memref<1x40xi32, #tpu.memory_space<vmem>>
        %dma_wait3A_685 = tpu.memref_squeeze %dma_wait3A_684 : memref<1x40xi32, #tpu.memory_space<vmem>> -> memref<40xi32, #tpu.memory_space<vmem>>
        %dma_wait3A_686 = arith.constant 0 : i32
        %dma_wait3A_687 = tpu.memref_slice %arg32[%dma_wait3A_686] : memref<10000xf32, #tpu.memory_space<vmem_shared>> -> memref<10000xf32, #tpu.memory_space<vmem_shared>>
        tpu.wait_indirect_dma semaphore(%arg35 : memref<!tpu.dma_semaphore, #tpu.memory_space<semaphore_mem>>) src(%arg31 : memref<40xf32, #tpu.memory_space<vmem>>) dst(%dma_wait3A_687 : memref<10000xf32, #tpu.memory_space<vmem_shared>>)
        %add3A_688 = arith.constant 4 : i32
        %add3A_689 = arith.addi %add3A_656, %add3A_688 : i32
        %dma_start3A_690 = arith.constant 0 : i32
        %dma_start3A_691 = tpu.memref_slice %arg11[%add3A_689, %dma_start3A_690] : memref<25x40xi32, #tpu.memory_space<vmem>> -> memref<1x40xi32, #tpu.memory_space<vmem>>
        %dma_start3A_692 = tpu.memref_squeeze %dma_start3A_691 : memref<1x40xi32, #tpu.memory_space<vmem>> -> memref<40xi32, #tpu.memory_space<vmem>>
        %dma_start3A_693 = arith.constant 0 : i32
        %dma_start3A_694 = arith.constant 0 : i32
        %dma_start3A_695 = tpu.memref_slice %arg2[%dma_start3A_693, %dma_start3A_694] : memref<10000x128xf32, #tpu.memory_space<hbm>> -> memref<10000x128xf32, #tpu.memory_space<hbm>>
        tpu.enqueue_indirect_dma source(%dma_start3A_695 : memref<10000x128xf32, #tpu.memory_space<hbm>>) target(%arg16 : memref<40x128xf32, #tpu.memory_space<vmem>>) offsets(%dma_start3A_692 : memref<40xi32, #tpu.memory_space<vmem>>) semaphore(%arg22 : memref<!tpu.dma_semaphore, #tpu.memory_space<semaphore_mem>>)
        %mul3A_696 = arith.constant 5 : i32
        %mul3A_697 = arith.muli %scan3A_523, %mul3A_696 : i32
        %add3A_698 = arith.constant 4 : i32
        %add3A_699 = arith.addi %mul3A_697, %add3A_698 : i32
        %dma_wait3A_700 = arith.constant 0 : i32
        %dma_wait3A_701 = arith.constant 0 : i32
        %dma_wait3A_702 = tpu.memref_slice %arg10[%dma_wait3A_700, %dma_wait3A_701] : memref<25x40xi32, #tpu.memory_space<vmem>> -> memref<1x40xi32, #tpu.memory_space<vmem>>
        %dma_wait3A_703 = tpu.memref_squeeze %dma_wait3A_702 : memref<1x40xi32, #tpu.memory_space<vmem>> -> memref<40xi32, #tpu.memory_space<vmem>>
        %dma_wait3A_704 = arith.constant 0 : i32
        %dma_wait3A_705 = arith.constant 0 : i32
        %dma_wait3A_706 = tpu.memref_slice %arg2[%dma_wait3A_704, %dma_wait3A_705] : memref<10000x128xf32, #tpu.memory_space<hbm>> -> memref<10000x128xf32, #tpu.memory_space<hbm>>
        tpu.wait_indirect_dma semaphore(%arg24 : memref<!tpu.dma_semaphore, #tpu.memory_space<semaphore_mem>>) src(%dma_wait3A_706 : memref<10000x128xf32, #tpu.memory_space<hbm>>) dst(%arg18 : memref<40x128xf32, #tpu.memory_space<vmem>>)
        %dma_start3A_707 = arith.constant 0 : i32
        %dma_start3A_708 = tpu.memref_slice %arg13[%add3A_699, %dma_start3A_707] : memref<25x40xi32, #tpu.memory_space<vmem>> -> memref<1x40xi32, #tpu.memory_space<vmem>>
        %dma_start3A_709 = tpu.memref_squeeze %dma_start3A_708 : memref<1x40xi32, #tpu.memory_space<vmem>> -> memref<40xi32, #tpu.memory_space<vmem>>
        %dma_start3A_710 = arith.constant 0 : i32
        %dma_start3A_711 = arith.constant 0 : i32
        %dma_start3A_712 = tpu.memref_slice %arg19[%dma_start3A_710, %dma_start3A_711] : memref<10000x128xf32, #tpu.memory_space<vmem_shared>> -> memref<10000x128xf32, #tpu.memory_space<vmem_shared>>
        tpu.enqueue_indirect_dma source(%arg18 : memref<40x128xf32, #tpu.memory_space<vmem>>) target(%dma_start3A_712 : memref<10000x128xf32, #tpu.memory_space<vmem_shared>>) offsets(%dma_start3A_709 : memref<40xi32, #tpu.memory_space<vmem>>) semaphore(%arg29 : memref<!tpu.dma_semaphore, #tpu.memory_space<semaphore_mem>>) {add = true}
        %dma_start3A_713 = arith.constant 0 : i32
        %dma_start3A_714 = tpu.memref_slice %arg13[%add3A_699, %dma_start3A_713] : memref<25x40xi32, #tpu.memory_space<vmem>> -> memref<1x40xi32, #tpu.memory_space<vmem>>
        %dma_start3A_715 = tpu.memref_squeeze %dma_start3A_714 : memref<1x40xi32, #tpu.memory_space<vmem>> -> memref<40xi32, #tpu.memory_space<vmem>>
        %dma_start3A_716 = arith.constant 0 : i32
        %dma_start3A_717 = tpu.memref_slice %arg32[%dma_start3A_716] : memref<10000xf32, #tpu.memory_space<vmem_shared>> -> memref<10000xf32, #tpu.memory_space<vmem_shared>>
        tpu.enqueue_indirect_dma source(%arg31 : memref<40xf32, #tpu.memory_space<vmem>>) target(%dma_start3A_717 : memref<10000xf32, #tpu.memory_space<vmem_shared>>) offsets(%dma_start3A_715 : memref<40xi32, #tpu.memory_space<vmem>>) semaphore(%arg37 : memref<!tpu.dma_semaphore, #tpu.memory_space<semaphore_mem>>) {add = true}
        %dma_wait3A_718 = arith.constant 0 : i32
        %dma_wait3A_719 = arith.constant 0 : i32
        %dma_wait3A_720 = tpu.memref_slice %arg12[%dma_wait3A_718, %dma_wait3A_719] : memref<25x40xi32, #tpu.memory_space<vmem>> -> memref<1x40xi32, #tpu.memory_space<vmem>>
        %dma_wait3A_721 = tpu.memref_squeeze %dma_wait3A_720 : memref<1x40xi32, #tpu.memory_space<vmem>> -> memref<40xi32, #tpu.memory_space<vmem>>
        %dma_wait3A_722 = arith.constant 0 : i32
        %dma_wait3A_723 = arith.constant 0 : i32
        %dma_wait3A_724 = tpu.memref_slice %arg19[%dma_wait3A_722, %dma_wait3A_723] : memref<10000x128xf32, #tpu.memory_space<vmem_shared>> -> memref<10000x128xf32, #tpu.memory_space<vmem_shared>>
        tpu.wait_indirect_dma semaphore(%arg28 : memref<!tpu.dma_semaphore, #tpu.memory_space<semaphore_mem>>) src(%arg17 : memref<40x128xf32, #tpu.memory_space<vmem>>) dst(%dma_wait3A_724 : memref<10000x128xf32, #tpu.memory_space<vmem_shared>>)
        %dma_wait3A_725 = arith.constant 0 : i32
        %dma_wait3A_726 = arith.constant 0 : i32
        %dma_wait3A_727 = tpu.memref_slice %arg12[%dma_wait3A_725, %dma_wait3A_726] : memref<25x40xi32, #tpu.memory_space<vmem>> -> memref<1x40xi32, #tpu.memory_space<vmem>>
        %dma_wait3A_728 = tpu.memref_squeeze %dma_wait3A_727 : memref<1x40xi32, #tpu.memory_space<vmem>> -> memref<40xi32, #tpu.memory_space<vmem>>
        %dma_wait3A_729 = arith.constant 0 : i32
        %dma_wait3A_730 = tpu.memref_slice %arg32[%dma_wait3A_729] : memref<10000xf32, #tpu.memory_space<vmem_shared>> -> memref<10000xf32, #tpu.memory_space<vmem_shared>>
        tpu.wait_indirect_dma semaphore(%arg36 : memref<!tpu.dma_semaphore, #tpu.memory_space<semaphore_mem>>) src(%arg31 : memref<40xf32, #tpu.memory_space<vmem>>) dst(%dma_wait3A_730 : memref<10000xf32, #tpu.memory_space<vmem_shared>>)
        %add3A_731 = arith.constant 4 : i32
        %add3A_732 = arith.addi %add3A_699, %add3A_731 : i32
        %dma_start3A_733 = arith.constant 0 : i32
        %dma_start3A_734 = tpu.memref_slice %arg11[%add3A_732, %dma_start3A_733] : memref<25x40xi32, #tpu.memory_space<vmem>> -> memref<1x40xi32, #tpu.memory_space<vmem>>
        %dma_start3A_735 = tpu.memref_squeeze %dma_start3A_734 : memref<1x40xi32, #tpu.memory_space<vmem>> -> memref<40xi32, #tpu.memory_space<vmem>>
        %dma_start3A_736 = arith.constant 0 : i32
        %dma_start3A_737 = arith.constant 0 : i32
        %dma_start3A_738 = tpu.memref_slice %arg2[%dma_start3A_736, %dma_start3A_737] : memref<10000x128xf32, #tpu.memory_space<hbm>> -> memref<10000x128xf32, #tpu.memory_space<hbm>>
        tpu.enqueue_indirect_dma source(%dma_start3A_738 : memref<10000x128xf32, #tpu.memory_space<hbm>>) target(%arg17 : memref<40x128xf32, #tpu.memory_space<vmem>>) offsets(%dma_start3A_735 : memref<40xi32, #tpu.memory_space<vmem>>) semaphore(%arg23 : memref<!tpu.dma_semaphore, #tpu.memory_space<semaphore_mem>>)
      }
      %scan3A_335 = arith.constant 4 : i32
      %dma_wait3A_336 = arith.constant 0 : i32
      %dma_wait3A_337 = arith.constant 0 : i32
      %dma_wait3A_338 = tpu.memref_slice %arg10[%dma_wait3A_336, %dma_wait3A_337] : memref<25x40xi32, #tpu.memory_space<vmem>> -> memref<1x40xi32, #tpu.memory_space<vmem>>
      %dma_wait3A_339 = tpu.memref_squeeze %dma_wait3A_338 : memref<1x40xi32, #tpu.memory_space<vmem>> -> memref<40xi32, #tpu.memory_space<vmem>>
      %dma_wait3A_340 = arith.constant 0 : i32
      %dma_wait3A_341 = arith.constant 0 : i32
      %dma_wait3A_342 = tpu.memref_slice %arg2[%dma_wait3A_340, %dma_wait3A_341] : memref<10000x128xf32, #tpu.memory_space<hbm>> -> memref<10000x128xf32, #tpu.memory_space<hbm>>
      tpu.wait_indirect_dma semaphore(%arg20 : memref<!tpu.dma_semaphore, #tpu.memory_space<semaphore_mem>>) src(%dma_wait3A_342 : memref<10000x128xf32, #tpu.memory_space<hbm>>) dst(%arg14 : memref<40x128xf32, #tpu.memory_space<vmem>>)
      %dma_start3A_343 = arith.constant 20 : i32
      %dma_start3A_344 = arith.constant 0 : i32
      %dma_start3A_345 = tpu.memref_slice %arg13[%dma_start3A_343, %dma_start3A_344] : memref<25x40xi32, #tpu.memory_space<vmem>> -> memref<1x40xi32, #tpu.memory_space<vmem>>
      %dma_start3A_346 = tpu.memref_squeeze %dma_start3A_345 : memref<1x40xi32, #tpu.memory_space<vmem>> -> memref<40xi32, #tpu.memory_space<vmem>>
      %dma_start3A_347 = arith.constant 0 : i32
      %dma_start3A_348 = arith.constant 0 : i32
      %dma_start3A_349 = tpu.memref_slice %arg19[%dma_start3A_347, %dma_start3A_348] : memref<10000x128xf32, #tpu.memory_space<vmem_shared>> -> memref<10000x128xf32, #tpu.memory_space<vmem_shared>>
      tpu.enqueue_indirect_dma source(%arg14 : memref<40x128xf32, #tpu.memory_space<vmem>>) target(%dma_start3A_349 : memref<10000x128xf32, #tpu.memory_space<vmem_shared>>) offsets(%dma_start3A_346 : memref<40xi32, #tpu.memory_space<vmem>>) semaphore(%arg25 : memref<!tpu.dma_semaphore, #tpu.memory_space<semaphore_mem>>) {add = true}
      %dma_start3A_350 = arith.constant 20 : i32
      %dma_start3A_351 = arith.constant 0 : i32
      %dma_start3A_352 = tpu.memref_slice %arg13[%dma_start3A_350, %dma_start3A_351] : memref<25x40xi32, #tpu.memory_space<vmem>> -> memref<1x40xi32, #tpu.memory_space<vmem>>
      %dma_start3A_353 = tpu.memref_squeeze %dma_start3A_352 : memref<1x40xi32, #tpu.memory_space<vmem>> -> memref<40xi32, #tpu.memory_space<vmem>>
      %dma_start3A_354 = arith.constant 0 : i32
      %dma_start3A_355 = tpu.memref_slice %arg32[%dma_start3A_354] : memref<10000xf32, #tpu.memory_space<vmem_shared>> -> memref<10000xf32, #tpu.memory_space<vmem_shared>>
      tpu.enqueue_indirect_dma source(%arg31 : memref<40xf32, #tpu.memory_space<vmem>>) target(%dma_start3A_355 : memref<10000xf32, #tpu.memory_space<vmem_shared>>) offsets(%dma_start3A_353 : memref<40xi32, #tpu.memory_space<vmem>>) semaphore(%arg33 : memref<!tpu.dma_semaphore, #tpu.memory_space<semaphore_mem>>) {add = true}
      %dma_wait3A_356 = arith.constant 0 : i32
      %dma_wait3A_357 = arith.constant 0 : i32
      %dma_wait3A_358 = tpu.memref_slice %arg12[%dma_wait3A_356, %dma_wait3A_357] : memref<25x40xi32, #tpu.memory_space<vmem>> -> memref<1x40xi32, #tpu.memory_space<vmem>>
      %dma_wait3A_359 = tpu.memref_squeeze %dma_wait3A_358 : memref<1x40xi32, #tpu.memory_space<vmem>> -> memref<40xi32, #tpu.memory_space<vmem>>
      %dma_wait3A_360 = arith.constant 0 : i32
      %dma_wait3A_361 = arith.constant 0 : i32
      %dma_wait3A_362 = tpu.memref_slice %arg19[%dma_wait3A_360, %dma_wait3A_361] : memref<10000x128xf32, #tpu.memory_space<vmem_shared>> -> memref<10000x128xf32, #tpu.memory_space<vmem_shared>>
      tpu.wait_indirect_dma semaphore(%arg29 : memref<!tpu.dma_semaphore, #tpu.memory_space<semaphore_mem>>) src(%arg18 : memref<40x128xf32, #tpu.memory_space<vmem>>) dst(%dma_wait3A_362 : memref<10000x128xf32, #tpu.memory_space<vmem_shared>>)
      %dma_wait3A_363 = arith.constant 0 : i32
      %dma_wait3A_364 = arith.constant 0 : i32
      %dma_wait3A_365 = tpu.memref_slice %arg12[%dma_wait3A_363, %dma_wait3A_364] : memref<25x40xi32, #tpu.memory_space<vmem>> -> memref<1x40xi32, #tpu.memory_space<vmem>>
      %dma_wait3A_366 = tpu.memref_squeeze %dma_wait3A_365 : memref<1x40xi32, #tpu.memory_space<vmem>> -> memref<40xi32, #tpu.memory_space<vmem>>
      %dma_wait3A_367 = arith.constant 0 : i32
      %dma_wait3A_368 = tpu.memref_slice %arg32[%dma_wait3A_367] : memref<10000xf32, #tpu.memory_space<vmem_shared>> -> memref<10000xf32, #tpu.memory_space<vmem_shared>>
      tpu.wait_indirect_dma semaphore(%arg37 : memref<!tpu.dma_semaphore, #tpu.memory_space<semaphore_mem>>) src(%arg31 : memref<40xf32, #tpu.memory_space<vmem>>) dst(%dma_wait3A_368 : memref<10000xf32, #tpu.memory_space<vmem_shared>>)
      %dma_start3A_369 = arith.constant 24 : i32
      %dma_start3A_370 = arith.constant 0 : i32
      %dma_start3A_371 = tpu.memref_slice %arg11[%dma_start3A_369, %dma_start3A_370] : memref<25x40xi32, #tpu.memory_space<vmem>> -> memref<1x40xi32, #tpu.memory_space<vmem>>
      %dma_start3A_372 = tpu.memref_squeeze %dma_start3A_371 : memref<1x40xi32, #tpu.memory_space<vmem>> -> memref<40xi32, #tpu.memory_space<vmem>>
      %dma_start3A_373 = arith.constant 0 : i32
      %dma_start3A_374 = arith.constant 0 : i32
      %dma_start3A_375 = tpu.memref_slice %arg2[%dma_start3A_373, %dma_start3A_374] : memref<10000x128xf32, #tpu.memory_space<hbm>> -> memref<10000x128xf32, #tpu.memory_space<hbm>>
      tpu.enqueue_indirect_dma source(%dma_start3A_375 : memref<10000x128xf32, #tpu.memory_space<hbm>>) target(%arg18 : memref<40x128xf32, #tpu.memory_space<vmem>>) offsets(%dma_start3A_372 : memref<40xi32, #tpu.memory_space<vmem>>) semaphore(%arg24 : memref<!tpu.dma_semaphore, #tpu.memory_space<semaphore_mem>>)
      %dma_wait3A_376 = arith.constant 0 : i32
      %dma_wait3A_377 = arith.constant 0 : i32
      %dma_wait3A_378 = tpu.memref_slice %arg10[%dma_wait3A_376, %dma_wait3A_377] : memref<25x40xi32, #tpu.memory_space<vmem>> -> memref<1x40xi32, #tpu.memory_space<vmem>>
      %dma_wait3A_379 = tpu.memref_squeeze %dma_wait3A_378 : memref<1x40xi32, #tpu.memory_space<vmem>> -> memref<40xi32, #tpu.memory_space<vmem>>
      %dma_wait3A_380 = arith.constant 0 : i32
      %dma_wait3A_381 = arith.constant 0 : i32
      %dma_wait3A_382 = tpu.memref_slice %arg2[%dma_wait3A_380, %dma_wait3A_381] : memref<10000x128xf32, #tpu.memory_space<hbm>> -> memref<10000x128xf32, #tpu.memory_space<hbm>>
      tpu.wait_indirect_dma semaphore(%arg21 : memref<!tpu.dma_semaphore, #tpu.memory_space<semaphore_mem>>) src(%dma_wait3A_382 : memref<10000x128xf32, #tpu.memory_space<hbm>>) dst(%arg15 : memref<40x128xf32, #tpu.memory_space<vmem>>)
      %dma_start3A_383 = arith.constant 21 : i32
      %dma_start3A_384 = arith.constant 0 : i32
      %dma_start3A_385 = tpu.memref_slice %arg13[%dma_start3A_383, %dma_start3A_384] : memref<25x40xi32, #tpu.memory_space<vmem>> -> memref<1x40xi32, #tpu.memory_space<vmem>>
      %dma_start3A_386 = tpu.memref_squeeze %dma_start3A_385 : memref<1x40xi32, #tpu.memory_space<vmem>> -> memref<40xi32, #tpu.memory_space<vmem>>
      %dma_start3A_387 = arith.constant 0 : i32
      %dma_start3A_388 = arith.constant 0 : i32
      %dma_start3A_389 = tpu.memref_slice %arg19[%dma_start3A_387, %dma_start3A_388] : memref<10000x128xf32, #tpu.memory_space<vmem_shared>> -> memref<10000x128xf32, #tpu.memory_space<vmem_shared>>
      tpu.enqueue_indirect_dma source(%arg15 : memref<40x128xf32, #tpu.memory_space<vmem>>) target(%dma_start3A_389 : memref<10000x128xf32, #tpu.memory_space<vmem_shared>>) offsets(%dma_start3A_386 : memref<40xi32, #tpu.memory_space<vmem>>) semaphore(%arg26 : memref<!tpu.dma_semaphore, #tpu.memory_space<semaphore_mem>>) {add = true}
      %dma_start3A_390 = arith.constant 21 : i32
      %dma_start3A_391 = arith.constant 0 : i32
      %dma_start3A_392 = tpu.memref_slice %arg13[%dma_start3A_390, %dma_start3A_391] : memref<25x40xi32, #tpu.memory_space<vmem>> -> memref<1x40xi32, #tpu.memory_space<vmem>>
      %dma_start3A_393 = tpu.memref_squeeze %dma_start3A_392 : memref<1x40xi32, #tpu.memory_space<vmem>> -> memref<40xi32, #tpu.memory_space<vmem>>
      %dma_start3A_394 = arith.constant 0 : i32
      %dma_start3A_395 = tpu.memref_slice %arg32[%dma_start3A_394] : memref<10000xf32, #tpu.memory_space<vmem_shared>> -> memref<10000xf32, #tpu.memory_space<vmem_shared>>
      tpu.enqueue_indirect_dma source(%arg31 : memref<40xf32, #tpu.memory_space<vmem>>) target(%dma_start3A_395 : memref<10000xf32, #tpu.memory_space<vmem_shared>>) offsets(%dma_start3A_393 : memref<40xi32, #tpu.memory_space<vmem>>) semaphore(%arg34 : memref<!tpu.dma_semaphore, #tpu.memory_space<semaphore_mem>>) {add = true}
      %dma_wait3A_396 = arith.constant 0 : i32
      %dma_wait3A_397 = arith.constant 0 : i32
      %dma_wait3A_398 = tpu.memref_slice %arg12[%dma_wait3A_396, %dma_wait3A_397] : memref<25x40xi32, #tpu.memory_space<vmem>> -> memref<1x40xi32, #tpu.memory_space<vmem>>
      %dma_wait3A_399 = tpu.memref_squeeze %dma_wait3A_398 : memref<1x40xi32, #tpu.memory_space<vmem>> -> memref<40xi32, #tpu.memory_space<vmem>>
      %dma_wait3A_400 = arith.constant 0 : i32
      %dma_wait3A_401 = arith.constant 0 : i32
      %dma_wait3A_402 = tpu.memref_slice %arg19[%dma_wait3A_400, %dma_wait3A_401] : memref<10000x128xf32, #tpu.memory_space<vmem_shared>> -> memref<10000x128xf32, #tpu.memory_space<vmem_shared>>
      tpu.wait_indirect_dma semaphore(%arg25 : memref<!tpu.dma_semaphore, #tpu.memory_space<semaphore_mem>>) src(%arg14 : memref<40x128xf32, #tpu.memory_space<vmem>>) dst(%dma_wait3A_402 : memref<10000x128xf32, #tpu.memory_space<vmem_shared>>)
      %dma_wait3A_403 = arith.constant 0 : i32
      %dma_wait3A_404 = arith.constant 0 : i32
      %dma_wait3A_405 = tpu.memref_slice %arg12[%dma_wait3A_403, %dma_wait3A_404] : memref<25x40xi32, #tpu.memory_space<vmem>> -> memref<1x40xi32, #tpu.memory_space<vmem>>
      %dma_wait3A_406 = tpu.memref_squeeze %dma_wait3A_405 : memref<1x40xi32, #tpu.memory_space<vmem>> -> memref<40xi32, #tpu.memory_space<vmem>>
      %dma_wait3A_407 = arith.constant 0 : i32
      %dma_wait3A_408 = tpu.memref_slice %arg32[%dma_wait3A_407] : memref<10000xf32, #tpu.memory_space<vmem_shared>> -> memref<10000xf32, #tpu.memory_space<vmem_shared>>
      tpu.wait_indirect_dma semaphore(%arg33 : memref<!tpu.dma_semaphore, #tpu.memory_space<semaphore_mem>>) src(%arg31 : memref<40xf32, #tpu.memory_space<vmem>>) dst(%dma_wait3A_408 : memref<10000xf32, #tpu.memory_space<vmem_shared>>)
      %convert_element_type3A_409 = arith.extui %lt3A_326 : i1 to i32
      %cond3A_410 = arith.constant 0 : i32
      %cond3A_411 = arith.cmpi ne, %convert_element_type3A_409, %cond3A_410 : i32
      scf.if %cond3A_411 {
        %dma_wait3A_523 = arith.constant 0 : i32
        %dma_wait3A_524 = arith.constant 0 : i32
        %dma_wait3A_525 = arith.constant 0 : i32
        %dma_wait3A_526 = tpu.memref_slice %arg3[%add3A, %dma_wait3A_523, %dma_wait3A_524, %dma_wait3A_525] : memref<32x10x25x40xi32, #tpu.memory_space<hbm>> -> memref<1x1x25x40xi32, #tpu.memory_space<hbm>>
        %dma_wait3A_527 = tpu.memref_squeeze %dma_wait3A_526 : memref<1x1x25x40xi32, #tpu.memory_space<hbm>> -> memref<25x40xi32, #tpu.memory_space<hbm>>
        %dma_wait3A_528 = arith.constant 0 : i32
        %dma_wait3A_529 = arith.constant 0 : i32
        %dma_wait3A_530 = tpu.memref_slice %arg3[%add3A, %dma_wait3A_523, %dma_wait3A_528, %dma_wait3A_529] : memref<32x10x25x40xi32, #tpu.memory_space<hbm>> -> memref<1x1x25x40xi32, #tpu.memory_space<hbm>>
        %dma_wait3A_531 = tpu.memref_squeeze %dma_wait3A_530 : memref<1x1x25x40xi32, #tpu.memory_space<hbm>> -> memref<25x40xi32, #tpu.memory_space<hbm>>
        tpu.wait_dma2 semaphore(%arg30 : memref<!tpu.dma_semaphore, #tpu.memory_space<semaphore_mem>>) src(%dma_wait3A_531 : memref<25x40xi32, #tpu.memory_space<hbm>>) dst(%arg10 : memref<25x40xi32, #tpu.memory_space<vmem>>)
        %dma_wait3A_532 = arith.constant 0 : i32
        %dma_wait3A_533 = arith.constant 0 : i32
        %dma_wait3A_534 = arith.constant 0 : i32
        %dma_wait3A_535 = tpu.memref_slice %arg4[%add3A, %dma_wait3A_532, %dma_wait3A_533, %dma_wait3A_534] : memref<32x10x25x40xi32, #tpu.memory_space<hbm>> -> memref<1x1x25x40xi32, #tpu.memory_space<hbm>>
        %dma_wait3A_536 = tpu.memref_squeeze %dma_wait3A_535 : memref<1x1x25x40xi32, #tpu.memory_space<hbm>> -> memref<25x40xi32, #tpu.memory_space<hbm>>
        %dma_wait3A_537 = arith.constant 0 : i32
        %dma_wait3A_538 = arith.constant 0 : i32
        %dma_wait3A_539 = tpu.memref_slice %arg4[%add3A, %dma_wait3A_532, %dma_wait3A_537, %dma_wait3A_538] : memref<32x10x25x40xi32, #tpu.memory_space<hbm>> -> memref<1x1x25x40xi32, #tpu.memory_space<hbm>>
        %dma_wait3A_540 = tpu.memref_squeeze %dma_wait3A_539 : memref<1x1x25x40xi32, #tpu.memory_space<hbm>> -> memref<25x40xi32, #tpu.memory_space<hbm>>
        tpu.wait_dma2 semaphore(%arg30 : memref<!tpu.dma_semaphore, #tpu.memory_space<semaphore_mem>>) src(%dma_wait3A_540 : memref<25x40xi32, #tpu.memory_space<hbm>>) dst(%arg12 : memref<25x40xi32, #tpu.memory_space<vmem>>)
      } else {
      }
      %convert_element_type3A_412 = arith.extui %lt3A_326 : i1 to i32
      %cond3A_413 = arith.constant 0 : i32
      %cond3A_414 = arith.cmpi ne, %convert_element_type3A_412, %cond3A_413 : i32
      scf.if %cond3A_414 {
        %dma_start3A_523 = arith.constant 0 : i32
        %dma_start3A_524 = arith.constant 0 : i32
        %dma_start3A_525 = tpu.memref_slice %arg10[%dma_start3A_523, %dma_start3A_524] : memref<25x40xi32, #tpu.memory_space<vmem>> -> memref<1x40xi32, #tpu.memory_space<vmem>>
        %dma_start3A_526 = tpu.memref_squeeze %dma_start3A_525 : memref<1x40xi32, #tpu.memory_space<vmem>> -> memref<40xi32, #tpu.memory_space<vmem>>
        %dma_start3A_527 = arith.constant 0 : i32
        %dma_start3A_528 = arith.constant 0 : i32
        %dma_start3A_529 = tpu.memref_slice %arg2[%dma_start3A_527, %dma_start3A_528] : memref<10000x128xf32, #tpu.memory_space<hbm>> -> memref<10000x128xf32, #tpu.memory_space<hbm>>
        tpu.enqueue_indirect_dma source(%dma_start3A_529 : memref<10000x128xf32, #tpu.memory_space<hbm>>) target(%arg14 : memref<40x128xf32, #tpu.memory_space<vmem>>) offsets(%dma_start3A_526 : memref<40xi32, #tpu.memory_space<vmem>>) semaphore(%arg20 : memref<!tpu.dma_semaphore, #tpu.memory_space<semaphore_mem>>)
      } else {
      }
      %dma_wait3A_415 = arith.constant 0 : i32
      %dma_wait3A_416 = arith.constant 0 : i32
      %dma_wait3A_417 = tpu.memref_slice %arg10[%dma_wait3A_415, %dma_wait3A_416] : memref<25x40xi32, #tpu.memory_space<vmem>> -> memref<1x40xi32, #tpu.memory_space<vmem>>
      %dma_wait3A_418 = tpu.memref_squeeze %dma_wait3A_417 : memref<1x40xi32, #tpu.memory_space<vmem>> -> memref<40xi32, #tpu.memory_space<vmem>>
      %dma_wait3A_419 = arith.constant 0 : i32
      %dma_wait3A_420 = arith.constant 0 : i32
      %dma_wait3A_421 = tpu.memref_slice %arg2[%dma_wait3A_419, %dma_wait3A_420] : memref<10000x128xf32, #tpu.memory_space<hbm>> -> memref<10000x128xf32, #tpu.memory_space<hbm>>
      tpu.wait_indirect_dma semaphore(%arg22 : memref<!tpu.dma_semaphore, #tpu.memory_space<semaphore_mem>>) src(%dma_wait3A_421 : memref<10000x128xf32, #tpu.memory_space<hbm>>) dst(%arg16 : memref<40x128xf32, #tpu.memory_space<vmem>>)
      %dma_start3A_422 = arith.constant 22 : i32
      %dma_start3A_423 = arith.constant 0 : i32
      %dma_start3A_424 = tpu.memref_slice %arg13[%dma_start3A_422, %dma_start3A_423] : memref<25x40xi32, #tpu.memory_space<vmem>> -> memref<1x40xi32, #tpu.memory_space<vmem>>
      %dma_start3A_425 = tpu.memref_squeeze %dma_start3A_424 : memref<1x40xi32, #tpu.memory_space<vmem>> -> memref<40xi32, #tpu.memory_space<vmem>>
      %dma_start3A_426 = arith.constant 0 : i32
      %dma_start3A_427 = arith.constant 0 : i32
      %dma_start3A_428 = tpu.memref_slice %arg19[%dma_start3A_426, %dma_start3A_427] : memref<10000x128xf32, #tpu.memory_space<vmem_shared>> -> memref<10000x128xf32, #tpu.memory_space<vmem_shared>>
      tpu.enqueue_indirect_dma source(%arg16 : memref<40x128xf32, #tpu.memory_space<vmem>>) target(%dma_start3A_428 : memref<10000x128xf32, #tpu.memory_space<vmem_shared>>) offsets(%dma_start3A_425 : memref<40xi32, #tpu.memory_space<vmem>>) semaphore(%arg27 : memref<!tpu.dma_semaphore, #tpu.memory_space<semaphore_mem>>) {add = true}
      %dma_start3A_429 = arith.constant 22 : i32
      %dma_start3A_430 = arith.constant 0 : i32
      %dma_start3A_431 = tpu.memref_slice %arg13[%dma_start3A_429, %dma_start3A_430] : memref<25x40xi32, #tpu.memory_space<vmem>> -> memref<1x40xi32, #tpu.memory_space<vmem>>
      %dma_start3A_432 = tpu.memref_squeeze %dma_start3A_431 : memref<1x40xi32, #tpu.memory_space<vmem>> -> memref<40xi32, #tpu.memory_space<vmem>>
      %dma_start3A_433 = arith.constant 0 : i32
      %dma_start3A_434 = tpu.memref_slice %arg32[%dma_start3A_433] : memref<10000xf32, #tpu.memory_space<vmem_shared>> -> memref<10000xf32, #tpu.memory_space<vmem_shared>>
      tpu.enqueue_indirect_dma source(%arg31 : memref<40xf32, #tpu.memory_space<vmem>>) target(%dma_start3A_434 : memref<10000xf32, #tpu.memory_space<vmem_shared>>) offsets(%dma_start3A_432 : memref<40xi32, #tpu.memory_space<vmem>>) semaphore(%arg35 : memref<!tpu.dma_semaphore, #tpu.memory_space<semaphore_mem>>) {add = true}
      %dma_wait3A_435 = arith.constant 0 : i32
      %dma_wait3A_436 = arith.constant 0 : i32
      %dma_wait3A_437 = tpu.memref_slice %arg12[%dma_wait3A_435, %dma_wait3A_436] : memref<25x40xi32, #tpu.memory_space<vmem>> -> memref<1x40xi32, #tpu.memory_space<vmem>>
      %dma_wait3A_438 = tpu.memref_squeeze %dma_wait3A_437 : memref<1x40xi32, #tpu.memory_space<vmem>> -> memref<40xi32, #tpu.memory_space<vmem>>
      %dma_wait3A_439 = arith.constant 0 : i32
      %dma_wait3A_440 = arith.constant 0 : i32
      %dma_wait3A_441 = tpu.memref_slice %arg19[%dma_wait3A_439, %dma_wait3A_440] : memref<10000x128xf32, #tpu.memory_space<vmem_shared>> -> memref<10000x128xf32, #tpu.memory_space<vmem_shared>>
      tpu.wait_indirect_dma semaphore(%arg26 : memref<!tpu.dma_semaphore, #tpu.memory_space<semaphore_mem>>) src(%arg15 : memref<40x128xf32, #tpu.memory_space<vmem>>) dst(%dma_wait3A_441 : memref<10000x128xf32, #tpu.memory_space<vmem_shared>>)
      %dma_wait3A_442 = arith.constant 0 : i32
      %dma_wait3A_443 = arith.constant 0 : i32
      %dma_wait3A_444 = tpu.memref_slice %arg12[%dma_wait3A_442, %dma_wait3A_443] : memref<25x40xi32, #tpu.memory_space<vmem>> -> memref<1x40xi32, #tpu.memory_space<vmem>>
      %dma_wait3A_445 = tpu.memref_squeeze %dma_wait3A_444 : memref<1x40xi32, #tpu.memory_space<vmem>> -> memref<40xi32, #tpu.memory_space<vmem>>
      %dma_wait3A_446 = arith.constant 0 : i32
      %dma_wait3A_447 = tpu.memref_slice %arg32[%dma_wait3A_446] : memref<10000xf32, #tpu.memory_space<vmem_shared>> -> memref<10000xf32, #tpu.memory_space<vmem_shared>>
      tpu.wait_indirect_dma semaphore(%arg34 : memref<!tpu.dma_semaphore, #tpu.memory_space<semaphore_mem>>) src(%arg31 : memref<40xf32, #tpu.memory_space<vmem>>) dst(%dma_wait3A_447 : memref<10000xf32, #tpu.memory_space<vmem_shared>>)
      %convert_element_type3A_448 = arith.extui %lt3A_326 : i1 to i32
      %cond3A_449 = arith.constant 0 : i32
      %cond3A_450 = arith.cmpi ne, %convert_element_type3A_448, %cond3A_449 : i32
      scf.if %cond3A_450 {
        %dma_start3A_523 = arith.constant 1 : i32
        %dma_start3A_524 = arith.constant 0 : i32
        %dma_start3A_525 = tpu.memref_slice %arg10[%dma_start3A_523, %dma_start3A_524] : memref<25x40xi32, #tpu.memory_space<vmem>> -> memref<1x40xi32, #tpu.memory_space<vmem>>
        %dma_start3A_526 = tpu.memref_squeeze %dma_start3A_525 : memref<1x40xi32, #tpu.memory_space<vmem>> -> memref<40xi32, #tpu.memory_space<vmem>>
        %dma_start3A_527 = arith.constant 0 : i32
        %dma_start3A_528 = arith.constant 0 : i32
        %dma_start3A_529 = tpu.memref_slice %arg2[%dma_start3A_527, %dma_start3A_528] : memref<10000x128xf32, #tpu.memory_space<hbm>> -> memref<10000x128xf32, #tpu.memory_space<hbm>>
        tpu.enqueue_indirect_dma source(%dma_start3A_529 : memref<10000x128xf32, #tpu.memory_space<hbm>>) target(%arg15 : memref<40x128xf32, #tpu.memory_space<vmem>>) offsets(%dma_start3A_526 : memref<40xi32, #tpu.memory_space<vmem>>) semaphore(%arg21 : memref<!tpu.dma_semaphore, #tpu.memory_space<semaphore_mem>>)
      } else {
      }
      %dma_wait3A_451 = arith.constant 0 : i32
      %dma_wait3A_452 = arith.constant 0 : i32
      %dma_wait3A_453 = tpu.memref_slice %arg10[%dma_wait3A_451, %dma_wait3A_452] : memref<25x40xi32, #tpu.memory_space<vmem>> -> memref<1x40xi32, #tpu.memory_space<vmem>>
      %dma_wait3A_454 = tpu.memref_squeeze %dma_wait3A_453 : memref<1x40xi32, #tpu.memory_space<vmem>> -> memref<40xi32, #tpu.memory_space<vmem>>
      %dma_wait3A_455 = arith.constant 0 : i32
      %dma_wait3A_456 = arith.constant 0 : i32
      %dma_wait3A_457 = tpu.memref_slice %arg2[%dma_wait3A_455, %dma_wait3A_456] : memref<10000x128xf32, #tpu.memory_space<hbm>> -> memref<10000x128xf32, #tpu.memory_space<hbm>>
      tpu.wait_indirect_dma semaphore(%arg23 : memref<!tpu.dma_semaphore, #tpu.memory_space<semaphore_mem>>) src(%dma_wait3A_457 : memref<10000x128xf32, #tpu.memory_space<hbm>>) dst(%arg17 : memref<40x128xf32, #tpu.memory_space<vmem>>)
      %dma_start3A_458 = arith.constant 23 : i32
      %dma_start3A_459 = arith.constant 0 : i32
      %dma_start3A_460 = tpu.memref_slice %arg13[%dma_start3A_458, %dma_start3A_459] : memref<25x40xi32, #tpu.memory_space<vmem>> -> memref<1x40xi32, #tpu.memory_space<vmem>>
      %dma_start3A_461 = tpu.memref_squeeze %dma_start3A_460 : memref<1x40xi32, #tpu.memory_space<vmem>> -> memref<40xi32, #tpu.memory_space<vmem>>
      %dma_start3A_462 = arith.constant 0 : i32
      %dma_start3A_463 = arith.constant 0 : i32
      %dma_start3A_464 = tpu.memref_slice %arg19[%dma_start3A_462, %dma_start3A_463] : memref<10000x128xf32, #tpu.memory_space<vmem_shared>> -> memref<10000x128xf32, #tpu.memory_space<vmem_shared>>
      tpu.enqueue_indirect_dma source(%arg17 : memref<40x128xf32, #tpu.memory_space<vmem>>) target(%dma_start3A_464 : memref<10000x128xf32, #tpu.memory_space<vmem_shared>>) offsets(%dma_start3A_461 : memref<40xi32, #tpu.memory_space<vmem>>) semaphore(%arg28 : memref<!tpu.dma_semaphore, #tpu.memory_space<semaphore_mem>>) {add = true}
      %dma_start3A_465 = arith.constant 23 : i32
      %dma_start3A_466 = arith.constant 0 : i32
      %dma_start3A_467 = tpu.memref_slice %arg13[%dma_start3A_465, %dma_start3A_466] : memref<25x40xi32, #tpu.memory_space<vmem>> -> memref<1x40xi32, #tpu.memory_space<vmem>>
      %dma_start3A_468 = tpu.memref_squeeze %dma_start3A_467 : memref<1x40xi32, #tpu.memory_space<vmem>> -> memref<40xi32, #tpu.memory_space<vmem>>
      %dma_start3A_469 = arith.constant 0 : i32
      %dma_start3A_470 = tpu.memref_slice %arg32[%dma_start3A_469] : memref<10000xf32, #tpu.memory_space<vmem_shared>> -> memref<10000xf32, #tpu.memory_space<vmem_shared>>
      tpu.enqueue_indirect_dma source(%arg31 : memref<40xf32, #tpu.memory_space<vmem>>) target(%dma_start3A_470 : memref<10000xf32, #tpu.memory_space<vmem_shared>>) offsets(%dma_start3A_468 : memref<40xi32, #tpu.memory_space<vmem>>) semaphore(%arg36 : memref<!tpu.dma_semaphore, #tpu.memory_space<semaphore_mem>>) {add = true}
      %dma_wait3A_471 = arith.constant 0 : i32
      %dma_wait3A_472 = arith.constant 0 : i32
      %dma_wait3A_473 = tpu.memref_slice %arg12[%dma_wait3A_471, %dma_wait3A_472] : memref<25x40xi32, #tpu.memory_space<vmem>> -> memref<1x40xi32, #tpu.memory_space<vmem>>
      %dma_wait3A_474 = tpu.memref_squeeze %dma_wait3A_473 : memref<1x40xi32, #tpu.memory_space<vmem>> -> memref<40xi32, #tpu.memory_space<vmem>>
      %dma_wait3A_475 = arith.constant 0 : i32
      %dma_wait3A_476 = arith.constant 0 : i32
      %dma_wait3A_477 = tpu.memref_slice %arg19[%dma_wait3A_475, %dma_wait3A_476] : memref<10000x128xf32, #tpu.memory_space<vmem_shared>> -> memref<10000x128xf32, #tpu.memory_space<vmem_shared>>
      tpu.wait_indirect_dma semaphore(%arg27 : memref<!tpu.dma_semaphore, #tpu.memory_space<semaphore_mem>>) src(%arg16 : memref<40x128xf32, #tpu.memory_space<vmem>>) dst(%dma_wait3A_477 : memref<10000x128xf32, #tpu.memory_space<vmem_shared>>)
      %dma_wait3A_478 = arith.constant 0 : i32
      %dma_wait3A_479 = arith.constant 0 : i32
      %dma_wait3A_480 = tpu.memref_slice %arg12[%dma_wait3A_478, %dma_wait3A_479] : memref<25x40xi32, #tpu.memory_space<vmem>> -> memref<1x40xi32, #tpu.memory_space<vmem>>
      %dma_wait3A_481 = tpu.memref_squeeze %dma_wait3A_480 : memref<1x40xi32, #tpu.memory_space<vmem>> -> memref<40xi32, #tpu.memory_space<vmem>>
      %dma_wait3A_482 = arith.constant 0 : i32
      %dma_wait3A_483 = tpu.memref_slice %arg32[%dma_wait3A_482] : memref<10000xf32, #tpu.memory_space<vmem_shared>> -> memref<10000xf32, #tpu.memory_space<vmem_shared>>
      tpu.wait_indirect_dma semaphore(%arg35 : memref<!tpu.dma_semaphore, #tpu.memory_space<semaphore_mem>>) src(%arg31 : memref<40xf32, #tpu.memory_space<vmem>>) dst(%dma_wait3A_483 : memref<10000xf32, #tpu.memory_space<vmem_shared>>)
      %convert_element_type3A_484 = arith.extui %lt3A_326 : i1 to i32
      %cond3A_485 = arith.constant 0 : i32
      %cond3A_486 = arith.cmpi ne, %convert_element_type3A_484, %cond3A_485 : i32
      scf.if %cond3A_486 {
        %dma_start3A_523 = arith.constant 2 : i32
        %dma_start3A_524 = arith.constant 0 : i32
        %dma_start3A_525 = tpu.memref_slice %arg10[%dma_start3A_523, %dma_start3A_524] : memref<25x40xi32, #tpu.memory_space<vmem>> -> memref<1x40xi32, #tpu.memory_space<vmem>>
        %dma_start3A_526 = tpu.memref_squeeze %dma_start3A_525 : memref<1x40xi32, #tpu.memory_space<vmem>> -> memref<40xi32, #tpu.memory_space<vmem>>
        %dma_start3A_527 = arith.constant 0 : i32
        %dma_start3A_528 = arith.constant 0 : i32
        %dma_start3A_529 = tpu.memref_slice %arg2[%dma_start3A_527, %dma_start3A_528] : memref<10000x128xf32, #tpu.memory_space<hbm>> -> memref<10000x128xf32, #tpu.memory_space<hbm>>
        tpu.enqueue_indirect_dma source(%dma_start3A_529 : memref<10000x128xf32, #tpu.memory_space<hbm>>) target(%arg16 : memref<40x128xf32, #tpu.memory_space<vmem>>) offsets(%dma_start3A_526 : memref<40xi32, #tpu.memory_space<vmem>>) semaphore(%arg22 : memref<!tpu.dma_semaphore, #tpu.memory_space<semaphore_mem>>)
      } else {
      }
      %dma_wait3A_487 = arith.constant 0 : i32
      %dma_wait3A_488 = arith.constant 0 : i32
      %dma_wait3A_489 = tpu.memref_slice %arg10[%dma_wait3A_487, %dma_wait3A_488] : memref<25x40xi32, #tpu.memory_space<vmem>> -> memref<1x40xi32, #tpu.memory_space<vmem>>
      %dma_wait3A_490 = tpu.memref_squeeze %dma_wait3A_489 : memref<1x40xi32, #tpu.memory_space<vmem>> -> memref<40xi32, #tpu.memory_space<vmem>>
      %dma_wait3A_491 = arith.constant 0 : i32
      %dma_wait3A_492 = arith.constant 0 : i32
      %dma_wait3A_493 = tpu.memref_slice %arg2[%dma_wait3A_491, %dma_wait3A_492] : memref<10000x128xf32, #tpu.memory_space<hbm>> -> memref<10000x128xf32, #tpu.memory_space<hbm>>
      tpu.wait_indirect_dma semaphore(%arg24 : memref<!tpu.dma_semaphore, #tpu.memory_space<semaphore_mem>>) src(%dma_wait3A_493 : memref<10000x128xf32, #tpu.memory_space<hbm>>) dst(%arg18 : memref<40x128xf32, #tpu.memory_space<vmem>>)
      %dma_start3A_494 = arith.constant 24 : i32
      %dma_start3A_495 = arith.constant 0 : i32
      %dma_start3A_496 = tpu.memref_slice %arg13[%dma_start3A_494, %dma_start3A_495] : memref<25x40xi32, #tpu.memory_space<vmem>> -> memref<1x40xi32, #tpu.memory_space<vmem>>
      %dma_start3A_497 = tpu.memref_squeeze %dma_start3A_496 : memref<1x40xi32, #tpu.memory_space<vmem>> -> memref<40xi32, #tpu.memory_space<vmem>>
      %dma_start3A_498 = arith.constant 0 : i32
      %dma_start3A_499 = arith.constant 0 : i32
      %dma_start3A_500 = tpu.memref_slice %arg19[%dma_start3A_498, %dma_start3A_499] : memref<10000x128xf32, #tpu.memory_space<vmem_shared>> -> memref<10000x128xf32, #tpu.memory_space<vmem_shared>>
      tpu.enqueue_indirect_dma source(%arg18 : memref<40x128xf32, #tpu.memory_space<vmem>>) target(%dma_start3A_500 : memref<10000x128xf32, #tpu.memory_space<vmem_shared>>) offsets(%dma_start3A_497 : memref<40xi32, #tpu.memory_space<vmem>>) semaphore(%arg29 : memref<!tpu.dma_semaphore, #tpu.memory_space<semaphore_mem>>) {add = true}
      %dma_start3A_501 = arith.constant 24 : i32
      %dma_start3A_502 = arith.constant 0 : i32
      %dma_start3A_503 = tpu.memref_slice %arg13[%dma_start3A_501, %dma_start3A_502] : memref<25x40xi32, #tpu.memory_space<vmem>> -> memref<1x40xi32, #tpu.memory_space<vmem>>
      %dma_start3A_504 = tpu.memref_squeeze %dma_start3A_503 : memref<1x40xi32, #tpu.memory_space<vmem>> -> memref<40xi32, #tpu.memory_space<vmem>>
      %dma_start3A_505 = arith.constant 0 : i32
      %dma_start3A_506 = tpu.memref_slice %arg32[%dma_start3A_505] : memref<10000xf32, #tpu.memory_space<vmem_shared>> -> memref<10000xf32, #tpu.memory_space<vmem_shared>>
      tpu.enqueue_indirect_dma source(%arg31 : memref<40xf32, #tpu.memory_space<vmem>>) target(%dma_start3A_506 : memref<10000xf32, #tpu.memory_space<vmem_shared>>) offsets(%dma_start3A_504 : memref<40xi32, #tpu.memory_space<vmem>>) semaphore(%arg37 : memref<!tpu.dma_semaphore, #tpu.memory_space<semaphore_mem>>) {add = true}
      %dma_wait3A_507 = arith.constant 0 : i32
      %dma_wait3A_508 = arith.constant 0 : i32
      %dma_wait3A_509 = tpu.memref_slice %arg12[%dma_wait3A_507, %dma_wait3A_508] : memref<25x40xi32, #tpu.memory_space<vmem>> -> memref<1x40xi32, #tpu.memory_space<vmem>>
      %dma_wait3A_510 = tpu.memref_squeeze %dma_wait3A_509 : memref<1x40xi32, #tpu.memory_space<vmem>> -> memref<40xi32, #tpu.memory_space<vmem>>
      %dma_wait3A_511 = arith.constant 0 : i32
      %dma_wait3A_512 = arith.constant 0 : i32
      %dma_wait3A_513 = tpu.memref_slice %arg19[%dma_wait3A_511, %dma_wait3A_512] : memref<10000x128xf32, #tpu.memory_space<vmem_shared>> -> memref<10000x128xf32, #tpu.memory_space<vmem_shared>>
      tpu.wait_indirect_dma semaphore(%arg28 : memref<!tpu.dma_semaphore, #tpu.memory_space<semaphore_mem>>) src(%arg17 : memref<40x128xf32, #tpu.memory_space<vmem>>) dst(%dma_wait3A_513 : memref<10000x128xf32, #tpu.memory_space<vmem_shared>>)
      %dma_wait3A_514 = arith.constant 0 : i32
      %dma_wait3A_515 = arith.constant 0 : i32
      %dma_wait3A_516 = tpu.memref_slice %arg12[%dma_wait3A_514, %dma_wait3A_515] : memref<25x40xi32, #tpu.memory_space<vmem>> -> memref<1x40xi32, #tpu.memory_space<vmem>>
      %dma_wait3A_517 = tpu.memref_squeeze %dma_wait3A_516 : memref<1x40xi32, #tpu.memory_space<vmem>> -> memref<40xi32, #tpu.memory_space<vmem>>
      %dma_wait3A_518 = arith.constant 0 : i32
      %dma_wait3A_519 = tpu.memref_slice %arg32[%dma_wait3A_518] : memref<10000xf32, #tpu.memory_space<vmem_shared>> -> memref<10000xf32, #tpu.memory_space<vmem_shared>>
      tpu.wait_indirect_dma semaphore(%arg36 : memref<!tpu.dma_semaphore, #tpu.memory_space<semaphore_mem>>) src(%arg31 : memref<40xf32, #tpu.memory_space<vmem>>) dst(%dma_wait3A_519 : memref<10000xf32, #tpu.memory_space<vmem_shared>>)
      %convert_element_type3A_520 = arith.extui %lt3A_326 : i1 to i32
      %cond3A_521 = arith.constant 0 : i32
      %cond3A_522 = arith.cmpi ne, %convert_element_type3A_520, %cond3A_521 : i32
      scf.if %cond3A_522 {
        %dma_start3A_523 = arith.constant 3 : i32
        %dma_start3A_524 = arith.constant 0 : i32
        %dma_start3A_525 = tpu.memref_slice %arg10[%dma_start3A_523, %dma_start3A_524] : memref<25x40xi32, #tpu.memory_space<vmem>> -> memref<1x40xi32, #tpu.memory_space<vmem>>
        %dma_start3A_526 = tpu.memref_squeeze %dma_start3A_525 : memref<1x40xi32, #tpu.memory_space<vmem>> -> memref<40xi32, #tpu.memory_space<vmem>>
        %dma_start3A_527 = arith.constant 0 : i32
        %dma_start3A_528 = arith.constant 0 : i32
        %dma_start3A_529 = tpu.memref_slice %arg2[%dma_start3A_527, %dma_start3A_528] : memref<10000x128xf32, #tpu.memory_space<hbm>> -> memref<10000x128xf32, #tpu.memory_space<hbm>>
        tpu.enqueue_indirect_dma source(%dma_start3A_529 : memref<10000x128xf32, #tpu.memory_space<hbm>>) target(%arg17 : memref<40x128xf32, #tpu.memory_space<vmem>>) offsets(%dma_start3A_526 : memref<40xi32, #tpu.memory_space<vmem>>) semaphore(%arg23 : memref<!tpu.dma_semaphore, #tpu.memory_space<semaphore_mem>>)
      } else {
      }
    }
    %scan3A_44 = arith.constant 5 : i32
    %dma_wait3A = arith.constant 0 : i32
    %dma_wait3A_45 = arith.constant 0 : i32
    %dma_wait3A_46 = tpu.memref_slice %arg12[%dma_wait3A, %dma_wait3A_45] : memref<25x40xi32, #tpu.memory_space<vmem>> -> memref<1x40xi32, #tpu.memory_space<vmem>>
    %dma_wait3A_47 = tpu.memref_squeeze %dma_wait3A_46 : memref<1x40xi32, #tpu.memory_space<vmem>> -> memref<40xi32, #tpu.memory_space<vmem>>
    %dma_wait3A_48 = arith.constant 0 : i32
    %dma_wait3A_49 = arith.constant 0 : i32
    %dma_wait3A_50 = tpu.memref_slice %arg19[%dma_wait3A_48, %dma_wait3A_49] : memref<10000x128xf32, #tpu.memory_space<vmem_shared>> -> memref<10000x128xf32, #tpu.memory_space<vmem_shared>>
    tpu.wait_indirect_dma semaphore(%arg29 : memref<!tpu.dma_semaphore, #tpu.memory_space<semaphore_mem>>) src(%arg18 : memref<40x128xf32, #tpu.memory_space<vmem>>) dst(%dma_wait3A_50 : memref<10000x128xf32, #tpu.memory_space<vmem_shared>>)
    %dma_wait3A_51 = arith.constant 0 : i32
    %dma_wait3A_52 = arith.constant 0 : i32
    %dma_wait3A_53 = tpu.memref_slice %arg12[%dma_wait3A_51, %dma_wait3A_52] : memref<25x40xi32, #tpu.memory_space<vmem>> -> memref<1x40xi32, #tpu.memory_space<vmem>>
    %dma_wait3A_54 = tpu.memref_squeeze %dma_wait3A_53 : memref<1x40xi32, #tpu.memory_space<vmem>> -> memref<40xi32, #tpu.memory_space<vmem>>
    %dma_wait3A_55 = arith.constant 0 : i32
    %dma_wait3A_56 = tpu.memref_slice %arg32[%dma_wait3A_55] : memref<10000xf32, #tpu.memory_space<vmem_shared>> -> memref<10000xf32, #tpu.memory_space<vmem_shared>>
    tpu.wait_indirect_dma semaphore(%arg37 : memref<!tpu.dma_semaphore, #tpu.memory_space<semaphore_mem>>) src(%arg31 : memref<40xf32, #tpu.memory_space<vmem>>) dst(%dma_wait3A_56 : memref<10000xf32, #tpu.memory_space<vmem_shared>>)
    %barrier3A_57 = arith.constant 0 : index
    tpu.barrier barrier_id(%barrier3A_57)
    %lt3A_58 = arith.constant 15 : i32
    %lt3A_59 = arith.cmpi slt, %arg1, %lt3A_58 : i32
    %convert_element_type3A_60 = arith.extui %lt3A_59 : i1 to i32
    %cond3A_61 = arith.constant 0 : i32
    %cond3A_62 = arith.cmpi ne, %convert_element_type3A_60, %cond3A_61 : i32
    scf.if %cond3A_62 {
      %mul3A_73 = arith.constant 624 : i32
      %mul3A_74 = arith.muli %arg1, %mul3A_73 : i32
      %mul3A_75 = arith.constant 624 : i32
      %mul3A_76 = arith.muli %arg1, %mul3A_75 : i32
      "tpu.region"() ({
        %run_scoped3A_77 = tpu.sem_alloc : memref<!tpu.dma_semaphore, #tpu.memory_space<semaphore_mem>>
        %dma_start3A_78 = arith.constant 0 : i32
        %dma_start3A_79 = tpu.memref_slice %arg8[%arg0, %mul3A_76, %dma_start3A_78] : memref<2x10000x128xf32, #tpu.memory_space<hbm>> -> memref<1x624x128xf32, #tpu.memory_space<hbm>>
        %dma_start3A_80 = tpu.memref_squeeze %dma_start3A_79 : memref<1x624x128xf32, #tpu.memory_space<hbm>> -> memref<624x128xf32, #tpu.memory_space<hbm>>
        %dma_start3A_81 = arith.constant 0 : i32
        %dma_start3A_82 = tpu.memref_slice %arg19[%mul3A_74, %dma_start3A_81] : memref<10000x128xf32, #tpu.memory_space<vmem_shared>> -> memref<624x128xf32, #tpu.memory_space<vmem_shared>>
        tpu.enqueue_dma source(%dma_start3A_82 : memref<624x128xf32, #tpu.memory_space<vmem_shared>>) target(%dma_start3A_80 : memref<624x128xf32, #tpu.memory_space<hbm>>) target_semaphore(%run_scoped3A_77 : memref<!tpu.dma_semaphore, #tpu.memory_space<semaphore_mem>>)
        %dma_wait3A_83 = arith.constant 0 : i32
        %dma_wait3A_84 = tpu.memref_slice %arg8[%arg0, %mul3A_76, %dma_wait3A_83] : memref<2x10000x128xf32, #tpu.memory_space<hbm>> -> memref<1x624x128xf32, #tpu.memory_space<hbm>>
        %dma_wait3A_85 = tpu.memref_squeeze %dma_wait3A_84 : memref<1x624x128xf32, #tpu.memory_space<hbm>> -> memref<624x128xf32, #tpu.memory_space<hbm>>
        %dma_wait3A_86 = arith.constant 0 : i32
        %dma_wait3A_87 = tpu.memref_slice %arg19[%mul3A_74, %dma_wait3A_86] : memref<10000x128xf32, #tpu.memory_space<vmem_shared>> -> memref<624x128xf32, #tpu.memory_space<vmem_shared>>
        tpu.wait_dma2 semaphore(%run_scoped3A_77 : memref<!tpu.dma_semaphore, #tpu.memory_space<semaphore_mem>>) src(%dma_wait3A_87 : memref<624x128xf32, #tpu.memory_space<vmem_shared>>) dst(%dma_wait3A_85 : memref<624x128xf32, #tpu.memory_space<hbm>>)
        tpu.yield
      }) : () -> ()
    } else {
    }
    %eq3A_63 = arith.constant 15 : i32
    %eq3A_64 = arith.cmpi eq, %arg1, %eq3A_63 : i32
    %convert_element_type3A_65 = arith.extui %eq3A_64 : i1 to i32
    %cond3A_66 = arith.constant 0 : i32
    %cond3A_67 = arith.cmpi ne, %convert_element_type3A_65, %cond3A_66 : i32
    scf.if %cond3A_67 {
      "tpu.region"() ({
        %run_scoped3A_73 = tpu.sem_alloc : memref<!tpu.dma_semaphore, #tpu.memory_space<semaphore_mem>>
        %dma_start3A_74 = arith.constant 9360 : i32
        %dma_start3A_75 = arith.constant 0 : i32
        %dma_start3A_76 = tpu.memref_slice %arg8[%arg0, %dma_start3A_74, %dma_start3A_75] : memref<2x10000x128xf32, #tpu.memory_space<hbm>> -> memref<1x640x128xf32, #tpu.memory_space<hbm>>
        %dma_start3A_77 = tpu.memref_squeeze %dma_start3A_76 : memref<1x640x128xf32, #tpu.memory_space<hbm>> -> memref<640x128xf32, #tpu.memory_space<hbm>>
        %dma_start3A_78 = arith.constant 9360 : i32
        %dma_start3A_79 = arith.constant 0 : i32
        %dma_start3A_80 = tpu.memref_slice %arg19[%dma_start3A_78, %dma_start3A_79] : memref<10000x128xf32, #tpu.memory_space<vmem_shared>> -> memref<640x128xf32, #tpu.memory_space<vmem_shared>>
        tpu.enqueue_dma source(%dma_start3A_80 : memref<640x128xf32, #tpu.memory_space<vmem_shared>>) target(%dma_start3A_77 : memref<640x128xf32, #tpu.memory_space<hbm>>) target_semaphore(%run_scoped3A_73 : memref<!tpu.dma_semaphore, #tpu.memory_space<semaphore_mem>>)
        %dma_wait3A_81 = arith.constant 9360 : i32
        %dma_wait3A_82 = arith.constant 0 : i32
        %dma_wait3A_83 = tpu.memref_slice %arg8[%arg0, %dma_wait3A_81, %dma_wait3A_82] : memref<2x10000x128xf32, #tpu.memory_space<hbm>> -> memref<1x640x128xf32, #tpu.memory_space<hbm>>
        %dma_wait3A_84 = tpu.memref_squeeze %dma_wait3A_83 : memref<1x640x128xf32, #tpu.memory_space<hbm>> -> memref<640x128xf32, #tpu.memory_space<hbm>>
        %dma_wait3A_85 = arith.constant 9360 : i32
        %dma_wait3A_86 = arith.constant 0 : i32
        %dma_wait3A_87 = tpu.memref_slice %arg19[%dma_wait3A_85, %dma_wait3A_86] : memref<10000x128xf32, #tpu.memory_space<vmem_shared>> -> memref<640x128xf32, #tpu.memory_space<vmem_shared>>
        tpu.wait_dma2 semaphore(%run_scoped3A_73 : memref<!tpu.dma_semaphore, #tpu.memory_space<semaphore_mem>>) src(%dma_wait3A_87 : memref<640x128xf32, #tpu.memory_space<vmem_shared>>) dst(%dma_wait3A_84 : memref<640x128xf32, #tpu.memory_space<hbm>>)
        tpu.yield
      }) : () -> ()
    } else {
    }
    %eq3A_68 = arith.constant 0 : i32
    %eq3A_69 = arith.cmpi eq, %arg1, %eq3A_68 : i32
    %convert_element_type3A_70 = arith.extui %eq3A_69 : i1 to i32
    %cond3A_71 = arith.constant 0 : i32
    %cond3A_72 = arith.cmpi ne, %convert_element_type3A_70, %cond3A_71 : i32
    scf.if %cond3A_72 {
      "tpu.region"() ({
        %run_scoped3A_73 = tpu.sem_alloc : memref<!tpu.dma_semaphore, #tpu.memory_space<semaphore_mem>>
        %dma_start3A_74 = arith.constant 0 : i32
        %dma_start3A_75 = tpu.memref_slice %arg9[%arg0, %dma_start3A_74] : memref<2x10000xf32, #tpu.memory_space<hbm>> -> memref<1x10000xf32, #tpu.memory_space<hbm>>
        %dma_start3A_76 = tpu.memref_squeeze %dma_start3A_75 : memref<1x10000xf32, #tpu.memory_space<hbm>> -> memref<10000xf32, #tpu.memory_space<hbm>>
        tpu.enqueue_dma source(%arg32 : memref<10000xf32, #tpu.memory_space<vmem_shared>>) target(%dma_start3A_76 : memref<10000xf32, #tpu.memory_space<hbm>>) target_semaphore(%run_scoped3A_73 : memref<!tpu.dma_semaphore, #tpu.memory_space<semaphore_mem>>)
        %dma_wait3A_77 = arith.constant 0 : i32
        %dma_wait3A_78 = tpu.memref_slice %arg9[%arg0, %dma_wait3A_77] : memref<2x10000xf32, #tpu.memory_space<hbm>> -> memref<1x10000xf32, #tpu.memory_space<hbm>>
        %dma_wait3A_79 = tpu.memref_squeeze %dma_wait3A_78 : memref<1x10000xf32, #tpu.memory_space<hbm>> -> memref<10000xf32, #tpu.memory_space<hbm>>
        tpu.wait_dma2 semaphore(%run_scoped3A_73 : memref<!tpu.dma_semaphore, #tpu.memory_space<semaphore_mem>>) src(%arg32 : memref<10000xf32, #tpu.memory_space<vmem_shared>>) dst(%dma_wait3A_79 : memref<10000xf32, #tpu.memory_space<hbm>>)
        tpu.yield
      }) : () -> ()
    } else {
    }
    return
  }
}

#map = affine_map<(d0, d1) -> (0, 0)>
#map1 = affine_map<(d0, d1) -> (0, 0, 0, 0)>
#map2 = affine_map<(d0, d1) -> (0)>
#map3 = affine_map<(d0, d1) -> (0, 0, 0)>
module attributes {stable_mosaic.version = 14 : i64} {
  func.func @body_nc(%arg0: i32, %arg1: i32, %arg2: memref<10000x128xf32, #tpu.memory_space<hbm>>, %arg3: memref<32x10x25x40xi32, #tpu.memory_space<hbm>>, %arg4: memref<32x10x25x40xi32, #tpu.memory_space<hbm>>, %arg5: memref<640x128xf32, #tpu.memory_space<hbm>>, %arg6: memref<10000xf32, #tpu.memory_space<hbm>>, %arg7: memref<40xf32, #tpu.memory_space<hbm>>, %arg8: memref<2x10000x128xf32, #tpu.memory_space<hbm>>, %arg9: memref<25x40xi32, #tpu.memory_space<vmem>>, %arg10: memref<25x40xi32, #tpu.memory_space<vmem>>, %arg11: memref<25x40xi32, #tpu.memory_space<vmem>>, %arg12: memref<25x40xi32, #tpu.memory_space<vmem>>, %arg13: memref<40x128xf32, #tpu.memory_space<vmem>>, %arg14: memref<40x128xf32, #tpu.memory_space<vmem>>, %arg15: memref<40x128xf32, #tpu.memory_space<vmem>>, %arg16: memref<40x128xf32, #tpu.memory_space<vmem>>, %arg17: memref<40x128xf32, #tpu.memory_space<vmem>>, %arg18: memref<10000x128xf32, #tpu.memory_space<vmem_shared>>, %arg19: memref<!tpu.dma_semaphore, #tpu.memory_space<semaphore_mem>>, %arg20: memref<!tpu.dma_semaphore, #tpu.memory_space<semaphore_mem>>, %arg21: memref<!tpu.dma_semaphore, #tpu.memory_space<semaphore_mem>>, %arg22: memref<!tpu.dma_semaphore, #tpu.memory_space<semaphore_mem>>, %arg23: memref<!tpu.dma_semaphore, #tpu.memory_space<semaphore_mem>>, %arg24: memref<!tpu.dma_semaphore, #tpu.memory_space<semaphore_mem>>, %arg25: memref<!tpu.dma_semaphore, #tpu.memory_space<semaphore_mem>>, %arg26: memref<!tpu.dma_semaphore, #tpu.memory_space<semaphore_mem>>, %arg27: memref<!tpu.dma_semaphore, #tpu.memory_space<semaphore_mem>>, %arg28: memref<!tpu.dma_semaphore, #tpu.memory_space<semaphore_mem>>, %arg29: memref<!tpu.dma_semaphore, #tpu.memory_space<semaphore_mem>>) attributes {dimension_semantics = [#tpu.dimension_semantics<core_parallel>, #tpu.dimension_semantics<subcore_parallel>], iteration_bounds = array<i64: 2, 16>, scalar_prefetch = 0 : i64, scratch_operands = 21 : i64, tpu.core_type = #tpu.core_type<sc_vector_subcore>, window_params = [{transform_indices = #map}, {transform_indices = #map1}, {transform_indices = #map1}, {transform_indices = #map}, {transform_indices = #map2}, {transform_indices = #map2}, {transform_indices = #map3}]} {
    %mul3A = arith.constant 16 : i32
    %mul3A_0 = arith.muli %arg0, %mul3A : i32
    %add3A = arith.addi %mul3A_0, %arg1 : i32
    %run_scoped3A = arith.constant 0 : i32
    "tpu.region"() ({
      %run_scoped3A_57 = tpu.sem_alloc : memref<!tpu.dma_semaphore, #tpu.memory_space<semaphore_mem>>
      %dma_start3A_58 = arith.constant 0 : i32
      %dma_start3A_59 = arith.constant 0 : i32
      %dma_start3A_60 = tpu.memref_slice %arg3[%add3A, %run_scoped3A, %dma_start3A_58, %dma_start3A_59] : memref<32x10x25x40xi32, #tpu.memory_space<hbm>> -> memref<1x1x25x40xi32, #tpu.memory_space<hbm>>
      %dma_start3A_61 = tpu.memref_squeeze %dma_start3A_60 : memref<1x1x25x40xi32, #tpu.memory_space<hbm>> -> memref<25x40xi32, #tpu.memory_space<hbm>>
      %dma_start3A_62 = arith.constant 0 : i32
      %dma_start3A_63 = arith.constant 0 : i32
      %dma_start3A_64 = tpu.memref_slice %arg3[%add3A, %run_scoped3A, %dma_start3A_62, %dma_start3A_63] : memref<32x10x25x40xi32, #tpu.memory_space<hbm>> -> memref<1x1x25x40xi32, #tpu.memory_space<hbm>>
      %dma_start3A_65 = tpu.memref_squeeze %dma_start3A_64 : memref<1x1x25x40xi32, #tpu.memory_space<hbm>> -> memref<25x40xi32, #tpu.memory_space<hbm>>
      tpu.enqueue_dma source(%dma_start3A_65 : memref<25x40xi32, #tpu.memory_space<hbm>>) target(%arg9 : memref<25x40xi32, #tpu.memory_space<vmem>>) target_semaphore(%run_scoped3A_57 : memref<!tpu.dma_semaphore, #tpu.memory_space<semaphore_mem>>)
      %dma_wait3A_66 = arith.constant 0 : i32
      %dma_wait3A_67 = arith.constant 0 : i32
      %dma_wait3A_68 = tpu.memref_slice %arg3[%add3A, %run_scoped3A, %dma_wait3A_66, %dma_wait3A_67] : memref<32x10x25x40xi32, #tpu.memory_space<hbm>> -> memref<1x1x25x40xi32, #tpu.memory_space<hbm>>
      %dma_wait3A_69 = tpu.memref_squeeze %dma_wait3A_68 : memref<1x1x25x40xi32, #tpu.memory_space<hbm>> -> memref<25x40xi32, #tpu.memory_space<hbm>>
      %dma_wait3A_70 = arith.constant 0 : i32
      %dma_wait3A_71 = arith.constant 0 : i32
      %dma_wait3A_72 = tpu.memref_slice %arg3[%add3A, %run_scoped3A, %dma_wait3A_70, %dma_wait3A_71] : memref<32x10x25x40xi32, #tpu.memory_space<hbm>> -> memref<1x1x25x40xi32, #tpu.memory_space<hbm>>
      %dma_wait3A_73 = tpu.memref_squeeze %dma_wait3A_72 : memref<1x1x25x40xi32, #tpu.memory_space<hbm>> -> memref<25x40xi32, #tpu.memory_space<hbm>>
      tpu.wait_dma2 semaphore(%run_scoped3A_57 : memref<!tpu.dma_semaphore, #tpu.memory_space<semaphore_mem>>) src(%dma_wait3A_73 : memref<25x40xi32, #tpu.memory_space<hbm>>) dst(%arg9 : memref<25x40xi32, #tpu.memory_space<vmem>>)
      tpu.yield
    }) : () -> ()
    %run_scoped3A_1 = arith.constant 0 : i32
    "tpu.region"() ({
      %run_scoped3A_57 = tpu.sem_alloc : memref<!tpu.dma_semaphore, #tpu.memory_space<semaphore_mem>>
      %dma_start3A_58 = arith.constant 0 : i32
      %dma_start3A_59 = arith.constant 0 : i32
      %dma_start3A_60 = tpu.memref_slice %arg4[%add3A, %run_scoped3A_1, %dma_start3A_58, %dma_start3A_59] : memref<32x10x25x40xi32, #tpu.memory_space<hbm>> -> memref<1x1x25x40xi32, #tpu.memory_space<hbm>>
      %dma_start3A_61 = tpu.memref_squeeze %dma_start3A_60 : memref<1x1x25x40xi32, #tpu.memory_space<hbm>> -> memref<25x40xi32, #tpu.memory_space<hbm>>
      %dma_start3A_62 = arith.constant 0 : i32
      %dma_start3A_63 = arith.constant 0 : i32
      %dma_start3A_64 = tpu.memref_slice %arg4[%add3A, %run_scoped3A_1, %dma_start3A_62, %dma_start3A_63] : memref<32x10x25x40xi32, #tpu.memory_space<hbm>> -> memref<1x1x25x40xi32, #tpu.memory_space<hbm>>
      %dma_start3A_65 = tpu.memref_squeeze %dma_start3A_64 : memref<1x1x25x40xi32, #tpu.memory_space<hbm>> -> memref<25x40xi32, #tpu.memory_space<hbm>>
      tpu.enqueue_dma source(%dma_start3A_65 : memref<25x40xi32, #tpu.memory_space<hbm>>) target(%arg11 : memref<25x40xi32, #tpu.memory_space<vmem>>) target_semaphore(%run_scoped3A_57 : memref<!tpu.dma_semaphore, #tpu.memory_space<semaphore_mem>>)
      %dma_wait3A_66 = arith.constant 0 : i32
      %dma_wait3A_67 = arith.constant 0 : i32
      %dma_wait3A_68 = tpu.memref_slice %arg4[%add3A, %run_scoped3A_1, %dma_wait3A_66, %dma_wait3A_67] : memref<32x10x25x40xi32, #tpu.memory_space<hbm>> -> memref<1x1x25x40xi32, #tpu.memory_space<hbm>>
      %dma_wait3A_69 = tpu.memref_squeeze %dma_wait3A_68 : memref<1x1x25x40xi32, #tpu.memory_space<hbm>> -> memref<25x40xi32, #tpu.memory_space<hbm>>
      %dma_wait3A_70 = arith.constant 0 : i32
      %dma_wait3A_71 = arith.constant 0 : i32
      %dma_wait3A_72 = tpu.memref_slice %arg4[%add3A, %run_scoped3A_1, %dma_wait3A_70, %dma_wait3A_71] : memref<32x10x25x40xi32, #tpu.memory_space<hbm>> -> memref<1x1x25x40xi32, #tpu.memory_space<hbm>>
      %dma_wait3A_73 = tpu.memref_squeeze %dma_wait3A_72 : memref<1x1x25x40xi32, #tpu.memory_space<hbm>> -> memref<25x40xi32, #tpu.memory_space<hbm>>
      tpu.wait_dma2 semaphore(%run_scoped3A_57 : memref<!tpu.dma_semaphore, #tpu.memory_space<semaphore_mem>>) src(%dma_wait3A_73 : memref<25x40xi32, #tpu.memory_space<hbm>>) dst(%arg11 : memref<25x40xi32, #tpu.memory_space<vmem>>)
      tpu.yield
    }) : () -> ()
    %dma_start3A = arith.constant 0 : i32
    %dma_start3A_2 = arith.constant 0 : i32
    %dma_start3A_3 = tpu.memref_slice %arg9[%dma_start3A, %dma_start3A_2] : memref<25x40xi32, #tpu.memory_space<vmem>> -> memref<1x40xi32, #tpu.memory_space<vmem>>
    %dma_start3A_4 = tpu.memref_squeeze %dma_start3A_3 : memref<1x40xi32, #tpu.memory_space<vmem>> -> memref<40xi32, #tpu.memory_space<vmem>>
    %dma_start3A_5 = arith.constant 0 : i32
    %dma_start3A_6 = arith.constant 0 : i32
    %dma_start3A_7 = tpu.memref_slice %arg2[%dma_start3A_5, %dma_start3A_6] : memref<10000x128xf32, #tpu.memory_space<hbm>> -> memref<10000x128xf32, #tpu.memory_space<hbm>>
    tpu.enqueue_indirect_dma source(%dma_start3A_7 : memref<10000x128xf32, #tpu.memory_space<hbm>>) target(%arg13 : memref<40x128xf32, #tpu.memory_space<vmem>>) offsets(%dma_start3A_4 : memref<40xi32, #tpu.memory_space<vmem>>) semaphore(%arg19 : memref<!tpu.dma_semaphore, #tpu.memory_space<semaphore_mem>>)
    %dma_start3A_8 = arith.constant 1 : i32
    %dma_start3A_9 = arith.constant 0 : i32
    %dma_start3A_10 = tpu.memref_slice %arg9[%dma_start3A_8, %dma_start3A_9] : memref<25x40xi32, #tpu.memory_space<vmem>> -> memref<1x40xi32, #tpu.memory_space<vmem>>
    %dma_start3A_11 = tpu.memref_squeeze %dma_start3A_10 : memref<1x40xi32, #tpu.memory_space<vmem>> -> memref<40xi32, #tpu.memory_space<vmem>>
    %dma_start3A_12 = arith.constant 0 : i32
    %dma_start3A_13 = arith.constant 0 : i32
    %dma_start3A_14 = tpu.memref_slice %arg2[%dma_start3A_12, %dma_start3A_13] : memref<10000x128xf32, #tpu.memory_space<hbm>> -> memref<10000x128xf32, #tpu.memory_space<hbm>>
    tpu.enqueue_indirect_dma source(%dma_start3A_14 : memref<10000x128xf32, #tpu.memory_space<hbm>>) target(%arg14 : memref<40x128xf32, #tpu.memory_space<vmem>>) offsets(%dma_start3A_11 : memref<40xi32, #tpu.memory_space<vmem>>) semaphore(%arg20 : memref<!tpu.dma_semaphore, #tpu.memory_space<semaphore_mem>>)
    %dma_start3A_15 = arith.constant 2 : i32
    %dma_start3A_16 = arith.constant 0 : i32
    %dma_start3A_17 = tpu.memref_slice %arg9[%dma_start3A_15, %dma_start3A_16] : memref<25x40xi32, #tpu.memory_space<vmem>> -> memref<1x40xi32, #tpu.memory_space<vmem>>
    %dma_start3A_18 = tpu.memref_squeeze %dma_start3A_17 : memref<1x40xi32, #tpu.memory_space<vmem>> -> memref<40xi32, #tpu.memory_space<vmem>>
    %dma_start3A_19 = arith.constant 0 : i32
    %dma_start3A_20 = arith.constant 0 : i32
    %dma_start3A_21 = tpu.memref_slice %arg2[%dma_start3A_19, %dma_start3A_20] : memref<10000x128xf32, #tpu.memory_space<hbm>> -> memref<10000x128xf32, #tpu.memory_space<hbm>>
    tpu.enqueue_indirect_dma source(%dma_start3A_21 : memref<10000x128xf32, #tpu.memory_space<hbm>>) target(%arg15 : memref<40x128xf32, #tpu.memory_space<vmem>>) offsets(%dma_start3A_18 : memref<40xi32, #tpu.memory_space<vmem>>) semaphore(%arg21 : memref<!tpu.dma_semaphore, #tpu.memory_space<semaphore_mem>>)
    %dma_start3A_22 = arith.constant 3 : i32
    %dma_start3A_23 = arith.constant 0 : i32
    %dma_start3A_24 = tpu.memref_slice %arg9[%dma_start3A_22, %dma_start3A_23] : memref<25x40xi32, #tpu.memory_space<vmem>> -> memref<1x40xi32, #tpu.memory_space<vmem>>
    %dma_start3A_25 = tpu.memref_squeeze %dma_start3A_24 : memref<1x40xi32, #tpu.memory_space<vmem>> -> memref<40xi32, #tpu.memory_space<vmem>>
    %dma_start3A_26 = arith.constant 0 : i32
    %dma_start3A_27 = arith.constant 0 : i32
    %dma_start3A_28 = tpu.memref_slice %arg2[%dma_start3A_26, %dma_start3A_27] : memref<10000x128xf32, #tpu.memory_space<hbm>> -> memref<10000x128xf32, #tpu.memory_space<hbm>>
    tpu.enqueue_indirect_dma source(%dma_start3A_28 : memref<10000x128xf32, #tpu.memory_space<hbm>>) target(%arg16 : memref<40x128xf32, #tpu.memory_space<vmem>>) offsets(%dma_start3A_25 : memref<40xi32, #tpu.memory_space<vmem>>) semaphore(%arg22 : memref<!tpu.dma_semaphore, #tpu.memory_space<semaphore_mem>>)
    %lt3A = arith.constant 15 : i32
    %lt3A_29 = arith.cmpi slt, %arg1, %lt3A : i32
    %convert_element_type3A = arith.extui %lt3A_29 : i1 to i32
    %cond3A = arith.constant 0 : i32
    %cond3A_30 = arith.cmpi ne, %convert_element_type3A, %cond3A : i32
    scf.if %cond3A_30 {
      %mul3A_57 = arith.constant 624 : i32
      %mul3A_58 = arith.muli %arg1, %mul3A_57 : i32
      "tpu.region"() ({
        %run_scoped3A_59 = tpu.sem_alloc : memref<!tpu.dma_semaphore, #tpu.memory_space<semaphore_mem>>
        %dma_start3A_60 = arith.constant 0 : i32
        %dma_start3A_61 = tpu.memref_slice %arg18[%mul3A_58, %dma_start3A_60] : memref<10000x128xf32, #tpu.memory_space<vmem_shared>> -> memref<624x128xf32, #tpu.memory_space<vmem_shared>>
        %dma_start3A_62 = arith.constant 0 : i32
        %dma_start3A_63 = arith.constant 0 : i32
        %dma_start3A_64 = tpu.memref_slice %arg5[%dma_start3A_62, %dma_start3A_63] : memref<640x128xf32, #tpu.memory_space<hbm>> -> memref<624x128xf32, #tpu.memory_space<hbm>>
        tpu.enqueue_dma source(%dma_start3A_64 : memref<624x128xf32, #tpu.memory_space<hbm>>) target(%dma_start3A_61 : memref<624x128xf32, #tpu.memory_space<vmem_shared>>) target_semaphore(%run_scoped3A_59 : memref<!tpu.dma_semaphore, #tpu.memory_space<semaphore_mem>>)
        %dma_wait3A_65 = arith.constant 0 : i32
        %dma_wait3A_66 = tpu.memref_slice %arg18[%mul3A_58, %dma_wait3A_65] : memref<10000x128xf32, #tpu.memory_space<vmem_shared>> -> memref<624x128xf32, #tpu.memory_space<vmem_shared>>
        %dma_wait3A_67 = arith.constant 0 : i32
        %dma_wait3A_68 = arith.constant 0 : i32
        %dma_wait3A_69 = tpu.memref_slice %arg5[%dma_wait3A_67, %dma_wait3A_68] : memref<640x128xf32, #tpu.memory_space<hbm>> -> memref<624x128xf32, #tpu.memory_space<hbm>>
        tpu.wait_dma2 semaphore(%run_scoped3A_59 : memref<!tpu.dma_semaphore, #tpu.memory_space<semaphore_mem>>) src(%dma_wait3A_69 : memref<624x128xf32, #tpu.memory_space<hbm>>) dst(%dma_wait3A_66 : memref<624x128xf32, #tpu.memory_space<vmem_shared>>)
        tpu.yield
      }) : () -> ()
    } else {
    }
    %eq3A = arith.constant 15 : i32
    %eq3A_31 = arith.cmpi eq, %arg1, %eq3A : i32
    %convert_element_type3A_32 = arith.extui %eq3A_31 : i1 to i32
    %cond3A_33 = arith.constant 0 : i32
    %cond3A_34 = arith.cmpi ne, %convert_element_type3A_32, %cond3A_33 : i32
    scf.if %cond3A_34 {
      "tpu.region"() ({
        %run_scoped3A_57 = tpu.sem_alloc : memref<!tpu.dma_semaphore, #tpu.memory_space<semaphore_mem>>
        %dma_start3A_58 = arith.constant 9360 : i32
        %dma_start3A_59 = arith.constant 0 : i32
        %dma_start3A_60 = tpu.memref_slice %arg18[%dma_start3A_58, %dma_start3A_59] : memref<10000x128xf32, #tpu.memory_space<vmem_shared>> -> memref<640x128xf32, #tpu.memory_space<vmem_shared>>
        tpu.enqueue_dma source(%arg5 : memref<640x128xf32, #tpu.memory_space<hbm>>) target(%dma_start3A_60 : memref<640x128xf32, #tpu.memory_space<vmem_shared>>) target_semaphore(%run_scoped3A_57 : memref<!tpu.dma_semaphore, #tpu.memory_space<semaphore_mem>>)
        %dma_wait3A_61 = arith.constant 9360 : i32
        %dma_wait3A_62 = arith.constant 0 : i32
        %dma_wait3A_63 = tpu.memref_slice %arg18[%dma_wait3A_61, %dma_wait3A_62] : memref<10000x128xf32, #tpu.memory_space<vmem_shared>> -> memref<640x128xf32, #tpu.memory_space<vmem_shared>>
        tpu.wait_dma2 semaphore(%run_scoped3A_57 : memref<!tpu.dma_semaphore, #tpu.memory_space<semaphore_mem>>) src(%arg5 : memref<640x128xf32, #tpu.memory_space<hbm>>) dst(%dma_wait3A_63 : memref<640x128xf32, #tpu.memory_space<vmem_shared>>)
        tpu.yield
      }) : () -> ()
    } else {
    }
    %barrier3A = arith.constant 0 : index
    tpu.barrier barrier_id(%barrier3A)
    %scan3A = arith.constant 0 : i32
    %scan3A_35 = arith.constant 0 : i32
    %scan3A_36 = arith.constant 5 : i32
    %scan3A_37 = arith.addi %scan3A_35, %scan3A_36 : i32
    %scan3A_38 = arith.constant 1 : i32
    scf.for %scan3A_57 = %scan3A_35 to %scan3A_37 step %scan3A_38  : i32 {
      %mul3A_58 = arith.constant 2 : i32
      %mul3A_59 = arith.muli %mul3A_58, %scan3A_57 : i32
      %add3A_60 = arith.constant 1 : i32
      %add3A_61 = arith.addi %mul3A_59, %add3A_60 : i32
      %gt3A = arith.constant 0 : i32
      %gt3A_62 = arith.cmpi sgt, %scan3A_57, %gt3A : i32
      %dma_start3A_63 = arith.constant 0 : i32
      %dma_start3A_64 = arith.constant 0 : i32
      %dma_start3A_65 = tpu.memref_slice %arg3[%add3A, %add3A_61, %dma_start3A_63, %dma_start3A_64] : memref<32x10x25x40xi32, #tpu.memory_space<hbm>> -> memref<1x1x25x40xi32, #tpu.memory_space<hbm>>
      %dma_start3A_66 = tpu.memref_squeeze %dma_start3A_65 : memref<1x1x25x40xi32, #tpu.memory_space<hbm>> -> memref<25x40xi32, #tpu.memory_space<hbm>>
      %dma_start3A_67 = arith.constant 0 : i32
      %dma_start3A_68 = arith.constant 0 : i32
      %dma_start3A_69 = tpu.memref_slice %arg3[%add3A, %add3A_61, %dma_start3A_67, %dma_start3A_68] : memref<32x10x25x40xi32, #tpu.memory_space<hbm>> -> memref<1x1x25x40xi32, #tpu.memory_space<hbm>>
      %dma_start3A_70 = tpu.memref_squeeze %dma_start3A_69 : memref<1x1x25x40xi32, #tpu.memory_space<hbm>> -> memref<25x40xi32, #tpu.memory_space<hbm>>
      tpu.enqueue_dma source(%dma_start3A_70 : memref<25x40xi32, #tpu.memory_space<hbm>>) target(%arg10 : memref<25x40xi32, #tpu.memory_space<vmem>>) target_semaphore(%arg29 : memref<!tpu.dma_semaphore, #tpu.memory_space<semaphore_mem>>)
      %dma_start3A_71 = arith.constant 0 : i32
      %dma_start3A_72 = arith.constant 0 : i32
      %dma_start3A_73 = tpu.memref_slice %arg4[%add3A, %add3A_61, %dma_start3A_71, %dma_start3A_72] : memref<32x10x25x40xi32, #tpu.memory_space<hbm>> -> memref<1x1x25x40xi32, #tpu.memory_space<hbm>>
      %dma_start3A_74 = tpu.memref_squeeze %dma_start3A_73 : memref<1x1x25x40xi32, #tpu.memory_space<hbm>> -> memref<25x40xi32, #tpu.memory_space<hbm>>
      %dma_start3A_75 = arith.constant 0 : i32
      %dma_start3A_76 = arith.constant 0 : i32
      %dma_start3A_77 = tpu.memref_slice %arg4[%add3A, %add3A_61, %dma_start3A_75, %dma_start3A_76] : memref<32x10x25x40xi32, #tpu.memory_space<hbm>> -> memref<1x1x25x40xi32, #tpu.memory_space<hbm>>
      %dma_start3A_78 = tpu.memref_squeeze %dma_start3A_77 : memref<1x1x25x40xi32, #tpu.memory_space<hbm>> -> memref<25x40xi32, #tpu.memory_space<hbm>>
      tpu.enqueue_dma source(%dma_start3A_78 : memref<25x40xi32, #tpu.memory_space<hbm>>) target(%arg12 : memref<25x40xi32, #tpu.memory_space<vmem>>) target_semaphore(%arg29 : memref<!tpu.dma_semaphore, #tpu.memory_space<semaphore_mem>>)
      %scan3A_79 = arith.constant 0 : i32
      %scan3A_80 = arith.constant 0 : i32
      %scan3A_81 = arith.constant 4 : i32
      %scan3A_82 = arith.addi %scan3A_80, %scan3A_81 : i32
      %scan3A_83 = arith.constant 1 : i32
      scf.for %scan3A_387 = %scan3A_80 to %scan3A_82 step %scan3A_83  : i32 {
        %mul3A_388 = arith.constant 5 : i32
        %mul3A_389 = arith.muli %scan3A_387, %mul3A_388 : i32
        %add3A_390 = arith.constant 0 : i32
        %add3A_391 = arith.addi %mul3A_389, %add3A_390 : i32
        %dma_wait3A_392 = arith.constant 0 : i32
        %dma_wait3A_393 = arith.constant 0 : i32
        %dma_wait3A_394 = tpu.memref_slice %arg9[%dma_wait3A_392, %dma_wait3A_393] : memref<25x40xi32, #tpu.memory_space<vmem>> -> memref<1x40xi32, #tpu.memory_space<vmem>>
        %dma_wait3A_395 = tpu.memref_squeeze %dma_wait3A_394 : memref<1x40xi32, #tpu.memory_space<vmem>> -> memref<40xi32, #tpu.memory_space<vmem>>
        %dma_wait3A_396 = arith.constant 0 : i32
        %dma_wait3A_397 = arith.constant 0 : i32
        %dma_wait3A_398 = tpu.memref_slice %arg2[%dma_wait3A_396, %dma_wait3A_397] : memref<10000x128xf32, #tpu.memory_space<hbm>> -> memref<10000x128xf32, #tpu.memory_space<hbm>>
        tpu.wait_indirect_dma semaphore(%arg19 : memref<!tpu.dma_semaphore, #tpu.memory_space<semaphore_mem>>) src(%dma_wait3A_398 : memref<10000x128xf32, #tpu.memory_space<hbm>>) dst(%arg13 : memref<40x128xf32, #tpu.memory_space<vmem>>)
        %dma_start3A_399 = arith.constant 0 : i32
        %dma_start3A_400 = tpu.memref_slice %arg11[%add3A_391, %dma_start3A_399] : memref<25x40xi32, #tpu.memory_space<vmem>> -> memref<1x40xi32, #tpu.memory_space<vmem>>
        %dma_start3A_401 = tpu.memref_squeeze %dma_start3A_400 : memref<1x40xi32, #tpu.memory_space<vmem>> -> memref<40xi32, #tpu.memory_space<vmem>>
        %dma_start3A_402 = arith.constant 0 : i32
        %dma_start3A_403 = arith.constant 0 : i32
        %dma_start3A_404 = tpu.memref_slice %arg18[%dma_start3A_402, %dma_start3A_403] : memref<10000x128xf32, #tpu.memory_space<vmem_shared>> -> memref<10000x128xf32, #tpu.memory_space<vmem_shared>>
        tpu.enqueue_indirect_dma source(%arg13 : memref<40x128xf32, #tpu.memory_space<vmem>>) target(%dma_start3A_404 : memref<10000x128xf32, #tpu.memory_space<vmem_shared>>) offsets(%dma_start3A_401 : memref<40xi32, #tpu.memory_space<vmem>>) semaphore(%arg24 : memref<!tpu.dma_semaphore, #tpu.memory_space<semaphore_mem>>) {add = true}
        %gt3A_405 = arith.constant 0 : i32
        %gt3A_406 = arith.cmpi sgt, %scan3A_387, %gt3A_405 : i32
        %or3A = arith.ori %gt3A_62, %gt3A_406 : i1
        %convert_element_type3A_407 = arith.extui %or3A : i1 to i32
        %cond3A_408 = arith.constant 0 : i32
        %cond3A_409 = arith.cmpi ne, %convert_element_type3A_407, %cond3A_408 : i32
        scf.if %cond3A_409 {
          %dma_wait3A_546 = arith.constant 0 : i32
          %dma_wait3A_547 = arith.constant 0 : i32
          %dma_wait3A_548 = tpu.memref_slice %arg11[%dma_wait3A_546, %dma_wait3A_547] : memref<25x40xi32, #tpu.memory_space<vmem>> -> memref<1x40xi32, #tpu.memory_space<vmem>>
          %dma_wait3A_549 = tpu.memref_squeeze %dma_wait3A_548 : memref<1x40xi32, #tpu.memory_space<vmem>> -> memref<40xi32, #tpu.memory_space<vmem>>
          %dma_wait3A_550 = arith.constant 0 : i32
          %dma_wait3A_551 = arith.constant 0 : i32
          %dma_wait3A_552 = tpu.memref_slice %arg18[%dma_wait3A_550, %dma_wait3A_551] : memref<10000x128xf32, #tpu.memory_space<vmem_shared>> -> memref<10000x128xf32, #tpu.memory_space<vmem_shared>>
          tpu.wait_indirect_dma semaphore(%arg28 : memref<!tpu.dma_semaphore, #tpu.memory_space<semaphore_mem>>) src(%arg17 : memref<40x128xf32, #tpu.memory_space<vmem>>) dst(%dma_wait3A_552 : memref<10000x128xf32, #tpu.memory_space<vmem_shared>>)
        } else {
        }
        %add3A_410 = arith.constant 4 : i32
        %add3A_411 = arith.addi %add3A_391, %add3A_410 : i32
        %dma_start3A_412 = arith.constant 0 : i32
        %dma_start3A_413 = tpu.memref_slice %arg9[%add3A_411, %dma_start3A_412] : memref<25x40xi32, #tpu.memory_space<vmem>> -> memref<1x40xi32, #tpu.memory_space<vmem>>
        %dma_start3A_414 = tpu.memref_squeeze %dma_start3A_413 : memref<1x40xi32, #tpu.memory_space<vmem>> -> memref<40xi32, #tpu.memory_space<vmem>>
        %dma_start3A_415 = arith.constant 0 : i32
        %dma_start3A_416 = arith.constant 0 : i32
        %dma_start3A_417 = tpu.memref_slice %arg2[%dma_start3A_415, %dma_start3A_416] : memref<10000x128xf32, #tpu.memory_space<hbm>> -> memref<10000x128xf32, #tpu.memory_space<hbm>>
        tpu.enqueue_indirect_dma source(%dma_start3A_417 : memref<10000x128xf32, #tpu.memory_space<hbm>>) target(%arg17 : memref<40x128xf32, #tpu.memory_space<vmem>>) offsets(%dma_start3A_414 : memref<40xi32, #tpu.memory_space<vmem>>) semaphore(%arg23 : memref<!tpu.dma_semaphore, #tpu.memory_space<semaphore_mem>>)
        %mul3A_418 = arith.constant 5 : i32
        %mul3A_419 = arith.muli %scan3A_387, %mul3A_418 : i32
        %add3A_420 = arith.constant 1 : i32
        %add3A_421 = arith.addi %mul3A_419, %add3A_420 : i32
        %dma_wait3A_422 = arith.constant 0 : i32
        %dma_wait3A_423 = arith.constant 0 : i32
        %dma_wait3A_424 = tpu.memref_slice %arg9[%dma_wait3A_422, %dma_wait3A_423] : memref<25x40xi32, #tpu.memory_space<vmem>> -> memref<1x40xi32, #tpu.memory_space<vmem>>
        %dma_wait3A_425 = tpu.memref_squeeze %dma_wait3A_424 : memref<1x40xi32, #tpu.memory_space<vmem>> -> memref<40xi32, #tpu.memory_space<vmem>>
        %dma_wait3A_426 = arith.constant 0 : i32
        %dma_wait3A_427 = arith.constant 0 : i32
        %dma_wait3A_428 = tpu.memref_slice %arg2[%dma_wait3A_426, %dma_wait3A_427] : memref<10000x128xf32, #tpu.memory_space<hbm>> -> memref<10000x128xf32, #tpu.memory_space<hbm>>
        tpu.wait_indirect_dma semaphore(%arg20 : memref<!tpu.dma_semaphore, #tpu.memory_space<semaphore_mem>>) src(%dma_wait3A_428 : memref<10000x128xf32, #tpu.memory_space<hbm>>) dst(%arg14 : memref<40x128xf32, #tpu.memory_space<vmem>>)
        %dma_start3A_429 = arith.constant 0 : i32
        %dma_start3A_430 = tpu.memref_slice %arg11[%add3A_421, %dma_start3A_429] : memref<25x40xi32, #tpu.memory_space<vmem>> -> memref<1x40xi32, #tpu.memory_space<vmem>>
        %dma_start3A_431 = tpu.memref_squeeze %dma_start3A_430 : memref<1x40xi32, #tpu.memory_space<vmem>> -> memref<40xi32, #tpu.memory_space<vmem>>
        %dma_start3A_432 = arith.constant 0 : i32
        %dma_start3A_433 = arith.constant 0 : i32
        %dma_start3A_434 = tpu.memref_slice %arg18[%dma_start3A_432, %dma_start3A_433] : memref<10000x128xf32, #tpu.memory_space<vmem_shared>> -> memref<10000x128xf32, #tpu.memory_space<vmem_shared>>
        tpu.enqueue_indirect_dma source(%arg14 : memref<40x128xf32, #tpu.memory_space<vmem>>) target(%dma_start3A_434 : memref<10000x128xf32, #tpu.memory_space<vmem_shared>>) offsets(%dma_start3A_431 : memref<40xi32, #tpu.memory_space<vmem>>) semaphore(%arg25 : memref<!tpu.dma_semaphore, #tpu.memory_space<semaphore_mem>>) {add = true}
        %dma_wait3A_435 = arith.constant 0 : i32
        %dma_wait3A_436 = arith.constant 0 : i32
        %dma_wait3A_437 = tpu.memref_slice %arg11[%dma_wait3A_435, %dma_wait3A_436] : memref<25x40xi32, #tpu.memory_space<vmem>> -> memref<1x40xi32, #tpu.memory_space<vmem>>
        %dma_wait3A_438 = tpu.memref_squeeze %dma_wait3A_437 : memref<1x40xi32, #tpu.memory_space<vmem>> -> memref<40xi32, #tpu.memory_space<vmem>>
        %dma_wait3A_439 = arith.constant 0 : i32
        %dma_wait3A_440 = arith.constant 0 : i32
        %dma_wait3A_441 = tpu.memref_slice %arg18[%dma_wait3A_439, %dma_wait3A_440] : memref<10000x128xf32, #tpu.memory_space<vmem_shared>> -> memref<10000x128xf32, #tpu.memory_space<vmem_shared>>
        tpu.wait_indirect_dma semaphore(%arg24 : memref<!tpu.dma_semaphore, #tpu.memory_space<semaphore_mem>>) src(%arg13 : memref<40x128xf32, #tpu.memory_space<vmem>>) dst(%dma_wait3A_441 : memref<10000x128xf32, #tpu.memory_space<vmem_shared>>)
        %add3A_442 = arith.constant 4 : i32
        %add3A_443 = arith.addi %add3A_421, %add3A_442 : i32
        %dma_start3A_444 = arith.constant 0 : i32
        %dma_start3A_445 = tpu.memref_slice %arg9[%add3A_443, %dma_start3A_444] : memref<25x40xi32, #tpu.memory_space<vmem>> -> memref<1x40xi32, #tpu.memory_space<vmem>>
        %dma_start3A_446 = tpu.memref_squeeze %dma_start3A_445 : memref<1x40xi32, #tpu.memory_space<vmem>> -> memref<40xi32, #tpu.memory_space<vmem>>
        %dma_start3A_447 = arith.constant 0 : i32
        %dma_start3A_448 = arith.constant 0 : i32
        %dma_start3A_449 = tpu.memref_slice %arg2[%dma_start3A_447, %dma_start3A_448] : memref<10000x128xf32, #tpu.memory_space<hbm>> -> memref<10000x128xf32, #tpu.memory_space<hbm>>
        tpu.enqueue_indirect_dma source(%dma_start3A_449 : memref<10000x128xf32, #tpu.memory_space<hbm>>) target(%arg13 : memref<40x128xf32, #tpu.memory_space<vmem>>) offsets(%dma_start3A_446 : memref<40xi32, #tpu.memory_space<vmem>>) semaphore(%arg19 : memref<!tpu.dma_semaphore, #tpu.memory_space<semaphore_mem>>)
        %mul3A_450 = arith.constant 5 : i32
        %mul3A_451 = arith.muli %scan3A_387, %mul3A_450 : i32
        %add3A_452 = arith.constant 2 : i32
        %add3A_453 = arith.addi %mul3A_451, %add3A_452 : i32
        %dma_wait3A_454 = arith.constant 0 : i32
        %dma_wait3A_455 = arith.constant 0 : i32
        %dma_wait3A_456 = tpu.memref_slice %arg9[%dma_wait3A_454, %dma_wait3A_455] : memref<25x40xi32, #tpu.memory_space<vmem>> -> memref<1x40xi32, #tpu.memory_space<vmem>>
        %dma_wait3A_457 = tpu.memref_squeeze %dma_wait3A_456 : memref<1x40xi32, #tpu.memory_space<vmem>> -> memref<40xi32, #tpu.memory_space<vmem>>
        %dma_wait3A_458 = arith.constant 0 : i32
        %dma_wait3A_459 = arith.constant 0 : i32
        %dma_wait3A_460 = tpu.memref_slice %arg2[%dma_wait3A_458, %dma_wait3A_459] : memref<10000x128xf32, #tpu.memory_space<hbm>> -> memref<10000x128xf32, #tpu.memory_space<hbm>>
        tpu.wait_indirect_dma semaphore(%arg21 : memref<!tpu.dma_semaphore, #tpu.memory_space<semaphore_mem>>) src(%dma_wait3A_460 : memref<10000x128xf32, #tpu.memory_space<hbm>>) dst(%arg15 : memref<40x128xf32, #tpu.memory_space<vmem>>)
        %dma_start3A_461 = arith.constant 0 : i32
        %dma_start3A_462 = tpu.memref_slice %arg11[%add3A_453, %dma_start3A_461] : memref<25x40xi32, #tpu.memory_space<vmem>> -> memref<1x40xi32, #tpu.memory_space<vmem>>
        %dma_start3A_463 = tpu.memref_squeeze %dma_start3A_462 : memref<1x40xi32, #tpu.memory_space<vmem>> -> memref<40xi32, #tpu.memory_space<vmem>>
        %dma_start3A_464 = arith.constant 0 : i32
        %dma_start3A_465 = arith.constant 0 : i32
        %dma_start3A_466 = tpu.memref_slice %arg18[%dma_start3A_464, %dma_start3A_465] : memref<10000x128xf32, #tpu.memory_space<vmem_shared>> -> memref<10000x128xf32, #tpu.memory_space<vmem_shared>>
        tpu.enqueue_indirect_dma source(%arg15 : memref<40x128xf32, #tpu.memory_space<vmem>>) target(%dma_start3A_466 : memref<10000x128xf32, #tpu.memory_space<vmem_shared>>) offsets(%dma_start3A_463 : memref<40xi32, #tpu.memory_space<vmem>>) semaphore(%arg26 : memref<!tpu.dma_semaphore, #tpu.memory_space<semaphore_mem>>) {add = true}
        %dma_wait3A_467 = arith.constant 0 : i32
        %dma_wait3A_468 = arith.constant 0 : i32
        %dma_wait3A_469 = tpu.memref_slice %arg11[%dma_wait3A_467, %dma_wait3A_468] : memref<25x40xi32, #tpu.memory_space<vmem>> -> memref<1x40xi32, #tpu.memory_space<vmem>>
        %dma_wait3A_470 = tpu.memref_squeeze %dma_wait3A_469 : memref<1x40xi32, #tpu.memory_space<vmem>> -> memref<40xi32, #tpu.memory_space<vmem>>
        %dma_wait3A_471 = arith.constant 0 : i32
        %dma_wait3A_472 = arith.constant 0 : i32
        %dma_wait3A_473 = tpu.memref_slice %arg18[%dma_wait3A_471, %dma_wait3A_472] : memref<10000x128xf32, #tpu.memory_space<vmem_shared>> -> memref<10000x128xf32, #tpu.memory_space<vmem_shared>>
        tpu.wait_indirect_dma semaphore(%arg25 : memref<!tpu.dma_semaphore, #tpu.memory_space<semaphore_mem>>) src(%arg14 : memref<40x128xf32, #tpu.memory_space<vmem>>) dst(%dma_wait3A_473 : memref<10000x128xf32, #tpu.memory_space<vmem_shared>>)
        %add3A_474 = arith.constant 4 : i32
        %add3A_475 = arith.addi %add3A_453, %add3A_474 : i32
        %dma_start3A_476 = arith.constant 0 : i32
        %dma_start3A_477 = tpu.memref_slice %arg9[%add3A_475, %dma_start3A_476] : memref<25x40xi32, #tpu.memory_space<vmem>> -> memref<1x40xi32, #tpu.memory_space<vmem>>
        %dma_start3A_478 = tpu.memref_squeeze %dma_start3A_477 : memref<1x40xi32, #tpu.memory_space<vmem>> -> memref<40xi32, #tpu.memory_space<vmem>>
        %dma_start3A_479 = arith.constant 0 : i32
        %dma_start3A_480 = arith.constant 0 : i32
        %dma_start3A_481 = tpu.memref_slice %arg2[%dma_start3A_479, %dma_start3A_480] : memref<10000x128xf32, #tpu.memory_space<hbm>> -> memref<10000x128xf32, #tpu.memory_space<hbm>>
        tpu.enqueue_indirect_dma source(%dma_start3A_481 : memref<10000x128xf32, #tpu.memory_space<hbm>>) target(%arg14 : memref<40x128xf32, #tpu.memory_space<vmem>>) offsets(%dma_start3A_478 : memref<40xi32, #tpu.memory_space<vmem>>) semaphore(%arg20 : memref<!tpu.dma_semaphore, #tpu.memory_space<semaphore_mem>>)
        %mul3A_482 = arith.constant 5 : i32
        %mul3A_483 = arith.muli %scan3A_387, %mul3A_482 : i32
        %add3A_484 = arith.constant 3 : i32
        %add3A_485 = arith.addi %mul3A_483, %add3A_484 : i32
        %dma_wait3A_486 = arith.constant 0 : i32
        %dma_wait3A_487 = arith.constant 0 : i32
        %dma_wait3A_488 = tpu.memref_slice %arg9[%dma_wait3A_486, %dma_wait3A_487] : memref<25x40xi32, #tpu.memory_space<vmem>> -> memref<1x40xi32, #tpu.memory_space<vmem>>
        %dma_wait3A_489 = tpu.memref_squeeze %dma_wait3A_488 : memref<1x40xi32, #tpu.memory_space<vmem>> -> memref<40xi32, #tpu.memory_space<vmem>>
        %dma_wait3A_490 = arith.constant 0 : i32
        %dma_wait3A_491 = arith.constant 0 : i32
        %dma_wait3A_492 = tpu.memref_slice %arg2[%dma_wait3A_490, %dma_wait3A_491] : memref<10000x128xf32, #tpu.memory_space<hbm>> -> memref<10000x128xf32, #tpu.memory_space<hbm>>
        tpu.wait_indirect_dma semaphore(%arg22 : memref<!tpu.dma_semaphore, #tpu.memory_space<semaphore_mem>>) src(%dma_wait3A_492 : memref<10000x128xf32, #tpu.memory_space<hbm>>) dst(%arg16 : memref<40x128xf32, #tpu.memory_space<vmem>>)
        %dma_start3A_493 = arith.constant 0 : i32
        %dma_start3A_494 = tpu.memref_slice %arg11[%add3A_485, %dma_start3A_493] : memref<25x40xi32, #tpu.memory_space<vmem>> -> memref<1x40xi32, #tpu.memory_space<vmem>>
        %dma_start3A_495 = tpu.memref_squeeze %dma_start3A_494 : memref<1x40xi32, #tpu.memory_space<vmem>> -> memref<40xi32, #tpu.memory_space<vmem>>
        %dma_start3A_496 = arith.constant 0 : i32
        %dma_start3A_497 = arith.constant 0 : i32
        %dma_start3A_498 = tpu.memref_slice %arg18[%dma_start3A_496, %dma_start3A_497] : memref<10000x128xf32, #tpu.memory_space<vmem_shared>> -> memref<10000x128xf32, #tpu.memory_space<vmem_shared>>
        tpu.enqueue_indirect_dma source(%arg16 : memref<40x128xf32, #tpu.memory_space<vmem>>) target(%dma_start3A_498 : memref<10000x128xf32, #tpu.memory_space<vmem_shared>>) offsets(%dma_start3A_495 : memref<40xi32, #tpu.memory_space<vmem>>) semaphore(%arg27 : memref<!tpu.dma_semaphore, #tpu.memory_space<semaphore_mem>>) {add = true}
        %dma_wait3A_499 = arith.constant 0 : i32
        %dma_wait3A_500 = arith.constant 0 : i32
        %dma_wait3A_501 = tpu.memref_slice %arg11[%dma_wait3A_499, %dma_wait3A_500] : memref<25x40xi32, #tpu.memory_space<vmem>> -> memref<1x40xi32, #tpu.memory_space<vmem>>
        %dma_wait3A_502 = tpu.memref_squeeze %dma_wait3A_501 : memref<1x40xi32, #tpu.memory_space<vmem>> -> memref<40xi32, #tpu.memory_space<vmem>>
        %dma_wait3A_503 = arith.constant 0 : i32
        %dma_wait3A_504 = arith.constant 0 : i32
        %dma_wait3A_505 = tpu.memref_slice %arg18[%dma_wait3A_503, %dma_wait3A_504] : memref<10000x128xf32, #tpu.memory_space<vmem_shared>> -> memref<10000x128xf32, #tpu.memory_space<vmem_shared>>
        tpu.wait_indirect_dma semaphore(%arg26 : memref<!tpu.dma_semaphore, #tpu.memory_space<semaphore_mem>>) src(%arg15 : memref<40x128xf32, #tpu.memory_space<vmem>>) dst(%dma_wait3A_505 : memref<10000x128xf32, #tpu.memory_space<vmem_shared>>)
        %add3A_506 = arith.constant 4 : i32
        %add3A_507 = arith.addi %add3A_485, %add3A_506 : i32
        %dma_start3A_508 = arith.constant 0 : i32
        %dma_start3A_509 = tpu.memref_slice %arg9[%add3A_507, %dma_start3A_508] : memref<25x40xi32, #tpu.memory_space<vmem>> -> memref<1x40xi32, #tpu.memory_space<vmem>>
        %dma_start3A_510 = tpu.memref_squeeze %dma_start3A_509 : memref<1x40xi32, #tpu.memory_space<vmem>> -> memref<40xi32, #tpu.memory_space<vmem>>
        %dma_start3A_511 = arith.constant 0 : i32
        %dma_start3A_512 = arith.constant 0 : i32
        %dma_start3A_513 = tpu.memref_slice %arg2[%dma_start3A_511, %dma_start3A_512] : memref<10000x128xf32, #tpu.memory_space<hbm>> -> memref<10000x128xf32, #tpu.memory_space<hbm>>
        tpu.enqueue_indirect_dma source(%dma_start3A_513 : memref<10000x128xf32, #tpu.memory_space<hbm>>) target(%arg15 : memref<40x128xf32, #tpu.memory_space<vmem>>) offsets(%dma_start3A_510 : memref<40xi32, #tpu.memory_space<vmem>>) semaphore(%arg21 : memref<!tpu.dma_semaphore, #tpu.memory_space<semaphore_mem>>)
        %mul3A_514 = arith.constant 5 : i32
        %mul3A_515 = arith.muli %scan3A_387, %mul3A_514 : i32
        %add3A_516 = arith.constant 4 : i32
        %add3A_517 = arith.addi %mul3A_515, %add3A_516 : i32
        %dma_wait3A_518 = arith.constant 0 : i32
        %dma_wait3A_519 = arith.constant 0 : i32
        %dma_wait3A_520 = tpu.memref_slice %arg9[%dma_wait3A_518, %dma_wait3A_519] : memref<25x40xi32, #tpu.memory_space<vmem>> -> memref<1x40xi32, #tpu.memory_space<vmem>>
        %dma_wait3A_521 = tpu.memref_squeeze %dma_wait3A_520 : memref<1x40xi32, #tpu.memory_space<vmem>> -> memref<40xi32, #tpu.memory_space<vmem>>
        %dma_wait3A_522 = arith.constant 0 : i32
        %dma_wait3A_523 = arith.constant 0 : i32
        %dma_wait3A_524 = tpu.memref_slice %arg2[%dma_wait3A_522, %dma_wait3A_523] : memref<10000x128xf32, #tpu.memory_space<hbm>> -> memref<10000x128xf32, #tpu.memory_space<hbm>>
        tpu.wait_indirect_dma semaphore(%arg23 : memref<!tpu.dma_semaphore, #tpu.memory_space<semaphore_mem>>) src(%dma_wait3A_524 : memref<10000x128xf32, #tpu.memory_space<hbm>>) dst(%arg17 : memref<40x128xf32, #tpu.memory_space<vmem>>)
        %dma_start3A_525 = arith.constant 0 : i32
        %dma_start3A_526 = tpu.memref_slice %arg11[%add3A_517, %dma_start3A_525] : memref<25x40xi32, #tpu.memory_space<vmem>> -> memref<1x40xi32, #tpu.memory_space<vmem>>
        %dma_start3A_527 = tpu.memref_squeeze %dma_start3A_526 : memref<1x40xi32, #tpu.memory_space<vmem>> -> memref<40xi32, #tpu.memory_space<vmem>>
        %dma_start3A_528 = arith.constant 0 : i32
        %dma_start3A_529 = arith.constant 0 : i32
        %dma_start3A_530 = tpu.memref_slice %arg18[%dma_start3A_528, %dma_start3A_529] : memref<10000x128xf32, #tpu.memory_space<vmem_shared>> -> memref<10000x128xf32, #tpu.memory_space<vmem_shared>>
        tpu.enqueue_indirect_dma source(%arg17 : memref<40x128xf32, #tpu.memory_space<vmem>>) target(%dma_start3A_530 : memref<10000x128xf32, #tpu.memory_space<vmem_shared>>) offsets(%dma_start3A_527 : memref<40xi32, #tpu.memory_space<vmem>>) semaphore(%arg28 : memref<!tpu.dma_semaphore, #tpu.memory_space<semaphore_mem>>) {add = true}
        %dma_wait3A_531 = arith.constant 0 : i32
        %dma_wait3A_532 = arith.constant 0 : i32
        %dma_wait3A_533 = tpu.memref_slice %arg11[%dma_wait3A_531, %dma_wait3A_532] : memref<25x40xi32, #tpu.memory_space<vmem>> -> memref<1x40xi32, #tpu.memory_space<vmem>>
        %dma_wait3A_534 = tpu.memref_squeeze %dma_wait3A_533 : memref<1x40xi32, #tpu.memory_space<vmem>> -> memref<40xi32, #tpu.memory_space<vmem>>
        %dma_wait3A_535 = arith.constant 0 : i32
        %dma_wait3A_536 = arith.constant 0 : i32
        %dma_wait3A_537 = tpu.memref_slice %arg18[%dma_wait3A_535, %dma_wait3A_536] : memref<10000x128xf32, #tpu.memory_space<vmem_shared>> -> memref<10000x128xf32, #tpu.memory_space<vmem_shared>>
        tpu.wait_indirect_dma semaphore(%arg27 : memref<!tpu.dma_semaphore, #tpu.memory_space<semaphore_mem>>) src(%arg16 : memref<40x128xf32, #tpu.memory_space<vmem>>) dst(%dma_wait3A_537 : memref<10000x128xf32, #tpu.memory_space<vmem_shared>>)
        %add3A_538 = arith.constant 4 : i32
        %add3A_539 = arith.addi %add3A_517, %add3A_538 : i32
        %dma_start3A_540 = arith.constant 0 : i32
        %dma_start3A_541 = tpu.memref_slice %arg9[%add3A_539, %dma_start3A_540] : memref<25x40xi32, #tpu.memory_space<vmem>> -> memref<1x40xi32, #tpu.memory_space<vmem>>
        %dma_start3A_542 = tpu.memref_squeeze %dma_start3A_541 : memref<1x40xi32, #tpu.memory_space<vmem>> -> memref<40xi32, #tpu.memory_space<vmem>>
        %dma_start3A_543 = arith.constant 0 : i32
        %dma_start3A_544 = arith.constant 0 : i32
        %dma_start3A_545 = tpu.memref_slice %arg2[%dma_start3A_543, %dma_start3A_544] : memref<10000x128xf32, #tpu.memory_space<hbm>> -> memref<10000x128xf32, #tpu.memory_space<hbm>>
        tpu.enqueue_indirect_dma source(%dma_start3A_545 : memref<10000x128xf32, #tpu.memory_space<hbm>>) target(%arg16 : memref<40x128xf32, #tpu.memory_space<vmem>>) offsets(%dma_start3A_542 : memref<40xi32, #tpu.memory_space<vmem>>) semaphore(%arg22 : memref<!tpu.dma_semaphore, #tpu.memory_space<semaphore_mem>>)
      }
      %scan3A_84 = arith.constant 4 : i32
      %dma_wait3A_85 = arith.constant 0 : i32
      %dma_wait3A_86 = arith.constant 0 : i32
      %dma_wait3A_87 = tpu.memref_slice %arg9[%dma_wait3A_85, %dma_wait3A_86] : memref<25x40xi32, #tpu.memory_space<vmem>> -> memref<1x40xi32, #tpu.memory_space<vmem>>
      %dma_wait3A_88 = tpu.memref_squeeze %dma_wait3A_87 : memref<1x40xi32, #tpu.memory_space<vmem>> -> memref<40xi32, #tpu.memory_space<vmem>>
      %dma_wait3A_89 = arith.constant 0 : i32
      %dma_wait3A_90 = arith.constant 0 : i32
      %dma_wait3A_91 = tpu.memref_slice %arg2[%dma_wait3A_89, %dma_wait3A_90] : memref<10000x128xf32, #tpu.memory_space<hbm>> -> memref<10000x128xf32, #tpu.memory_space<hbm>>
      tpu.wait_indirect_dma semaphore(%arg19 : memref<!tpu.dma_semaphore, #tpu.memory_space<semaphore_mem>>) src(%dma_wait3A_91 : memref<10000x128xf32, #tpu.memory_space<hbm>>) dst(%arg13 : memref<40x128xf32, #tpu.memory_space<vmem>>)
      %dma_start3A_92 = arith.constant 20 : i32
      %dma_start3A_93 = arith.constant 0 : i32
      %dma_start3A_94 = tpu.memref_slice %arg11[%dma_start3A_92, %dma_start3A_93] : memref<25x40xi32, #tpu.memory_space<vmem>> -> memref<1x40xi32, #tpu.memory_space<vmem>>
      %dma_start3A_95 = tpu.memref_squeeze %dma_start3A_94 : memref<1x40xi32, #tpu.memory_space<vmem>> -> memref<40xi32, #tpu.memory_space<vmem>>
      %dma_start3A_96 = arith.constant 0 : i32
      %dma_start3A_97 = arith.constant 0 : i32
      %dma_start3A_98 = tpu.memref_slice %arg18[%dma_start3A_96, %dma_start3A_97] : memref<10000x128xf32, #tpu.memory_space<vmem_shared>> -> memref<10000x128xf32, #tpu.memory_space<vmem_shared>>
      tpu.enqueue_indirect_dma source(%arg13 : memref<40x128xf32, #tpu.memory_space<vmem>>) target(%dma_start3A_98 : memref<10000x128xf32, #tpu.memory_space<vmem_shared>>) offsets(%dma_start3A_95 : memref<40xi32, #tpu.memory_space<vmem>>) semaphore(%arg24 : memref<!tpu.dma_semaphore, #tpu.memory_space<semaphore_mem>>) {add = true}
      %dma_wait3A_99 = arith.constant 0 : i32
      %dma_wait3A_100 = arith.constant 0 : i32
      %dma_wait3A_101 = tpu.memref_slice %arg11[%dma_wait3A_99, %dma_wait3A_100] : memref<25x40xi32, #tpu.memory_space<vmem>> -> memref<1x40xi32, #tpu.memory_space<vmem>>
      %dma_wait3A_102 = tpu.memref_squeeze %dma_wait3A_101 : memref<1x40xi32, #tpu.memory_space<vmem>> -> memref<40xi32, #tpu.memory_space<vmem>>
      %dma_wait3A_103 = arith.constant 0 : i32
      %dma_wait3A_104 = arith.constant 0 : i32
      %dma_wait3A_105 = tpu.memref_slice %arg18[%dma_wait3A_103, %dma_wait3A_104] : memref<10000x128xf32, #tpu.memory_space<vmem_shared>> -> memref<10000x128xf32, #tpu.memory_space<vmem_shared>>
      tpu.wait_indirect_dma semaphore(%arg28 : memref<!tpu.dma_semaphore, #tpu.memory_space<semaphore_mem>>) src(%arg17 : memref<40x128xf32, #tpu.memory_space<vmem>>) dst(%dma_wait3A_105 : memref<10000x128xf32, #tpu.memory_space<vmem_shared>>)
      %dma_start3A_106 = arith.constant 24 : i32
      %dma_start3A_107 = arith.constant 0 : i32
      %dma_start3A_108 = tpu.memref_slice %arg9[%dma_start3A_106, %dma_start3A_107] : memref<25x40xi32, #tpu.memory_space<vmem>> -> memref<1x40xi32, #tpu.memory_space<vmem>>
      %dma_start3A_109 = tpu.memref_squeeze %dma_start3A_108 : memref<1x40xi32, #tpu.memory_space<vmem>> -> memref<40xi32, #tpu.memory_space<vmem>>
      %dma_start3A_110 = arith.constant 0 : i32
      %dma_start3A_111 = arith.constant 0 : i32
      %dma_start3A_112 = tpu.memref_slice %arg2[%dma_start3A_110, %dma_start3A_111] : memref<10000x128xf32, #tpu.memory_space<hbm>> -> memref<10000x128xf32, #tpu.memory_space<hbm>>
      tpu.enqueue_indirect_dma source(%dma_start3A_112 : memref<10000x128xf32, #tpu.memory_space<hbm>>) target(%arg17 : memref<40x128xf32, #tpu.memory_space<vmem>>) offsets(%dma_start3A_109 : memref<40xi32, #tpu.memory_space<vmem>>) semaphore(%arg23 : memref<!tpu.dma_semaphore, #tpu.memory_space<semaphore_mem>>)
      %dma_wait3A_113 = arith.constant 0 : i32
      %dma_wait3A_114 = arith.constant 0 : i32
      %dma_wait3A_115 = tpu.memref_slice %arg9[%dma_wait3A_113, %dma_wait3A_114] : memref<25x40xi32, #tpu.memory_space<vmem>> -> memref<1x40xi32, #tpu.memory_space<vmem>>
      %dma_wait3A_116 = tpu.memref_squeeze %dma_wait3A_115 : memref<1x40xi32, #tpu.memory_space<vmem>> -> memref<40xi32, #tpu.memory_space<vmem>>
      %dma_wait3A_117 = arith.constant 0 : i32
      %dma_wait3A_118 = arith.constant 0 : i32
      %dma_wait3A_119 = tpu.memref_slice %arg2[%dma_wait3A_117, %dma_wait3A_118] : memref<10000x128xf32, #tpu.memory_space<hbm>> -> memref<10000x128xf32, #tpu.memory_space<hbm>>
      tpu.wait_indirect_dma semaphore(%arg20 : memref<!tpu.dma_semaphore, #tpu.memory_space<semaphore_mem>>) src(%dma_wait3A_119 : memref<10000x128xf32, #tpu.memory_space<hbm>>) dst(%arg14 : memref<40x128xf32, #tpu.memory_space<vmem>>)
      %dma_start3A_120 = arith.constant 21 : i32
      %dma_start3A_121 = arith.constant 0 : i32
      %dma_start3A_122 = tpu.memref_slice %arg11[%dma_start3A_120, %dma_start3A_121] : memref<25x40xi32, #tpu.memory_space<vmem>> -> memref<1x40xi32, #tpu.memory_space<vmem>>
      %dma_start3A_123 = tpu.memref_squeeze %dma_start3A_122 : memref<1x40xi32, #tpu.memory_space<vmem>> -> memref<40xi32, #tpu.memory_space<vmem>>
      %dma_start3A_124 = arith.constant 0 : i32
      %dma_start3A_125 = arith.constant 0 : i32
      %dma_start3A_126 = tpu.memref_slice %arg18[%dma_start3A_124, %dma_start3A_125] : memref<10000x128xf32, #tpu.memory_space<vmem_shared>> -> memref<10000x128xf32, #tpu.memory_space<vmem_shared>>
      tpu.enqueue_indirect_dma source(%arg14 : memref<40x128xf32, #tpu.memory_space<vmem>>) target(%dma_start3A_126 : memref<10000x128xf32, #tpu.memory_space<vmem_shared>>) offsets(%dma_start3A_123 : memref<40xi32, #tpu.memory_space<vmem>>) semaphore(%arg25 : memref<!tpu.dma_semaphore, #tpu.memory_space<semaphore_mem>>) {add = true}
      %dma_wait3A_127 = arith.constant 0 : i32
      %dma_wait3A_128 = arith.constant 0 : i32
      %dma_wait3A_129 = tpu.memref_slice %arg11[%dma_wait3A_127, %dma_wait3A_128] : memref<25x40xi32, #tpu.memory_space<vmem>> -> memref<1x40xi32, #tpu.memory_space<vmem>>
      %dma_wait3A_130 = tpu.memref_squeeze %dma_wait3A_129 : memref<1x40xi32, #tpu.memory_space<vmem>> -> memref<40xi32, #tpu.memory_space<vmem>>
      %dma_wait3A_131 = arith.constant 0 : i32
      %dma_wait3A_132 = arith.constant 0 : i32
      %dma_wait3A_133 = tpu.memref_slice %arg18[%dma_wait3A_131, %dma_wait3A_132] : memref<10000x128xf32, #tpu.memory_space<vmem_shared>> -> memref<10000x128xf32, #tpu.memory_space<vmem_shared>>
      tpu.wait_indirect_dma semaphore(%arg24 : memref<!tpu.dma_semaphore, #tpu.memory_space<semaphore_mem>>) src(%arg13 : memref<40x128xf32, #tpu.memory_space<vmem>>) dst(%dma_wait3A_133 : memref<10000x128xf32, #tpu.memory_space<vmem_shared>>)
      %dma_wait3A_134 = arith.constant 0 : i32
      %dma_wait3A_135 = arith.constant 0 : i32
      %dma_wait3A_136 = arith.constant 0 : i32
      %dma_wait3A_137 = tpu.memref_slice %arg3[%add3A, %dma_wait3A_134, %dma_wait3A_135, %dma_wait3A_136] : memref<32x10x25x40xi32, #tpu.memory_space<hbm>> -> memref<1x1x25x40xi32, #tpu.memory_space<hbm>>
      %dma_wait3A_138 = tpu.memref_squeeze %dma_wait3A_137 : memref<1x1x25x40xi32, #tpu.memory_space<hbm>> -> memref<25x40xi32, #tpu.memory_space<hbm>>
      %dma_wait3A_139 = arith.constant 0 : i32
      %dma_wait3A_140 = arith.constant 0 : i32
      %dma_wait3A_141 = tpu.memref_slice %arg3[%add3A, %dma_wait3A_134, %dma_wait3A_139, %dma_wait3A_140] : memref<32x10x25x40xi32, #tpu.memory_space<hbm>> -> memref<1x1x25x40xi32, #tpu.memory_space<hbm>>
      %dma_wait3A_142 = tpu.memref_squeeze %dma_wait3A_141 : memref<1x1x25x40xi32, #tpu.memory_space<hbm>> -> memref<25x40xi32, #tpu.memory_space<hbm>>
      tpu.wait_dma2 semaphore(%arg29 : memref<!tpu.dma_semaphore, #tpu.memory_space<semaphore_mem>>) src(%dma_wait3A_142 : memref<25x40xi32, #tpu.memory_space<hbm>>) dst(%arg10 : memref<25x40xi32, #tpu.memory_space<vmem>>)
      %dma_wait3A_143 = arith.constant 0 : i32
      %dma_wait3A_144 = arith.constant 0 : i32
      %dma_wait3A_145 = arith.constant 0 : i32
      %dma_wait3A_146 = tpu.memref_slice %arg4[%add3A, %dma_wait3A_143, %dma_wait3A_144, %dma_wait3A_145] : memref<32x10x25x40xi32, #tpu.memory_space<hbm>> -> memref<1x1x25x40xi32, #tpu.memory_space<hbm>>
      %dma_wait3A_147 = tpu.memref_squeeze %dma_wait3A_146 : memref<1x1x25x40xi32, #tpu.memory_space<hbm>> -> memref<25x40xi32, #tpu.memory_space<hbm>>
      %dma_wait3A_148 = arith.constant 0 : i32
      %dma_wait3A_149 = arith.constant 0 : i32
      %dma_wait3A_150 = tpu.memref_slice %arg4[%add3A, %dma_wait3A_143, %dma_wait3A_148, %dma_wait3A_149] : memref<32x10x25x40xi32, #tpu.memory_space<hbm>> -> memref<1x1x25x40xi32, #tpu.memory_space<hbm>>
      %dma_wait3A_151 = tpu.memref_squeeze %dma_wait3A_150 : memref<1x1x25x40xi32, #tpu.memory_space<hbm>> -> memref<25x40xi32, #tpu.memory_space<hbm>>
      tpu.wait_dma2 semaphore(%arg29 : memref<!tpu.dma_semaphore, #tpu.memory_space<semaphore_mem>>) src(%dma_wait3A_151 : memref<25x40xi32, #tpu.memory_space<hbm>>) dst(%arg12 : memref<25x40xi32, #tpu.memory_space<vmem>>)
      %dma_start3A_152 = arith.constant 0 : i32
      %dma_start3A_153 = arith.constant 0 : i32
      %dma_start3A_154 = tpu.memref_slice %arg10[%dma_start3A_152, %dma_start3A_153] : memref<25x40xi32, #tpu.memory_space<vmem>> -> memref<1x40xi32, #tpu.memory_space<vmem>>
      %dma_start3A_155 = tpu.memref_squeeze %dma_start3A_154 : memref<1x40xi32, #tpu.memory_space<vmem>> -> memref<40xi32, #tpu.memory_space<vmem>>
      %dma_start3A_156 = arith.constant 0 : i32
      %dma_start3A_157 = arith.constant 0 : i32
      %dma_start3A_158 = tpu.memref_slice %arg2[%dma_start3A_156, %dma_start3A_157] : memref<10000x128xf32, #tpu.memory_space<hbm>> -> memref<10000x128xf32, #tpu.memory_space<hbm>>
      tpu.enqueue_indirect_dma source(%dma_start3A_158 : memref<10000x128xf32, #tpu.memory_space<hbm>>) target(%arg13 : memref<40x128xf32, #tpu.memory_space<vmem>>) offsets(%dma_start3A_155 : memref<40xi32, #tpu.memory_space<vmem>>) semaphore(%arg19 : memref<!tpu.dma_semaphore, #tpu.memory_space<semaphore_mem>>)
      %dma_wait3A_159 = arith.constant 0 : i32
      %dma_wait3A_160 = arith.constant 0 : i32
      %dma_wait3A_161 = tpu.memref_slice %arg9[%dma_wait3A_159, %dma_wait3A_160] : memref<25x40xi32, #tpu.memory_space<vmem>> -> memref<1x40xi32, #tpu.memory_space<vmem>>
      %dma_wait3A_162 = tpu.memref_squeeze %dma_wait3A_161 : memref<1x40xi32, #tpu.memory_space<vmem>> -> memref<40xi32, #tpu.memory_space<vmem>>
      %dma_wait3A_163 = arith.constant 0 : i32
      %dma_wait3A_164 = arith.constant 0 : i32
      %dma_wait3A_165 = tpu.memref_slice %arg2[%dma_wait3A_163, %dma_wait3A_164] : memref<10000x128xf32, #tpu.memory_space<hbm>> -> memref<10000x128xf32, #tpu.memory_space<hbm>>
      tpu.wait_indirect_dma semaphore(%arg21 : memref<!tpu.dma_semaphore, #tpu.memory_space<semaphore_mem>>) src(%dma_wait3A_165 : memref<10000x128xf32, #tpu.memory_space<hbm>>) dst(%arg15 : memref<40x128xf32, #tpu.memory_space<vmem>>)
      %dma_start3A_166 = arith.constant 22 : i32
      %dma_start3A_167 = arith.constant 0 : i32
      %dma_start3A_168 = tpu.memref_slice %arg11[%dma_start3A_166, %dma_start3A_167] : memref<25x40xi32, #tpu.memory_space<vmem>> -> memref<1x40xi32, #tpu.memory_space<vmem>>
      %dma_start3A_169 = tpu.memref_squeeze %dma_start3A_168 : memref<1x40xi32, #tpu.memory_space<vmem>> -> memref<40xi32, #tpu.memory_space<vmem>>
      %dma_start3A_170 = arith.constant 0 : i32
      %dma_start3A_171 = arith.constant 0 : i32
      %dma_start3A_172 = tpu.memref_slice %arg18[%dma_start3A_170, %dma_start3A_171] : memref<10000x128xf32, #tpu.memory_space<vmem_shared>> -> memref<10000x128xf32, #tpu.memory_space<vmem_shared>>
      tpu.enqueue_indirect_dma source(%arg15 : memref<40x128xf32, #tpu.memory_space<vmem>>) target(%dma_start3A_172 : memref<10000x128xf32, #tpu.memory_space<vmem_shared>>) offsets(%dma_start3A_169 : memref<40xi32, #tpu.memory_space<vmem>>) semaphore(%arg26 : memref<!tpu.dma_semaphore, #tpu.memory_space<semaphore_mem>>) {add = true}
      %dma_wait3A_173 = arith.constant 0 : i32
      %dma_wait3A_174 = arith.constant 0 : i32
      %dma_wait3A_175 = tpu.memref_slice %arg11[%dma_wait3A_173, %dma_wait3A_174] : memref<25x40xi32, #tpu.memory_space<vmem>> -> memref<1x40xi32, #tpu.memory_space<vmem>>
      %dma_wait3A_176 = tpu.memref_squeeze %dma_wait3A_175 : memref<1x40xi32, #tpu.memory_space<vmem>> -> memref<40xi32, #tpu.memory_space<vmem>>
      %dma_wait3A_177 = arith.constant 0 : i32
      %dma_wait3A_178 = arith.constant 0 : i32
      %dma_wait3A_179 = tpu.memref_slice %arg18[%dma_wait3A_177, %dma_wait3A_178] : memref<10000x128xf32, #tpu.memory_space<vmem_shared>> -> memref<10000x128xf32, #tpu.memory_space<vmem_shared>>
      tpu.wait_indirect_dma semaphore(%arg25 : memref<!tpu.dma_semaphore, #tpu.memory_space<semaphore_mem>>) src(%arg14 : memref<40x128xf32, #tpu.memory_space<vmem>>) dst(%dma_wait3A_179 : memref<10000x128xf32, #tpu.memory_space<vmem_shared>>)
      %dma_start3A_180 = arith.constant 1 : i32
      %dma_start3A_181 = arith.constant 0 : i32
      %dma_start3A_182 = tpu.memref_slice %arg10[%dma_start3A_180, %dma_start3A_181] : memref<25x40xi32, #tpu.memory_space<vmem>> -> memref<1x40xi32, #tpu.memory_space<vmem>>
      %dma_start3A_183 = tpu.memref_squeeze %dma_start3A_182 : memref<1x40xi32, #tpu.memory_space<vmem>> -> memref<40xi32, #tpu.memory_space<vmem>>
      %dma_start3A_184 = arith.constant 0 : i32
      %dma_start3A_185 = arith.constant 0 : i32
      %dma_start3A_186 = tpu.memref_slice %arg2[%dma_start3A_184, %dma_start3A_185] : memref<10000x128xf32, #tpu.memory_space<hbm>> -> memref<10000x128xf32, #tpu.memory_space<hbm>>
      tpu.enqueue_indirect_dma source(%dma_start3A_186 : memref<10000x128xf32, #tpu.memory_space<hbm>>) target(%arg14 : memref<40x128xf32, #tpu.memory_space<vmem>>) offsets(%dma_start3A_183 : memref<40xi32, #tpu.memory_space<vmem>>) semaphore(%arg20 : memref<!tpu.dma_semaphore, #tpu.memory_space<semaphore_mem>>)
      %dma_wait3A_187 = arith.constant 0 : i32
      %dma_wait3A_188 = arith.constant 0 : i32
      %dma_wait3A_189 = tpu.memref_slice %arg9[%dma_wait3A_187, %dma_wait3A_188] : memref<25x40xi32, #tpu.memory_space<vmem>> -> memref<1x40xi32, #tpu.memory_space<vmem>>
      %dma_wait3A_190 = tpu.memref_squeeze %dma_wait3A_189 : memref<1x40xi32, #tpu.memory_space<vmem>> -> memref<40xi32, #tpu.memory_space<vmem>>
      %dma_wait3A_191 = arith.constant 0 : i32
      %dma_wait3A_192 = arith.constant 0 : i32
      %dma_wait3A_193 = tpu.memref_slice %arg2[%dma_wait3A_191, %dma_wait3A_192] : memref<10000x128xf32, #tpu.memory_space<hbm>> -> memref<10000x128xf32, #tpu.memory_space<hbm>>
      tpu.wait_indirect_dma semaphore(%arg22 : memref<!tpu.dma_semaphore, #tpu.memory_space<semaphore_mem>>) src(%dma_wait3A_193 : memref<10000x128xf32, #tpu.memory_space<hbm>>) dst(%arg16 : memref<40x128xf32, #tpu.memory_space<vmem>>)
      %dma_start3A_194 = arith.constant 23 : i32
      %dma_start3A_195 = arith.constant 0 : i32
      %dma_start3A_196 = tpu.memref_slice %arg11[%dma_start3A_194, %dma_start3A_195] : memref<25x40xi32, #tpu.memory_space<vmem>> -> memref<1x40xi32, #tpu.memory_space<vmem>>
      %dma_start3A_197 = tpu.memref_squeeze %dma_start3A_196 : memref<1x40xi32, #tpu.memory_space<vmem>> -> memref<40xi32, #tpu.memory_space<vmem>>
      %dma_start3A_198 = arith.constant 0 : i32
      %dma_start3A_199 = arith.constant 0 : i32
      %dma_start3A_200 = tpu.memref_slice %arg18[%dma_start3A_198, %dma_start3A_199] : memref<10000x128xf32, #tpu.memory_space<vmem_shared>> -> memref<10000x128xf32, #tpu.memory_space<vmem_shared>>
      tpu.enqueue_indirect_dma source(%arg16 : memref<40x128xf32, #tpu.memory_space<vmem>>) target(%dma_start3A_200 : memref<10000x128xf32, #tpu.memory_space<vmem_shared>>) offsets(%dma_start3A_197 : memref<40xi32, #tpu.memory_space<vmem>>) semaphore(%arg27 : memref<!tpu.dma_semaphore, #tpu.memory_space<semaphore_mem>>) {add = true}
      %dma_wait3A_201 = arith.constant 0 : i32
      %dma_wait3A_202 = arith.constant 0 : i32
      %dma_wait3A_203 = tpu.memref_slice %arg11[%dma_wait3A_201, %dma_wait3A_202] : memref<25x40xi32, #tpu.memory_space<vmem>> -> memref<1x40xi32, #tpu.memory_space<vmem>>
      %dma_wait3A_204 = tpu.memref_squeeze %dma_wait3A_203 : memref<1x40xi32, #tpu.memory_space<vmem>> -> memref<40xi32, #tpu.memory_space<vmem>>
      %dma_wait3A_205 = arith.constant 0 : i32
      %dma_wait3A_206 = arith.constant 0 : i32
      %dma_wait3A_207 = tpu.memref_slice %arg18[%dma_wait3A_205, %dma_wait3A_206] : memref<10000x128xf32, #tpu.memory_space<vmem_shared>> -> memref<10000x128xf32, #tpu.memory_space<vmem_shared>>
      tpu.wait_indirect_dma semaphore(%arg26 : memref<!tpu.dma_semaphore, #tpu.memory_space<semaphore_mem>>) src(%arg15 : memref<40x128xf32, #tpu.memory_space<vmem>>) dst(%dma_wait3A_207 : memref<10000x128xf32, #tpu.memory_space<vmem_shared>>)
      %dma_start3A_208 = arith.constant 2 : i32
      %dma_start3A_209 = arith.constant 0 : i32
      %dma_start3A_210 = tpu.memref_slice %arg10[%dma_start3A_208, %dma_start3A_209] : memref<25x40xi32, #tpu.memory_space<vmem>> -> memref<1x40xi32, #tpu.memory_space<vmem>>
      %dma_start3A_211 = tpu.memref_squeeze %dma_start3A_210 : memref<1x40xi32, #tpu.memory_space<vmem>> -> memref<40xi32, #tpu.memory_space<vmem>>
      %dma_start3A_212 = arith.constant 0 : i32
      %dma_start3A_213 = arith.constant 0 : i32
      %dma_start3A_214 = tpu.memref_slice %arg2[%dma_start3A_212, %dma_start3A_213] : memref<10000x128xf32, #tpu.memory_space<hbm>> -> memref<10000x128xf32, #tpu.memory_space<hbm>>
      tpu.enqueue_indirect_dma source(%dma_start3A_214 : memref<10000x128xf32, #tpu.memory_space<hbm>>) target(%arg15 : memref<40x128xf32, #tpu.memory_space<vmem>>) offsets(%dma_start3A_211 : memref<40xi32, #tpu.memory_space<vmem>>) semaphore(%arg21 : memref<!tpu.dma_semaphore, #tpu.memory_space<semaphore_mem>>)
      %dma_wait3A_215 = arith.constant 0 : i32
      %dma_wait3A_216 = arith.constant 0 : i32
      %dma_wait3A_217 = tpu.memref_slice %arg9[%dma_wait3A_215, %dma_wait3A_216] : memref<25x40xi32, #tpu.memory_space<vmem>> -> memref<1x40xi32, #tpu.memory_space<vmem>>
      %dma_wait3A_218 = tpu.memref_squeeze %dma_wait3A_217 : memref<1x40xi32, #tpu.memory_space<vmem>> -> memref<40xi32, #tpu.memory_space<vmem>>
      %dma_wait3A_219 = arith.constant 0 : i32
      %dma_wait3A_220 = arith.constant 0 : i32
      %dma_wait3A_221 = tpu.memref_slice %arg2[%dma_wait3A_219, %dma_wait3A_220] : memref<10000x128xf32, #tpu.memory_space<hbm>> -> memref<10000x128xf32, #tpu.memory_space<hbm>>
      tpu.wait_indirect_dma semaphore(%arg23 : memref<!tpu.dma_semaphore, #tpu.memory_space<semaphore_mem>>) src(%dma_wait3A_221 : memref<10000x128xf32, #tpu.memory_space<hbm>>) dst(%arg17 : memref<40x128xf32, #tpu.memory_space<vmem>>)
      %dma_start3A_222 = arith.constant 24 : i32
      %dma_start3A_223 = arith.constant 0 : i32
      %dma_start3A_224 = tpu.memref_slice %arg11[%dma_start3A_222, %dma_start3A_223] : memref<25x40xi32, #tpu.memory_space<vmem>> -> memref<1x40xi32, #tpu.memory_space<vmem>>
      %dma_start3A_225 = tpu.memref_squeeze %dma_start3A_224 : memref<1x40xi32, #tpu.memory_space<vmem>> -> memref<40xi32, #tpu.memory_space<vmem>>
      %dma_start3A_226 = arith.constant 0 : i32
      %dma_start3A_227 = arith.constant 0 : i32
      %dma_start3A_228 = tpu.memref_slice %arg18[%dma_start3A_226, %dma_start3A_227] : memref<10000x128xf32, #tpu.memory_space<vmem_shared>> -> memref<10000x128xf32, #tpu.memory_space<vmem_shared>>
      tpu.enqueue_indirect_dma source(%arg17 : memref<40x128xf32, #tpu.memory_space<vmem>>) target(%dma_start3A_228 : memref<10000x128xf32, #tpu.memory_space<vmem_shared>>) offsets(%dma_start3A_225 : memref<40xi32, #tpu.memory_space<vmem>>) semaphore(%arg28 : memref<!tpu.dma_semaphore, #tpu.memory_space<semaphore_mem>>) {add = true}
      %dma_wait3A_229 = arith.constant 0 : i32
      %dma_wait3A_230 = arith.constant 0 : i32
      %dma_wait3A_231 = tpu.memref_slice %arg11[%dma_wait3A_229, %dma_wait3A_230] : memref<25x40xi32, #tpu.memory_space<vmem>> -> memref<1x40xi32, #tpu.memory_space<vmem>>
      %dma_wait3A_232 = tpu.memref_squeeze %dma_wait3A_231 : memref<1x40xi32, #tpu.memory_space<vmem>> -> memref<40xi32, #tpu.memory_space<vmem>>
      %dma_wait3A_233 = arith.constant 0 : i32
      %dma_wait3A_234 = arith.constant 0 : i32
      %dma_wait3A_235 = tpu.memref_slice %arg18[%dma_wait3A_233, %dma_wait3A_234] : memref<10000x128xf32, #tpu.memory_space<vmem_shared>> -> memref<10000x128xf32, #tpu.memory_space<vmem_shared>>
      tpu.wait_indirect_dma semaphore(%arg27 : memref<!tpu.dma_semaphore, #tpu.memory_space<semaphore_mem>>) src(%arg16 : memref<40x128xf32, #tpu.memory_space<vmem>>) dst(%dma_wait3A_235 : memref<10000x128xf32, #tpu.memory_space<vmem_shared>>)
      %dma_start3A_236 = arith.constant 3 : i32
      %dma_start3A_237 = arith.constant 0 : i32
      %dma_start3A_238 = tpu.memref_slice %arg10[%dma_start3A_236, %dma_start3A_237] : memref<25x40xi32, #tpu.memory_space<vmem>> -> memref<1x40xi32, #tpu.memory_space<vmem>>
      %dma_start3A_239 = tpu.memref_squeeze %dma_start3A_238 : memref<1x40xi32, #tpu.memory_space<vmem>> -> memref<40xi32, #tpu.memory_space<vmem>>
      %dma_start3A_240 = arith.constant 0 : i32
      %dma_start3A_241 = arith.constant 0 : i32
      %dma_start3A_242 = tpu.memref_slice %arg2[%dma_start3A_240, %dma_start3A_241] : memref<10000x128xf32, #tpu.memory_space<hbm>> -> memref<10000x128xf32, #tpu.memory_space<hbm>>
      tpu.enqueue_indirect_dma source(%dma_start3A_242 : memref<10000x128xf32, #tpu.memory_space<hbm>>) target(%arg16 : memref<40x128xf32, #tpu.memory_space<vmem>>) offsets(%dma_start3A_239 : memref<40xi32, #tpu.memory_space<vmem>>) semaphore(%arg22 : memref<!tpu.dma_semaphore, #tpu.memory_space<semaphore_mem>>)
      %mul3A_243 = arith.constant 2 : i32
      %mul3A_244 = arith.muli %mul3A_243, %scan3A_57 : i32
      %add3A_245 = arith.constant 2 : i32
      %add3A_246 = arith.addi %mul3A_244, %add3A_245 : i32
      %add3A_247 = arith.constant 1 : i32
      %add3A_248 = arith.addi %scan3A_57, %add3A_247 : i32
      %lt3A_249 = arith.constant 5 : i32
      %lt3A_250 = arith.cmpi slt, %add3A_248, %lt3A_249 : i32
      %convert_element_type3A_251 = arith.extui %lt3A_250 : i1 to i32
      %cond3A_252 = arith.constant 0 : i32
      %cond3A_253 = arith.cmpi ne, %convert_element_type3A_251, %cond3A_252 : i32
      scf.if %cond3A_253 {
        %dma_start3A_387 = arith.constant 0 : i32
        %dma_start3A_388 = arith.constant 0 : i32
        %dma_start3A_389 = tpu.memref_slice %arg3[%add3A, %add3A_246, %dma_start3A_387, %dma_start3A_388] : memref<32x10x25x40xi32, #tpu.memory_space<hbm>> -> memref<1x1x25x40xi32, #tpu.memory_space<hbm>>
        %dma_start3A_390 = tpu.memref_squeeze %dma_start3A_389 : memref<1x1x25x40xi32, #tpu.memory_space<hbm>> -> memref<25x40xi32, #tpu.memory_space<hbm>>
        %dma_start3A_391 = arith.constant 0 : i32
        %dma_start3A_392 = arith.constant 0 : i32
        %dma_start3A_393 = tpu.memref_slice %arg3[%add3A, %add3A_246, %dma_start3A_391, %dma_start3A_392] : memref<32x10x25x40xi32, #tpu.memory_space<hbm>> -> memref<1x1x25x40xi32, #tpu.memory_space<hbm>>
        %dma_start3A_394 = tpu.memref_squeeze %dma_start3A_393 : memref<1x1x25x40xi32, #tpu.memory_space<hbm>> -> memref<25x40xi32, #tpu.memory_space<hbm>>
        tpu.enqueue_dma source(%dma_start3A_394 : memref<25x40xi32, #tpu.memory_space<hbm>>) target(%arg9 : memref<25x40xi32, #tpu.memory_space<vmem>>) target_semaphore(%arg29 : memref<!tpu.dma_semaphore, #tpu.memory_space<semaphore_mem>>)
        %dma_start3A_395 = arith.constant 0 : i32
        %dma_start3A_396 = arith.constant 0 : i32
        %dma_start3A_397 = tpu.memref_slice %arg4[%add3A, %add3A_246, %dma_start3A_395, %dma_start3A_396] : memref<32x10x25x40xi32, #tpu.memory_space<hbm>> -> memref<1x1x25x40xi32, #tpu.memory_space<hbm>>
        %dma_start3A_398 = tpu.memref_squeeze %dma_start3A_397 : memref<1x1x25x40xi32, #tpu.memory_space<hbm>> -> memref<25x40xi32, #tpu.memory_space<hbm>>
        %dma_start3A_399 = arith.constant 0 : i32
        %dma_start3A_400 = arith.constant 0 : i32
        %dma_start3A_401 = tpu.memref_slice %arg4[%add3A, %add3A_246, %dma_start3A_399, %dma_start3A_400] : memref<32x10x25x40xi32, #tpu.memory_space<hbm>> -> memref<1x1x25x40xi32, #tpu.memory_space<hbm>>
        %dma_start3A_402 = tpu.memref_squeeze %dma_start3A_401 : memref<1x1x25x40xi32, #tpu.memory_space<hbm>> -> memref<25x40xi32, #tpu.memory_space<hbm>>
        tpu.enqueue_dma source(%dma_start3A_402 : memref<25x40xi32, #tpu.memory_space<hbm>>) target(%arg11 : memref<25x40xi32, #tpu.memory_space<vmem>>) target_semaphore(%arg29 : memref<!tpu.dma_semaphore, #tpu.memory_space<semaphore_mem>>)
      } else {
      }
      %scan3A_254 = arith.constant 0 : i32
      %scan3A_255 = arith.constant 0 : i32
      %scan3A_256 = arith.constant 4 : i32
      %scan3A_257 = arith.addi %scan3A_255, %scan3A_256 : i32
      %scan3A_258 = arith.constant 1 : i32
      scf.for %scan3A_387 = %scan3A_255 to %scan3A_257 step %scan3A_258  : i32 {
        %mul3A_388 = arith.constant 5 : i32
        %mul3A_389 = arith.muli %scan3A_387, %mul3A_388 : i32
        %add3A_390 = arith.constant 0 : i32
        %add3A_391 = arith.addi %mul3A_389, %add3A_390 : i32
        %dma_wait3A_392 = arith.constant 0 : i32
        %dma_wait3A_393 = arith.constant 0 : i32
        %dma_wait3A_394 = tpu.memref_slice %arg9[%dma_wait3A_392, %dma_wait3A_393] : memref<25x40xi32, #tpu.memory_space<vmem>> -> memref<1x40xi32, #tpu.memory_space<vmem>>
        %dma_wait3A_395 = tpu.memref_squeeze %dma_wait3A_394 : memref<1x40xi32, #tpu.memory_space<vmem>> -> memref<40xi32, #tpu.memory_space<vmem>>
        %dma_wait3A_396 = arith.constant 0 : i32
        %dma_wait3A_397 = arith.constant 0 : i32
        %dma_wait3A_398 = tpu.memref_slice %arg2[%dma_wait3A_396, %dma_wait3A_397] : memref<10000x128xf32, #tpu.memory_space<hbm>> -> memref<10000x128xf32, #tpu.memory_space<hbm>>
        tpu.wait_indirect_dma semaphore(%arg19 : memref<!tpu.dma_semaphore, #tpu.memory_space<semaphore_mem>>) src(%dma_wait3A_398 : memref<10000x128xf32, #tpu.memory_space<hbm>>) dst(%arg13 : memref<40x128xf32, #tpu.memory_space<vmem>>)
        %dma_start3A_399 = arith.constant 0 : i32
        %dma_start3A_400 = tpu.memref_slice %arg12[%add3A_391, %dma_start3A_399] : memref<25x40xi32, #tpu.memory_space<vmem>> -> memref<1x40xi32, #tpu.memory_space<vmem>>
        %dma_start3A_401 = tpu.memref_squeeze %dma_start3A_400 : memref<1x40xi32, #tpu.memory_space<vmem>> -> memref<40xi32, #tpu.memory_space<vmem>>
        %dma_start3A_402 = arith.constant 0 : i32
        %dma_start3A_403 = arith.constant 0 : i32
        %dma_start3A_404 = tpu.memref_slice %arg18[%dma_start3A_402, %dma_start3A_403] : memref<10000x128xf32, #tpu.memory_space<vmem_shared>> -> memref<10000x128xf32, #tpu.memory_space<vmem_shared>>
        tpu.enqueue_indirect_dma source(%arg13 : memref<40x128xf32, #tpu.memory_space<vmem>>) target(%dma_start3A_404 : memref<10000x128xf32, #tpu.memory_space<vmem_shared>>) offsets(%dma_start3A_401 : memref<40xi32, #tpu.memory_space<vmem>>) semaphore(%arg24 : memref<!tpu.dma_semaphore, #tpu.memory_space<semaphore_mem>>) {add = true}
        %dma_wait3A_405 = arith.constant 0 : i32
        %dma_wait3A_406 = arith.constant 0 : i32
        %dma_wait3A_407 = tpu.memref_slice %arg11[%dma_wait3A_405, %dma_wait3A_406] : memref<25x40xi32, #tpu.memory_space<vmem>> -> memref<1x40xi32, #tpu.memory_space<vmem>>
        %dma_wait3A_408 = tpu.memref_squeeze %dma_wait3A_407 : memref<1x40xi32, #tpu.memory_space<vmem>> -> memref<40xi32, #tpu.memory_space<vmem>>
        %dma_wait3A_409 = arith.constant 0 : i32
        %dma_wait3A_410 = arith.constant 0 : i32
        %dma_wait3A_411 = tpu.memref_slice %arg18[%dma_wait3A_409, %dma_wait3A_410] : memref<10000x128xf32, #tpu.memory_space<vmem_shared>> -> memref<10000x128xf32, #tpu.memory_space<vmem_shared>>
        tpu.wait_indirect_dma semaphore(%arg28 : memref<!tpu.dma_semaphore, #tpu.memory_space<semaphore_mem>>) src(%arg17 : memref<40x128xf32, #tpu.memory_space<vmem>>) dst(%dma_wait3A_411 : memref<10000x128xf32, #tpu.memory_space<vmem_shared>>)
        %add3A_412 = arith.constant 4 : i32
        %add3A_413 = arith.addi %add3A_391, %add3A_412 : i32
        %dma_start3A_414 = arith.constant 0 : i32
        %dma_start3A_415 = tpu.memref_slice %arg10[%add3A_413, %dma_start3A_414] : memref<25x40xi32, #tpu.memory_space<vmem>> -> memref<1x40xi32, #tpu.memory_space<vmem>>
        %dma_start3A_416 = tpu.memref_squeeze %dma_start3A_415 : memref<1x40xi32, #tpu.memory_space<vmem>> -> memref<40xi32, #tpu.memory_space<vmem>>
        %dma_start3A_417 = arith.constant 0 : i32
        %dma_start3A_418 = arith.constant 0 : i32
        %dma_start3A_419 = tpu.memref_slice %arg2[%dma_start3A_417, %dma_start3A_418] : memref<10000x128xf32, #tpu.memory_space<hbm>> -> memref<10000x128xf32, #tpu.memory_space<hbm>>
        tpu.enqueue_indirect_dma source(%dma_start3A_419 : memref<10000x128xf32, #tpu.memory_space<hbm>>) target(%arg17 : memref<40x128xf32, #tpu.memory_space<vmem>>) offsets(%dma_start3A_416 : memref<40xi32, #tpu.memory_space<vmem>>) semaphore(%arg23 : memref<!tpu.dma_semaphore, #tpu.memory_space<semaphore_mem>>)
        %mul3A_420 = arith.constant 5 : i32
        %mul3A_421 = arith.muli %scan3A_387, %mul3A_420 : i32
        %add3A_422 = arith.constant 1 : i32
        %add3A_423 = arith.addi %mul3A_421, %add3A_422 : i32
        %dma_wait3A_424 = arith.constant 0 : i32
        %dma_wait3A_425 = arith.constant 0 : i32
        %dma_wait3A_426 = tpu.memref_slice %arg9[%dma_wait3A_424, %dma_wait3A_425] : memref<25x40xi32, #tpu.memory_space<vmem>> -> memref<1x40xi32, #tpu.memory_space<vmem>>
        %dma_wait3A_427 = tpu.memref_squeeze %dma_wait3A_426 : memref<1x40xi32, #tpu.memory_space<vmem>> -> memref<40xi32, #tpu.memory_space<vmem>>
        %dma_wait3A_428 = arith.constant 0 : i32
        %dma_wait3A_429 = arith.constant 0 : i32
        %dma_wait3A_430 = tpu.memref_slice %arg2[%dma_wait3A_428, %dma_wait3A_429] : memref<10000x128xf32, #tpu.memory_space<hbm>> -> memref<10000x128xf32, #tpu.memory_space<hbm>>
        tpu.wait_indirect_dma semaphore(%arg20 : memref<!tpu.dma_semaphore, #tpu.memory_space<semaphore_mem>>) src(%dma_wait3A_430 : memref<10000x128xf32, #tpu.memory_space<hbm>>) dst(%arg14 : memref<40x128xf32, #tpu.memory_space<vmem>>)
        %dma_start3A_431 = arith.constant 0 : i32
        %dma_start3A_432 = tpu.memref_slice %arg12[%add3A_423, %dma_start3A_431] : memref<25x40xi32, #tpu.memory_space<vmem>> -> memref<1x40xi32, #tpu.memory_space<vmem>>
        %dma_start3A_433 = tpu.memref_squeeze %dma_start3A_432 : memref<1x40xi32, #tpu.memory_space<vmem>> -> memref<40xi32, #tpu.memory_space<vmem>>
        %dma_start3A_434 = arith.constant 0 : i32
        %dma_start3A_435 = arith.constant 0 : i32
        %dma_start3A_436 = tpu.memref_slice %arg18[%dma_start3A_434, %dma_start3A_435] : memref<10000x128xf32, #tpu.memory_space<vmem_shared>> -> memref<10000x128xf32, #tpu.memory_space<vmem_shared>>
        tpu.enqueue_indirect_dma source(%arg14 : memref<40x128xf32, #tpu.memory_space<vmem>>) target(%dma_start3A_436 : memref<10000x128xf32, #tpu.memory_space<vmem_shared>>) offsets(%dma_start3A_433 : memref<40xi32, #tpu.memory_space<vmem>>) semaphore(%arg25 : memref<!tpu.dma_semaphore, #tpu.memory_space<semaphore_mem>>) {add = true}
        %dma_wait3A_437 = arith.constant 0 : i32
        %dma_wait3A_438 = arith.constant 0 : i32
        %dma_wait3A_439 = tpu.memref_slice %arg11[%dma_wait3A_437, %dma_wait3A_438] : memref<25x40xi32, #tpu.memory_space<vmem>> -> memref<1x40xi32, #tpu.memory_space<vmem>>
        %dma_wait3A_440 = tpu.memref_squeeze %dma_wait3A_439 : memref<1x40xi32, #tpu.memory_space<vmem>> -> memref<40xi32, #tpu.memory_space<vmem>>
        %dma_wait3A_441 = arith.constant 0 : i32
        %dma_wait3A_442 = arith.constant 0 : i32
        %dma_wait3A_443 = tpu.memref_slice %arg18[%dma_wait3A_441, %dma_wait3A_442] : memref<10000x128xf32, #tpu.memory_space<vmem_shared>> -> memref<10000x128xf32, #tpu.memory_space<vmem_shared>>
        tpu.wait_indirect_dma semaphore(%arg24 : memref<!tpu.dma_semaphore, #tpu.memory_space<semaphore_mem>>) src(%arg13 : memref<40x128xf32, #tpu.memory_space<vmem>>) dst(%dma_wait3A_443 : memref<10000x128xf32, #tpu.memory_space<vmem_shared>>)
        %add3A_444 = arith.constant 4 : i32
        %add3A_445 = arith.addi %add3A_423, %add3A_444 : i32
        %dma_start3A_446 = arith.constant 0 : i32
        %dma_start3A_447 = tpu.memref_slice %arg10[%add3A_445, %dma_start3A_446] : memref<25x40xi32, #tpu.memory_space<vmem>> -> memref<1x40xi32, #tpu.memory_space<vmem>>
        %dma_start3A_448 = tpu.memref_squeeze %dma_start3A_447 : memref<1x40xi32, #tpu.memory_space<vmem>> -> memref<40xi32, #tpu.memory_space<vmem>>
        %dma_start3A_449 = arith.constant 0 : i32
        %dma_start3A_450 = arith.constant 0 : i32
        %dma_start3A_451 = tpu.memref_slice %arg2[%dma_start3A_449, %dma_start3A_450] : memref<10000x128xf32, #tpu.memory_space<hbm>> -> memref<10000x128xf32, #tpu.memory_space<hbm>>
        tpu.enqueue_indirect_dma source(%dma_start3A_451 : memref<10000x128xf32, #tpu.memory_space<hbm>>) target(%arg13 : memref<40x128xf32, #tpu.memory_space<vmem>>) offsets(%dma_start3A_448 : memref<40xi32, #tpu.memory_space<vmem>>) semaphore(%arg19 : memref<!tpu.dma_semaphore, #tpu.memory_space<semaphore_mem>>)
        %mul3A_452 = arith.constant 5 : i32
        %mul3A_453 = arith.muli %scan3A_387, %mul3A_452 : i32
        %add3A_454 = arith.constant 2 : i32
        %add3A_455 = arith.addi %mul3A_453, %add3A_454 : i32
        %dma_wait3A_456 = arith.constant 0 : i32
        %dma_wait3A_457 = arith.constant 0 : i32
        %dma_wait3A_458 = tpu.memref_slice %arg9[%dma_wait3A_456, %dma_wait3A_457] : memref<25x40xi32, #tpu.memory_space<vmem>> -> memref<1x40xi32, #tpu.memory_space<vmem>>
        %dma_wait3A_459 = tpu.memref_squeeze %dma_wait3A_458 : memref<1x40xi32, #tpu.memory_space<vmem>> -> memref<40xi32, #tpu.memory_space<vmem>>
        %dma_wait3A_460 = arith.constant 0 : i32
        %dma_wait3A_461 = arith.constant 0 : i32
        %dma_wait3A_462 = tpu.memref_slice %arg2[%dma_wait3A_460, %dma_wait3A_461] : memref<10000x128xf32, #tpu.memory_space<hbm>> -> memref<10000x128xf32, #tpu.memory_space<hbm>>
        tpu.wait_indirect_dma semaphore(%arg21 : memref<!tpu.dma_semaphore, #tpu.memory_space<semaphore_mem>>) src(%dma_wait3A_462 : memref<10000x128xf32, #tpu.memory_space<hbm>>) dst(%arg15 : memref<40x128xf32, #tpu.memory_space<vmem>>)
        %dma_start3A_463 = arith.constant 0 : i32
        %dma_start3A_464 = tpu.memref_slice %arg12[%add3A_455, %dma_start3A_463] : memref<25x40xi32, #tpu.memory_space<vmem>> -> memref<1x40xi32, #tpu.memory_space<vmem>>
        %dma_start3A_465 = tpu.memref_squeeze %dma_start3A_464 : memref<1x40xi32, #tpu.memory_space<vmem>> -> memref<40xi32, #tpu.memory_space<vmem>>
        %dma_start3A_466 = arith.constant 0 : i32
        %dma_start3A_467 = arith.constant 0 : i32
        %dma_start3A_468 = tpu.memref_slice %arg18[%dma_start3A_466, %dma_start3A_467] : memref<10000x128xf32, #tpu.memory_space<vmem_shared>> -> memref<10000x128xf32, #tpu.memory_space<vmem_shared>>
        tpu.enqueue_indirect_dma source(%arg15 : memref<40x128xf32, #tpu.memory_space<vmem>>) target(%dma_start3A_468 : memref<10000x128xf32, #tpu.memory_space<vmem_shared>>) offsets(%dma_start3A_465 : memref<40xi32, #tpu.memory_space<vmem>>) semaphore(%arg26 : memref<!tpu.dma_semaphore, #tpu.memory_space<semaphore_mem>>) {add = true}
        %dma_wait3A_469 = arith.constant 0 : i32
        %dma_wait3A_470 = arith.constant 0 : i32
        %dma_wait3A_471 = tpu.memref_slice %arg11[%dma_wait3A_469, %dma_wait3A_470] : memref<25x40xi32, #tpu.memory_space<vmem>> -> memref<1x40xi32, #tpu.memory_space<vmem>>
        %dma_wait3A_472 = tpu.memref_squeeze %dma_wait3A_471 : memref<1x40xi32, #tpu.memory_space<vmem>> -> memref<40xi32, #tpu.memory_space<vmem>>
        %dma_wait3A_473 = arith.constant 0 : i32
        %dma_wait3A_474 = arith.constant 0 : i32
        %dma_wait3A_475 = tpu.memref_slice %arg18[%dma_wait3A_473, %dma_wait3A_474] : memref<10000x128xf32, #tpu.memory_space<vmem_shared>> -> memref<10000x128xf32, #tpu.memory_space<vmem_shared>>
        tpu.wait_indirect_dma semaphore(%arg25 : memref<!tpu.dma_semaphore, #tpu.memory_space<semaphore_mem>>) src(%arg14 : memref<40x128xf32, #tpu.memory_space<vmem>>) dst(%dma_wait3A_475 : memref<10000x128xf32, #tpu.memory_space<vmem_shared>>)
        %add3A_476 = arith.constant 4 : i32
        %add3A_477 = arith.addi %add3A_455, %add3A_476 : i32
        %dma_start3A_478 = arith.constant 0 : i32
        %dma_start3A_479 = tpu.memref_slice %arg10[%add3A_477, %dma_start3A_478] : memref<25x40xi32, #tpu.memory_space<vmem>> -> memref<1x40xi32, #tpu.memory_space<vmem>>
        %dma_start3A_480 = tpu.memref_squeeze %dma_start3A_479 : memref<1x40xi32, #tpu.memory_space<vmem>> -> memref<40xi32, #tpu.memory_space<vmem>>
        %dma_start3A_481 = arith.constant 0 : i32
        %dma_start3A_482 = arith.constant 0 : i32
        %dma_start3A_483 = tpu.memref_slice %arg2[%dma_start3A_481, %dma_start3A_482] : memref<10000x128xf32, #tpu.memory_space<hbm>> -> memref<10000x128xf32, #tpu.memory_space<hbm>>
        tpu.enqueue_indirect_dma source(%dma_start3A_483 : memref<10000x128xf32, #tpu.memory_space<hbm>>) target(%arg14 : memref<40x128xf32, #tpu.memory_space<vmem>>) offsets(%dma_start3A_480 : memref<40xi32, #tpu.memory_space<vmem>>) semaphore(%arg20 : memref<!tpu.dma_semaphore, #tpu.memory_space<semaphore_mem>>)
        %mul3A_484 = arith.constant 5 : i32
        %mul3A_485 = arith.muli %scan3A_387, %mul3A_484 : i32
        %add3A_486 = arith.constant 3 : i32
        %add3A_487 = arith.addi %mul3A_485, %add3A_486 : i32
        %dma_wait3A_488 = arith.constant 0 : i32
        %dma_wait3A_489 = arith.constant 0 : i32
        %dma_wait3A_490 = tpu.memref_slice %arg9[%dma_wait3A_488, %dma_wait3A_489] : memref<25x40xi32, #tpu.memory_space<vmem>> -> memref<1x40xi32, #tpu.memory_space<vmem>>
        %dma_wait3A_491 = tpu.memref_squeeze %dma_wait3A_490 : memref<1x40xi32, #tpu.memory_space<vmem>> -> memref<40xi32, #tpu.memory_space<vmem>>
        %dma_wait3A_492 = arith.constant 0 : i32
        %dma_wait3A_493 = arith.constant 0 : i32
        %dma_wait3A_494 = tpu.memref_slice %arg2[%dma_wait3A_492, %dma_wait3A_493] : memref<10000x128xf32, #tpu.memory_space<hbm>> -> memref<10000x128xf32, #tpu.memory_space<hbm>>
        tpu.wait_indirect_dma semaphore(%arg22 : memref<!tpu.dma_semaphore, #tpu.memory_space<semaphore_mem>>) src(%dma_wait3A_494 : memref<10000x128xf32, #tpu.memory_space<hbm>>) dst(%arg16 : memref<40x128xf32, #tpu.memory_space<vmem>>)
        %dma_start3A_495 = arith.constant 0 : i32
        %dma_start3A_496 = tpu.memref_slice %arg12[%add3A_487, %dma_start3A_495] : memref<25x40xi32, #tpu.memory_space<vmem>> -> memref<1x40xi32, #tpu.memory_space<vmem>>
        %dma_start3A_497 = tpu.memref_squeeze %dma_start3A_496 : memref<1x40xi32, #tpu.memory_space<vmem>> -> memref<40xi32, #tpu.memory_space<vmem>>
        %dma_start3A_498 = arith.constant 0 : i32
        %dma_start3A_499 = arith.constant 0 : i32
        %dma_start3A_500 = tpu.memref_slice %arg18[%dma_start3A_498, %dma_start3A_499] : memref<10000x128xf32, #tpu.memory_space<vmem_shared>> -> memref<10000x128xf32, #tpu.memory_space<vmem_shared>>
        tpu.enqueue_indirect_dma source(%arg16 : memref<40x128xf32, #tpu.memory_space<vmem>>) target(%dma_start3A_500 : memref<10000x128xf32, #tpu.memory_space<vmem_shared>>) offsets(%dma_start3A_497 : memref<40xi32, #tpu.memory_space<vmem>>) semaphore(%arg27 : memref<!tpu.dma_semaphore, #tpu.memory_space<semaphore_mem>>) {add = true}
        %dma_wait3A_501 = arith.constant 0 : i32
        %dma_wait3A_502 = arith.constant 0 : i32
        %dma_wait3A_503 = tpu.memref_slice %arg11[%dma_wait3A_501, %dma_wait3A_502] : memref<25x40xi32, #tpu.memory_space<vmem>> -> memref<1x40xi32, #tpu.memory_space<vmem>>
        %dma_wait3A_504 = tpu.memref_squeeze %dma_wait3A_503 : memref<1x40xi32, #tpu.memory_space<vmem>> -> memref<40xi32, #tpu.memory_space<vmem>>
        %dma_wait3A_505 = arith.constant 0 : i32
        %dma_wait3A_506 = arith.constant 0 : i32
        %dma_wait3A_507 = tpu.memref_slice %arg18[%dma_wait3A_505, %dma_wait3A_506] : memref<10000x128xf32, #tpu.memory_space<vmem_shared>> -> memref<10000x128xf32, #tpu.memory_space<vmem_shared>>
        tpu.wait_indirect_dma semaphore(%arg26 : memref<!tpu.dma_semaphore, #tpu.memory_space<semaphore_mem>>) src(%arg15 : memref<40x128xf32, #tpu.memory_space<vmem>>) dst(%dma_wait3A_507 : memref<10000x128xf32, #tpu.memory_space<vmem_shared>>)
        %add3A_508 = arith.constant 4 : i32
        %add3A_509 = arith.addi %add3A_487, %add3A_508 : i32
        %dma_start3A_510 = arith.constant 0 : i32
        %dma_start3A_511 = tpu.memref_slice %arg10[%add3A_509, %dma_start3A_510] : memref<25x40xi32, #tpu.memory_space<vmem>> -> memref<1x40xi32, #tpu.memory_space<vmem>>
        %dma_start3A_512 = tpu.memref_squeeze %dma_start3A_511 : memref<1x40xi32, #tpu.memory_space<vmem>> -> memref<40xi32, #tpu.memory_space<vmem>>
        %dma_start3A_513 = arith.constant 0 : i32
        %dma_start3A_514 = arith.constant 0 : i32
        %dma_start3A_515 = tpu.memref_slice %arg2[%dma_start3A_513, %dma_start3A_514] : memref<10000x128xf32, #tpu.memory_space<hbm>> -> memref<10000x128xf32, #tpu.memory_space<hbm>>
        tpu.enqueue_indirect_dma source(%dma_start3A_515 : memref<10000x128xf32, #tpu.memory_space<hbm>>) target(%arg15 : memref<40x128xf32, #tpu.memory_space<vmem>>) offsets(%dma_start3A_512 : memref<40xi32, #tpu.memory_space<vmem>>) semaphore(%arg21 : memref<!tpu.dma_semaphore, #tpu.memory_space<semaphore_mem>>)
        %mul3A_516 = arith.constant 5 : i32
        %mul3A_517 = arith.muli %scan3A_387, %mul3A_516 : i32
        %add3A_518 = arith.constant 4 : i32
        %add3A_519 = arith.addi %mul3A_517, %add3A_518 : i32
        %dma_wait3A_520 = arith.constant 0 : i32
        %dma_wait3A_521 = arith.constant 0 : i32
        %dma_wait3A_522 = tpu.memref_slice %arg9[%dma_wait3A_520, %dma_wait3A_521] : memref<25x40xi32, #tpu.memory_space<vmem>> -> memref<1x40xi32, #tpu.memory_space<vmem>>
        %dma_wait3A_523 = tpu.memref_squeeze %dma_wait3A_522 : memref<1x40xi32, #tpu.memory_space<vmem>> -> memref<40xi32, #tpu.memory_space<vmem>>
        %dma_wait3A_524 = arith.constant 0 : i32
        %dma_wait3A_525 = arith.constant 0 : i32
        %dma_wait3A_526 = tpu.memref_slice %arg2[%dma_wait3A_524, %dma_wait3A_525] : memref<10000x128xf32, #tpu.memory_space<hbm>> -> memref<10000x128xf32, #tpu.memory_space<hbm>>
        tpu.wait_indirect_dma semaphore(%arg23 : memref<!tpu.dma_semaphore, #tpu.memory_space<semaphore_mem>>) src(%dma_wait3A_526 : memref<10000x128xf32, #tpu.memory_space<hbm>>) dst(%arg17 : memref<40x128xf32, #tpu.memory_space<vmem>>)
        %dma_start3A_527 = arith.constant 0 : i32
        %dma_start3A_528 = tpu.memref_slice %arg12[%add3A_519, %dma_start3A_527] : memref<25x40xi32, #tpu.memory_space<vmem>> -> memref<1x40xi32, #tpu.memory_space<vmem>>
        %dma_start3A_529 = tpu.memref_squeeze %dma_start3A_528 : memref<1x40xi32, #tpu.memory_space<vmem>> -> memref<40xi32, #tpu.memory_space<vmem>>
        %dma_start3A_530 = arith.constant 0 : i32
        %dma_start3A_531 = arith.constant 0 : i32
        %dma_start3A_532 = tpu.memref_slice %arg18[%dma_start3A_530, %dma_start3A_531] : memref<10000x128xf32, #tpu.memory_space<vmem_shared>> -> memref<10000x128xf32, #tpu.memory_space<vmem_shared>>
        tpu.enqueue_indirect_dma source(%arg17 : memref<40x128xf32, #tpu.memory_space<vmem>>) target(%dma_start3A_532 : memref<10000x128xf32, #tpu.memory_space<vmem_shared>>) offsets(%dma_start3A_529 : memref<40xi32, #tpu.memory_space<vmem>>) semaphore(%arg28 : memref<!tpu.dma_semaphore, #tpu.memory_space<semaphore_mem>>) {add = true}
        %dma_wait3A_533 = arith.constant 0 : i32
        %dma_wait3A_534 = arith.constant 0 : i32
        %dma_wait3A_535 = tpu.memref_slice %arg11[%dma_wait3A_533, %dma_wait3A_534] : memref<25x40xi32, #tpu.memory_space<vmem>> -> memref<1x40xi32, #tpu.memory_space<vmem>>
        %dma_wait3A_536 = tpu.memref_squeeze %dma_wait3A_535 : memref<1x40xi32, #tpu.memory_space<vmem>> -> memref<40xi32, #tpu.memory_space<vmem>>
        %dma_wait3A_537 = arith.constant 0 : i32
        %dma_wait3A_538 = arith.constant 0 : i32
        %dma_wait3A_539 = tpu.memref_slice %arg18[%dma_wait3A_537, %dma_wait3A_538] : memref<10000x128xf32, #tpu.memory_space<vmem_shared>> -> memref<10000x128xf32, #tpu.memory_space<vmem_shared>>
        tpu.wait_indirect_dma semaphore(%arg27 : memref<!tpu.dma_semaphore, #tpu.memory_space<semaphore_mem>>) src(%arg16 : memref<40x128xf32, #tpu.memory_space<vmem>>) dst(%dma_wait3A_539 : memref<10000x128xf32, #tpu.memory_space<vmem_shared>>)
        %add3A_540 = arith.constant 4 : i32
        %add3A_541 = arith.addi %add3A_519, %add3A_540 : i32
        %dma_start3A_542 = arith.constant 0 : i32
        %dma_start3A_543 = tpu.memref_slice %arg10[%add3A_541, %dma_start3A_542] : memref<25x40xi32, #tpu.memory_space<vmem>> -> memref<1x40xi32, #tpu.memory_space<vmem>>
        %dma_start3A_544 = tpu.memref_squeeze %dma_start3A_543 : memref<1x40xi32, #tpu.memory_space<vmem>> -> memref<40xi32, #tpu.memory_space<vmem>>
        %dma_start3A_545 = arith.constant 0 : i32
        %dma_start3A_546 = arith.constant 0 : i32
        %dma_start3A_547 = tpu.memref_slice %arg2[%dma_start3A_545, %dma_start3A_546] : memref<10000x128xf32, #tpu.memory_space<hbm>> -> memref<10000x128xf32, #tpu.memory_space<hbm>>
        tpu.enqueue_indirect_dma source(%dma_start3A_547 : memref<10000x128xf32, #tpu.memory_space<hbm>>) target(%arg16 : memref<40x128xf32, #tpu.memory_space<vmem>>) offsets(%dma_start3A_544 : memref<40xi32, #tpu.memory_space<vmem>>) semaphore(%arg22 : memref<!tpu.dma_semaphore, #tpu.memory_space<semaphore_mem>>)
      }
      %scan3A_259 = arith.constant 4 : i32
      %dma_wait3A_260 = arith.constant 0 : i32
      %dma_wait3A_261 = arith.constant 0 : i32
      %dma_wait3A_262 = tpu.memref_slice %arg9[%dma_wait3A_260, %dma_wait3A_261] : memref<25x40xi32, #tpu.memory_space<vmem>> -> memref<1x40xi32, #tpu.memory_space<vmem>>
      %dma_wait3A_263 = tpu.memref_squeeze %dma_wait3A_262 : memref<1x40xi32, #tpu.memory_space<vmem>> -> memref<40xi32, #tpu.memory_space<vmem>>
      %dma_wait3A_264 = arith.constant 0 : i32
      %dma_wait3A_265 = arith.constant 0 : i32
      %dma_wait3A_266 = tpu.memref_slice %arg2[%dma_wait3A_264, %dma_wait3A_265] : memref<10000x128xf32, #tpu.memory_space<hbm>> -> memref<10000x128xf32, #tpu.memory_space<hbm>>
      tpu.wait_indirect_dma semaphore(%arg19 : memref<!tpu.dma_semaphore, #tpu.memory_space<semaphore_mem>>) src(%dma_wait3A_266 : memref<10000x128xf32, #tpu.memory_space<hbm>>) dst(%arg13 : memref<40x128xf32, #tpu.memory_space<vmem>>)
      %dma_start3A_267 = arith.constant 20 : i32
      %dma_start3A_268 = arith.constant 0 : i32
      %dma_start3A_269 = tpu.memref_slice %arg12[%dma_start3A_267, %dma_start3A_268] : memref<25x40xi32, #tpu.memory_space<vmem>> -> memref<1x40xi32, #tpu.memory_space<vmem>>
      %dma_start3A_270 = tpu.memref_squeeze %dma_start3A_269 : memref<1x40xi32, #tpu.memory_space<vmem>> -> memref<40xi32, #tpu.memory_space<vmem>>
      %dma_start3A_271 = arith.constant 0 : i32
      %dma_start3A_272 = arith.constant 0 : i32
      %dma_start3A_273 = tpu.memref_slice %arg18[%dma_start3A_271, %dma_start3A_272] : memref<10000x128xf32, #tpu.memory_space<vmem_shared>> -> memref<10000x128xf32, #tpu.memory_space<vmem_shared>>
      tpu.enqueue_indirect_dma source(%arg13 : memref<40x128xf32, #tpu.memory_space<vmem>>) target(%dma_start3A_273 : memref<10000x128xf32, #tpu.memory_space<vmem_shared>>) offsets(%dma_start3A_270 : memref<40xi32, #tpu.memory_space<vmem>>) semaphore(%arg24 : memref<!tpu.dma_semaphore, #tpu.memory_space<semaphore_mem>>) {add = true}
      %dma_wait3A_274 = arith.constant 0 : i32
      %dma_wait3A_275 = arith.constant 0 : i32
      %dma_wait3A_276 = tpu.memref_slice %arg11[%dma_wait3A_274, %dma_wait3A_275] : memref<25x40xi32, #tpu.memory_space<vmem>> -> memref<1x40xi32, #tpu.memory_space<vmem>>
      %dma_wait3A_277 = tpu.memref_squeeze %dma_wait3A_276 : memref<1x40xi32, #tpu.memory_space<vmem>> -> memref<40xi32, #tpu.memory_space<vmem>>
      %dma_wait3A_278 = arith.constant 0 : i32
      %dma_wait3A_279 = arith.constant 0 : i32
      %dma_wait3A_280 = tpu.memref_slice %arg18[%dma_wait3A_278, %dma_wait3A_279] : memref<10000x128xf32, #tpu.memory_space<vmem_shared>> -> memref<10000x128xf32, #tpu.memory_space<vmem_shared>>
      tpu.wait_indirect_dma semaphore(%arg28 : memref<!tpu.dma_semaphore, #tpu.memory_space<semaphore_mem>>) src(%arg17 : memref<40x128xf32, #tpu.memory_space<vmem>>) dst(%dma_wait3A_280 : memref<10000x128xf32, #tpu.memory_space<vmem_shared>>)
      %dma_start3A_281 = arith.constant 24 : i32
      %dma_start3A_282 = arith.constant 0 : i32
      %dma_start3A_283 = tpu.memref_slice %arg10[%dma_start3A_281, %dma_start3A_282] : memref<25x40xi32, #tpu.memory_space<vmem>> -> memref<1x40xi32, #tpu.memory_space<vmem>>
      %dma_start3A_284 = tpu.memref_squeeze %dma_start3A_283 : memref<1x40xi32, #tpu.memory_space<vmem>> -> memref<40xi32, #tpu.memory_space<vmem>>
      %dma_start3A_285 = arith.constant 0 : i32
      %dma_start3A_286 = arith.constant 0 : i32
      %dma_start3A_287 = tpu.memref_slice %arg2[%dma_start3A_285, %dma_start3A_286] : memref<10000x128xf32, #tpu.memory_space<hbm>> -> memref<10000x128xf32, #tpu.memory_space<hbm>>
      tpu.enqueue_indirect_dma source(%dma_start3A_287 : memref<10000x128xf32, #tpu.memory_space<hbm>>) target(%arg17 : memref<40x128xf32, #tpu.memory_space<vmem>>) offsets(%dma_start3A_284 : memref<40xi32, #tpu.memory_space<vmem>>) semaphore(%arg23 : memref<!tpu.dma_semaphore, #tpu.memory_space<semaphore_mem>>)
      %dma_wait3A_288 = arith.constant 0 : i32
      %dma_wait3A_289 = arith.constant 0 : i32
      %dma_wait3A_290 = tpu.memref_slice %arg9[%dma_wait3A_288, %dma_wait3A_289] : memref<25x40xi32, #tpu.memory_space<vmem>> -> memref<1x40xi32, #tpu.memory_space<vmem>>
      %dma_wait3A_291 = tpu.memref_squeeze %dma_wait3A_290 : memref<1x40xi32, #tpu.memory_space<vmem>> -> memref<40xi32, #tpu.memory_space<vmem>>
      %dma_wait3A_292 = arith.constant 0 : i32
      %dma_wait3A_293 = arith.constant 0 : i32
      %dma_wait3A_294 = tpu.memref_slice %arg2[%dma_wait3A_292, %dma_wait3A_293] : memref<10000x128xf32, #tpu.memory_space<hbm>> -> memref<10000x128xf32, #tpu.memory_space<hbm>>
      tpu.wait_indirect_dma semaphore(%arg20 : memref<!tpu.dma_semaphore, #tpu.memory_space<semaphore_mem>>) src(%dma_wait3A_294 : memref<10000x128xf32, #tpu.memory_space<hbm>>) dst(%arg14 : memref<40x128xf32, #tpu.memory_space<vmem>>)
      %dma_start3A_295 = arith.constant 21 : i32
      %dma_start3A_296 = arith.constant 0 : i32
      %dma_start3A_297 = tpu.memref_slice %arg12[%dma_start3A_295, %dma_start3A_296] : memref<25x40xi32, #tpu.memory_space<vmem>> -> memref<1x40xi32, #tpu.memory_space<vmem>>
      %dma_start3A_298 = tpu.memref_squeeze %dma_start3A_297 : memref<1x40xi32, #tpu.memory_space<vmem>> -> memref<40xi32, #tpu.memory_space<vmem>>
      %dma_start3A_299 = arith.constant 0 : i32
      %dma_start3A_300 = arith.constant 0 : i32
      %dma_start3A_301 = tpu.memref_slice %arg18[%dma_start3A_299, %dma_start3A_300] : memref<10000x128xf32, #tpu.memory_space<vmem_shared>> -> memref<10000x128xf32, #tpu.memory_space<vmem_shared>>
      tpu.enqueue_indirect_dma source(%arg14 : memref<40x128xf32, #tpu.memory_space<vmem>>) target(%dma_start3A_301 : memref<10000x128xf32, #tpu.memory_space<vmem_shared>>) offsets(%dma_start3A_298 : memref<40xi32, #tpu.memory_space<vmem>>) semaphore(%arg25 : memref<!tpu.dma_semaphore, #tpu.memory_space<semaphore_mem>>) {add = true}
      %dma_wait3A_302 = arith.constant 0 : i32
      %dma_wait3A_303 = arith.constant 0 : i32
      %dma_wait3A_304 = tpu.memref_slice %arg11[%dma_wait3A_302, %dma_wait3A_303] : memref<25x40xi32, #tpu.memory_space<vmem>> -> memref<1x40xi32, #tpu.memory_space<vmem>>
      %dma_wait3A_305 = tpu.memref_squeeze %dma_wait3A_304 : memref<1x40xi32, #tpu.memory_space<vmem>> -> memref<40xi32, #tpu.memory_space<vmem>>
      %dma_wait3A_306 = arith.constant 0 : i32
      %dma_wait3A_307 = arith.constant 0 : i32
      %dma_wait3A_308 = tpu.memref_slice %arg18[%dma_wait3A_306, %dma_wait3A_307] : memref<10000x128xf32, #tpu.memory_space<vmem_shared>> -> memref<10000x128xf32, #tpu.memory_space<vmem_shared>>
      tpu.wait_indirect_dma semaphore(%arg24 : memref<!tpu.dma_semaphore, #tpu.memory_space<semaphore_mem>>) src(%arg13 : memref<40x128xf32, #tpu.memory_space<vmem>>) dst(%dma_wait3A_308 : memref<10000x128xf32, #tpu.memory_space<vmem_shared>>)
      %convert_element_type3A_309 = arith.extui %lt3A_250 : i1 to i32
      %cond3A_310 = arith.constant 0 : i32
      %cond3A_311 = arith.cmpi ne, %convert_element_type3A_309, %cond3A_310 : i32
      scf.if %cond3A_311 {
        %dma_wait3A_387 = arith.constant 0 : i32
        %dma_wait3A_388 = arith.constant 0 : i32
        %dma_wait3A_389 = arith.constant 0 : i32
        %dma_wait3A_390 = tpu.memref_slice %arg3[%add3A, %dma_wait3A_387, %dma_wait3A_388, %dma_wait3A_389] : memref<32x10x25x40xi32, #tpu.memory_space<hbm>> -> memref<1x1x25x40xi32, #tpu.memory_space<hbm>>
        %dma_wait3A_391 = tpu.memref_squeeze %dma_wait3A_390 : memref<1x1x25x40xi32, #tpu.memory_space<hbm>> -> memref<25x40xi32, #tpu.memory_space<hbm>>
        %dma_wait3A_392 = arith.constant 0 : i32
        %dma_wait3A_393 = arith.constant 0 : i32
        %dma_wait3A_394 = tpu.memref_slice %arg3[%add3A, %dma_wait3A_387, %dma_wait3A_392, %dma_wait3A_393] : memref<32x10x25x40xi32, #tpu.memory_space<hbm>> -> memref<1x1x25x40xi32, #tpu.memory_space<hbm>>
        %dma_wait3A_395 = tpu.memref_squeeze %dma_wait3A_394 : memref<1x1x25x40xi32, #tpu.memory_space<hbm>> -> memref<25x40xi32, #tpu.memory_space<hbm>>
        tpu.wait_dma2 semaphore(%arg29 : memref<!tpu.dma_semaphore, #tpu.memory_space<semaphore_mem>>) src(%dma_wait3A_395 : memref<25x40xi32, #tpu.memory_space<hbm>>) dst(%arg9 : memref<25x40xi32, #tpu.memory_space<vmem>>)
        %dma_wait3A_396 = arith.constant 0 : i32
        %dma_wait3A_397 = arith.constant 0 : i32
        %dma_wait3A_398 = arith.constant 0 : i32
        %dma_wait3A_399 = tpu.memref_slice %arg4[%add3A, %dma_wait3A_396, %dma_wait3A_397, %dma_wait3A_398] : memref<32x10x25x40xi32, #tpu.memory_space<hbm>> -> memref<1x1x25x40xi32, #tpu.memory_space<hbm>>
        %dma_wait3A_400 = tpu.memref_squeeze %dma_wait3A_399 : memref<1x1x25x40xi32, #tpu.memory_space<hbm>> -> memref<25x40xi32, #tpu.memory_space<hbm>>
        %dma_wait3A_401 = arith.constant 0 : i32
        %dma_wait3A_402 = arith.constant 0 : i32
        %dma_wait3A_403 = tpu.memref_slice %arg4[%add3A, %dma_wait3A_396, %dma_wait3A_401, %dma_wait3A_402] : memref<32x10x25x40xi32, #tpu.memory_space<hbm>> -> memref<1x1x25x40xi32, #tpu.memory_space<hbm>>
        %dma_wait3A_404 = tpu.memref_squeeze %dma_wait3A_403 : memref<1x1x25x40xi32, #tpu.memory_space<hbm>> -> memref<25x40xi32, #tpu.memory_space<hbm>>
        tpu.wait_dma2 semaphore(%arg29 : memref<!tpu.dma_semaphore, #tpu.memory_space<semaphore_mem>>) src(%dma_wait3A_404 : memref<25x40xi32, #tpu.memory_space<hbm>>) dst(%arg11 : memref<25x40xi32, #tpu.memory_space<vmem>>)
      } else {
      }
      %convert_element_type3A_312 = arith.extui %lt3A_250 : i1 to i32
      %cond3A_313 = arith.constant 0 : i32
      %cond3A_314 = arith.cmpi ne, %convert_element_type3A_312, %cond3A_313 : i32
      scf.if %cond3A_314 {
        %dma_start3A_387 = arith.constant 0 : i32
        %dma_start3A_388 = arith.constant 0 : i32
        %dma_start3A_389 = tpu.memref_slice %arg9[%dma_start3A_387, %dma_start3A_388] : memref<25x40xi32, #tpu.memory_space<vmem>> -> memref<1x40xi32, #tpu.memory_space<vmem>>
        %dma_start3A_390 = tpu.memref_squeeze %dma_start3A_389 : memref<1x40xi32, #tpu.memory_space<vmem>> -> memref<40xi32, #tpu.memory_space<vmem>>
        %dma_start3A_391 = arith.constant 0 : i32
        %dma_start3A_392 = arith.constant 0 : i32
        %dma_start3A_393 = tpu.memref_slice %arg2[%dma_start3A_391, %dma_start3A_392] : memref<10000x128xf32, #tpu.memory_space<hbm>> -> memref<10000x128xf32, #tpu.memory_space<hbm>>
        tpu.enqueue_indirect_dma source(%dma_start3A_393 : memref<10000x128xf32, #tpu.memory_space<hbm>>) target(%arg13 : memref<40x128xf32, #tpu.memory_space<vmem>>) offsets(%dma_start3A_390 : memref<40xi32, #tpu.memory_space<vmem>>) semaphore(%arg19 : memref<!tpu.dma_semaphore, #tpu.memory_space<semaphore_mem>>)
      } else {
      }
      %dma_wait3A_315 = arith.constant 0 : i32
      %dma_wait3A_316 = arith.constant 0 : i32
      %dma_wait3A_317 = tpu.memref_slice %arg9[%dma_wait3A_315, %dma_wait3A_316] : memref<25x40xi32, #tpu.memory_space<vmem>> -> memref<1x40xi32, #tpu.memory_space<vmem>>
      %dma_wait3A_318 = tpu.memref_squeeze %dma_wait3A_317 : memref<1x40xi32, #tpu.memory_space<vmem>> -> memref<40xi32, #tpu.memory_space<vmem>>
      %dma_wait3A_319 = arith.constant 0 : i32
      %dma_wait3A_320 = arith.constant 0 : i32
      %dma_wait3A_321 = tpu.memref_slice %arg2[%dma_wait3A_319, %dma_wait3A_320] : memref<10000x128xf32, #tpu.memory_space<hbm>> -> memref<10000x128xf32, #tpu.memory_space<hbm>>
      tpu.wait_indirect_dma semaphore(%arg21 : memref<!tpu.dma_semaphore, #tpu.memory_space<semaphore_mem>>) src(%dma_wait3A_321 : memref<10000x128xf32, #tpu.memory_space<hbm>>) dst(%arg15 : memref<40x128xf32, #tpu.memory_space<vmem>>)
      %dma_start3A_322 = arith.constant 22 : i32
      %dma_start3A_323 = arith.constant 0 : i32
      %dma_start3A_324 = tpu.memref_slice %arg12[%dma_start3A_322, %dma_start3A_323] : memref<25x40xi32, #tpu.memory_space<vmem>> -> memref<1x40xi32, #tpu.memory_space<vmem>>
      %dma_start3A_325 = tpu.memref_squeeze %dma_start3A_324 : memref<1x40xi32, #tpu.memory_space<vmem>> -> memref<40xi32, #tpu.memory_space<vmem>>
      %dma_start3A_326 = arith.constant 0 : i32
      %dma_start3A_327 = arith.constant 0 : i32
      %dma_start3A_328 = tpu.memref_slice %arg18[%dma_start3A_326, %dma_start3A_327] : memref<10000x128xf32, #tpu.memory_space<vmem_shared>> -> memref<10000x128xf32, #tpu.memory_space<vmem_shared>>
      tpu.enqueue_indirect_dma source(%arg15 : memref<40x128xf32, #tpu.memory_space<vmem>>) target(%dma_start3A_328 : memref<10000x128xf32, #tpu.memory_space<vmem_shared>>) offsets(%dma_start3A_325 : memref<40xi32, #tpu.memory_space<vmem>>) semaphore(%arg26 : memref<!tpu.dma_semaphore, #tpu.memory_space<semaphore_mem>>) {add = true}
      %dma_wait3A_329 = arith.constant 0 : i32
      %dma_wait3A_330 = arith.constant 0 : i32
      %dma_wait3A_331 = tpu.memref_slice %arg11[%dma_wait3A_329, %dma_wait3A_330] : memref<25x40xi32, #tpu.memory_space<vmem>> -> memref<1x40xi32, #tpu.memory_space<vmem>>
      %dma_wait3A_332 = tpu.memref_squeeze %dma_wait3A_331 : memref<1x40xi32, #tpu.memory_space<vmem>> -> memref<40xi32, #tpu.memory_space<vmem>>
      %dma_wait3A_333 = arith.constant 0 : i32
      %dma_wait3A_334 = arith.constant 0 : i32
      %dma_wait3A_335 = tpu.memref_slice %arg18[%dma_wait3A_333, %dma_wait3A_334] : memref<10000x128xf32, #tpu.memory_space<vmem_shared>> -> memref<10000x128xf32, #tpu.memory_space<vmem_shared>>
      tpu.wait_indirect_dma semaphore(%arg25 : memref<!tpu.dma_semaphore, #tpu.memory_space<semaphore_mem>>) src(%arg14 : memref<40x128xf32, #tpu.memory_space<vmem>>) dst(%dma_wait3A_335 : memref<10000x128xf32, #tpu.memory_space<vmem_shared>>)
      %convert_element_type3A_336 = arith.extui %lt3A_250 : i1 to i32
      %cond3A_337 = arith.constant 0 : i32
      %cond3A_338 = arith.cmpi ne, %convert_element_type3A_336, %cond3A_337 : i32
      scf.if %cond3A_338 {
        %dma_start3A_387 = arith.constant 1 : i32
        %dma_start3A_388 = arith.constant 0 : i32
        %dma_start3A_389 = tpu.memref_slice %arg9[%dma_start3A_387, %dma_start3A_388] : memref<25x40xi32, #tpu.memory_space<vmem>> -> memref<1x40xi32, #tpu.memory_space<vmem>>
        %dma_start3A_390 = tpu.memref_squeeze %dma_start3A_389 : memref<1x40xi32, #tpu.memory_space<vmem>> -> memref<40xi32, #tpu.memory_space<vmem>>
        %dma_start3A_391 = arith.constant 0 : i32
        %dma_start3A_392 = arith.constant 0 : i32
        %dma_start3A_393 = tpu.memref_slice %arg2[%dma_start3A_391, %dma_start3A_392] : memref<10000x128xf32, #tpu.memory_space<hbm>> -> memref<10000x128xf32, #tpu.memory_space<hbm>>
        tpu.enqueue_indirect_dma source(%dma_start3A_393 : memref<10000x128xf32, #tpu.memory_space<hbm>>) target(%arg14 : memref<40x128xf32, #tpu.memory_space<vmem>>) offsets(%dma_start3A_390 : memref<40xi32, #tpu.memory_space<vmem>>) semaphore(%arg20 : memref<!tpu.dma_semaphore, #tpu.memory_space<semaphore_mem>>)
      } else {
      }
      %dma_wait3A_339 = arith.constant 0 : i32
      %dma_wait3A_340 = arith.constant 0 : i32
      %dma_wait3A_341 = tpu.memref_slice %arg9[%dma_wait3A_339, %dma_wait3A_340] : memref<25x40xi32, #tpu.memory_space<vmem>> -> memref<1x40xi32, #tpu.memory_space<vmem>>
      %dma_wait3A_342 = tpu.memref_squeeze %dma_wait3A_341 : memref<1x40xi32, #tpu.memory_space<vmem>> -> memref<40xi32, #tpu.memory_space<vmem>>
      %dma_wait3A_343 = arith.constant 0 : i32
      %dma_wait3A_344 = arith.constant 0 : i32
      %dma_wait3A_345 = tpu.memref_slice %arg2[%dma_wait3A_343, %dma_wait3A_344] : memref<10000x128xf32, #tpu.memory_space<hbm>> -> memref<10000x128xf32, #tpu.memory_space<hbm>>
      tpu.wait_indirect_dma semaphore(%arg22 : memref<!tpu.dma_semaphore, #tpu.memory_space<semaphore_mem>>) src(%dma_wait3A_345 : memref<10000x128xf32, #tpu.memory_space<hbm>>) dst(%arg16 : memref<40x128xf32, #tpu.memory_space<vmem>>)
      %dma_start3A_346 = arith.constant 23 : i32
      %dma_start3A_347 = arith.constant 0 : i32
      %dma_start3A_348 = tpu.memref_slice %arg12[%dma_start3A_346, %dma_start3A_347] : memref<25x40xi32, #tpu.memory_space<vmem>> -> memref<1x40xi32, #tpu.memory_space<vmem>>
      %dma_start3A_349 = tpu.memref_squeeze %dma_start3A_348 : memref<1x40xi32, #tpu.memory_space<vmem>> -> memref<40xi32, #tpu.memory_space<vmem>>
      %dma_start3A_350 = arith.constant 0 : i32
      %dma_start3A_351 = arith.constant 0 : i32
      %dma_start3A_352 = tpu.memref_slice %arg18[%dma_start3A_350, %dma_start3A_351] : memref<10000x128xf32, #tpu.memory_space<vmem_shared>> -> memref<10000x128xf32, #tpu.memory_space<vmem_shared>>
      tpu.enqueue_indirect_dma source(%arg16 : memref<40x128xf32, #tpu.memory_space<vmem>>) target(%dma_start3A_352 : memref<10000x128xf32, #tpu.memory_space<vmem_shared>>) offsets(%dma_start3A_349 : memref<40xi32, #tpu.memory_space<vmem>>) semaphore(%arg27 : memref<!tpu.dma_semaphore, #tpu.memory_space<semaphore_mem>>) {add = true}
      %dma_wait3A_353 = arith.constant 0 : i32
      %dma_wait3A_354 = arith.constant 0 : i32
      %dma_wait3A_355 = tpu.memref_slice %arg11[%dma_wait3A_353, %dma_wait3A_354] : memref<25x40xi32, #tpu.memory_space<vmem>> -> memref<1x40xi32, #tpu.memory_space<vmem>>
      %dma_wait3A_356 = tpu.memref_squeeze %dma_wait3A_355 : memref<1x40xi32, #tpu.memory_space<vmem>> -> memref<40xi32, #tpu.memory_space<vmem>>
      %dma_wait3A_357 = arith.constant 0 : i32
      %dma_wait3A_358 = arith.constant 0 : i32
      %dma_wait3A_359 = tpu.memref_slice %arg18[%dma_wait3A_357, %dma_wait3A_358] : memref<10000x128xf32, #tpu.memory_space<vmem_shared>> -> memref<10000x128xf32, #tpu.memory_space<vmem_shared>>
      tpu.wait_indirect_dma semaphore(%arg26 : memref<!tpu.dma_semaphore, #tpu.memory_space<semaphore_mem>>) src(%arg15 : memref<40x128xf32, #tpu.memory_space<vmem>>) dst(%dma_wait3A_359 : memref<10000x128xf32, #tpu.memory_space<vmem_shared>>)
      %convert_element_type3A_360 = arith.extui %lt3A_250 : i1 to i32
      %cond3A_361 = arith.constant 0 : i32
      %cond3A_362 = arith.cmpi ne, %convert_element_type3A_360, %cond3A_361 : i32
      scf.if %cond3A_362 {
        %dma_start3A_387 = arith.constant 2 : i32
        %dma_start3A_388 = arith.constant 0 : i32
        %dma_start3A_389 = tpu.memref_slice %arg9[%dma_start3A_387, %dma_start3A_388] : memref<25x40xi32, #tpu.memory_space<vmem>> -> memref<1x40xi32, #tpu.memory_space<vmem>>
        %dma_start3A_390 = tpu.memref_squeeze %dma_start3A_389 : memref<1x40xi32, #tpu.memory_space<vmem>> -> memref<40xi32, #tpu.memory_space<vmem>>
        %dma_start3A_391 = arith.constant 0 : i32
        %dma_start3A_392 = arith.constant 0 : i32
        %dma_start3A_393 = tpu.memref_slice %arg2[%dma_start3A_391, %dma_start3A_392] : memref<10000x128xf32, #tpu.memory_space<hbm>> -> memref<10000x128xf32, #tpu.memory_space<hbm>>
        tpu.enqueue_indirect_dma source(%dma_start3A_393 : memref<10000x128xf32, #tpu.memory_space<hbm>>) target(%arg15 : memref<40x128xf32, #tpu.memory_space<vmem>>) offsets(%dma_start3A_390 : memref<40xi32, #tpu.memory_space<vmem>>) semaphore(%arg21 : memref<!tpu.dma_semaphore, #tpu.memory_space<semaphore_mem>>)
      } else {
      }
      %dma_wait3A_363 = arith.constant 0 : i32
      %dma_wait3A_364 = arith.constant 0 : i32
      %dma_wait3A_365 = tpu.memref_slice %arg9[%dma_wait3A_363, %dma_wait3A_364] : memref<25x40xi32, #tpu.memory_space<vmem>> -> memref<1x40xi32, #tpu.memory_space<vmem>>
      %dma_wait3A_366 = tpu.memref_squeeze %dma_wait3A_365 : memref<1x40xi32, #tpu.memory_space<vmem>> -> memref<40xi32, #tpu.memory_space<vmem>>
      %dma_wait3A_367 = arith.constant 0 : i32
      %dma_wait3A_368 = arith.constant 0 : i32
      %dma_wait3A_369 = tpu.memref_slice %arg2[%dma_wait3A_367, %dma_wait3A_368] : memref<10000x128xf32, #tpu.memory_space<hbm>> -> memref<10000x128xf32, #tpu.memory_space<hbm>>
      tpu.wait_indirect_dma semaphore(%arg23 : memref<!tpu.dma_semaphore, #tpu.memory_space<semaphore_mem>>) src(%dma_wait3A_369 : memref<10000x128xf32, #tpu.memory_space<hbm>>) dst(%arg17 : memref<40x128xf32, #tpu.memory_space<vmem>>)
      %dma_start3A_370 = arith.constant 24 : i32
      %dma_start3A_371 = arith.constant 0 : i32
      %dma_start3A_372 = tpu.memref_slice %arg12[%dma_start3A_370, %dma_start3A_371] : memref<25x40xi32, #tpu.memory_space<vmem>> -> memref<1x40xi32, #tpu.memory_space<vmem>>
      %dma_start3A_373 = tpu.memref_squeeze %dma_start3A_372 : memref<1x40xi32, #tpu.memory_space<vmem>> -> memref<40xi32, #tpu.memory_space<vmem>>
      %dma_start3A_374 = arith.constant 0 : i32
      %dma_start3A_375 = arith.constant 0 : i32
      %dma_start3A_376 = tpu.memref_slice %arg18[%dma_start3A_374, %dma_start3A_375] : memref<10000x128xf32, #tpu.memory_space<vmem_shared>> -> memref<10000x128xf32, #tpu.memory_space<vmem_shared>>
      tpu.enqueue_indirect_dma source(%arg17 : memref<40x128xf32, #tpu.memory_space<vmem>>) target(%dma_start3A_376 : memref<10000x128xf32, #tpu.memory_space<vmem_shared>>) offsets(%dma_start3A_373 : memref<40xi32, #tpu.memory_space<vmem>>) semaphore(%arg28 : memref<!tpu.dma_semaphore, #tpu.memory_space<semaphore_mem>>) {add = true}
      %dma_wait3A_377 = arith.constant 0 : i32
      %dma_wait3A_378 = arith.constant 0 : i32
      %dma_wait3A_379 = tpu.memref_slice %arg11[%dma_wait3A_377, %dma_wait3A_378] : memref<25x40xi32, #tpu.memory_space<vmem>> -> memref<1x40xi32, #tpu.memory_space<vmem>>
      %dma_wait3A_380 = tpu.memref_squeeze %dma_wait3A_379 : memref<1x40xi32, #tpu.memory_space<vmem>> -> memref<40xi32, #tpu.memory_space<vmem>>
      %dma_wait3A_381 = arith.constant 0 : i32
      %dma_wait3A_382 = arith.constant 0 : i32
      %dma_wait3A_383 = tpu.memref_slice %arg18[%dma_wait3A_381, %dma_wait3A_382] : memref<10000x128xf32, #tpu.memory_space<vmem_shared>> -> memref<10000x128xf32, #tpu.memory_space<vmem_shared>>
      tpu.wait_indirect_dma semaphore(%arg27 : memref<!tpu.dma_semaphore, #tpu.memory_space<semaphore_mem>>) src(%arg16 : memref<40x128xf32, #tpu.memory_space<vmem>>) dst(%dma_wait3A_383 : memref<10000x128xf32, #tpu.memory_space<vmem_shared>>)
      %convert_element_type3A_384 = arith.extui %lt3A_250 : i1 to i32
      %cond3A_385 = arith.constant 0 : i32
      %cond3A_386 = arith.cmpi ne, %convert_element_type3A_384, %cond3A_385 : i32
      scf.if %cond3A_386 {
        %dma_start3A_387 = arith.constant 3 : i32
        %dma_start3A_388 = arith.constant 0 : i32
        %dma_start3A_389 = tpu.memref_slice %arg9[%dma_start3A_387, %dma_start3A_388] : memref<25x40xi32, #tpu.memory_space<vmem>> -> memref<1x40xi32, #tpu.memory_space<vmem>>
        %dma_start3A_390 = tpu.memref_squeeze %dma_start3A_389 : memref<1x40xi32, #tpu.memory_space<vmem>> -> memref<40xi32, #tpu.memory_space<vmem>>
        %dma_start3A_391 = arith.constant 0 : i32
        %dma_start3A_392 = arith.constant 0 : i32
        %dma_start3A_393 = tpu.memref_slice %arg2[%dma_start3A_391, %dma_start3A_392] : memref<10000x128xf32, #tpu.memory_space<hbm>> -> memref<10000x128xf32, #tpu.memory_space<hbm>>
        tpu.enqueue_indirect_dma source(%dma_start3A_393 : memref<10000x128xf32, #tpu.memory_space<hbm>>) target(%arg16 : memref<40x128xf32, #tpu.memory_space<vmem>>) offsets(%dma_start3A_390 : memref<40xi32, #tpu.memory_space<vmem>>) semaphore(%arg22 : memref<!tpu.dma_semaphore, #tpu.memory_space<semaphore_mem>>)
      } else {
      }
    }
    %scan3A_39 = arith.constant 5 : i32
    %dma_wait3A = arith.constant 0 : i32
    %dma_wait3A_40 = arith.constant 0 : i32
    %dma_wait3A_41 = tpu.memref_slice %arg11[%dma_wait3A, %dma_wait3A_40] : memref<25x40xi32, #tpu.memory_space<vmem>> -> memref<1x40xi32, #tpu.memory_space<vmem>>
    %dma_wait3A_42 = tpu.memref_squeeze %dma_wait3A_41 : memref<1x40xi32, #tpu.memory_space<vmem>> -> memref<40xi32, #tpu.memory_space<vmem>>
    %dma_wait3A_43 = arith.constant 0 : i32
    %dma_wait3A_44 = arith.constant 0 : i32
    %dma_wait3A_45 = tpu.memref_slice %arg18[%dma_wait3A_43, %dma_wait3A_44] : memref<10000x128xf32, #tpu.memory_space<vmem_shared>> -> memref<10000x128xf32, #tpu.memory_space<vmem_shared>>
    tpu.wait_indirect_dma semaphore(%arg28 : memref<!tpu.dma_semaphore, #tpu.memory_space<semaphore_mem>>) src(%arg17 : memref<40x128xf32, #tpu.memory_space<vmem>>) dst(%dma_wait3A_45 : memref<10000x128xf32, #tpu.memory_space<vmem_shared>>)
    %barrier3A_46 = arith.constant 0 : index
    tpu.barrier barrier_id(%barrier3A_46)
    %lt3A_47 = arith.constant 15 : i32
    %lt3A_48 = arith.cmpi slt, %arg1, %lt3A_47 : i32
    %convert_element_type3A_49 = arith.extui %lt3A_48 : i1 to i32
    %cond3A_50 = arith.constant 0 : i32
    %cond3A_51 = arith.cmpi ne, %convert_element_type3A_49, %cond3A_50 : i32
    scf.if %cond3A_51 {
      %mul3A_57 = arith.constant 624 : i32
      %mul3A_58 = arith.muli %arg1, %mul3A_57 : i32
      %mul3A_59 = arith.constant 624 : i32
      %mul3A_60 = arith.muli %arg1, %mul3A_59 : i32
      "tpu.region"() ({
        %run_scoped3A_61 = tpu.sem_alloc : memref<!tpu.dma_semaphore, #tpu.memory_space<semaphore_mem>>
        %dma_start3A_62 = arith.constant 0 : i32
        %dma_start3A_63 = tpu.memref_slice %arg8[%arg0, %mul3A_60, %dma_start3A_62] : memref<2x10000x128xf32, #tpu.memory_space<hbm>> -> memref<1x624x128xf32, #tpu.memory_space<hbm>>
        %dma_start3A_64 = tpu.memref_squeeze %dma_start3A_63 : memref<1x624x128xf32, #tpu.memory_space<hbm>> -> memref<624x128xf32, #tpu.memory_space<hbm>>
        %dma_start3A_65 = arith.constant 0 : i32
        %dma_start3A_66 = tpu.memref_slice %arg18[%mul3A_58, %dma_start3A_65] : memref<10000x128xf32, #tpu.memory_space<vmem_shared>> -> memref<624x128xf32, #tpu.memory_space<vmem_shared>>
        tpu.enqueue_dma source(%dma_start3A_66 : memref<624x128xf32, #tpu.memory_space<vmem_shared>>) target(%dma_start3A_64 : memref<624x128xf32, #tpu.memory_space<hbm>>) target_semaphore(%run_scoped3A_61 : memref<!tpu.dma_semaphore, #tpu.memory_space<semaphore_mem>>)
        %dma_wait3A_67 = arith.constant 0 : i32
        %dma_wait3A_68 = tpu.memref_slice %arg8[%arg0, %mul3A_60, %dma_wait3A_67] : memref<2x10000x128xf32, #tpu.memory_space<hbm>> -> memref<1x624x128xf32, #tpu.memory_space<hbm>>
        %dma_wait3A_69 = tpu.memref_squeeze %dma_wait3A_68 : memref<1x624x128xf32, #tpu.memory_space<hbm>> -> memref<624x128xf32, #tpu.memory_space<hbm>>
        %dma_wait3A_70 = arith.constant 0 : i32
        %dma_wait3A_71 = tpu.memref_slice %arg18[%mul3A_58, %dma_wait3A_70] : memref<10000x128xf32, #tpu.memory_space<vmem_shared>> -> memref<624x128xf32, #tpu.memory_space<vmem_shared>>
        tpu.wait_dma2 semaphore(%run_scoped3A_61 : memref<!tpu.dma_semaphore, #tpu.memory_space<semaphore_mem>>) src(%dma_wait3A_71 : memref<624x128xf32, #tpu.memory_space<vmem_shared>>) dst(%dma_wait3A_69 : memref<624x128xf32, #tpu.memory_space<hbm>>)
        tpu.yield
      }) : () -> ()
    } else {
    }
    %eq3A_52 = arith.constant 15 : i32
    %eq3A_53 = arith.cmpi eq, %arg1, %eq3A_52 : i32
    %convert_element_type3A_54 = arith.extui %eq3A_53 : i1 to i32
    %cond3A_55 = arith.constant 0 : i32
    %cond3A_56 = arith.cmpi ne, %convert_element_type3A_54, %cond3A_55 : i32
    scf.if %cond3A_56 {
      "tpu.region"() ({
        %run_scoped3A_57 = tpu.sem_alloc : memref<!tpu.dma_semaphore, #tpu.memory_space<semaphore_mem>>
        %dma_start3A_58 = arith.constant 9360 : i32
        %dma_start3A_59 = arith.constant 0 : i32
        %dma_start3A_60 = tpu.memref_slice %arg8[%arg0, %dma_start3A_58, %dma_start3A_59] : memref<2x10000x128xf32, #tpu.memory_space<hbm>> -> memref<1x640x128xf32, #tpu.memory_space<hbm>>
        %dma_start3A_61 = tpu.memref_squeeze %dma_start3A_60 : memref<1x640x128xf32, #tpu.memory_space<hbm>> -> memref<640x128xf32, #tpu.memory_space<hbm>>
        %dma_start3A_62 = arith.constant 9360 : i32
        %dma_start3A_63 = arith.constant 0 : i32
        %dma_start3A_64 = tpu.memref_slice %arg18[%dma_start3A_62, %dma_start3A_63] : memref<10000x128xf32, #tpu.memory_space<vmem_shared>> -> memref<640x128xf32, #tpu.memory_space<vmem_shared>>
        tpu.enqueue_dma source(%dma_start3A_64 : memref<640x128xf32, #tpu.memory_space<vmem_shared>>) target(%dma_start3A_61 : memref<640x128xf32, #tpu.memory_space<hbm>>) target_semaphore(%run_scoped3A_57 : memref<!tpu.dma_semaphore, #tpu.memory_space<semaphore_mem>>)
        %dma_wait3A_65 = arith.constant 9360 : i32
        %dma_wait3A_66 = arith.constant 0 : i32
        %dma_wait3A_67 = tpu.memref_slice %arg8[%arg0, %dma_wait3A_65, %dma_wait3A_66] : memref<2x10000x128xf32, #tpu.memory_space<hbm>> -> memref<1x640x128xf32, #tpu.memory_space<hbm>>
        %dma_wait3A_68 = tpu.memref_squeeze %dma_wait3A_67 : memref<1x640x128xf32, #tpu.memory_space<hbm>> -> memref<640x128xf32, #tpu.memory_space<hbm>>
        %dma_wait3A_69 = arith.constant 9360 : i32
        %dma_wait3A_70 = arith.constant 0 : i32
        %dma_wait3A_71 = tpu.memref_slice %arg18[%dma_wait3A_69, %dma_wait3A_70] : memref<10000x128xf32, #tpu.memory_space<vmem_shared>> -> memref<640x128xf32, #tpu.memory_space<vmem_shared>>
        tpu.wait_dma2 semaphore(%run_scoped3A_57 : memref<!tpu.dma_semaphore, #tpu.memory_space<semaphore_mem>>) src(%dma_wait3A_71 : memref<640x128xf32, #tpu.memory_space<vmem_shared>>) dst(%dma_wait3A_68 : memref<640x128xf32, #tpu.memory_space<hbm>>)
        tpu.yield
      }) : () -> ()
    } else {
    }
    return
  }
}

module attributes {stable_mosaic.version = 14 : i64} {
  func.func @_mm2_body(%arg0: i32, %arg1: memref<1000x128xf32, #tpu.memory_space<vmem>>, %arg2: memref<128x128xf32, #tpu.memory_space<vmem>>, %arg3: memref<128x128xf32, #tpu.memory_space<vmem>>, %arg4: memref<1x128xf32, #tpu.memory_space<vmem>>, %arg5: memref<1000x128xf32, #tpu.memory_space<vmem>>, %arg6: memref<1000x128xf32, #tpu.memory_space<vmem>>) attributes {dimension_semantics = [#tpu.dimension_semantics<arbitrary>], iteration_bounds = array<i64: 10>, scalar_prefetch = 0 : i64, scratch_operands = 0 : i64, tpu.core_type = #tpu.core_type<tc>, window_params = [{transform_indices = @transform_0, window_bounds = array<i64: 1000, 128>}, {pipeline_mode = #tpu.pipeline_mode<synchronous>, transform_indices = @transform_1, window_bounds = array<i64: 128, 128>}, {pipeline_mode = #tpu.pipeline_mode<synchronous>, transform_indices = @transform_2, window_bounds = array<i64: 128, 128>}, {pipeline_mode = #tpu.pipeline_mode<synchronous>, transform_indices = @transform_3, window_bounds = array<i64: 1, 128>}, {transform_indices = @transform_4, window_bounds = array<i64: 1000, 128>}, {transform_indices = @transform_5, window_bounds = array<i64: 1000, 128>}]} {
    %get3A = arith.constant 0 : index
    %get3A_0 = arith.constant 0 : index
    %get3A_1 = vector.load %arg1[%get3A, %get3A_0] : memref<1000x128xf32, #tpu.memory_space<vmem>>, vector<1000x128xf32>
    %get3A_2 = arith.constant 0 : index
    %get3A_3 = arith.constant 0 : index
    %get3A_4 = vector.load %arg2[%get3A_2, %get3A_3] : memref<128x128xf32, #tpu.memory_space<vmem>>, vector<128x128xf32>
    %dot_general3A = arith.constant dense<0.000000e+00> : vector<1000x128xf32>
    %dot_general3A_5 = tpu.matmul %get3A_1, %get3A_4, %dot_general3A {dimension_numbers = #tpu.dot_dimension_numbers<[1], [0], [0], [1], [0, 0, 1, 1], [], []>, transpose_lhs_hint = false} : vector<1000x128xf32>, vector<128x128xf32>, vector<1000x128xf32> -> vector<1000x128xf32>
    %swap3A = arith.constant 0 : index
    %swap3A_6 = arith.constant 0 : index
    %swap3A_7 = vector.load %arg5[%swap3A, %swap3A_6] : memref<1000x128xf32, #tpu.memory_space<vmem>>, vector<1000x128xf32>
    tpu.vector_store %arg5[%swap3A, %swap3A_6], %dot_general3A_5 {strides = array<i32>} : memref<1000x128xf32, #tpu.memory_space<vmem>>, vector<1000x128xf32>,
    %get3A_8 = arith.constant 0 : index
    %get3A_9 = arith.constant 0 : index
    %get3A_10 = vector.load %arg3[%get3A_8, %get3A_9] : memref<128x128xf32, #tpu.memory_space<vmem>>, vector<128x128xf32>
    %dot_general3A_11 = arith.constant dense<0.000000e+00> : vector<1000x128xf32>
    %dot_general3A_12 = tpu.matmul %get3A_1, %get3A_10, %dot_general3A_11 {dimension_numbers = #tpu.dot_dimension_numbers<[1], [0], [0], [1], [0, 0, 1, 1], [], []>, transpose_lhs_hint = false} : vector<1000x128xf32>, vector<128x128xf32>, vector<1000x128xf32> -> vector<1000x128xf32>
    %get3A_13 = arith.constant 0 : index
    %get3A_14 = arith.constant 0 : index
    %get3A_15 = vector.load %arg4[%get3A_13, %get3A_14] : memref<1x128xf32, #tpu.memory_space<vmem>>, vector<1x128xf32>
    %add3A = vector.broadcast %get3A_15 : vector<1x128xf32> to vector<1000x128xf32>
    %add3A_16 = arith.addf %dot_general3A_12, %add3A : vector<1000x128xf32>
    %swap3A_17 = arith.constant 0 : index
    %swap3A_18 = arith.constant 0 : index
    %swap3A_19 = vector.load %arg6[%swap3A_17, %swap3A_18] : memref<1000x128xf32, #tpu.memory_space<vmem>>, vector<1000x128xf32>
    tpu.vector_store %arg6[%swap3A_17, %swap3A_18], %add3A_16 {strides = array<i32>} : memref<1000x128xf32, #tpu.memory_space<vmem>>, vector<1000x128xf32>,
    return
  }
  func.func @transform_0(%arg0: i32) -> (i32, i32) {
    %c0_i32 = arith.constant 0 : i32
    %c0_i32_0 = arith.constant 0 : i32
    return %arg0, %c0_i32 : i32, i32
  }
  func.func @transform_1(%arg0: i32) -> (i32, i32) {
    %c0_i32 = arith.constant 0 : i32
    %c0_i32_0 = arith.constant 0 : i32
    %c0_i32_1 = arith.constant 0 : i32
    return %c0_i32, %c0_i32_0 : i32, i32
  }
  func.func @transform_2(%arg0: i32) -> (i32, i32) {
    %c0_i32 = arith.constant 0 : i32
    %c0_i32_0 = arith.constant 0 : i32
    %c0_i32_1 = arith.constant 0 : i32
    return %c0_i32, %c0_i32_0 : i32, i32
  }
  func.func @transform_3(%arg0: i32) -> (i32, i32) {
    %c0_i32 = arith.constant 0 : i32
    %c0_i32_0 = arith.constant 0 : i32
    %c0_i32_1 = arith.constant 0 : i32
    return %c0_i32, %c0_i32_0 : i32, i32
  }
  func.func @transform_4(%arg0: i32) -> (i32, i32) {
    %c0_i32 = arith.constant 0 : i32
    %c0_i32_0 = arith.constant 0 : i32
    return %arg0, %c0_i32 : i32, i32
  }
  func.func @transform_5(%arg0: i32) -> (i32, i32) {
    %c0_i32 = arith.constant 0 : i32
    %c0_i32_0 = arith.constant 0 : i32
    return %arg0, %c0_i32 : i32, i32
  }
}

module attributes {stable_mosaic.version = 14 : i64} {
  func.func @_comb1_body(%arg0: i32, %arg1: memref<2x1000x128xf32, #tpu.memory_space<vmem>>, %arg2: memref<2x1000x1xf32, #tpu.memory_space<vmem>>, %arg3: memref<1000x128xf32, #tpu.memory_space<vmem>>, %arg4: memref<128x128xf32, #tpu.memory_space<vmem>>, %arg5: memref<128x128xf32, #tpu.memory_space<vmem>>, %arg6: memref<1x128xf32, #tpu.memory_space<vmem>>, %arg7: memref<1000x128xf32, #tpu.memory_space<vmem>>, %arg8: memref<1000x128xf32, #tpu.memory_space<vmem>>, %arg9: memref<1000x1xf32, #tpu.memory_space<vmem>>) attributes {dimension_semantics = [#tpu.dimension_semantics<arbitrary>], iteration_bounds = array<i64: 10>, scalar_prefetch = 0 : i64, scratch_operands = 0 : i64, tpu.core_type = #tpu.core_type<tc>, window_params = [{transform_indices = @transform_0, window_bounds = array<i64: 2, 1000, 128>}, {transform_indices = @transform_1, window_bounds = array<i64: 2, 1000, 1>}, {transform_indices = @transform_2, window_bounds = array<i64: 1000, 128>}, {pipeline_mode = #tpu.pipeline_mode<synchronous>, transform_indices = @transform_3, window_bounds = array<i64: 128, 128>}, {pipeline_mode = #tpu.pipeline_mode<synchronous>, transform_indices = @transform_4, window_bounds = array<i64: 128, 128>}, {pipeline_mode = #tpu.pipeline_mode<synchronous>, transform_indices = @transform_5, window_bounds = array<i64: 1, 128>}, {transform_indices = @transform_6, window_bounds = array<i64: 1000, 128>}, {transform_indices = @transform_7, window_bounds = array<i64: 1000, 128>}, {transform_indices = @transform_8, window_bounds = array<i64: 1000, 1>}]} {
    %get3A = arith.constant 0 : index
    %get3A_0 = arith.constant 0 : index
    %get3A_1 = arith.constant 0 : index
    %get3A_2 = vector.load %arg1[%get3A, %get3A_0, %get3A_1] : memref<2x1000x128xf32, #tpu.memory_space<vmem>>, vector<1x1000x128xf32>
    %get3A_3 = vector.shape_cast %get3A_2 : vector<1x1000x128xf32> to vector<1000x128xf32>
    %get3A_4 = arith.constant 1 : index
    %get3A_5 = arith.constant 0 : index
    %get3A_6 = arith.constant 0 : index
    %get3A_7 = vector.load %arg1[%get3A_4, %get3A_5, %get3A_6] : memref<2x1000x128xf32, #tpu.memory_space<vmem>>, vector<1x1000x128xf32>
    %get3A_8 = vector.shape_cast %get3A_7 : vector<1x1000x128xf32> to vector<1000x128xf32>
    %add3A = arith.addf %get3A_3, %get3A_8 : vector<1000x128xf32>
    %get3A_9 = arith.constant 0 : index
    %get3A_10 = arith.constant 0 : index
    %get3A_11 = arith.constant 0 : index
    %get3A_12 = vector.load %arg2[%get3A_9, %get3A_10, %get3A_11] : memref<2x1000x1xf32, #tpu.memory_space<vmem>>, vector<1x1000x1xf32>
    %get3A_13 = vector.shape_cast %get3A_12 : vector<1x1000x1xf32> to vector<1000x1xf32>
    %get3A_14 = arith.constant 1 : index
    %get3A_15 = arith.constant 0 : index
    %get3A_16 = arith.constant 0 : index
    %get3A_17 = vector.load %arg2[%get3A_14, %get3A_15, %get3A_16] : memref<2x1000x1xf32, #tpu.memory_space<vmem>>, vector<1x1000x1xf32>
    %get3A_18 = vector.shape_cast %get3A_17 : vector<1x1000x1xf32> to vector<1000x1xf32>
    %add3A_19 = arith.addf %get3A_13, %get3A_18 : vector<1000x1xf32>
    %max3A = arith.constant 1.000000e+00 : f32
    %max3A_20 = vector.broadcast %max3A : f32 to vector<1000x1xf32>
    %max3A_21 = arith.maximumf %add3A_19, %max3A_20 : vector<1000x1xf32>
    %div3A = arith.constant 1.000000e+00 : f32
    %div3A_22 = vector.broadcast %div3A : f32 to vector<1000x1xf32>
    %div3A_23 = arith.divf %div3A_22, %max3A_21 : vector<1000x1xf32>
    %mul3A = vector.broadcast %div3A_23 : vector<1000x1xf32> to vector<1000x128xf32>
    %mul3A_24 = arith.mulf %add3A, %mul3A : vector<1000x128xf32>
    %get3A_25 = arith.constant 0 : index
    %get3A_26 = arith.constant 0 : index
    %get3A_27 = vector.load %arg3[%get3A_25, %get3A_26] : memref<1000x128xf32, #tpu.memory_space<vmem>>, vector<1000x128xf32>
    %add3A_28 = arith.addf %mul3A_24, %get3A_27 : vector<1000x128xf32>
    %max3A_29 = arith.constant 0.000000e+00 : f32
    %max3A_30 = vector.broadcast %max3A_29 : f32 to vector<1000x128xf32>
    %max3A_31 = arith.maximumf %add3A_28, %max3A_30 : vector<1000x128xf32>
    %get3A_32 = arith.constant 0 : index
    %get3A_33 = arith.constant 0 : index
    %get3A_34 = vector.load %arg4[%get3A_32, %get3A_33] : memref<128x128xf32, #tpu.memory_space<vmem>>, vector<128x128xf32>
    %dot_general3A = arith.constant dense<0.000000e+00> : vector<1000x128xf32>
    %dot_general3A_35 = tpu.matmul %max3A_31, %get3A_34, %dot_general3A {dimension_numbers = #tpu.dot_dimension_numbers<[1], [0], [0], [1], [0, 0, 1, 1], [], []>, transpose_lhs_hint = false} : vector<1000x128xf32>, vector<128x128xf32>, vector<1000x128xf32> -> vector<1000x128xf32>
    %swap3A = arith.constant 0 : index
    %swap3A_36 = arith.constant 0 : index
    %swap3A_37 = vector.load %arg7[%swap3A, %swap3A_36] : memref<1000x128xf32, #tpu.memory_space<vmem>>, vector<1000x128xf32>
    tpu.vector_store %arg7[%swap3A, %swap3A_36], %dot_general3A_35 {strides = array<i32>} : memref<1000x128xf32, #tpu.memory_space<vmem>>, vector<1000x128xf32>,
    %get3A_38 = arith.constant 0 : index
    %get3A_39 = arith.constant 0 : index
    %get3A_40 = vector.load %arg5[%get3A_38, %get3A_39] : memref<128x128xf32, #tpu.memory_space<vmem>>, vector<128x128xf32>
    %dot_general3A_41 = arith.constant dense<0.000000e+00> : vector<1000x128xf32>
    %dot_general3A_42 = tpu.matmul %max3A_31, %get3A_40, %dot_general3A_41 {dimension_numbers = #tpu.dot_dimension_numbers<[1], [0], [0], [1], [0, 0, 1, 1], [], []>, transpose_lhs_hint = false} : vector<1000x128xf32>, vector<128x128xf32>, vector<1000x128xf32> -> vector<1000x128xf32>
    %get3A_43 = arith.constant 0 : index
    %get3A_44 = arith.constant 0 : index
    %get3A_45 = vector.load %arg6[%get3A_43, %get3A_44] : memref<1x128xf32, #tpu.memory_space<vmem>>, vector<1x128xf32>
    %add3A_46 = vector.broadcast %get3A_45 : vector<1x128xf32> to vector<1000x128xf32>
    %add3A_47 = arith.addf %dot_general3A_42, %add3A_46 : vector<1000x128xf32>
    %swap3A_48 = arith.constant 0 : index
    %swap3A_49 = arith.constant 0 : index
    %swap3A_50 = vector.load %arg8[%swap3A_48, %swap3A_49] : memref<1000x128xf32, #tpu.memory_space<vmem>>, vector<1000x128xf32>
    tpu.vector_store %arg8[%swap3A_48, %swap3A_49], %add3A_47 {strides = array<i32>} : memref<1000x128xf32, #tpu.memory_space<vmem>>, vector<1000x128xf32>,
    %swap3A_51 = arith.constant 0 : index
    %swap3A_52 = arith.constant 0 : index
    %swap3A_53 = vector.load %arg9[%swap3A_51, %swap3A_52] : memref<1000x1xf32, #tpu.memory_space<vmem>>, vector<1000x1xf32>
    tpu.vector_store %arg9[%swap3A_51, %swap3A_52], %div3A_23 {strides = array<i32>} : memref<1000x1xf32, #tpu.memory_space<vmem>>, vector<1000x1xf32>,
    return
  }
  func.func @transform_0(%arg0: i32) -> (i32, i32, i32) {
    %c0_i32 = arith.constant 0 : i32
    %c0_i32_0 = arith.constant 0 : i32
    %c0_i32_1 = arith.constant 0 : i32
    return %c0_i32, %arg0, %c0_i32_0 : i32, i32, i32
  }
  func.func @transform_1(%arg0: i32) -> (i32, i32, i32) {
    %c0_i32 = arith.constant 0 : i32
    %c0_i32_0 = arith.constant 0 : i32
    %c0_i32_1 = arith.constant 0 : i32
    return %c0_i32, %arg0, %c0_i32_0 : i32, i32, i32
  }
  func.func @transform_2(%arg0: i32) -> (i32, i32) {
    %c0_i32 = arith.constant 0 : i32
    %c0_i32_0 = arith.constant 0 : i32
    return %arg0, %c0_i32 : i32, i32
  }
  func.func @transform_3(%arg0: i32) -> (i32, i32) {
    %c0_i32 = arith.constant 0 : i32
    %c0_i32_0 = arith.constant 0 : i32
    %c0_i32_1 = arith.constant 0 : i32
    return %c0_i32, %c0_i32_0 : i32, i32
  }
  func.func @transform_4(%arg0: i32) -> (i32, i32) {
    %c0_i32 = arith.constant 0 : i32
    %c0_i32_0 = arith.constant 0 : i32
    %c0_i32_1 = arith.constant 0 : i32
    return %c0_i32, %c0_i32_0 : i32, i32
  }
  func.func @transform_5(%arg0: i32) -> (i32, i32) {
    %c0_i32 = arith.constant 0 : i32
    %c0_i32_0 = arith.constant 0 : i32
    %c0_i32_1 = arith.constant 0 : i32
    return %c0_i32, %c0_i32_0 : i32, i32
  }
  func.func @transform_6(%arg0: i32) -> (i32, i32) {
    %c0_i32 = arith.constant 0 : i32
    %c0_i32_0 = arith.constant 0 : i32
    return %arg0, %c0_i32 : i32, i32
  }
  func.func @transform_7(%arg0: i32) -> (i32, i32) {
    %c0_i32 = arith.constant 0 : i32
    %c0_i32_0 = arith.constant 0 : i32
    return %arg0, %c0_i32 : i32, i32
  }
  func.func @transform_8(%arg0: i32) -> (i32, i32) {
    %c0_i32 = arith.constant 0 : i32
    %c0_i32_0 = arith.constant 0 : i32
    return %arg0, %c0_i32 : i32, i32
  }
}

module attributes {stable_mosaic.version = 14 : i64} {
  func.func @_comb2_body(%arg0: i32, %arg1: memref<2x1000x128xf32, #tpu.memory_space<vmem>>, %arg2: memref<1000x1xf32, #tpu.memory_space<vmem>>, %arg3: memref<1000x128xf32, #tpu.memory_space<vmem>>, %arg4: memref<1000x128xf32, #tpu.memory_space<vmem>>) attributes {dimension_semantics = [#tpu.dimension_semantics<arbitrary>], iteration_bounds = array<i64: 10>, scalar_prefetch = 0 : i64, scratch_operands = 0 : i64, tpu.core_type = #tpu.core_type<tc>, window_params = [{transform_indices = @transform_0, window_bounds = array<i64: 2, 1000, 128>}, {transform_indices = @transform_1, window_bounds = array<i64: 1000, 1>}, {transform_indices = @transform_2, window_bounds = array<i64: 1000, 128>}, {transform_indices = @transform_3, window_bounds = array<i64: 1000, 128>}]} {
    %get3A = arith.constant 0 : index
    %get3A_0 = arith.constant 0 : index
    %get3A_1 = arith.constant 0 : index
    %get3A_2 = vector.load %arg1[%get3A, %get3A_0, %get3A_1] : memref<2x1000x128xf32, #tpu.memory_space<vmem>>, vector<1x1000x128xf32>
    %get3A_3 = vector.shape_cast %get3A_2 : vector<1x1000x128xf32> to vector<1000x128xf32>
    %get3A_4 = arith.constant 1 : index
    %get3A_5 = arith.constant 0 : index
    %get3A_6 = arith.constant 0 : index
    %get3A_7 = vector.load %arg1[%get3A_4, %get3A_5, %get3A_6] : memref<2x1000x128xf32, #tpu.memory_space<vmem>>, vector<1x1000x128xf32>
    %get3A_8 = vector.shape_cast %get3A_7 : vector<1x1000x128xf32> to vector<1000x128xf32>
    %add3A = arith.addf %get3A_3, %get3A_8 : vector<1000x128xf32>
    %get3A_9 = arith.constant 0 : index
    %get3A_10 = arith.constant 0 : index
    %get3A_11 = vector.load %arg2[%get3A_9, %get3A_10] : memref<1000x1xf32, #tpu.memory_space<vmem>>, vector<1000x1xf32>
    %mul3A = vector.broadcast %get3A_11 : vector<1000x1xf32> to vector<1000x128xf32>
    %mul3A_12 = arith.mulf %add3A, %mul3A : vector<1000x128xf32>
    %get3A_13 = arith.constant 0 : index
    %get3A_14 = arith.constant 0 : index
    %get3A_15 = vector.load %arg3[%get3A_13, %get3A_14] : memref<1000x128xf32, #tpu.memory_space<vmem>>, vector<1000x128xf32>
    %add3A_16 = arith.addf %mul3A_12, %get3A_15 : vector<1000x128xf32>
    %swap3A = arith.constant 0 : index
    %swap3A_17 = arith.constant 0 : index
    %swap3A_18 = vector.load %arg4[%swap3A, %swap3A_17] : memref<1000x128xf32, #tpu.memory_space<vmem>>, vector<1000x128xf32>
    tpu.vector_store %arg4[%swap3A, %swap3A_17], %add3A_16 {strides = array<i32>} : memref<1000x128xf32, #tpu.memory_space<vmem>>, vector<1000x128xf32>,
    return
  }
  func.func @transform_0(%arg0: i32) -> (i32, i32, i32) {
    %c0_i32 = arith.constant 0 : i32
    %c0_i32_0 = arith.constant 0 : i32
    %c0_i32_1 = arith.constant 0 : i32
    return %c0_i32, %arg0, %c0_i32_0 : i32, i32, i32
  }
  func.func @transform_1(%arg0: i32) -> (i32, i32) {
    %c0_i32 = arith.constant 0 : i32
    %c0_i32_0 = arith.constant 0 : i32
    return %arg0, %c0_i32 : i32, i32
  }
  func.func @transform_2(%arg0: i32) -> (i32, i32) {
    %c0_i32 = arith.constant 0 : i32
    %c0_i32_0 = arith.constant 0 : i32
    return %arg0, %c0_i32 : i32, i32
  }
  func.func @transform_3(%arg0: i32) -> (i32, i32) {
    %c0_i32 = arith.constant 0 : i32
    %c0_i32_0 = arith.constant 0 : i32
    return %arg0, %c0_i32 : i32, i32
  }
}

</mosaic_0001>

<sc_bundles>
// kernel: kernel.10.cloned.1.call-start
scs
__scs_entry_jumppad:
0x0: {  	(pc) =	sbr.rel $0x88, $3  }
0x1: {  	(tag) =	ssettag $0x0;
	lr =	simm.s32 $0x1  }
0x2: {  	[smem:$0x3F99] =	sst lr;
	_ =	strace $0xD0000000  }
0x3: {  	_ = 	snop  }
0x4: {  	_ = 	snop  }
0x5: {  	_ = 	snop  }
0x6: {  	_ = 	snop  }
0x7: {  	_ = 	snop  }
__scs_overlays_trampoline_lowered:
0x8: {  	[smem:$0x3FA8] =	sst s0  }
0x9: {  	[smem:$0x3FA9] =	sst s1  }
0xa: {  	[smem:$0x3FAA] =	sst s2  }
0xb: {  	[smem:$0x3FAB] =	sst s3  }
0xc: {  	[smem:$0x3FAC] =	sst s4  }
0xd: {  	[smem:$0x3FAD] =	sst s5  }
0xe: {  	[smem:$0x3FAE] =	sst s6  }
0xf: {  	[smem:$0x3FAF] =	sst s7  }
0x10: {  	[smem:$0x3FB0] =	sst s8  }
0x11: {  	[smem:$0x3FB1] =	sst s9;
	s0 =	simm.s32 @!p0 $0x0  }
0x12: {  	s1 =	sld [smem:$0x3F97];
	s0 =	simm.s32 @p0 $0x1  }
0x13: {  	[smem:$0x3FB2] =	sst s0;
	s0 =	simm.s32 @!p1 $0x0  }
0x14: {  	s2 =	sld [smem:$0x3F96];
	s0 =	simm.s32 @p1 $0x1  }
0x15: {  	[smem:$0x3FB3] =	sst s0;
	s0 =	simm.s32 @!p2 $0x0  }
0x16: {  	s3 =	sld [smem:$0x3FDB];
	s0 =	simm.s32 @p2 $0x1  }
0x17: {  	s4 =	simm.s32 $0x1BF5;
	[smem:$0x3FB5] =	sst s0  }
0x18: {  	s0 =	sld [smem:$0x3F98];
	_ =	swait.ge [sflag:s4], $0x0  }
0x19: {  	s7 =	sld [smem:$0x3F99]  }
0x1a: {  	s8 =	sadd.s32 $0xFFFFE003, lr  }
0x1b: {  	s9 =	sadd.s32 $0xFFFFFEF7, lr;
	s5 =	simm.s32 $0xFFFFFFFF;
	p2 =	slt.u32 s8, $0xFFFFF086  }
0x1c: {  	p1 =	slt.u32 s9, $0xF7A;
	s5 =	simm.s32 @!p2 $0x0  }
0x1d: {  	s5 =	simm.s32 @p1 $0x1;
	p0 =	seq.s32 s7, s2  }
0x1e: {  	s7 =	smul.u32 @!p0 $0xF7A, s2;
	p2 =	seq.s32 @!p0 s5, $0x0  }
0x1f: {  	s9 =	smul.u32 $0xF7A, s1;
	s8 =	simm.s32 @!p0 $0x1BF5;
	p2 =	por !p2, p0  }
0x20: {  	[sflag:s8] =	ssyncset.s32 @!p0 $0xFFFFF086;
	s6 =	sadd.s32 @!p0 s3, s7;
	s7 =	simm.s32 @!p0 $0x108  }
0x21: {  	s3 =	sadd.s32 s3, s9;
	s6 =	sadd.s32 @!p0 $0x88, s6;
	s7 =	simm.s32 @p2 $0x1082  }
0x22: {  	[simem:s7], [sflag:s8] =	dma.local @!p0 [hbm:s6], $0xF7A  }
0x23: {  	s9 =	sor.u32 $0xD0000000, s2;
	s6 =	simm.s32 $0x108;
	_ =	swait.ge @!p0 [sflag:s8], $0x0  }
0x24: {  	s3 =	sadd.s32 $0x88, s3;
	s6 =	simm.s32 @!p1 $0x1082;
	[sflag:s4] =	ssyncset.s32 $0xFFFFF086  }
0x25: {  	[simem:s6], [sflag:s4] =	dma.local [hbm:s3], $0xF7A  }
0x26: {  	[smem:$0x3F99] =	sst s1;
	(tag) =	ssettag s2;
	_ =	strace s9  }
0x27: {  	s1 =	sld [smem:$0x3FA9]  }
0x28: {  	s2 =	sld [smem:$0x3FAA]  }
0x29: {  	s4 =	sld [smem:$0x3FAC]  }
0x2a: {  	p0 =	seq.s32 s5, $0x0;
	s5 =	sld [smem:$0x3FAD]  }
0x2b: {  	s6 =	sld [smem:$0x3FAE]  }
0x2c: {  	s7 =	sld [smem:$0x3FAF]  }
0x2d: {  	s3 =	simm.s32 $0x108;
	s8 =	sld [smem:$0x3FB0]  }
0x2e: {  	s3 =	simm.s32 @!p0 $0x1082;
	s9 =	sld [smem:$0x3FB1]  }
0x2f: {  	lr =	sadd.s32 s0, s3;
	s0 =	sld [smem:$0x3FA8]  }
0x30: {  	s3 =	sld [smem:$0x3FAB]  }
0x31: {  	[smem:$0x3FB4] =	sst s10  }
0x32: {  	s10 =	sld [smem:$0x3FB2];
	_ =	sdelay $0x3  }
0x33: {  	p0 =	seq.s32 s10, $0x1;
	s10 =	sld [smem:$0x3FB4];
	_ =	sdelay $0x3  }
0x34: {  	[smem:$0x3FB4] =	sst s10  }
0x35: {  	s10 =	sld [smem:$0x3FB3];
	_ =	sdelay $0x3  }
0x36: {  	p1 =	seq.s32 s10, $0x1;
	s10 =	sld [smem:$0x3FB4];
	_ =	sdelay $0x3  }
0x37: {  	[smem:$0x3FB4] =	sst s10  }
0x38: {  	s10 =	sld [smem:$0x3FB5]  }
0x39: {  	_ = 	snop;
	(pc) =	sbr.ind lr, $3  }
0x3a: {  	_ = 	snop  }
0x3b: {  	_ = 	snop  }
0x3c: {  	p2 =	seq.s32 s10, $0x1;
	s10 =	sld [smem:$0x3FB4]  }
0x3d: {  	_ =	shalt  }
0x3e: {  	_ =	shalt  }
0x3f: {  	_ =	shalt  }
0x40: {  	_ =	shalt  }
0x41: {  	_ =	shalt  }
0x42: {  	_ =	shalt  }
0x43: {  	_ =	shalt  }
0x44: {  	_ =	shalt  }
0x45: {  	_ =	shalt  }
0x46: {  	_ =	shalt  }
0x47: {  	_ =	shalt  }
0x48: {  	_ =	shalt  }
0x49: {  	_ =	shalt  }
0x4a: {  	_ =	shalt  }
0x4b: {  	_ =	shalt  }
0x4c: {  	_ =	shalt  }
0x4d: {  	_ =	shalt  }
0x4e: {  	_ =	shalt  }
0x4f: {  	_ =	shalt  }
0x50: {  	_ =	shalt  }
0x51: {  	_ =	shalt  }
0x52: {  	_ =	shalt  }
0x53: {  	_ =	shalt  }
0x54: {  	_ =	shalt  }
0x55: {  	_ =	shalt  }
0x56: {  	_ =	shalt  }
0x57: {  	_ =	shalt  }
0x58: {  	_ =	shalt  }
0x59: {  	_ =	shalt  }
0x5a: {  	_ =	shalt  }
0x5b: {  	_ =	shalt  }
0x5c: {  	_ =	shalt  }
0x5d: {  	_ =	shalt  }
0x5e: {  	_ =	shalt  }
0x5f: {  	_ =	shalt  }
0x60: {  	_ =	shalt  }
0x61: {  	_ =	shalt  }
0x62: {  	_ =	shalt  }
0x63: {  	_ =	shalt  }
0x64: {  	_ =	shalt  }
0x65: {  	_ =	shalt  }
0x66: {  	_ =	shalt  }
0x67: {  	_ =	shalt  }
0x68: {  	_ =	shalt  }
0x69: {  	_ =	shalt  }
0x6a: {  	_ =	shalt  }
0x6b: {  	_ =	shalt  }
0x6c: {  	_ =	shalt  }
0x6d: {  	_ =	shalt  }
0x6e: {  	_ =	shalt  }
0x6f: {  	_ =	shalt  }
0x70: {  	_ =	shalt  }
0x71: {  	_ =	shalt  }
0x72: {  	_ =	shalt  }
0x73: {  	_ =	shalt  }
0x74: {  	_ =	shalt  }
0x75: {  	_ =	shalt  }
0x76: {  	_ =	shalt  }
0x77: {  	_ =	shalt  }
0x78: {  	_ =	shalt  }
0x79: {  	_ =	shalt  }
0x7a: {  	_ =	shalt  }
0x7b: {  	_ =	shalt  }
0x7c: {  	_ =	shalt  }
0x7d: {  	_ =	shalt  }
0x7e: {  	_ =	shalt  }
0x7f: {  	_ =	shalt  }
0x80: {  	_ =	shalt  }
0x81: {  	_ =	shalt  }
0x82: {  	_ =	shalt  }
0x83: {  	_ =	shalt  }
0x84: {  	_ =	shalt  }
0x85: {  	_ =	shalt  }
0x86: {  	_ =	shalt  }
0x87: {  	_ =	shalt  }
.Lfunc_end0:
.L_simem_size_0:
called_computation.1_lowered:
.L_overlay_start_0:
0x88: {  	s2 =	sld [smem:$0x3FD9]  }
0x89: {  	s3 =	sld [smem:$0x3FFE];
	_ =	sdelay $0x1  }
0x8a: {  	s1 =	srdreg.scid  }
0x8b: {  	s0 =	sand.u32 $0x1, s1  }
0x8c: {  	s17 =	sshll.u32 s0, $0xA;
	s2 =	sadd.s32 s3, s2  }
0x8d: {  	s2 =	sadd.s32 s2, s17  }
0x8e: {  	[smem:$0x3FC0] =	sst s2  }
0x8f: {  	_ = 	snop  }
0x90: {  	s2 =	sld [smem:$0x3FD0];
	(tm) =	ssettm $0x1  }
0x91: {  	s18 =	sld [smem:$0x3FFB];
	_ =	sdelay $0x3  }
0x92: {  	_ =	strace s18  }
0x93: {  	s3 =	sld [smem:$0x3FFC];
	_ =	sdelay $0x3  }
0x94: {  	_ =	strace s3  }
0x95: {  	s3 =	sld [smem:$0x3FFD];
	_ =	sdelay $0x3  }
0x96: {  	_ =	strace s3  }
0x97: {  	_ =	strace $0x8FFFFFFF  }
0x98: {  	s19 =	sld [smem:$0x3FDB];
	_ =	sdelay $0x1  }
0x99: {  	s4 =	simm.s32 $_scs_section_size  }
0x9a: {  	s5 =	simm.s32 $_size__tile_overlayer_lowered;
	s6 =	simm.s32 $_tile_overlayer_lowered  }
0x9b: {  	s22 =	simm.s32 $0x1BFF;
	s21 =	sshll.u32 s6, $0x1;
	s3 =	sadd.s32 s4, s19  }
0x9c: {  	s7 =	simm.s32 $0x0;
	s20 =	sshll.u32 s5, $0x1;
	s5 =	sadd.s32 s21, s3  }
0x9d: {  	[timem:s7], [sflag:s22] =	dma.local [hbm:s5], s20  }
0x9e: {  	_ =	swait.ge [sflag:s22], s20  }
0x9f: {  	s4 =	ssub.s32 $0x0, s20;
	[sflag:s22] =	ssyncset.done $0x0  }
0xa0: {  	[sflag:s22] =	ssyncadd.s32 s4;
	_ =	sdelay $0x1  }
0xa1: {  	s23 =	simm.s32 $0x1B8B  }
0xa2: {  	_ =	swait.ge [sflag:s23], $0x1  }
0xa3: {  	[sflag:s23] =	ssyncset.done $0x0  }
0xa4: {  	s25 =	simm.s32 $0x1B8E;
	s24 =	sld [smem:$0x3FFE];
	[sflag:s23] =	ssyncadd.s32 $0xFFFFFFFF  }
0xa5: {  	s26 =	simm.s32 $execute0_lowered;
	[smem:$0x3FD2] =	sst s25  }
0xa6: {  	s5 =	sshll.u32 s26, $0x1;
	_ =	strace $0x80000049;
	[dreg:$0x1] =	wrdreg $0xFFFFFFFF  }
0xa7: {  	s28 =	simm.s32 $_size_execute0_lowered;
	s3 =	sadd.s32 s3, s5;
	[dreg:$0x0] =	wrdreg $0x0  }
0xa8: {  	s5 =	sshll.u32 s28, $0x1;
	[dreg:$0x2] =	wrdreg s3  }
0xa9: {  	[dreg:$0x3] =	wrdreg s5  }
0xaa: {  	[dreg:$0x4] =	wrdreg $0xC0  }
0xab: {  	_ =	task [dreg:s7], $0x5FFFF  }
0xac: {  	[dreg:$0x1] =	wrdreg $0xFFFFFFFF  }
0xad: {  	[dreg:$0x0] =	wrdreg $0x60  }
0xae: {  	[dreg:$0x2] =	wrdreg s2  }
0xaf: {  	[dreg:$0x3] =	wrdreg s24  }
0xb0: {  	[dreg:$0x4] =	wrdreg $0xA4000  }
0xb1: {  	[dreg:$0x5] =	wrdreg $0x9  }
0xb2: {  	_ =	task.clear_ibuf [dreg:s7], $0x6FFFF;
	_ =	strace $0x90000049  }
0xb3: {  	s29 =	simm.s32 $0x9;
	_ =	strace $0x8000004B  }
0xb4: {  	_ =	swait.ge [sflag:s29], $0x1  }
0xb5: {  	[sflag:s29] =	ssyncadd.s32 $0xFFFFFFFF  }
0xb6: {  	_ =	strace $0x9000004B  }
0xb7: {  	_ =	sfence  }
0xb8: {  	s30 =	sld [smem:$0x0];
	_ =	sdelay $0x2  }
0xb9: {  	s31 =	sshll.u32 s1, $0xD;
	s1 =	sshrl.u32 s1, $0x2  }
0xba: {  	s3 =	sand.u32 $0x4000, s31;
	s1 =	sadd.s32 s1, s30  }
0xbb: {  	s0 =	sor.u32 s3, s0;
	s1 =	sshll.u32 s1, $0x11  }
0xbc: {  	s0 =	sor.u32 s1, s0  }
0xbd: {  	s0 =	sadd.s32 $0x8F2B, s0  }
0xbe: {  	[sflag:s0] =	ssyncadd.remote.s32 $0x1  }
0xbf: {  	_ =	sfence.sel $0xFFFF  }
0xc0: {  	[dreg:$0x0] =	wrdreg $0xFFFFFFFF;
	(pc) =	sbr.abs _section_cstart, $3  }
0xc1: {  	[dreg:$0x1] =	wrdreg $0xFFFFFFFF  }
0xc2: {  	_ =	task.clear_ibuf [dreg:s7], $0x2FFFF;
	_ =	strace $0x9FFFFFFF  }
0xc3: {  	(tm) =	ssettm $0x7FFFFFFF  }
tec
execute0_lowered:
.L_overlay_start_1:
0x0: {  	(tag) =	ssettag $0x1  }
0x1: {  	s1 =	rddreg [dreg:$0x0]  }
0x2: {  	s0 =	rddreg [dreg:$0x1]  }
0x3: {  	s2 =	rddreg [dreg:$0x2];
	s3 =	srdreg.scid;
	s4 =	simm.s32 $0x0  }
0x4: {  	s12 =	stileid.u32;
	s28 =	simm.s32 $0x7C00;
	s29 =	simm.s32 $0x1000  }
0x5: {  	s30 =	simm.s32 $0x3000;
	s31 =	simm.s32 $0x1;
	s14 =	simm.s32 $0xB  }
0x6: {  	s3 =	sand.u32 $0x1, s3;
	[smem:$0x7FF] =	sst s4;
	s9 =	smul.u32 $0x4E000, s12  }
0x7: {  	s15 =	sadd.s32 $0x2A200, s0;
	s6 =	sadd.s32 $0x2200, s0;
	s17 =	smul.u32 $0x13800, s12  }
0x8: {  	s8 =	sadd.s32 $0x52A00, s0;
	s0 =	sadd.s32 $0x55200, s0;
	s19 =	smul.u32 $0xA000, s12  }
0x9: {  	s20 =	sadd.s32 $0x124800, s2;
	p0 =	seq.s32 s12, $0xF;
	s5 =	sshll.u32 s3, $0x4  }
0xa: {  	_ =	strace $0x8000004A;
	[dreg:$0x4] =	wrdreg s8;
	s11 =	smul.u32 $0x138800, s3  }
0xb: {  	s16 =	ssub.s32 $0x2, s3;
	s3 =	smul.u32 $0xA0000, s3;
	[dreg:$0x8] =	wrdreg s20  }
0xc: {  	s20 =	simm.s32 $0x28;
	s7 =	sor.u32 s12, s5;
	s10 =	sshrl.u32 s16, $0x1  }
0xd: {  	s9 =	sshrl.u32 s9, $0x2;
	s12 =	simm.s32 $0x9;
	s7 =	smul.u32 $0xA000, s7  }
0xe: {  	s8 =	ssub.s32 s16, s10;
	s18 =	sadd.s32 s9, s2;
	s21 =	sadd.s32 s17, s11  }
0xf: {  	s22 =	sshrl.u32 s11, $0x3;
	s3 =	sadd.s32 s19, s3;
	s16 =	smov.u32 s6  }
0x10: {  	s11 =	simm.s32 $0x3;
	[dreg:$0x7] =	wrdreg s18;
	s9 =	sshrl.u32 s21, $0x3  }
0x11: {  	s10 =	sadd.s32 s0, s22;
	s24 =	sor.u32 $0x1000, s3;
	s25 =	smax.u32 s8, $0x1  }
0x12: {  	s3 =	sadd.s32 $0x2000, s3;
	s21 =	simm.s32 $0x4000;
	s22 =	simm.s32 $0x9000  }
0x13: {  	s18 =	simm.s32 $0x8;
	s8 =	simm.s32 $0x5;
	s7 =	sshrl.u32 s7, $0x3  }
0x14: {  	s0 =	sadd.s32 s0, s9;
	s23 =	sadd.s32 $0x24900, s10;
	[dreg:$0xb] =	wrdreg s25  }
0x15: {  	[dreg:$0xc] =	wrdreg s3;
	s25 =	simm.s32 $0x6800;
	s3 =	simm.s32 $0x2  }
0x16: {  	s9 =	simm.s32 $0x6;
	s13 =	sadd.s32 s15, s7;
	[dreg:$0x9] =	wrdreg s0  }
.Ltmp0:
0x17: {  	s7 =	sadd.s32 s6, s7;
	[dreg:$0xa] =	wrdreg s23;
	(pc) =	sbr.rel .LBB2_1-.Ltmp0, $4  }
0x18: {  	s0 =	sshrl.u32 s24, $0x3;
	s23 =	simm.s32 $0x5400;
	[dreg:$0x5] =	wrdreg s13  }
0x19: {  	s24 =	simm.s32 $0xA;
	[dreg:$0x6] =	wrdreg s7;
	s26 =	sadd.s32 s0, s6  }
0x1a: {  	s6 =	smov.u32 s15;
	s17 =	sadd.s32 s0, s15;
	s13 =	simm.s32 $0x7  }
0x1b: {  	s15 =	simm.s32 $0x4;
	s7 =	simm.s32 $0x0;
	[dreg:$0xd] =	wrdreg s26  }
.LBB2_3:
0x1c: {  	_ =	swait.ge [sflag:s8], $0x1400  }
0x1d: {  	[sflag:s8] =	ssyncset.done $0x0  }
0x1e: {  	s0 =	simm.s32 $0x3C00;
	[sflag:s8] =	ssyncadd.s32 $0xFFFFEC00  }
0x1f: {  	[spmem:s2] =	stream.indirect.scatter.add.f32 [tilespmem:s22], [sflag:$0xA], $0x80, s0, s20, $0xb8;
	[tilespmem:$0x1DC80] =	vst v63  }
0x20: {  	_ =	swait.ge [sflag:s12], $0x1400  }
0x21: {  	[sflag:s12] =	ssyncset.done $0x0  }
0x22: {  	[sflag:s12] =	ssyncadd.s32 $0xFFFFEC00  }
.LBB2_5:
0x23: {  	_ =	swait.ge [sflag:s24], $0x1400  }
0x24: {  	[sflag:s24] =	ssyncset.done $0x0  }
0x25: {  	[sflag:s24] =	ssyncadd.s32 $0xFFFFEC00  }
0x26: {  	[bflag:$0x0] =	sbarrier.arrive $0xFFFF  }
0x27: {  	s5 =	rddreg [dreg:$0xa]  }
0x28: {  	s0 =	simm.s32 @p0 $0x1FCC;
	s7 =	rddreg [dreg:$0xf]  }
0x29: {  	[hbm:s5], [sflag:s0] =	dma.local @p0 [spmem:s7], $0x2800  }
0x2a: {  	s0 =	simm.s32 @p0 $0xC  }
0x2b: {  	_ =	swait.ge @p0 [sflag:s0], $0x2800  }
0x2c: {  	s5 =	rddreg [dreg:$0x10]  }
0x2d: {  	[sflag:s0] =	ssyncset.done @p0 $0x0;
	s7 =	rddreg [dreg:$0x11]  }
0x2e: {  	[sflag:s0] =	ssyncadd.s32 @p0 $0xFFFFD800;
	s0 =	rddreg [dreg:$0x9]  }
0x2f: {  	[hbm:s0], [sflag:s5] =	dma.local @!p0 [spmem:s7], $0x2700  }
0x30: {  	s0 =	simm.s32 @!p0 $0xC  }
0x31: {  	_ =	swait.ge @!p0 [sflag:s0], $0x2700  }
0x32: {  	s19 =	rddreg [dreg:$0xe]  }
0x33: {  	s26 =	rddreg [dreg:$0xb];
	s7 =	sadd.s32 $0x1, s19  }
0x34: {  	p1 =	sne.s32 s7, s26  }
.Ltmp1:
0x35: {  	_ = 	snop;
	(pc) =	sbr.rel @!p1 .LBB2_6-.Ltmp1, $3  }
0x36: {  	_ =	sdelay $0x1  }
0x37: {  	[sflag:s0] =	ssyncset.done @!p0 $0x0  }
0x38: {  	[sflag:s0] =	ssyncadd.s32 @!p0 $0xFFFFD900  }
.LBB2_1:
0x39: {  	[dreg:$0xe] =	wrdreg s7  }
0x3a: {  	s0 =	rddreg [dreg:$0x5];
	s5 =	simm.s32 $0xC  }
0x3b: {  	[tilespmem:s4], [sflag:$0xC] =	stream.linear.gather [hbm4b:s0+s4], $0xC80, $0x38;
	[tilespmem:$0x1DC80] =	vst v63  }
0x3c: {  	_ =	swait.ge [sflag:s5], $0xC80  }
0x3d: {  	[sflag:s5] =	ssyncset.done $0x0  }
0x3e: {  	s26 =	simm.s32 $0x2000;
	s19 =	rddreg [dreg:$0x6];
	[sflag:s5] =	ssyncadd.s32 $0xFFFFF380  }
0x3f: {  	[tilespmem:s26], [sflag:$0xC] =	stream.linear.gather [hbm4b:s19+s4], $0xC80, $0x38;
	[tilespmem:$0x1DC80] =	vst v63  }
0x40: {  	_ =	swait.ge [sflag:s5], $0xC80  }
0x41: {  	[sflag:s5] =	ssyncset.done $0x0  }
0x42: {  	s0 =	rddreg [dreg:$0x8];
	[sflag:s5] =	ssyncadd.s32 $0xFFFFF380  }
0x43: {  	[tilespmem:s21], [sflag:$0x1] =	stream.indirect.gather [hbm4b:s1+s20], $0x80, s4, s20, $0xb8;
	[tilespmem:$0x1DC80] =	vst v63  }
0x44: {  	s10 =	simm.s32 $0x80;
	s5 =	sshrl.u32 @p0 s0, $0x3  }
0x45: {  	[tilespmem:s23], [sflag:$0x2] =	stream.indirect.gather [hbm4b:s1+s20], $0x80, s10, s20, $0xb8;
	[tilespmem:$0x1DC80] =	vst v63  }
0x46: {  	s19 =	simm.s32 $0x100;
	[dreg:$0xf] =	wrdreg s5  }
0x47: {  	[tilespmem:s25], [sflag:$0x3] =	stream.indirect.gather [hbm4b:s1+s20], $0x80, s19, s20, $0xb8;
	[tilespmem:$0x1DC80] =	vst v63  }
0x48: {  	s26 =	simm.s32 $0x180;
	s0 =	simm.s32 @p0 $0x1FCC;
	s10 =	rddreg [dreg:$0x4]  }
0x49: {  	[tilespmem:s28], [sflag:$0x4] =	stream.indirect.gather [hbm4b:s1+s20], $0x80, s26, s20, $0xb8;
	[tilespmem:$0x1DC80] =	vst v63  }
0x4a: {  	[spmem:s5], [sflag:s0] =	dma.local @p0 [hbm:s10], $0x2800  }
0x4b: {  	s0 =	simm.s32 @p0 $0xC  }
0x4c: {  	s5 =	stileid.u32;
	_ =	swait.ge @p0 [sflag:s0], $0x2800  }
0x4d: {  	s7 =	sshll.u32 @!p0 s5, $0x6;
	[sflag:s0] =	ssyncset.done @p0 $0x0  }
0x4e: {  	s5 =	sor.u32 @!p0 $0x1C0C, s7;
	[sflag:s0] =	ssyncadd.s32 @p0 $0xFFFFD800;
	s0 =	rddreg [dreg:$0x7]  }
0x4f: {  	[dreg:$0x10] =	wrdreg s5;
	s0 =	sshrl.u32 @!p0 s0, $0x3  }
0x50: {  	[dreg:$0x11] =	wrdreg s0  }
0x51: {  	[spmem:s0], [sflag:s5] =	dma.local @!p0 [hbm:s10], $0x2700  }
0x52: {  	s0 =	simm.s32 @!p0 $0xC  }
0x53: {  	_ =	swait.ge @!p0 [sflag:s0], $0x2700  }
0x54: {  	[sflag:s0] =	ssyncset.done @!p0 $0x0  }
0x55: {  	[sflag:s0] =	ssyncadd.s32 @!p0 $0xFFFFD900  }
0x56: {  	[bflag:$0x0] =	sbarrier.arrive $0xFFFF  }
0x57: {  	s0 =	simm.s32 $0x0;
	s7 =	rddreg [dreg:$0xc]  }
.LBB2_2:
0x58: {  	s26 =	sadd.s32 s0, s17;
	s5 =	rddreg [dreg:$0xd]  }
0x59: {  	[tilespmem:s29], [sflag:$0xB] =	stream.linear.gather [hbm4b:s26+s4], $0xC80, $0x38;
	[tilespmem:$0x1DC80] =	vst v63  }
0x5a: {  	s19 =	sadd.s32 s0, s5  }
0x5b: {  	[tilespmem:s30], [sflag:$0xB] =	stream.linear.gather [hbm4b:s19+s4], $0xC80, $0x38;
	[tilespmem:$0x1DC80] =	vst v63  }
0x5c: {  	_ =	swait.ge [sflag:s31], $0x1400  }
0x5d: {  	[sflag:s31] =	ssyncset.done $0x0  }
0x5e: {  	p1 =	seq.s32 s0, $0x0;
	s26 =	simm.s32 $0x2000;
	[sflag:s31] =	ssyncadd.s32 $0xFFFFEC00  }
0x5f: {  	[spmem:s2] =	stream.indirect.scatter.add.f32 [tilespmem:s21], [sflag:$0x6], $0x80, s26, s20, $0xb8;
	[tilespmem:$0x1DC80] =	vst v63  }
0x60: {  	s26 =	simm.s32 @!p1 $0xA  }
0x61: {  	_ =	swait.ge @!p1 [sflag:s26], $0x1400  }
0x62: {  	[sflag:s26] =	ssyncset.done @!p1 $0x0  }
0x63: {  	s10 =	simm.s32 $0x200;
	[sflag:s26] =	ssyncadd.s32 @!p1 $0xFFFFEC00  }
0x64: {  	[tilespmem:s22], [sflag:$0x5] =	stream.indirect.gather [hbm4b:s1+s20], $0x80, s10, s20, $0xb8;
	[tilespmem:$0x1DC80] =	vst v63  }
0x65: {  	_ =	swait.ge [sflag:s3], $0x1400  }
0x66: {  	[sflag:s3] =	ssyncset.done $0x0  }
0x67: {  	s19 =	simm.s32 $0x2080;
	[sflag:s3] =	ssyncadd.s32 $0xFFFFEC00  }
0x68: {  	[spmem:s2] =	stream.indirect.scatter.add.f32 [tilespmem:s23], [sflag:$0x7], $0x80, s19, s20, $0xb8;
	[tilespmem:$0x1DC80] =	vst v63  }
0x69: {  	_ =	swait.ge [sflag:s9], $0x1400  }
0x6a: {  	[sflag:s9] =	ssyncset.done $0x0  }
0x6b: {  	s26 =	simm.s32 $0x280;
	[sflag:s9] =	ssyncadd.s32 $0xFFFFEC00  }
0x6c: {  	[tilespmem:s21], [sflag:$0x1] =	stream.indirect.gather [hbm4b:s1+s20], $0x80, s26, s20, $0xb8;
	[tilespmem:$0x1DC80] =	vst v63  }
0x6d: {  	_ =	swait.ge [sflag:s11], $0x1400  }
0x6e: {  	[sflag:s11] =	ssyncset.done $0x0  }
0x6f: {  	s10 =	simm.s32 $0x2100;
	[sflag:s11] =	ssyncadd.s32 $0xFFFFEC00  }
0x70: {  	[spmem:s2] =	stream.indirect.scatter.add.f32 [tilespmem:s25], [sflag:$0x8], $0x80, s10, s20, $0xb8;
	[tilespmem:$0x1DC80] =	vst v63  }
0x71: {  	_ =	swait.ge [sflag:s13], $0x1400  }
0x72: {  	[sflag:s13] =	ssyncset.done $0x0  }
0x73: {  	s19 =	simm.s32 $0x300;
	[sflag:s13] =	ssyncadd.s32 $0xFFFFEC00  }
0x74: {  	[tilespmem:s23], [sflag:$0x2] =	stream.indirect.gather [hbm4b:s1+s20], $0x80, s19, s20, $0xb8;
	[tilespmem:$0x1DC80] =	vst v63  }
0x75: {  	_ =	swait.ge [sflag:s15], $0x1400  }
0x76: {  	[sflag:s15] =	ssyncset.done $0x0  }
0x77: {  	s26 =	simm.s32 $0x2180;
	[sflag:s15] =	ssyncadd.s32 $0xFFFFEC00  }
0x78: {  	[spmem:s2] =	stream.indirect.scatter.add.f32 [tilespmem:s28], [sflag:$0x9], $0x80, s26, s20, $0xb8;
	[tilespmem:$0x1DC80] =	vst v63  }
0x79: {  	_ =	swait.ge [sflag:s18], $0x1400  }
0x7a: {  	[sflag:s18] =	ssyncset.done $0x0  }
0x7b: {  	s10 =	simm.s32 $0x380;
	[sflag:s18] =	ssyncadd.s32 $0xFFFFEC00  }
0x7c: {  	[tilespmem:s25], [sflag:$0x3] =	stream.indirect.gather [hbm4b:s1+s20], $0x80, s10, s20, $0xb8;
	[tilespmem:$0x1DC80] =	vst v63  }
0x7d: {  	_ =	swait.ge [sflag:s8], $0x1400  }
0x7e: {  	[sflag:s8] =	ssyncset.done $0x0  }
0x7f: {  	s19 =	simm.s32 $0x2200;
	[sflag:s8] =	ssyncadd.s32 $0xFFFFEC00  }
0x80: {  	[spmem:s2] =	stream.indirect.scatter.add.f32 [tilespmem:s22], [sflag:$0xA], $0x80, s19, s20, $0xb8;
	[tilespmem:$0x1DC80] =	vst v63  }
0x81: {  	_ =	swait.ge [sflag:s12], $0x1400  }
0x82: {  	[sflag:s12] =	ssyncset.done $0x0  }
0x83: {  	s26 =	simm.s32 $0x400;
	[sflag:s12] =	ssyncadd.s32 $0xFFFFEC00  }
0x84: {  	[tilespmem:s28], [sflag:$0x4] =	stream.indirect.gather [hbm4b:s1+s20], $0x80, s26, s20, $0xb8;
	[tilespmem:$0x1DC80] =	vst v63  }
0x85: {  	_ =	swait.ge [sflag:s31], $0x1400  }
0x86: {  	[sflag:s31] =	ssyncset.done $0x0  }
0x87: {  	s10 =	simm.s32 $0x2280;
	[sflag:s31] =	ssyncadd.s32 $0xFFFFEC00  }
0x88: {  	[spmem:s2] =	stream.indirect.scatter.add.f32 [tilespmem:s21], [sflag:$0x6], $0x80, s10, s20, $0xb8;
	[tilespmem:$0x1DC80] =	vst v63  }
0x89: {  	_ =	swait.ge [sflag:s24], $0x1400  }
0x8a: {  	[sflag:s24] =	ssyncset.done $0x0  }
0x8b: {  	s19 =	simm.s32 $0x480;
	[sflag:s24] =	ssyncadd.s32 $0xFFFFEC00  }
0x8c: {  	[tilespmem:s22], [sflag:$0x5] =	stream.indirect.gather [hbm4b:s1+s20], $0x80, s19, s20, $0xb8;
	[tilespmem:$0x1DC80] =	vst v63  }
0x8d: {  	_ =	swait.ge [sflag:s3], $0x1400  }
0x8e: {  	[sflag:s3] =	ssyncset.done $0x0  }
0x8f: {  	s26 =	simm.s32 $0x2300;
	[sflag:s3] =	ssyncadd.s32 $0xFFFFEC00  }
0x90: {  	[spmem:s2] =	stream.indirect.scatter.add.f32 [tilespmem:s23], [sflag:$0x7], $0x80, s26, s20, $0xb8;
	[tilespmem:$0x1DC80] =	vst v63  }
0x91: {  	_ =	swait.ge [sflag:s9], $0x1400  }
0x92: {  	[sflag:s9] =	ssyncset.done $0x0  }
0x93: {  	s10 =	simm.s32 $0x500;
	[sflag:s9] =	ssyncadd.s32 $0xFFFFEC00  }
0x94: {  	[tilespmem:s21], [sflag:$0x1] =	stream.indirect.gather [hbm4b:s1+s20], $0x80, s10, s20, $0xb8;
	[tilespmem:$0x1DC80] =	vst v63  }
0x95: {  	_ =	swait.ge [sflag:s11], $0x1400  }
0x96: {  	[sflag:s11] =	ssyncset.done $0x0  }
0x97: {  	s19 =	simm.s32 $0x2380;
	[sflag:s11] =	ssyncadd.s32 $0xFFFFEC00  }
0x98: {  	[spmem:s2] =	stream.indirect.scatter.add.f32 [tilespmem:s25], [sflag:$0x8], $0x80, s19, s20, $0xb8;
	[tilespmem:$0x1DC80] =	vst v63  }
0x99: {  	_ =	swait.ge [sflag:s13], $0x1400  }
0x9a: {  	[sflag:s13] =	ssyncset.done $0x0  }
0x9b: {  	s26 =	simm.s32 $0x580;
	[sflag:s13] =	ssyncadd.s32 $0xFFFFEC00  }
0x9c: {  	[tilespmem:s23], [sflag:$0x2] =	stream.indirect.gather [hbm4b:s1+s20], $0x80, s26, s20, $0xb8;
	[tilespmem:$0x1DC80] =	vst v63  }
0x9d: {  	_ =	swait.ge [sflag:s15], $0x1400  }
0x9e: {  	[sflag:s15] =	ssyncset.done $0x0  }
0x9f: {  	s10 =	simm.s32 $0x2400;
	[sflag:s15] =	ssyncadd.s32 $0xFFFFEC00  }
0xa0: {  	[spmem:s2] =	stream.indirect.scatter.add.f32 [tilespmem:s28], [sflag:$0x9], $0x80, s10, s20, $0xb8;
	[tilespmem:$0x1DC80] =	vst v63  }
0xa1: {  	_ =	swait.ge [sflag:s18], $0x1400  }
0xa2: {  	[sflag:s18] =	ssyncset.done $0x0  }
0xa3: {  	s19 =	simm.s32 $0x600;
	[sflag:s18] =	ssyncadd.s32 $0xFFFFEC00  }
0xa4: {  	[tilespmem:s25], [sflag:$0x3] =	stream.indirect.gather [hbm4b:s1+s20], $0x80, s19, s20, $0xb8;
	[tilespmem:$0x1DC80] =	vst v63  }
0xa5: {  	_ =	swait.ge [sflag:s8], $0x1400  }
0xa6: {  	[sflag:s8] =	ssyncset.done $0x0  }
0xa7: {  	s26 =	simm.s32 $0x2480;
	[sflag:s8] =	ssyncadd.s32 $0xFFFFEC00  }
0xa8: {  	[spmem:s2] =	stream.indirect.scatter.add.f32 [tilespmem:s22], [sflag:$0xA], $0x80, s26, s20, $0xb8;
	[tilespmem:$0x1DC80] =	vst v63  }
0xa9: {  	_ =	swait.ge [sflag:s12], $0x1400  }
0xaa: {  	[sflag:s12] =	ssyncset.done $0x0  }
0xab: {  	s10 =	simm.s32 $0x680;
	[sflag:s12] =	ssyncadd.s32 $0xFFFFEC00  }
0xac: {  	[tilespmem:s28], [sflag:$0x4] =	stream.indirect.gather [hbm4b:s1+s20], $0x80, s10, s20, $0xb8;
	[tilespmem:$0x1DC80] =	vst v63  }
0xad: {  	_ =	swait.ge [sflag:s31], $0x1400  }
0xae: {  	[sflag:s31] =	ssyncset.done $0x0  }
0xaf: {  	s19 =	simm.s32 $0x2500;
	[sflag:s31] =	ssyncadd.s32 $0xFFFFEC00  }
0xb0: {  	[spmem:s2] =	stream.indirect.scatter.add.f32 [tilespmem:s21], [sflag:$0x6], $0x80, s19, s20, $0xb8;
	[tilespmem:$0x1DC80] =	vst v63  }
0xb1: {  	_ =	swait.ge [sflag:s24], $0x1400  }
0xb2: {  	[sflag:s24] =	ssyncset.done $0x0  }
0xb3: {  	s26 =	simm.s32 $0x700;
	[sflag:s24] =	ssyncadd.s32 $0xFFFFEC00  }
0xb4: {  	[tilespmem:s22], [sflag:$0x5] =	stream.indirect.gather [hbm4b:s1+s20], $0x80, s26, s20, $0xb8;
	[tilespmem:$0x1DC80] =	vst v63  }
0xb5: {  	_ =	swait.ge [sflag:s3], $0x1400  }
0xb6: {  	[sflag:s3] =	ssyncset.done $0x0  }
0xb7: {  	s10 =	simm.s32 $0x2580;
	[sflag:s3] =	ssyncadd.s32 $0xFFFFEC00  }
0xb8: {  	[spmem:s2] =	stream.indirect.scatter.add.f32 [tilespmem:s23], [sflag:$0x7], $0x80, s10, s20, $0xb8;
	[tilespmem:$0x1DC80] =	vst v63  }
0xb9: {  	_ =	swait.ge [sflag:s9], $0x1400  }
0xba: {  	[sflag:s9] =	ssyncset.done $0x0  }
0xbb: {  	s19 =	simm.s32 $0x780;
	[sflag:s9] =	ssyncadd.s32 $0xFFFFEC00  }
0xbc: {  	[tilespmem:s21], [sflag:$0x1] =	stream.indirect.gather [hbm4b:s1+s20], $0x80, s19, s20, $0xb8;
	[tilespmem:$0x1DC80] =	vst v63  }
0xbd: {  	_ =	swait.ge [sflag:s11], $0x1400  }
0xbe: {  	[sflag:s11] =	ssyncset.done $0x0  }
0xbf: {  	s26 =	simm.s32 $0x2600;
	[sflag:s11] =	ssyncadd.s32 $0xFFFFEC00  }
0xc0: {  	[spmem:s2] =	stream.indirect.scatter.add.f32 [tilespmem:s25], [sflag:$0x8], $0x80, s26, s20, $0xb8;
	[tilespmem:$0x1DC80] =	vst v63  }
0xc1: {  	_ =	swait.ge [sflag:s13], $0x1400  }
0xc2: {  	[sflag:s13] =	ssyncset.done $0x0  }
0xc3: {  	s10 =	simm.s32 $0x800;
	[sflag:s13] =	ssyncadd.s32 $0xFFFFEC00  }
0xc4: {  	[tilespmem:s23], [sflag:$0x2] =	stream.indirect.gather [hbm4b:s1+s20], $0x80, s10, s20, $0xb8;
	[tilespmem:$0x1DC80] =	vst v63  }
0xc5: {  	_ =	swait.ge [sflag:s15], $0x1400  }
0xc6: {  	[sflag:s15] =	ssyncset.done $0x0  }
0xc7: {  	s19 =	simm.s32 $0x2680;
	[sflag:s15] =	ssyncadd.s32 $0xFFFFEC00  }
0xc8: {  	[spmem:s2] =	stream.indirect.scatter.add.f32 [tilespmem:s28], [sflag:$0x9], $0x80, s19, s20, $0xb8;
	[tilespmem:$0x1DC80] =	vst v63  }
0xc9: {  	_ =	swait.ge [sflag:s18], $0x1400  }
0xca: {  	[sflag:s18] =	ssyncset.done $0x0  }
0xcb: {  	s26 =	simm.s32 $0x880;
	[sflag:s18] =	ssyncadd.s32 $0xFFFFEC00  }
0xcc: {  	[tilespmem:s25], [sflag:$0x3] =	stream.indirect.gather [hbm4b:s1+s20], $0x80, s26, s20, $0xb8;
	[tilespmem:$0x1DC80] =	vst v63  }
0xcd: {  	_ =	swait.ge [sflag:s8], $0x1400  }
0xce: {  	[sflag:s8] =	ssyncset.done $0x0  }
0xcf: {  	s10 =	simm.s32 $0x2700;
	[sflag:s8] =	ssyncadd.s32 $0xFFFFEC00  }
0xd0: {  	[spmem:s2] =	stream.indirect.scatter.add.f32 [tilespmem:s22], [sflag:$0xA], $0x80, s10, s20, $0xb8;
	[tilespmem:$0x1DC80] =	vst v63  }
0xd1: {  	_ =	swait.ge [sflag:s12], $0x1400  }
0xd2: {  	[sflag:s12] =	ssyncset.done $0x0  }
0xd3: {  	s19 =	simm.s32 $0x900;
	[sflag:s12] =	ssyncadd.s32 $0xFFFFEC00  }
0xd4: {  	[tilespmem:s28], [sflag:$0x4] =	stream.indirect.gather [hbm4b:s1+s20], $0x80, s19, s20, $0xb8;
	[tilespmem:$0x1DC80] =	vst v63  }
0xd5: {  	_ =	swait.ge [sflag:s31], $0x1400  }
0xd6: {  	[sflag:s31] =	ssyncset.done $0x0  }
0xd7: {  	s26 =	simm.s32 $0x2780;
	[sflag:s31] =	ssyncadd.s32 $0xFFFFEC00  }
0xd8: {  	[spmem:s2] =	stream.indirect.scatter.add.f32 [tilespmem:s21], [sflag:$0x6], $0x80, s26, s20, $0xb8;
	[tilespmem:$0x1DC80] =	vst v63  }
0xd9: {  	_ =	swait.ge [sflag:s24], $0x1400  }
0xda: {  	[sflag:s24] =	ssyncset.done $0x0  }
0xdb: {  	s10 =	simm.s32 $0x980;
	[sflag:s24] =	ssyncadd.s32 $0xFFFFEC00  }
0xdc: {  	[tilespmem:s22], [sflag:$0x5] =	stream.indirect.gather [hbm4b:s1+s20], $0x80, s10, s20, $0xb8;
	[tilespmem:$0x1DC80] =	vst v63  }
0xdd: {  	_ =	swait.ge [sflag:s3], $0x1400  }
0xde: {  	[sflag:s3] =	ssyncset.done $0x0  }
0xdf: {  	s19 =	simm.s32 $0x2800;
	[sflag:s3] =	ssyncadd.s32 $0xFFFFEC00  }
0xe0: {  	[spmem:s2] =	stream.indirect.scatter.add.f32 [tilespmem:s23], [sflag:$0x7], $0x80, s19, s20, $0xb8;
	[tilespmem:$0x1DC80] =	vst v63  }
0xe1: {  	_ =	swait.ge [sflag:s9], $0x1400  }
0xe2: {  	[sflag:s9] =	ssyncset.done $0x0  }
0xe3: {  	s26 =	simm.s32 $0xA00;
	[sflag:s9] =	ssyncadd.s32 $0xFFFFEC00  }
0xe4: {  	[tilespmem:s21], [sflag:$0x1] =	stream.indirect.gather [hbm4b:s1+s20], $0x80, s26, s20, $0xb8;
	[tilespmem:$0x1DC80] =	vst v63  }
0xe5: {  	_ =	swait.ge [sflag:s11], $0x1400  }
0xe6: {  	[sflag:s11] =	ssyncset.done $0x0  }
0xe7: {  	s10 =	simm.s32 $0x2880;
	[sflag:s11] =	ssyncadd.s32 $0xFFFFEC00  }
0xe8: {  	[spmem:s2] =	stream.indirect.scatter.add.f32 [tilespmem:s25], [sflag:$0x8], $0x80, s10, s20, $0xb8;
	[tilespmem:$0x1DC80] =	vst v63  }
0xe9: {  	_ =	swait.ge [sflag:s13], $0x1400  }
0xea: {  	[sflag:s13] =	ssyncset.done $0x0  }
0xeb: {  	s19 =	simm.s32 $0xA80;
	[sflag:s13] =	ssyncadd.s32 $0xFFFFEC00  }
0xec: {  	[tilespmem:s23], [sflag:$0x2] =	stream.indirect.gather [hbm4b:s1+s20], $0x80, s19, s20, $0xb8;
	[tilespmem:$0x1DC80] =	vst v63  }
0xed: {  	_ =	swait.ge [sflag:s15], $0x1400  }
0xee: {  	[sflag:s15] =	ssyncset.done $0x0  }
0xef: {  	s26 =	simm.s32 $0x2900;
	[sflag:s15] =	ssyncadd.s32 $0xFFFFEC00  }
0xf0: {  	[spmem:s2] =	stream.indirect.scatter.add.f32 [tilespmem:s28], [sflag:$0x9], $0x80, s26, s20, $0xb8;
	[tilespmem:$0x1DC80] =	vst v63  }
0xf1: {  	_ =	swait.ge [sflag:s18], $0x1400  }
0xf2: {  	[sflag:s18] =	ssyncset.done $0x0  }
0xf3: {  	s10 =	simm.s32 $0xB00;
	[sflag:s18] =	ssyncadd.s32 $0xFFFFEC00  }
0xf4: {  	[tilespmem:s25], [sflag:$0x3] =	stream.indirect.gather [hbm4b:s1+s20], $0x80, s10, s20, $0xb8;
	[tilespmem:$0x1DC80] =	vst v63  }
0xf5: {  	_ =	swait.ge [sflag:s8], $0x1400  }
0xf6: {  	[sflag:s8] =	ssyncset.done $0x0  }
0xf7: {  	s19 =	simm.s32 $0x2980;
	[sflag:s8] =	ssyncadd.s32 $0xFFFFEC00  }
0xf8: {  	[spmem:s2] =	stream.indirect.scatter.add.f32 [tilespmem:s22], [sflag:$0xA], $0x80, s19, s20, $0xb8;
	[tilespmem:$0x1DC80] =	vst v63  }
0xf9: {  	_ =	swait.ge [sflag:s12], $0x1400  }
0xfa: {  	[sflag:s12] =	ssyncset.done $0x0  }
0xfb: {  	s26 =	simm.s32 $0xB80;
	[sflag:s12] =	ssyncadd.s32 $0xFFFFEC00  }
0xfc: {  	[tilespmem:s28], [sflag:$0x4] =	stream.indirect.gather [hbm4b:s1+s20], $0x80, s26, s20, $0xb8;
	[tilespmem:$0x1DC80] =	vst v63  }
0xfd: {  	_ =	swait.ge [sflag:s31], $0x1400  }
0xfe: {  	[sflag:s31] =	ssyncset.done $0x0  }
0xff: {  	s10 =	simm.s32 $0x2A00;
	[sflag:s31] =	ssyncadd.s32 $0xFFFFEC00  }
0x100: {  	[spmem:s2] =	stream.indirect.scatter.add.f32 [tilespmem:s21], [sflag:$0x6], $0x80, s10, s20, $0xb8;
	[tilespmem:$0x1DC80] =	vst v63  }
0x101: {  	_ =	swait.ge [sflag:s24], $0x1400  }
0x102: {  	[sflag:s24] =	ssyncset.done $0x0  }
0x103: {  	s19 =	simm.s32 $0xC00;
	[sflag:s24] =	ssyncadd.s32 $0xFFFFEC00  }
0x104: {  	[tilespmem:s22], [sflag:$0x5] =	stream.indirect.gather [hbm4b:s1+s20], $0x80, s19, s20, $0xb8;
	[tilespmem:$0x1DC80] =	vst v63  }
0x105: {  	_ =	swait.ge [sflag:s3], $0x1400  }
0x106: {  	[sflag:s3] =	ssyncset.done $0x0  }
0x107: {  	s26 =	simm.s32 $0x2A80;
	[sflag:s3] =	ssyncadd.s32 $0xFFFFEC00  }
0x108: {  	[spmem:s2] =	stream.indirect.scatter.add.f32 [tilespmem:s23], [sflag:$0x7], $0x80, s26, s20, $0xb8;
	[tilespmem:$0x1DC80] =	vst v63  }
0x109: {  	_ =	swait.ge [sflag:s9], $0x1400  }
0x10a: {  	[sflag:s9] =	ssyncset.done $0x0  }
0x10b: {  	[sflag:s9] =	ssyncadd.s32 $0xFFFFEC00  }
0x10c: {  	_ =	swait.ge [sflag:s14], $0xC80  }
0x10d: {  	[sflag:s14] =	ssyncset.done $0x0  }
0x10e: {  	[sflag:s14] =	ssyncadd.s32 $0xFFFFF380  }
0x10f: {  	_ =	swait.ge [sflag:s14], $0xC80  }
0x110: {  	[sflag:s14] =	ssyncset.done $0x0  }
0x111: {  	[sflag:s14] =	ssyncadd.s32 $0xFFFFF380  }
0x112: {  	[tilespmem:s21], [sflag:$0x1] =	stream.indirect.gather [hbm4b:s1+s20], $0x80, s29, s20, $0xb8;
	[tilespmem:$0x1DC80] =	vst v63  }
0x113: {  	_ =	swait.ge [sflag:s11], $0x1400  }
0x114: {  	[sflag:s11] =	ssyncset.done $0x0  }
0x115: {  	s10 =	simm.s32 $0x2B00;
	[sflag:s11] =	ssyncadd.s32 $0xFFFFEC00  }
0x116: {  	[spmem:s2] =	stream.indirect.scatter.add.f32 [tilespmem:s25], [sflag:$0x8], $0x80, s10, s20, $0xb8;
	[tilespmem:$0x1DC80] =	vst v63  }
0x117: {  	_ =	swait.ge [sflag:s13], $0x1400  }
0x118: {  	[sflag:s13] =	ssyncset.done $0x0  }
0x119: {  	s19 =	simm.s32 $0x1080;
	[sflag:s13] =	ssyncadd.s32 $0xFFFFEC00  }
0x11a: {  	[tilespmem:s23], [sflag:$0x2] =	stream.indirect.gather [hbm4b:s1+s20], $0x80, s19, s20, $0xb8;
	[tilespmem:$0x1DC80] =	vst v63  }
0x11b: {  	_ =	swait.ge [sflag:s15], $0x1400  }
0x11c: {  	[sflag:s15] =	ssyncset.done $0x0  }
0x11d: {  	s26 =	simm.s32 $0x2B80;
	[sflag:s15] =	ssyncadd.s32 $0xFFFFEC00  }
0x11e: {  	[spmem:s2] =	stream.indirect.scatter.add.f32 [tilespmem:s28], [sflag:$0x9], $0x80, s26, s20, $0xb8;
	[tilespmem:$0x1DC80] =	vst v63  }
0x11f: {  	_ =	swait.ge [sflag:s18], $0x1400  }
0x120: {  	[sflag:s18] =	ssyncset.done $0x0  }
0x121: {  	s10 =	simm.s32 $0x1100;
	[sflag:s18] =	ssyncadd.s32 $0xFFFFEC00  }
0x122: {  	[tilespmem:s25], [sflag:$0x3] =	stream.indirect.gather [hbm4b:s1+s20], $0x80, s10, s20, $0xb8;
	[tilespmem:$0x1DC80] =	vst v63  }
0x123: {  	_ =	swait.ge [sflag:s8], $0x1400  }
0x124: {  	[sflag:s8] =	ssyncset.done $0x0  }
0x125: {  	s19 =	simm.s32 $0x2C00;
	[sflag:s8] =	ssyncadd.s32 $0xFFFFEC00  }
0x126: {  	[spmem:s2] =	stream.indirect.scatter.add.f32 [tilespmem:s22], [sflag:$0xA], $0x80, s19, s20, $0xb8;
	[tilespmem:$0x1DC80] =	vst v63  }
0x127: {  	_ =	swait.ge [sflag:s12], $0x1400  }
0x128: {  	p1 =	seq.s32 s0, $0x1000;
	[sflag:s12] =	ssyncset.done $0x0  }
0x129: {  	s26 =	simm.s32 $0x1180;
	s19 =	sshrl.u32 @!p1 s7, $0x3;
	[sflag:s12] =	ssyncadd.s32 $0xFFFFEC00  }
0x12a: {  	[tilespmem:s28], [sflag:$0x4] =	stream.indirect.gather [hbm4b:s1+s20], $0x80, s26, s20, $0xb8;
	[tilespmem:$0x1DC80] =	vst v63  }
0x12b: {  	s10 =	sadd.s32 @!p1 s6, s19;
	s26 =	simm.s32 @!p1 $0x0  }
0x12c: {  	[tilespmem:s26], [sflag:$0xB] =	stream.linear.gather @!p1 [hbm4b:s10+s26], $0xC80, $0x38;
	[tilespmem:$0x1DC80] =	vst v63  }
0x12d: {  	s10 =	sadd.s32 @!p1 s16, s19;
	s19 =	simm.s32 @!p1 $0x2000  }
0x12e: {  	[tilespmem:s19], [sflag:$0xB] =	stream.linear.gather @!p1 [hbm4b:s10+s26], $0xC80, $0x38;
	[tilespmem:$0x1DC80] =	vst v63  }
0x12f: {  	_ =	swait.ge [sflag:s31], $0x1400  }
0x130: {  	[sflag:s31] =	ssyncset.done $0x0  }
0x131: {  	[sflag:s31] =	ssyncadd.s32 $0xFFFFEC00  }
0x132: {  	[spmem:s2] =	stream.indirect.scatter.add.f32 [tilespmem:s21], [sflag:$0x6], $0x80, s30, s20, $0xb8;
	[tilespmem:$0x1DC80] =	vst v63  }
0x133: {  	_ =	swait.ge [sflag:s24], $0x1400  }
0x134: {  	[sflag:s24] =	ssyncset.done $0x0  }
0x135: {  	s10 =	simm.s32 $0x1200;
	[sflag:s24] =	ssyncadd.s32 $0xFFFFEC00  }
0x136: {  	[tilespmem:s22], [sflag:$0x5] =	stream.indirect.gather [hbm4b:s1+s20], $0x80, s10, s20, $0xb8;
	[tilespmem:$0x1DC80] =	vst v63  }
0x137: {  	_ =	swait.ge [sflag:s3], $0x1400  }
0x138: {  	[sflag:s3] =	ssyncset.done $0x0  }
0x139: {  	s19 =	simm.s32 $0x3080;
	[sflag:s3] =	ssyncadd.s32 $0xFFFFEC00  }
0x13a: {  	[spmem:s2] =	stream.indirect.scatter.add.f32 [tilespmem:s23], [sflag:$0x7], $0x80, s19, s20, $0xb8;
	[tilespmem:$0x1DC80] =	vst v63  }
0x13b: {  	_ =	swait.ge [sflag:s9], $0x1400  }
0x13c: {  	[sflag:s9] =	ssyncset.done $0x0  }
0x13d: {  	s10 =	simm.s32 $0x1280;
	[sflag:s9] =	ssyncadd.s32 $0xFFFFEC00  }
0x13e: {  	[tilespmem:s21], [sflag:$0x1] =	stream.indirect.gather [hbm4b:s1+s20], $0x80, s10, s20, $0xb8;
	[tilespmem:$0x1DC80] =	vst v63  }
0x13f: {  	_ =	swait.ge [sflag:s11], $0x1400  }
0x140: {  	[sflag:s11] =	ssyncset.done $0x0  }
0x141: {  	s19 =	simm.s32 $0x3100;
	[sflag:s11] =	ssyncadd.s32 $0xFFFFEC00  }
0x142: {  	[spmem:s2] =	stream.indirect.scatter.add.f32 [tilespmem:s25], [sflag:$0x8], $0x80, s19, s20, $0xb8;
	[tilespmem:$0x1DC80] =	vst v63  }
0x143: {  	_ =	swait.ge [sflag:s13], $0x1400  }
0x144: {  	[sflag:s13] =	ssyncset.done $0x0  }
0x145: {  	s10 =	simm.s32 $0x1300;
	[sflag:s13] =	ssyncadd.s32 $0xFFFFEC00  }
0x146: {  	[tilespmem:s23], [sflag:$0x2] =	stream.indirect.gather [hbm4b:s1+s20], $0x80, s10, s20, $0xb8;
	[tilespmem:$0x1DC80] =	vst v63  }
0x147: {  	_ =	swait.ge [sflag:s15], $0x1400  }
0x148: {  	[sflag:s15] =	ssyncset.done $0x0  }
0x149: {  	s19 =	simm.s32 $0x3180;
	[sflag:s15] =	ssyncadd.s32 $0xFFFFEC00  }
0x14a: {  	[spmem:s2] =	stream.indirect.scatter.add.f32 [tilespmem:s28], [sflag:$0x9], $0x80, s19, s20, $0xb8;
	[tilespmem:$0x1DC80] =	vst v63  }
0x14b: {  	_ =	swait.ge [sflag:s18], $0x1400  }
0x14c: {  	[sflag:s18] =	ssyncset.done $0x0  }
0x14d: {  	s10 =	simm.s32 $0x1380;
	[sflag:s18] =	ssyncadd.s32 $0xFFFFEC00  }
0x14e: {  	[tilespmem:s25], [sflag:$0x3] =	stream.indirect.gather [hbm4b:s1+s20], $0x80, s10, s20, $0xb8;
	[tilespmem:$0x1DC80] =	vst v63  }
0x14f: {  	_ =	swait.ge [sflag:s8], $0x1400  }
0x150: {  	[sflag:s8] =	ssyncset.done $0x0  }
0x151: {  	s19 =	simm.s32 $0x3200;
	[sflag:s8] =	ssyncadd.s32 $0xFFFFEC00  }
0x152: {  	[spmem:s2] =	stream.indirect.scatter.add.f32 [tilespmem:s22], [sflag:$0xA], $0x80, s19, s20, $0xb8;
	[tilespmem:$0x1DC80] =	vst v63  }
0x153: {  	_ =	swait.ge [sflag:s12], $0x1400  }
0x154: {  	[sflag:s12] =	ssyncset.done $0x0  }
0x155: {  	s10 =	simm.s32 $0x1400;
	[sflag:s12] =	ssyncadd.s32 $0xFFFFEC00  }
0x156: {  	[tilespmem:s28], [sflag:$0x4] =	stream.indirect.gather [hbm4b:s1+s20], $0x80, s10, s20, $0xb8;
	[tilespmem:$0x1DC80] =	vst v63  }
0x157: {  	_ =	swait.ge [sflag:s31], $0x1400  }
0x158: {  	[sflag:s31] =	ssyncset.done $0x0  }
0x159: {  	s19 =	simm.s32 $0x3280;
	[sflag:s31] =	ssyncadd.s32 $0xFFFFEC00  }
0x15a: {  	[spmem:s2] =	stream.indirect.scatter.add.f32 [tilespmem:s21], [sflag:$0x6], $0x80, s19, s20, $0xb8;
	[tilespmem:$0x1DC80] =	vst v63  }
0x15b: {  	_ =	swait.ge [sflag:s24], $0x1400  }
0x15c: {  	[sflag:s24] =	ssyncset.done $0x0  }
0x15d: {  	s10 =	simm.s32 $0x1480;
	[sflag:s24] =	ssyncadd.s32 $0xFFFFEC00  }
0x15e: {  	[tilespmem:s22], [sflag:$0x5] =	stream.indirect.gather [hbm4b:s1+s20], $0x80, s10, s20, $0xb8;
	[tilespmem:$0x1DC80] =	vst v63  }
0x15f: {  	_ =	swait.ge [sflag:s3], $0x1400  }
0x160: {  	[sflag:s3] =	ssyncset.done $0x0  }
0x161: {  	s19 =	simm.s32 $0x3300;
	[sflag:s3] =	ssyncadd.s32 $0xFFFFEC00  }
0x162: {  	[spmem:s2] =	stream.indirect.scatter.add.f32 [tilespmem:s23], [sflag:$0x7], $0x80, s19, s20, $0xb8;
	[tilespmem:$0x1DC80] =	vst v63  }
0x163: {  	_ =	swait.ge [sflag:s9], $0x1400  }
0x164: {  	[sflag:s9] =	ssyncset.done $0x0  }
0x165: {  	s10 =	simm.s32 $0x1500;
	[sflag:s9] =	ssyncadd.s32 $0xFFFFEC00  }
0x166: {  	[tilespmem:s21], [sflag:$0x1] =	stream.indirect.gather [hbm4b:s1+s20], $0x80, s10, s20, $0xb8;
	[tilespmem:$0x1DC80] =	vst v63  }
0x167: {  	_ =	swait.ge [sflag:s11], $0x1400  }
0x168: {  	[sflag:s11] =	ssyncset.done $0x0  }
0x169: {  	s19 =	simm.s32 $0x3380;
	[sflag:s11] =	ssyncadd.s32 $0xFFFFEC00  }
0x16a: {  	[spmem:s2] =	stream.indirect.scatter.add.f32 [tilespmem:s25], [sflag:$0x8], $0x80, s19, s20, $0xb8;
	[tilespmem:$0x1DC80] =	vst v63  }
0x16b: {  	_ =	swait.ge [sflag:s13], $0x1400  }
0x16c: {  	[sflag:s13] =	ssyncset.done $0x0  }
0x16d: {  	s10 =	simm.s32 $0x1580;
	[sflag:s13] =	ssyncadd.s32 $0xFFFFEC00  }
0x16e: {  	[tilespmem:s23], [sflag:$0x2] =	stream.indirect.gather [hbm4b:s1+s20], $0x80, s10, s20, $0xb8;
	[tilespmem:$0x1DC80] =	vst v63  }
0x16f: {  	_ =	swait.ge [sflag:s15], $0x1400  }
0x170: {  	[sflag:s15] =	ssyncset.done $0x0  }
0x171: {  	s19 =	simm.s32 $0x3400;
	[sflag:s15] =	ssyncadd.s32 $0xFFFFEC00  }
0x172: {  	[spmem:s2] =	stream.indirect.scatter.add.f32 [tilespmem:s28], [sflag:$0x9], $0x80, s19, s20, $0xb8;
	[tilespmem:$0x1DC80] =	vst v63  }
0x173: {  	_ =	swait.ge [sflag:s18], $0x1400  }
0x174: {  	[sflag:s18] =	ssyncset.done $0x0  }
0x175: {  	s10 =	simm.s32 $0x1600;
	[sflag:s18] =	ssyncadd.s32 $0xFFFFEC00  }
0x176: {  	[tilespmem:s25], [sflag:$0x3] =	stream.indirect.gather [hbm4b:s1+s20], $0x80, s10, s20, $0xb8;
	[tilespmem:$0x1DC80] =	vst v63  }
0x177: {  	_ =	swait.ge [sflag:s8], $0x1400  }
0x178: {  	[sflag:s8] =	ssyncset.done $0x0  }
0x179: {  	s19 =	simm.s32 $0x3480;
	[sflag:s8] =	ssyncadd.s32 $0xFFFFEC00  }
0x17a: {  	[spmem:s2] =	stream.indirect.scatter.add.f32 [tilespmem:s22], [sflag:$0xA], $0x80, s19, s20, $0xb8;
	[tilespmem:$0x1DC80] =	vst v63  }
0x17b: {  	_ =	swait.ge [sflag:s12], $0x1400  }
0x17c: {  	[sflag:s12] =	ssyncset.done $0x0  }
0x17d: {  	s10 =	simm.s32 $0x1680;
	[sflag:s12] =	ssyncadd.s32 $0xFFFFEC00  }
0x17e: {  	[tilespmem:s28], [sflag:$0x4] =	stream.indirect.gather [hbm4b:s1+s20], $0x80, s10, s20, $0xb8;
	[tilespmem:$0x1DC80] =	vst v63  }
0x17f: {  	_ =	swait.ge [sflag:s31], $0x1400  }
0x180: {  	[sflag:s31] =	ssyncset.done $0x0  }
0x181: {  	s19 =	simm.s32 $0x3500;
	[sflag:s31] =	ssyncadd.s32 $0xFFFFEC00  }
0x182: {  	[spmem:s2] =	stream.indirect.scatter.add.f32 [tilespmem:s21], [sflag:$0x6], $0x80, s19, s20, $0xb8;
	[tilespmem:$0x1DC80] =	vst v63  }
0x183: {  	_ =	swait.ge [sflag:s24], $0x1400  }
0x184: {  	[sflag:s24] =	ssyncset.done $0x0  }
0x185: {  	s10 =	simm.s32 $0x1700;
	[sflag:s24] =	ssyncadd.s32 $0xFFFFEC00  }
0x186: {  	[tilespmem:s22], [sflag:$0x5] =	stream.indirect.gather [hbm4b:s1+s20], $0x80, s10, s20, $0xb8;
	[tilespmem:$0x1DC80] =	vst v63  }
0x187: {  	_ =	swait.ge [sflag:s3], $0x1400  }
0x188: {  	[sflag:s3] =	ssyncset.done $0x0  }
0x189: {  	s19 =	simm.s32 $0x3580;
	[sflag:s3] =	ssyncadd.s32 $0xFFFFEC00  }
0x18a: {  	[spmem:s2] =	stream.indirect.scatter.add.f32 [tilespmem:s23], [sflag:$0x7], $0x80, s19, s20, $0xb8;
	[tilespmem:$0x1DC80] =	vst v63  }
0x18b: {  	_ =	swait.ge [sflag:s9], $0x1400  }
0x18c: {  	[sflag:s9] =	ssyncset.done $0x0  }
0x18d: {  	s10 =	simm.s32 $0x1780;
	[sflag:s9] =	ssyncadd.s32 $0xFFFFEC00  }
0x18e: {  	[tilespmem:s21], [sflag:$0x1] =	stream.indirect.gather [hbm4b:s1+s20], $0x80, s10, s20, $0xb8;
	[tilespmem:$0x1DC80] =	vst v63  }
0x18f: {  	_ =	swait.ge [sflag:s11], $0x1400  }
0x190: {  	[sflag:s11] =	ssyncset.done $0x0  }
0x191: {  	s19 =	simm.s32 $0x3600;
	[sflag:s11] =	ssyncadd.s32 $0xFFFFEC00  }
0x192: {  	[spmem:s2] =	stream.indirect.scatter.add.f32 [tilespmem:s25], [sflag:$0x8], $0x80, s19, s20, $0xb8;
	[tilespmem:$0x1DC80] =	vst v63  }
0x193: {  	_ =	swait.ge [sflag:s13], $0x1400  }
0x194: {  	[sflag:s13] =	ssyncset.done $0x0  }
0x195: {  	s10 =	simm.s32 $0x1800;
	[sflag:s13] =	ssyncadd.s32 $0xFFFFEC00  }
0x196: {  	[tilespmem:s23], [sflag:$0x2] =	stream.indirect.gather [hbm4b:s1+s20], $0x80, s10, s20, $0xb8;
	[tilespmem:$0x1DC80] =	vst v63  }
0x197: {  	_ =	swait.ge [sflag:s15], $0x1400  }
0x198: {  	[sflag:s15] =	ssyncset.done $0x0  }
0x199: {  	s19 =	simm.s32 $0x3680;
	[sflag:s15] =	ssyncadd.s32 $0xFFFFEC00  }
0x19a: {  	[spmem:s2] =	stream.indirect.scatter.add.f32 [tilespmem:s28], [sflag:$0x9], $0x80, s19, s20, $0xb8;
	[tilespmem:$0x1DC80] =	vst v63  }
0x19b: {  	_ =	swait.ge [sflag:s18], $0x1400  }
0x19c: {  	[sflag:s18] =	ssyncset.done $0x0  }
0x19d: {  	s10 =	simm.s32 $0x1880;
	[sflag:s18] =	ssyncadd.s32 $0xFFFFEC00  }
0x19e: {  	[tilespmem:s25], [sflag:$0x3] =	stream.indirect.gather [hbm4b:s1+s20], $0x80, s10, s20, $0xb8;
	[tilespmem:$0x1DC80] =	vst v63  }
0x19f: {  	_ =	swait.ge [sflag:s8], $0x1400  }
0x1a0: {  	[sflag:s8] =	ssyncset.done $0x0  }
0x1a1: {  	s19 =	simm.s32 $0x3700;
	[sflag:s8] =	ssyncadd.s32 $0xFFFFEC00  }
0x1a2: {  	[spmem:s2] =	stream.indirect.scatter.add.f32 [tilespmem:s22], [sflag:$0xA], $0x80, s19, s20, $0xb8;
	[tilespmem:$0x1DC80] =	vst v63  }
0x1a3: {  	_ =	swait.ge [sflag:s12], $0x1400  }
0x1a4: {  	[sflag:s12] =	ssyncset.done $0x0  }
0x1a5: {  	s10 =	simm.s32 $0x1900;
	[sflag:s12] =	ssyncadd.s32 $0xFFFFEC00  }
0x1a6: {  	[tilespmem:s28], [sflag:$0x4] =	stream.indirect.gather [hbm4b:s1+s20], $0x80, s10, s20, $0xb8;
	[tilespmem:$0x1DC80] =	vst v63  }
0x1a7: {  	_ =	swait.ge [sflag:s31], $0x1400  }
0x1a8: {  	[sflag:s31] =	ssyncset.done $0x0  }
0x1a9: {  	s19 =	simm.s32 $0x3780;
	[sflag:s31] =	ssyncadd.s32 $0xFFFFEC00  }
0x1aa: {  	[spmem:s2] =	stream.indirect.scatter.add.f32 [tilespmem:s21], [sflag:$0x6], $0x80, s19, s20, $0xb8;
	[tilespmem:$0x1DC80] =	vst v63  }
0x1ab: {  	_ =	swait.ge [sflag:s24], $0x1400  }
0x1ac: {  	[sflag:s24] =	ssyncset.done $0x0  }
0x1ad: {  	s10 =	simm.s32 $0x1980;
	[sflag:s24] =	ssyncadd.s32 $0xFFFFEC00  }
0x1ae: {  	[tilespmem:s22], [sflag:$0x5] =	stream.indirect.gather [hbm4b:s1+s20], $0x80, s10, s20, $0xb8;
	[tilespmem:$0x1DC80] =	vst v63  }
0x1af: {  	_ =	swait.ge [sflag:s3], $0x1400  }
0x1b0: {  	[sflag:s3] =	ssyncset.done $0x0  }
0x1b1: {  	s19 =	simm.s32 $0x3800;
	[sflag:s3] =	ssyncadd.s32 $0xFFFFEC00  }
0x1b2: {  	[spmem:s2] =	stream.indirect.scatter.add.f32 [tilespmem:s23], [sflag:$0x7], $0x80, s19, s20, $0xb8;
	[tilespmem:$0x1DC80] =	vst v63  }
0x1b3: {  	_ =	swait.ge [sflag:s9], $0x1400  }
0x1b4: {  	[sflag:s9] =	ssyncset.done $0x0  }
0x1b5: {  	s10 =	simm.s32 $0x1A00;
	[sflag:s9] =	ssyncadd.s32 $0xFFFFEC00  }
0x1b6: {  	[tilespmem:s21], [sflag:$0x1] =	stream.indirect.gather [hbm4b:s1+s20], $0x80, s10, s20, $0xb8;
	[tilespmem:$0x1DC80] =	vst v63  }
0x1b7: {  	_ =	swait.ge [sflag:s11], $0x1400  }
0x1b8: {  	[sflag:s11] =	ssyncset.done $0x0  }
0x1b9: {  	s19 =	simm.s32 $0x3880;
	[sflag:s11] =	ssyncadd.s32 $0xFFFFEC00  }
0x1ba: {  	[spmem:s2] =	stream.indirect.scatter.add.f32 [tilespmem:s25], [sflag:$0x8], $0x80, s19, s20, $0xb8;
	[tilespmem:$0x1DC80] =	vst v63  }
0x1bb: {  	_ =	swait.ge [sflag:s13], $0x1400  }
0x1bc: {  	[sflag:s13] =	ssyncset.done $0x0  }
0x1bd: {  	s10 =	simm.s32 $0x1A80;
	[sflag:s13] =	ssyncadd.s32 $0xFFFFEC00  }
0x1be: {  	[tilespmem:s23], [sflag:$0x2] =	stream.indirect.gather [hbm4b:s1+s20], $0x80, s10, s20, $0xb8;
	[tilespmem:$0x1DC80] =	vst v63  }
0x1bf: {  	_ =	swait.ge [sflag:s15], $0x1400  }
0x1c0: {  	[sflag:s15] =	ssyncset.done $0x0  }
0x1c1: {  	s19 =	simm.s32 $0x3900;
	[sflag:s15] =	ssyncadd.s32 $0xFFFFEC00  }
0x1c2: {  	[spmem:s2] =	stream.indirect.scatter.add.f32 [tilespmem:s28], [sflag:$0x9], $0x80, s19, s20, $0xb8;
	[tilespmem:$0x1DC80] =	vst v63  }
0x1c3: {  	_ =	swait.ge [sflag:s18], $0x1400  }
0x1c4: {  	[sflag:s18] =	ssyncset.done $0x0  }
0x1c5: {  	s10 =	simm.s32 $0x1B00;
	[sflag:s18] =	ssyncadd.s32 $0xFFFFEC00  }
0x1c6: {  	[tilespmem:s25], [sflag:$0x3] =	stream.indirect.gather [hbm4b:s1+s20], $0x80, s10, s20, $0xb8;
	[tilespmem:$0x1DC80] =	vst v63  }
0x1c7: {  	_ =	swait.ge [sflag:s8], $0x1400  }
0x1c8: {  	[sflag:s8] =	ssyncset.done $0x0  }
0x1c9: {  	s19 =	simm.s32 $0x3980;
	[sflag:s8] =	ssyncadd.s32 $0xFFFFEC00  }
0x1ca: {  	[spmem:s2] =	stream.indirect.scatter.add.f32 [tilespmem:s22], [sflag:$0xA], $0x80, s19, s20, $0xb8;
	[tilespmem:$0x1DC80] =	vst v63  }
0x1cb: {  	_ =	swait.ge [sflag:s12], $0x1400  }
0x1cc: {  	[sflag:s12] =	ssyncset.done $0x0  }
0x1cd: {  	s10 =	simm.s32 $0x1B80;
	[sflag:s12] =	ssyncadd.s32 $0xFFFFEC00  }
0x1ce: {  	[tilespmem:s28], [sflag:$0x4] =	stream.indirect.gather [hbm4b:s1+s20], $0x80, s10, s20, $0xb8;
	[tilespmem:$0x1DC80] =	vst v63  }
0x1cf: {  	_ =	swait.ge [sflag:s31], $0x1400  }
0x1d0: {  	[sflag:s31] =	ssyncset.done $0x0  }
0x1d1: {  	s19 =	simm.s32 $0x3A00;
	[sflag:s31] =	ssyncadd.s32 $0xFFFFEC00  }
0x1d2: {  	[spmem:s2] =	stream.indirect.scatter.add.f32 [tilespmem:s21], [sflag:$0x6], $0x80, s19, s20, $0xb8;
	[tilespmem:$0x1DC80] =	vst v63  }
0x1d3: {  	_ =	swait.ge [sflag:s24], $0x1400  }
0x1d4: {  	[sflag:s24] =	ssyncset.done $0x0  }
0x1d5: {  	s10 =	simm.s32 $0x1C00;
	[sflag:s24] =	ssyncadd.s32 $0xFFFFEC00  }
0x1d6: {  	[tilespmem:s22], [sflag:$0x5] =	stream.indirect.gather [hbm4b:s1+s20], $0x80, s10, s20, $0xb8;
	[tilespmem:$0x1DC80] =	vst v63  }
0x1d7: {  	_ =	swait.ge [sflag:s3], $0x1400  }
0x1d8: {  	[sflag:s3] =	ssyncset.done $0x0  }
0x1d9: {  	s19 =	simm.s32 $0x3A80;
	[sflag:s3] =	ssyncadd.s32 $0xFFFFEC00  }
0x1da: {  	[spmem:s2] =	stream.indirect.scatter.add.f32 [tilespmem:s23], [sflag:$0x7], $0x80, s19, s20, $0xb8;
	[tilespmem:$0x1DC80] =	vst v63  }
0x1db: {  	_ =	swait.ge [sflag:s9], $0x1400  }
0x1dc: {  	[sflag:s9] =	ssyncset.done $0x0  }
0x1dd: {  	s10 =	simm.s32 @p1 $0x3;
	[sflag:s9] =	ssyncadd.s32 $0xFFFFEC00  }
0x1de: {  	_ =	swait.ge @p1 [sflag:s10], $0x1400  }
0x1df: {  	s5 =	simm.s32 @p1 $0x6800;
	[sflag:s10] =	ssyncset.done @p1 $0x0  }
0x1e0: {  	s19 =	simm.s32 @p1 $0x3B00;
	[sflag:s10] =	ssyncadd.s32 @p1 $0xFFFFEC00;
	s10 =	simm.s32 @p1 $0x28  }
0x1e1: {  	[spmem:s2] =	stream.indirect.scatter.add.f32 @p1 [tilespmem:s5], [sflag:$0x8], $0x80, s19, s10, $0xb8;
	[tilespmem:$0x1DC80] =	vst v63  }
0x1e2: {  	s5 =	simm.s32 @p1 $0x7  }
0x1e3: {  	_ =	swait.ge @p1 [sflag:s5], $0x1400  }
0x1e4: {  	[sflag:s5] =	ssyncset.done @p1 $0x0  }
0x1e5: {  	[sflag:s5] =	ssyncadd.s32 @p1 $0xFFFFEC00;
	s5 =	simm.s32 @!p1 $0xB  }
0x1e6: {  	_ =	swait.ge @!p1 [sflag:s5], $0xC80  }
0x1e7: {  	[sflag:s5] =	ssyncset.done @!p1 $0x0  }
0x1e8: {  	[sflag:s5] =	ssyncadd.s32 @!p1 $0xFFFFF380  }
0x1e9: {  	_ =	swait.ge @!p1 [sflag:s5], $0xC80  }
0x1ea: {  	[sflag:s5] =	ssyncset.done @!p1 $0x0  }
0x1eb: {  	s10 =	simm.s32 @!p1 $0x4000;
	[sflag:s5] =	ssyncadd.s32 @!p1 $0xFFFFF380;
	s5 =	simm.s32 @!p1 $0x28  }
0x1ec: {  	[tilespmem:s10], [sflag:$0x1] =	stream.indirect.gather @!p1 [hbm4b:s1+s5], $0x80, s26, s5, $0xb8;
	[tilespmem:$0x1DC80] =	vst v63  }
0x1ed: {  	s10 =	simm.s32 @!p1 $0x3  }
0x1ee: {  	_ =	swait.ge @!p1 [sflag:s10], $0x1400  }
0x1ef: {  	[sflag:s10] =	ssyncset.done @!p1 $0x0  }
0x1f0: {  	s19 =	simm.s32 @!p1 $0x6800;
	[sflag:s10] =	ssyncadd.s32 @!p1 $0xFFFFEC00;
	s10 =	simm.s32 @!p1 $0x3B00  }
0x1f1: {  	[spmem:s2] =	stream.indirect.scatter.add.f32 @!p1 [tilespmem:s19], [sflag:$0x8], $0x80, s10, s5, $0xb8;
	[tilespmem:$0x1DC80] =	vst v63  }
0x1f2: {  	s10 =	simm.s32 @!p1 $0x7  }
0x1f3: {  	_ =	swait.ge @!p1 [sflag:s10], $0x1400  }
0x1f4: {  	[sflag:s10] =	ssyncset.done @!p1 $0x0  }
0x1f5: {  	s19 =	simm.s32 @!p1 $0x5400;
	[sflag:s10] =	ssyncadd.s32 @!p1 $0xFFFFEC00;
	s10 =	simm.s32 @!p1 $0x80  }
0x1f6: {  	[tilespmem:s19], [sflag:$0x2] =	stream.indirect.gather @!p1 [hbm4b:s1+s5], $0x80, s10, s5, $0xb8;
	[tilespmem:$0x1DC80] =	vst v63  }
0x1f7: {  	_ =	swait.ge [sflag:s15], $0x1400  }
0x1f8: {  	p1 =	sne.s32 s0, $0x1000;
	[sflag:s15] =	ssyncset.done $0x0  }
.Ltmp2:
0x1f9: {  	s26 =	simm.s32 $0x3B80;
	[sflag:s15] =	ssyncadd.s32 $0xFFFFEC00;
	(pc) =	sbr.rel @!p1 .LBB2_3-.Ltmp2, $4  }
0x1fa: {  	[spmem:s2] =	stream.indirect.scatter.add.f32 [tilespmem:s28], [sflag:$0x9], $0x80, s26, s20, $0xb8;
	[tilespmem:$0x1DC80] =	vst v63  }
0x1fb: {  	_ =	swait.ge [sflag:s18], $0x1400  }
0x1fc: {  	[sflag:s18] =	ssyncset.done $0x0  }
0x1fd: {  	[sflag:s18] =	ssyncadd.s32 $0xFFFFEC00  }
0x1fe: {  	s5 =	simm.s32 $0x100  }
0x1ff: {  	[tilespmem:s25], [sflag:$0x3] =	stream.indirect.gather [hbm4b:s1+s20], $0x80, s5, s20, $0xb8;
	[tilespmem:$0x1DC80] =	vst v63  }
0x200: {  	_ =	swait.ge [sflag:s8], $0x1400  }
0x201: {  	s0 =	sadd.s32 $0x400, s0;
	[sflag:s8] =	ssyncset.done $0x0  }
0x202: {  	s19 =	simm.s32 $0x3C00;
	p1 =	sne.s32 s0, $0x1400;
	[sflag:s8] =	ssyncadd.s32 $0xFFFFEC00  }
0x203: {  	[spmem:s2] =	stream.indirect.scatter.add.f32 [tilespmem:s22], [sflag:$0xA], $0x80, s19, s20, $0xb8;
	[tilespmem:$0x1DC80] =	vst v63  }
.Ltmp3:
0x204: {  	_ = 	snop;
	(pc) =	sbr.rel @p1 .LBB2_2-.Ltmp3, $4  }
.Ltmp4:
0x205: {  	_ =	swait.ge [sflag:s12], $0x1400;
	(pc) =	sbr.rel @!p1 .LBB2_5-.Ltmp4, $4  }
0x206: {  	[sflag:s12] =	ssyncset.done $0x0  }
0x207: {  	s26 =	simm.s32 $0x180;
	s7 =	sadd.s32 $0x2000, s7;
	[sflag:s12] =	ssyncadd.s32 $0xFFFFEC00  }
0x208: {  	[tilespmem:s28], [sflag:$0x4] =	stream.indirect.gather [hbm4b:s1+s20], $0x80, s26, s20, $0xb8;
	[tilespmem:$0x1DC80] =	vst v63  }
0x209: {  	_ = 	snop  }
.LBB2_6:
0x20a: {  	_ =	sfence.sel $0x180000  }
0x20b: {  	[bflag:$0x0] =	sbarrier.arrive $0xFFFF  }
0x20c: {  	_ =	strace $0x9000004A  }
0x20d: {  	s0 =	stileid.u32;
	[bflag:$0x2] =	sbarrier.arrive $0xFFFF  }
0x20e: {  	p0 =	sne.s32 s0, $0x0;
	s0 =	rddreg [dreg:$0x3]  }
0x20f: {  	s0 =	sadd.s32 @!p0 $0x100000, s0  }
0x210: {  	[sflag:s0] =	ssyncadd.tile.s32 @!p0 $0x1;
	_ =	shalt  }
.Lfunc_end2:
_tile_overlayer_lowered:
.L_overlay_start_2:
0x211: {  	(tag) =	ssettag $0x2  }
0x212: {  	s0 =	rddreg [dreg:$0x0];
	s2 =	stileid.u32  }
0x213: {  	s1 =	rddreg [dreg:$0x1];
	p0 =	sne.s32 s2, $0x0  }
0x214: {  	s3 =	rddreg [dreg:$0x2];
	[bflag:$0x3] =	sbarrier.arrive $0xFFFF;
	s2 =	simm.s32 @!p0 $0x1C0C  }
0x215: {  	[timem:s3], [sflag:s2] =	dma.local @!p0 [hbm:s0], s1  }
0x216: {  	s0 =	simm.s32 @!p0 $0xC  }
0x217: {  	_ =	swait.ge @!p0 [sflag:s0], s1  }
0x218: {  	s1 =	ssub.s32 @!p0 $0x0, s1;
	[sflag:s0] =	ssyncset.done @!p0 $0x0  }
0x219: {  	[sflag:s0] =	ssyncadd.s32 @!p0 s1  }
0x21a: {  	[bflag:$0x3] =	sbarrier.arrive $0xFFFF  }
0x21b: {  	_ =	shalt  }

// kernel: kernel.7.cloned.1.call-start
scs
__scs_entry_jumppad:
0x0: {  	(pc) =	sbr.rel $0x88, $3  }
0x1: {  	(tag) =	ssettag $0x0;
	lr =	simm.s32 $0x1  }
0x2: {  	[smem:$0x3F99] =	sst lr;
	_ =	strace $0xD0000000  }
0x3: {  	_ = 	snop  }
0x4: {  	_ = 	snop  }
0x5: {  	_ = 	snop  }
0x6: {  	_ = 	snop  }
0x7: {  	_ = 	snop  }
__scs_overlays_trampoline_lowered:
0x8: {  	[smem:$0x3FA8] =	sst s0  }
0x9: {  	[smem:$0x3FA9] =	sst s1  }
0xa: {  	[smem:$0x3FAA] =	sst s2  }
0xb: {  	[smem:$0x3FAB] =	sst s3  }
0xc: {  	[smem:$0x3FAC] =	sst s4  }
0xd: {  	[smem:$0x3FAD] =	sst s5  }
0xe: {  	[smem:$0x3FAE] =	sst s6  }
0xf: {  	[smem:$0x3FAF] =	sst s7  }
0x10: {  	[smem:$0x3FB0] =	sst s8  }
0x11: {  	[smem:$0x3FB1] =	sst s9;
	s0 =	simm.s32 @!p0 $0x0  }
0x12: {  	s1 =	sld [smem:$0x3F97];
	s0 =	simm.s32 @p0 $0x1  }
0x13: {  	[smem:$0x3FB2] =	sst s0;
	s0 =	simm.s32 @!p1 $0x0  }
0x14: {  	s2 =	sld [smem:$0x3F96];
	s0 =	simm.s32 @p1 $0x1  }
0x15: {  	[smem:$0x3FB3] =	sst s0;
	s0 =	simm.s32 @!p2 $0x0  }
0x16: {  	s3 =	sld [smem:$0x3FDB];
	s0 =	simm.s32 @p2 $0x1  }
0x17: {  	s4 =	simm.s32 $0x1BF5;
	[smem:$0x3FB5] =	sst s0  }
0x18: {  	s0 =	sld [smem:$0x3F98];
	_ =	swait.ge [sflag:s4], $0x0  }
0x19: {  	s7 =	sld [smem:$0x3F99]  }
0x1a: {  	s8 =	sadd.s32 $0xFFFFE003, lr  }
0x1b: {  	s9 =	sadd.s32 $0xFFFFFEF7, lr;
	s5 =	simm.s32 $0xFFFFFFFF;
	p2 =	slt.u32 s8, $0xFFFFF086  }
0x1c: {  	p1 =	slt.u32 s9, $0xF7A;
	s5 =	simm.s32 @!p2 $0x0  }
0x1d: {  	s5 =	simm.s32 @p1 $0x1;
	p0 =	seq.s32 s7, s2  }
0x1e: {  	s7 =	smul.u32 @!p0 $0xF7A, s2;
	p2 =	seq.s32 @!p0 s5, $0x0  }
0x1f: {  	s9 =	smul.u32 $0xF7A, s1;
	s8 =	simm.s32 @!p0 $0x1BF5;
	p2 =	por !p2, p0  }
0x20: {  	[sflag:s8] =	ssyncset.s32 @!p0 $0xFFFFF086;
	s6 =	sadd.s32 @!p0 s3, s7;
	s7 =	simm.s32 @!p0 $0x108  }
0x21: {  	s3 =	sadd.s32 s3, s9;
	s6 =	sadd.s32 @!p0 $0x88, s6;
	s7 =	simm.s32 @p2 $0x1082  }
0x22: {  	[simem:s7], [sflag:s8] =	dma.local @!p0 [hbm:s6], $0xF7A  }
0x23: {  	s9 =	sor.u32 $0xD0000000, s2;
	s6 =	simm.s32 $0x108;
	_ =	swait.ge @!p0 [sflag:s8], $0x0  }
0x24: {  	s3 =	sadd.s32 $0x88, s3;
	s6 =	simm.s32 @!p1 $0x1082;
	[sflag:s4] =	ssyncset.s32 $0xFFFFF086  }
0x25: {  	[simem:s6], [sflag:s4] =	dma.local [hbm:s3], $0xF7A  }
0x26: {  	[smem:$0x3F99] =	sst s1;
	(tag) =	ssettag s2;
	_ =	strace s9  }
0x27: {  	s1 =	sld [smem:$0x3FA9]  }
0x28: {  	s2 =	sld [smem:$0x3FAA]  }
0x29: {  	s4 =	sld [smem:$0x3FAC]  }
0x2a: {  	p0 =	seq.s32 s5, $0x0;
	s5 =	sld [smem:$0x3FAD]  }
0x2b: {  	s6 =	sld [smem:$0x3FAE]  }
0x2c: {  	s7 =	sld [smem:$0x3FAF]  }
0x2d: {  	s3 =	simm.s32 $0x108;
	s8 =	sld [smem:$0x3FB0]  }
0x2e: {  	s3 =	simm.s32 @!p0 $0x1082;
	s9 =	sld [smem:$0x3FB1]  }
0x2f: {  	lr =	sadd.s32 s0, s3;
	s0 =	sld [smem:$0x3FA8]  }
0x30: {  	s3 =	sld [smem:$0x3FAB]  }
0x31: {  	[smem:$0x3FB4] =	sst s10  }
0x32: {  	s10 =	sld [smem:$0x3FB2];
	_ =	sdelay $0x3  }
0x33: {  	p0 =	seq.s32 s10, $0x1;
	s10 =	sld [smem:$0x3FB4];
	_ =	sdelay $0x3  }
0x34: {  	[smem:$0x3FB4] =	sst s10  }
0x35: {  	s10 =	sld [smem:$0x3FB3];
	_ =	sdelay $0x3  }
0x36: {  	p1 =	seq.s32 s10, $0x1;
	s10 =	sld [smem:$0x3FB4];
	_ =	sdelay $0x3  }
0x37: {  	[smem:$0x3FB4] =	sst s10  }
0x38: {  	s10 =	sld [smem:$0x3FB5]  }
0x39: {  	_ = 	snop;
	(pc) =	sbr.ind lr, $3  }
0x3a: {  	_ = 	snop  }
0x3b: {  	_ = 	snop  }
0x3c: {  	p2 =	seq.s32 s10, $0x1;
	s10 =	sld [smem:$0x3FB4]  }
0x3d: {  	_ =	shalt  }
0x3e: {  	_ =	shalt  }
0x3f: {  	_ =	shalt  }
0x40: {  	_ =	shalt  }
0x41: {  	_ =	shalt  }
0x42: {  	_ =	shalt  }
0x43: {  	_ =	shalt  }
0x44: {  	_ =	shalt  }
0x45: {  	_ =	shalt  }
0x46: {  	_ =	shalt  }
0x47: {  	_ =	shalt  }
0x48: {  	_ =	shalt  }
0x49: {  	_ =	shalt  }
0x4a: {  	_ =	shalt  }
0x4b: {  	_ =	shalt  }
0x4c: {  	_ =	shalt  }
0x4d: {  	_ =	shalt  }
0x4e: {  	_ =	shalt  }
0x4f: {  	_ =	shalt  }
0x50: {  	_ =	shalt  }
0x51: {  	_ =	shalt  }
0x52: {  	_ =	shalt  }
0x53: {  	_ =	shalt  }
0x54: {  	_ =	shalt  }
0x55: {  	_ =	shalt  }
0x56: {  	_ =	shalt  }
0x57: {  	_ =	shalt  }
0x58: {  	_ =	shalt  }
0x59: {  	_ =	shalt  }
0x5a: {  	_ =	shalt  }
0x5b: {  	_ =	shalt  }
0x5c: {  	_ =	shalt  }
0x5d: {  	_ =	shalt  }
0x5e: {  	_ =	shalt  }
0x5f: {  	_ =	shalt  }
0x60: {  	_ =	shalt  }
0x61: {  	_ =	shalt  }
0x62: {  	_ =	shalt  }
0x63: {  	_ =	shalt  }
0x64: {  	_ =	shalt  }
0x65: {  	_ =	shalt  }
0x66: {  	_ =	shalt  }
0x67: {  	_ =	shalt  }
0x68: {  	_ =	shalt  }
0x69: {  	_ =	shalt  }
0x6a: {  	_ =	shalt  }
0x6b: {  	_ =	shalt  }
0x6c: {  	_ =	shalt  }
0x6d: {  	_ =	shalt  }
0x6e: {  	_ =	shalt  }
0x6f: {  	_ =	shalt  }
0x70: {  	_ =	shalt  }
0x71: {  	_ =	shalt  }
0x72: {  	_ =	shalt  }
0x73: {  	_ =	shalt  }
0x74: {  	_ =	shalt  }
0x75: {  	_ =	shalt  }
0x76: {  	_ =	shalt  }
0x77: {  	_ =	shalt  }
0x78: {  	_ =	shalt  }
0x79: {  	_ =	shalt  }
0x7a: {  	_ =	shalt  }
0x7b: {  	_ =	shalt  }
0x7c: {  	_ =	shalt  }
0x7d: {  	_ =	shalt  }
0x7e: {  	_ =	shalt  }
0x7f: {  	_ =	shalt  }
0x80: {  	_ =	shalt  }
0x81: {  	_ =	shalt  }
0x82: {  	_ =	shalt  }
0x83: {  	_ =	shalt  }
0x84: {  	_ =	shalt  }
0x85: {  	_ =	shalt  }
0x86: {  	_ =	shalt  }
0x87: {  	_ =	shalt  }
.Lfunc_end0:
.L_simem_size_0:
called_computation_lowered:
.L_overlay_start_0:
0x88: {  	s2 =	sld [smem:$0x3FD9]  }
0x89: {  	s3 =	sld [smem:$0x3FFE];
	_ =	sdelay $0x1  }
0x8a: {  	s1 =	srdreg.scid  }
0x8b: {  	s0 =	sand.u32 $0x1, s1  }
0x8c: {  	s17 =	sshll.u32 s0, $0xA;
	s2 =	sadd.s32 s3, s2  }
0x8d: {  	s2 =	sadd.s32 s2, s17  }
0x8e: {  	[smem:$0x3FC0] =	sst s2  }
0x8f: {  	_ = 	snop  }
0x90: {  	s2 =	sld [smem:$0x3FD0];
	(tm) =	ssettm $0x1  }
0x91: {  	s18 =	sld [smem:$0x3FFB];
	_ =	sdelay $0x3  }
0x92: {  	_ =	strace s18  }
0x93: {  	s3 =	sld [smem:$0x3FFC];
	_ =	sdelay $0x3  }
0x94: {  	_ =	strace s3  }
0x95: {  	s3 =	sld [smem:$0x3FFD];
	_ =	sdelay $0x3  }
0x96: {  	_ =	strace s3  }
0x97: {  	_ =	strace $0x8FFFFFFF  }
0x98: {  	s19 =	sld [smem:$0x3FDB];
	_ =	sdelay $0x1  }
0x99: {  	s4 =	simm.s32 $_scs_section_size  }
0x9a: {  	s5 =	simm.s32 $_size__tile_overlayer_lowered;
	s6 =	simm.s32 $_tile_overlayer_lowered  }
0x9b: {  	s22 =	simm.s32 $0x1BFF;
	s21 =	sshll.u32 s6, $0x1;
	s3 =	sadd.s32 s4, s19  }
0x9c: {  	s7 =	simm.s32 $0x0;
	s20 =	sshll.u32 s5, $0x1;
	s5 =	sadd.s32 s21, s3  }
0x9d: {  	[timem:s7], [sflag:s22] =	dma.local [hbm:s5], s20  }
0x9e: {  	_ =	swait.ge [sflag:s22], s20  }
0x9f: {  	s4 =	ssub.s32 $0x0, s20;
	[sflag:s22] =	ssyncset.done $0x0  }
0xa0: {  	[sflag:s22] =	ssyncadd.s32 s4;
	_ =	sdelay $0x1  }
0xa1: {  	s23 =	simm.s32 $0x1B8B  }
0xa2: {  	_ =	swait.ge [sflag:s23], $0x1  }
0xa3: {  	[sflag:s23] =	ssyncset.done $0x0  }
0xa4: {  	s25 =	simm.s32 $0x1B8E;
	s24 =	sld [smem:$0x3FFE];
	[sflag:s23] =	ssyncadd.s32 $0xFFFFFFFF  }
0xa5: {  	s26 =	simm.s32 $execute0_lowered;
	[smem:$0x3FD2] =	sst s25  }
0xa6: {  	s5 =	sshll.u32 s26, $0x1;
	_ =	strace $0x80000046;
	[dreg:$0x1] =	wrdreg $0xFFFFFFFF  }
0xa7: {  	s28 =	simm.s32 $_size_execute0_lowered;
	s3 =	sadd.s32 s3, s5;
	[dreg:$0x0] =	wrdreg $0x0  }
0xa8: {  	s5 =	sshll.u32 s28, $0x1;
	[dreg:$0x2] =	wrdreg s3  }
0xa9: {  	[dreg:$0x3] =	wrdreg s5  }
0xaa: {  	[dreg:$0x4] =	wrdreg $0xC0  }
0xab: {  	_ =	task [dreg:s7], $0x5FFFF  }
0xac: {  	[dreg:$0x1] =	wrdreg $0xFFFFFFFF  }
0xad: {  	[dreg:$0x0] =	wrdreg $0x60  }
0xae: {  	[dreg:$0x2] =	wrdreg s2  }
0xaf: {  	[dreg:$0x3] =	wrdreg s24  }
0xb0: {  	[dreg:$0x4] =	wrdreg $0xA4000  }
0xb1: {  	[dreg:$0x5] =	wrdreg $0x1DD000  }
0xb2: {  	[dreg:$0x6] =	wrdreg $0x9  }
0xb3: {  	_ =	task.clear_ibuf [dreg:s7], $0x7FFFF;
	_ =	strace $0x90000046  }
0xb4: {  	s29 =	simm.s32 $0x9;
	_ =	strace $0x80000048  }
0xb5: {  	_ =	swait.ge [sflag:s29], $0x1  }
0xb6: {  	[sflag:s29] =	ssyncadd.s32 $0xFFFFFFFF  }
0xb7: {  	_ =	strace $0x90000048  }
0xb8: {  	_ =	sfence  }
0xb9: {  	s30 =	sld [smem:$0x0];
	_ =	sdelay $0x2  }
0xba: {  	s31 =	sshll.u32 s1, $0xD;
	s1 =	sshrl.u32 s1, $0x2  }
0xbb: {  	s3 =	sand.u32 $0x4000, s31;
	s1 =	sadd.s32 s1, s30  }
0xbc: {  	s0 =	sor.u32 s3, s0;
	s1 =	sshll.u32 s1, $0x11  }
0xbd: {  	s0 =	sor.u32 s1, s0  }
0xbe: {  	s0 =	sadd.s32 $0x8F2B, s0  }
0xbf: {  	[sflag:s0] =	ssyncadd.remote.s32 $0x1  }
0xc0: {  	_ =	sfence.sel $0xFFFF  }
0xc1: {  	[dreg:$0x0] =	wrdreg $0xFFFFFFFF;
	(pc) =	sbr.abs _section_cstart, $3  }
0xc2: {  	[dreg:$0x1] =	wrdreg $0xFFFFFFFF  }
0xc3: {  	_ =	task.clear_ibuf [dreg:s7], $0x2FFFF;
	_ =	strace $0x9FFFFFFF  }
0xc4: {  	(tm) =	ssettm $0x7FFFFFFF  }
0xc5: {  	_ =	shalt  }
tec
execute0_lowered:
.L_overlay_start_1:
0x0: {  	(tag) =	ssettag $0x1  }
0x1: {  	s1 =	rddreg [dreg:$0x0]  }
0x2: {  	s0 =	rddreg [dreg:$0x1]  }
0x3: {  	s2 =	rddreg [dreg:$0x2]  }
0x4: {  	s3 =	rddreg [dreg:$0x3]  }
0x5: {  	s4 =	simm.s32 $0x0;
	s14 =	srdreg.scid;
	s22 =	stileid.u32  }
0x6: {  	s29 =	simm.s32 $0x6800;
	s31 =	simm.s32 $0x7C00;
	s28 =	simm.s32 $0x1  }
0x7: {  	s30 =	simm.s32 $0x9000;
	s13 =	simm.s32 $0xF;
	[smem:$0x7FF] =	sst s4  }
0x8: {  	s4 =	sand.u32 $0x1, s14;
	s11 =	sadd.s32 $0x2A200, s0;
	s12 =	sadd.s32 $0x2200, s0  }
0x9: {  	s6 =	sadd.s32 $0x52A00, s0;
	s7 =	sadd.s32 $0x52400, s0;
	s16 =	sadd.s32 $0x52200, s0  }
0xa: {  	s9 =	smul.u32 $0x4E000, s22;
	_ =	strace $0x80000047;
	[dreg:$0x7] =	wrdreg s6  }
0xb: {  	s17 =	sadd.s32 $0x55C00, s0;
	s10 =	smul.u32 $0x13800, s22;
	[dreg:$0x8] =	wrdreg s7  }
0xc: {  	s21 =	sadd.s32 $0x124800, s2;
	p0 =	sne.s32 s22, $0xF;
	[dreg:$0x9] =	wrdreg s16  }
0xd: {  	p3 =	seq.s32 s22, $0xF;
	s14 =	simm.s32 $0x0;
	[dreg:$0x5] =	wrdreg s11  }
0xe: {  	s5 =	sshll.u32 s4, $0x4;
	s8 =	ssub.s32 $0x2, s4;
	[dreg:$0x6] =	wrdreg s12  }
0xf: {  	s4 =	smul.u32 $0x138800, s4;
	[dreg:$0xd] =	wrdreg s21;
	p2 =	sne.s32 @p0 s22, $0x0  }
0x10: {  	s21 =	simm.s32 $0xA;
	s15 =	sor.u32 s22, s5;
	s0 =	sadd.s32 s5, s0  }
0x11: {  	s18 =	sshrl.u32 s8, $0x1;
	s20 =	sshrl.u32 s9, $0x2;
	p1 =	por p2, !p0  }
0x12: {  	p2 =	por !p2, !p0;
	s9 =	simm.s32 $0x2;
	s6 =	smul.u32 $0xA000, s15  }
0x13: {  	s5 =	ssub.s32 s8, s18;
	s15 =	sadd.s32 s20, s2;
	s23 =	sadd.s32 s10, s4  }
0x14: {  	s4 =	sshrl.u32 s4, $0x3;
	s0 =	sadd.s32 $0x55200, s0;
	s10 =	simm.s32 $0x6  }
0x15: {  	s18 =	simm.s32 $0xD;
	s20 =	simm.s32 $0x8;
	s4 =	sadd.s32 s17, s4  }
0x16: {  	[dreg:$0x12] =	wrdreg s0;
	s26 =	smax.u32 s5, $0x1;
	s0 =	simm.s32 $0x1DC80  }
0x17: {  	s5 =	simm.s32 $0xE;
	[dreg:$0xc] =	wrdreg s15;
	s19 =	sshrl.u32 s6, $0x3  }
0x18: {  	s24 =	sor.u32 $0x1000, s6;
	s6 =	sadd.s32 $0x2000, s6;
	[dreg:$0x13] =	wrdreg s26  }
0x19: {  	s4 =	sadd.s32 $0x24900, s4;
	s26 =	simm.s32 $0x5400;
	[dreg:$0xe] =	wrdreg s24  }
0x1a: {  	s11 =	sadd.s32 s11, s19;
	s8 =	sadd.s32 s12, s19;
	[dreg:$0xf] =	wrdreg s6  }
0x1b: {  	[dreg:$0x11] =	wrdreg s4;
	s24 =	simm.s32 $0x4000;
	s12 =	simm.s32 $0x3  }
0x1c: {  	s19 =	simm.s32 $0x4;
	s4 =	simm.s32 $0x5;
	[dreg:$0xa] =	wrdreg s11  }
0x1d: {  	[dreg:$0xb] =	wrdreg s8;
	s8 =	sshrl.u32 s23, $0x3;
	s23 =	simm.s32 $0x28  }
0x1e: {  	s11 =	simm.s32 $0xC;
	s25 =	sadd.s32 s17, s8;
	s17 =	simm.s32 $0x7  }
0x1f: {  	s8 =	simm.s32 $0x9;
	[dreg:$0x10] =	wrdreg s25;
	s25 =	simm.s32 $0x10  }
.LBB2_1:
0x20: {  	[dreg:$0x14] =	wrdreg s14  }
0x21: {  	s16 =	simm.s32 $0x0;
	s6 =	rddreg [dreg:$0xa];
	s14 =	simm.s32 $0x11  }
0x22: {  	[tilespmem:s16], [sflag:$0x11] =	stream.linear.gather [hbm4b:s6+s16], $0xC80, $0x38;
	[tilespmem:$0x1DF78] =	vst v63  }
0x23: {  	_ =	swait.ge [sflag:s14], $0xC80  }
0x24: {  	[sflag:s14] =	ssyncset.done $0x0  }
0x25: {  	s7 =	simm.s32 $0x2000;
	s6 =	rddreg [dreg:$0xb];
	[sflag:s14] =	ssyncadd.s32 $0xFFFFF380  }
0x26: {  	[tilespmem:s7], [sflag:$0x11] =	stream.linear.gather [hbm4b:s6+s16], $0xC80, $0x38;
	[tilespmem:$0x1DF78] =	vst v63  }
0x27: {  	_ =	swait.ge [sflag:s14], $0xC80  }
0x28: {  	[sflag:s14] =	ssyncset.done $0x0  }
0x29: {  	[sflag:s14] =	ssyncadd.s32 $0xFFFFF380  }
0x2a: {  	[tilespmem:s24], [sflag:$0x1] =	stream.indirect.gather [hbm4b:s1+s23], $0x80, s16, s23, $0xb8;
	[tilespmem:$0x1DF78] =	vst v63  }
0x2b: {  	s7 =	simm.s32 $0x80  }
0x2c: {  	[tilespmem:s26], [sflag:$0x2] =	stream.indirect.gather [hbm4b:s1+s23], $0x80, s7, s23, $0xb8;
	[tilespmem:$0x1DF78] =	vst v63  }
0x2d: {  	s16 =	simm.s32 $0x100  }
0x2e: {  	[tilespmem:s29], [sflag:$0x3] =	stream.indirect.gather [hbm4b:s1+s23], $0x80, s16, s23, $0xb8;
	[tilespmem:$0x1DF78] =	vst v63  }
0x2f: {  	s6 =	sshll.u32 @p0 s22, $0x6;
	s7 =	simm.s32 $0x180  }
0x30: {  	[tilespmem:s31], [sflag:$0x4] =	stream.indirect.gather [hbm4b:s1+s23], $0x80, s7, s23, $0xb8;
	[tilespmem:$0x1DF78] =	vst v63  }
0x31: {  	s6 =	sor.u32 @p0 $0x1C11, s6;
	s7 =	sshrl.u32 @p0 s15, $0x3;
	s15 =	rddreg [dreg:$0x7]  }
0x32: {  	[spmem:s7], [sflag:s6] =	dma.local @p0 [hbm:s15], $0x2700  }
0x33: {  	s6 =	simm.s32 @p0 $0x11  }
0x34: {  	_ =	swait.ge @p0 [sflag:s6], $0x2700  }
0x35: {  	s7 =	simm.s32 @!p1 $0x1C11;
	[sflag:s6] =	ssyncset.done @p0 $0x0  }
0x36: {  	s16 =	rddreg [dreg:$0x8];
	[sflag:s6] =	ssyncadd.s32 @p0 $0xFFFFD900;
	s6 =	sshrl.u32 @!p1 s3, $0x3  }
0x37: {  	[spmem:s6], [sflag:s7] =	dma.local @!p1 [hbm:s16], $0x4F0  }
0x38: {  	s6 =	simm.s32 @!p1 $0x11  }
0x39: {  	_ =	swait.ge @!p1 [sflag:s6], $0x4F0  }
0x3a: {  	[sflag:s6] =	ssyncset.done @!p1 $0x0  }
0x3b: {  	[sflag:s6] =	ssyncadd.s32 @!p1 $0xFFFFFB10;
	s6 =	rddreg [dreg:$0xd]  }
0x3c: {  	s7 =	simm.s32 @!p0 $0x1FD1;
	s6 =	sshrl.u32 @!p0 s6, $0x3  }
0x3d: {  	[spmem:s6], [sflag:s7] =	dma.local @!p0 [hbm:s15], $0x2800  }
0x3e: {  	s6 =	simm.s32 @!p0 $0x11  }
0x3f: {  	_ =	swait.ge @!p0 [sflag:s6], $0x2800  }
0x40: {  	[sflag:s6] =	ssyncset.done @!p0 $0x0  }
0x41: {  	s22 =	simm.s32 $0x0;
	s16 =	rddreg [dreg:$0x9];
	[sflag:s6] =	ssyncadd.s32 @!p0 $0xFFFFD800  }
0x42: {  	[tilespmem:s0], [sflag:$0x11] =	stream.linear.gather [hbm4b:s16+s22], $0x80, $0x38;
	[tilespmem:$0x1DF78] =	vst v63  }
0x43: {  	_ =	swait.ge [sflag:s14], $0x80  }
0x44: {  	p5 =	por @p0 $0x0, $0x0;
	p4 =	por @!p1 $0x1, $0x1;
	[sflag:s14] =	ssyncset.done $0x0  }
0x45: {  	p4 =	por @!p2 p5, p5;
	p5 =	por @!p0 $0x0, $0x0;
	[sflag:s14] =	ssyncadd.s32 $0xFFFFFF80  }
0x46: {  	p4 =	por @!p0 p5, p5;
	s15 =	simm.s32 $0x0;
	[bflag:$0x0] =	sbarrier.arrive $0xFFFF  }
.LBB2_2:
0x47: {  	s7 =	sshll.u32 s15, $0xD;
	s6 =	rddreg [dreg:$0xe]  }
0x48: {  	s6 =	sadd.s32 s7, s6  }
0x49: {  	s14 =	rddreg [dreg:$0x5];
	s16 =	simm.s32 $0x1000;
	s6 =	sshrl.u32 s6, $0x3  }
0x4a: {  	[dreg:$0x15] =	wrdreg s7;
	s7 =	sadd.s32 s14, s6;
	s14 =	simm.s32 $0x0  }
0x4b: {  	[tilespmem:s16], [sflag:$0xB] =	stream.linear.gather [hbm4b:s7+s14], $0xC80, $0x38;
	[tilespmem:$0x1DF78] =	vst v63  }
0x4c: {  	s16 =	rddreg [dreg:$0x6]  }
0x4d: {  	s22 =	simm.s32 $0x3000;
	s6 =	sadd.s32 s16, s6  }
0x4e: {  	[tilespmem:s22], [sflag:$0xB] =	stream.linear.gather [hbm4b:s6+s14], $0xC80, $0x38;
	[tilespmem:$0x1DF78] =	vst v63  }
0x4f: {  	_ =	swait.ge [sflag:s28], $0x1400  }
0x50: {  	s22 =	sor.u32 s15, s14;
	[sflag:s28] =	ssyncset.done $0x0  }
0x51: {  	s16 =	simm.s32 $0x2000;
	p5 =	seq.s32 s22, $0x0;
	[sflag:s28] =	ssyncadd.s32 $0xFFFFEC00  }
0x52: {  	[spmem:s2] =	stream.indirect.scatter.add.f32 [tilespmem:s24], [sflag:$0x6], $0x80, s16, s23, $0xb8;
	[tilespmem:$0x1DF78] =	vst v63  }
0x53: {  	s6 =	simm.s32 @!p5 $0xA  }
0x54: {  	[spmem:s3] =	stream.indirect.scatter.add.f32 [tilespmem:s0], [sflag:$0xC], $0x1, s16, s23, $0xb8;
	[tilespmem:$0x1DF78] =	vst v63  }
0x55: {  	_ =	swait.ge @!p5 [sflag:s6], $0x1400  }
0x56: {  	[sflag:s6] =	ssyncset.done @!p5 $0x0  }
0x57: {  	s7 =	simm.s32 @!p5 $0x10;
	[sflag:s6] =	ssyncadd.s32 @!p5 $0xFFFFEC00  }
0x58: {  	_ =	swait.ge @!p5 [sflag:s7], $0x28  }
0x59: {  	[sflag:s7] =	ssyncset.done @!p5 $0x0  }
0x5a: {  	s16 =	simm.s32 $0x200;
	[sflag:s7] =	ssyncadd.s32 @!p5 $0xFFFFFFD8  }
0x5b: {  	[tilespmem:s30], [sflag:$0x5] =	stream.indirect.gather [hbm4b:s1+s23], $0x80, s16, s23, $0xb8;
	[tilespmem:$0x1DF78] =	vst v63  }
0x5c: {  	_ =	swait.ge [sflag:s9], $0x1400  }
0x5d: {  	[sflag:s9] =	ssyncset.done $0x0  }
0x5e: {  	s22 =	simm.s32 $0x2080;
	[sflag:s9] =	ssyncadd.s32 $0xFFFFEC00  }
0x5f: {  	[spmem:s2] =	stream.indirect.scatter.add.f32 [tilespmem:s26], [sflag:$0x7], $0x80, s22, s23, $0xb8;
	[tilespmem:$0x1DF78] =	vst v63  }
0x60: {  	_ = 	snop  }
0x61: {  	[spmem:s3] =	stream.indirect.scatter.add.f32 [tilespmem:s0], [sflag:$0xD], $0x1, s22, s23, $0xb8;
	[tilespmem:$0x1DF78] =	vst v63  }
0x62: {  	_ =	swait.ge [sflag:s10], $0x1400  }
0x63: {  	[sflag:s10] =	ssyncset.done $0x0  }
0x64: {  	[sflag:s10] =	ssyncadd.s32 $0xFFFFEC00  }
0x65: {  	_ =	swait.ge [sflag:s11], $0x28  }
0x66: {  	[sflag:s11] =	ssyncset.done $0x0  }
0x67: {  	s7 =	simm.s32 $0x280;
	[sflag:s11] =	ssyncadd.s32 $0xFFFFFFD8  }
0x68: {  	[tilespmem:s24], [sflag:$0x1] =	stream.indirect.gather [hbm4b:s1+s23], $0x80, s7, s23, $0xb8;
	[tilespmem:$0x1DF78] =	vst v63  }
0x69: {  	_ =	swait.ge [sflag:s12], $0x1400  }
0x6a: {  	[sflag:s12] =	ssyncset.done $0x0  }
0x6b: {  	s16 =	simm.s32 $0x2100;
	[sflag:s12] =	ssyncadd.s32 $0xFFFFEC00  }
0x6c: {  	[spmem:s2] =	stream.indirect.scatter.add.f32 [tilespmem:s29], [sflag:$0x8], $0x80, s16, s23, $0xb8;
	[tilespmem:$0x1DF78] =	vst v63  }
0x6d: {  	_ = 	snop  }
0x6e: {  	[spmem:s3] =	stream.indirect.scatter.add.f32 [tilespmem:s0], [sflag:$0xE], $0x1, s16, s23, $0xb8;
	[tilespmem:$0x1DF78] =	vst v63  }
0x6f: {  	_ =	swait.ge [sflag:s17], $0x1400  }
0x70: {  	[sflag:s17] =	ssyncset.done $0x0  }
0x71: {  	[sflag:s17] =	ssyncadd.s32 $0xFFFFEC00  }
0x72: {  	_ =	swait.ge [sflag:s18], $0x28  }
0x73: {  	[sflag:s18] =	ssyncset.done $0x0  }
0x74: {  	s22 =	simm.s32 $0x300;
	[sflag:s18] =	ssyncadd.s32 $0xFFFFFFD8  }
0x75: {  	[tilespmem:s26], [sflag:$0x2] =	stream.indirect.gather [hbm4b:s1+s23], $0x80, s22, s23, $0xb8;
	[tilespmem:$0x1DF78] =	vst v63  }
0x76: {  	_ =	swait.ge [sflag:s19], $0x1400  }
0x77: {  	[sflag:s19] =	ssyncset.done $0x0  }
0x78: {  	s7 =	simm.s32 $0x2180;
	[sflag:s19] =	ssyncadd.s32 $0xFFFFEC00  }
0x79: {  	[spmem:s2] =	stream.indirect.scatter.add.f32 [tilespmem:s31], [sflag:$0x9], $0x80, s7, s23, $0xb8;
	[tilespmem:$0x1DF78] =	vst v63  }
0x7a: {  	_ = 	snop  }
0x7b: {  	[spmem:s3] =	stream.indirect.scatter.add.f32 [tilespmem:s0], [sflag:$0xF], $0x1, s7, s23, $0xb8;
	[tilespmem:$0x1DF78] =	vst v63  }
0x7c: {  	_ =	swait.ge [sflag:s20], $0x1400  }
0x7d: {  	[sflag:s20] =	ssyncset.done $0x0  }
0x7e: {  	[sflag:s20] =	ssyncadd.s32 $0xFFFFEC00  }
0x7f: {  	_ =	swait.ge [sflag:s5], $0x28  }
0x80: {  	[sflag:s5] =	ssyncset.done $0x0  }
0x81: {  	s16 =	simm.s32 $0x380;
	[sflag:s5] =	ssyncadd.s32 $0xFFFFFFD8  }
0x82: {  	[tilespmem:s29], [sflag:$0x3] =	stream.indirect.gather [hbm4b:s1+s23], $0x80, s16, s23, $0xb8;
	[tilespmem:$0x1DF78] =	vst v63  }
0x83: {  	_ =	swait.ge [sflag:s4], $0x1400  }
0x84: {  	[sflag:s4] =	ssyncset.done $0x0  }
0x85: {  	s22 =	simm.s32 $0x2200;
	[sflag:s4] =	ssyncadd.s32 $0xFFFFEC00  }
0x86: {  	[spmem:s2] =	stream.indirect.scatter.add.f32 [tilespmem:s30], [sflag:$0xA], $0x80, s22, s23, $0xb8;
	[tilespmem:$0x1DF78] =	vst v63  }
0x87: {  	_ = 	snop  }
0x88: {  	[spmem:s3] =	stream.indirect.scatter.add.f32 [tilespmem:s0], [sflag:$0x10], $0x1, s22, s23, $0xb8;
	[tilespmem:$0x1DF78] =	vst v63  }
0x89: {  	_ =	swait.ge [sflag:s8], $0x1400  }
0x8a: {  	[sflag:s8] =	ssyncset.done $0x0  }
0x8b: {  	[sflag:s8] =	ssyncadd.s32 $0xFFFFEC00  }
0x8c: {  	_ =	swait.ge [sflag:s13], $0x28  }
0x8d: {  	s6 =	simm.s32 $0xA00;
	s7 =	simm.s32 $0x400;
	[sflag:s13] =	ssyncset.done $0x0  }
.LBB2_3:
0x8e: {  	[sflag:s13] =	ssyncadd.s32 $0xFFFFFFD8  }
0x8f: {  	s14 =	sadd.s32 $0x1, s14;
	s16 =	smov.u32 s6;
	s6 =	sadd.s32 $0xA00, s6  }
0x90: {  	[tilespmem:s31], [sflag:$0x4] =	stream.indirect.gather [hbm4b:s1+s23], $0x80, s7, s23, $0xb8;
	[tilespmem:$0x1DF78] =	vst v63  }
0x91: {  	p5 =	sne.s32 s6, $0x2800;
	_ =	swait.ge [sflag:s28], $0x1400  }
0x92: {  	s7 =	sshra.s32 s16, $0x2;
	[sflag:s28] =	ssyncset.done $0x0  }
0x93: {  	s22 =	sor.u32 s15, s14;
	s16 =	sadd.s32 $0x2000, s7;
	[sflag:s28] =	ssyncadd.s32 $0xFFFFEC00  }
0x94: {  	[spmem:s2] =	stream.indirect.scatter.add.f32 [tilespmem:s24], [sflag:$0x6], $0x80, s16, s23, $0xb8;
	[tilespmem:$0x1DF78] =	vst v63  }
0x95: {  	p6 =	seq.s32 s22, $0x0  }
0x96: {  	[spmem:s3] =	stream.indirect.scatter.add.f32 [tilespmem:s0], [sflag:$0xC], $0x1, s16, s23, $0xb8;
	[tilespmem:$0x1DF78] =	vst v63  }
0x97: {  	s16 =	simm.s32 @!p6 $0xA  }
0x98: {  	_ =	swait.ge @!p6 [sflag:s16], $0x1400  }
0x99: {  	s22 =	simm.s32 @!p6 $0x10;
	[sflag:s16] =	ssyncset.done @!p6 $0x0  }
0x9a: {  	[sflag:s16] =	ssyncadd.s32 @!p6 $0xFFFFEC00  }
0x9b: {  	_ =	swait.ge @!p6 [sflag:s22], $0x28  }
0x9c: {  	s16 =	sadd.s32 $0x200, s7;
	[sflag:s22] =	ssyncset.done @!p6 $0x0  }
0x9d: {  	[sflag:s22] =	ssyncadd.s32 @!p6 $0xFFFFFFD8  }
0x9e: {  	[tilespmem:s30], [sflag:$0x5] =	stream.indirect.gather [hbm4b:s1+s23], $0x80, s16, s23, $0xb8;
	[tilespmem:$0x1DF78] =	vst v63  }
0x9f: {  	_ =	swait.ge [sflag:s9], $0x1400  }
0xa0: {  	s16 =	sadd.s32 $0x2080, s7;
	[sflag:s9] =	ssyncset.done $0x0  }
0xa1: {  	[sflag:s9] =	ssyncadd.s32 $0xFFFFEC00  }
0xa2: {  	[spmem:s2] =	stream.indirect.scatter.add.f32 [tilespmem:s26], [sflag:$0x7], $0x80, s16, s23, $0xb8;
	[tilespmem:$0x1DF78] =	vst v63  }
0xa3: {  	_ = 	snop  }
0xa4: {  	[spmem:s3] =	stream.indirect.scatter.add.f32 [tilespmem:s0], [sflag:$0xD], $0x1, s16, s23, $0xb8;
	[tilespmem:$0x1DF78] =	vst v63  }
0xa5: {  	_ =	swait.ge [sflag:s10], $0x1400  }
0xa6: {  	[sflag:s10] =	ssyncset.done $0x0  }
0xa7: {  	[sflag:s10] =	ssyncadd.s32 $0xFFFFEC00  }
0xa8: {  	_ =	swait.ge [sflag:s11], $0x28  }
0xa9: {  	s16 =	sadd.s32 $0x280, s7;
	[sflag:s11] =	ssyncset.done $0x0  }
0xaa: {  	[sflag:s11] =	ssyncadd.s32 $0xFFFFFFD8  }
0xab: {  	[tilespmem:s24], [sflag:$0x1] =	stream.indirect.gather [hbm4b:s1+s23], $0x80, s16, s23, $0xb8;
	[tilespmem:$0x1DF78] =	vst v63  }
0xac: {  	_ =	swait.ge [sflag:s12], $0x1400  }
0xad: {  	s16 =	sadd.s32 $0x2100, s7;
	[sflag:s12] =	ssyncset.done $0x0  }
0xae: {  	[sflag:s12] =	ssyncadd.s32 $0xFFFFEC00  }
0xaf: {  	[spmem:s2] =	stream.indirect.scatter.add.f32 [tilespmem:s29], [sflag:$0x8], $0x80, s16, s23, $0xb8;
	[tilespmem:$0x1DF78] =	vst v63  }
0xb0: {  	_ = 	snop  }
0xb1: {  	[spmem:s3] =	stream.indirect.scatter.add.f32 [tilespmem:s0], [sflag:$0xE], $0x1, s16, s23, $0xb8;
	[tilespmem:$0x1DF78] =	vst v63  }
0xb2: {  	_ =	swait.ge [sflag:s17], $0x1400  }
0xb3: {  	[sflag:s17] =	ssyncset.done $0x0  }
0xb4: {  	[sflag:s17] =	ssyncadd.s32 $0xFFFFEC00  }
0xb5: {  	_ =	swait.ge [sflag:s18], $0x28  }
0xb6: {  	s16 =	sadd.s32 $0x300, s7;
	[sflag:s18] =	ssyncset.done $0x0  }
0xb7: {  	[sflag:s18] =	ssyncadd.s32 $0xFFFFFFD8  }
0xb8: {  	[tilespmem:s26], [sflag:$0x2] =	stream.indirect.gather [hbm4b:s1+s23], $0x80, s16, s23, $0xb8;
	[tilespmem:$0x1DF78] =	vst v63  }
0xb9: {  	_ =	swait.ge [sflag:s19], $0x1400  }
0xba: {  	s16 =	sadd.s32 $0x2180, s7;
	[sflag:s19] =	ssyncset.done $0x0  }
0xbb: {  	[sflag:s19] =	ssyncadd.s32 $0xFFFFEC00  }
0xbc: {  	[spmem:s2] =	stream.indirect.scatter.add.f32 [tilespmem:s31], [sflag:$0x9], $0x80, s16, s23, $0xb8;
	[tilespmem:$0x1DF78] =	vst v63  }
0xbd: {  	_ = 	snop  }
0xbe: {  	[spmem:s3] =	stream.indirect.scatter.add.f32 [tilespmem:s0], [sflag:$0xF], $0x1, s16, s23, $0xb8;
	[tilespmem:$0x1DF78] =	vst v63  }
0xbf: {  	_ =	swait.ge [sflag:s20], $0x1400  }
0xc0: {  	[sflag:s20] =	ssyncset.done $0x0  }
0xc1: {  	[sflag:s20] =	ssyncadd.s32 $0xFFFFEC00  }
0xc2: {  	_ =	swait.ge [sflag:s5], $0x28  }
0xc3: {  	s16 =	sadd.s32 $0x380, s7;
	[sflag:s5] =	ssyncset.done $0x0  }
0xc4: {  	[sflag:s5] =	ssyncadd.s32 $0xFFFFFFD8  }
0xc5: {  	[tilespmem:s29], [sflag:$0x3] =	stream.indirect.gather [hbm4b:s1+s23], $0x80, s16, s23, $0xb8;
	[tilespmem:$0x1DF78] =	vst v63  }
0xc6: {  	_ =	swait.ge [sflag:s4], $0x1400  }
0xc7: {  	s16 =	sadd.s32 $0x2200, s7;
	[sflag:s4] =	ssyncset.done $0x0  }
0xc8: {  	[sflag:s4] =	ssyncadd.s32 $0xFFFFEC00  }
0xc9: {  	[spmem:s2] =	stream.indirect.scatter.add.f32 [tilespmem:s30], [sflag:$0xA], $0x80, s16, s23, $0xb8;
	[tilespmem:$0x1DF78] =	vst v63  }
0xca: {  	_ = 	snop  }
0xcb: {  	[spmem:s3] =	stream.indirect.scatter.add.f32 [tilespmem:s0], [sflag:$0x10], $0x1, s16, s23, $0xb8;
	[tilespmem:$0x1DF78] =	vst v63  }
.Ltmp0:
0xcc: {  	_ =	swait.ge [sflag:s8], $0x1400;
	(pc) =	sbr.rel @p5 .LBB2_3-.Ltmp0, $4  }
0xcd: {  	[sflag:s8] =	ssyncset.done $0x0  }
0xce: {  	[sflag:s8] =	ssyncadd.s32 $0xFFFFEC00  }
0xcf: {  	_ =	swait.ge [sflag:s13], $0x28  }
0xd0: {  	s7 =	sadd.s32 $0x400, s7;
	[sflag:s13] =	ssyncset.done $0x0  }
0xd1: {  	[sflag:s13] =	ssyncadd.s32 $0xFFFFFFD8  }
0xd2: {  	[tilespmem:s31], [sflag:$0x4] =	stream.indirect.gather [hbm4b:s1+s23], $0x80, s7, s23, $0xb8;
	[tilespmem:$0x1DF78] =	vst v63  }
0xd3: {  	_ =	swait.ge [sflag:s28], $0x1400  }
0xd4: {  	[sflag:s28] =	ssyncset.done $0x0  }
0xd5: {  	s6 =	simm.s32 $0x2A00;
	[sflag:s28] =	ssyncadd.s32 $0xFFFFEC00  }
0xd6: {  	[spmem:s2] =	stream.indirect.scatter.add.f32 [tilespmem:s24], [sflag:$0x6], $0x80, s6, s23, $0xb8;
	[tilespmem:$0x1DF78] =	vst v63  }
0xd7: {  	_ = 	snop  }
0xd8: {  	[spmem:s3] =	stream.indirect.scatter.add.f32 [tilespmem:s0], [sflag:$0xC], $0x1, s6, s23, $0xb8;
	[tilespmem:$0x1DF78] =	vst v63  }
0xd9: {  	_ =	swait.ge [sflag:s21], $0x1400  }
0xda: {  	[sflag:s21] =	ssyncset.done $0x0  }
0xdb: {  	[sflag:s21] =	ssyncadd.s32 $0xFFFFEC00  }
0xdc: {  	_ =	swait.ge [sflag:s25], $0x28  }
0xdd: {  	[sflag:s25] =	ssyncset.done $0x0  }
0xde: {  	s14 =	simm.s32 $0xC00;
	[sflag:s25] =	ssyncadd.s32 $0xFFFFFFD8  }
0xdf: {  	[tilespmem:s30], [sflag:$0x5] =	stream.indirect.gather [hbm4b:s1+s23], $0x80, s14, s23, $0xb8;
	[tilespmem:$0x1DF78] =	vst v63  }
0xe0: {  	_ =	swait.ge [sflag:s9], $0x1400  }
0xe1: {  	[sflag:s9] =	ssyncset.done $0x0  }
0xe2: {  	s16 =	simm.s32 $0x2A80;
	[sflag:s9] =	ssyncadd.s32 $0xFFFFEC00  }
0xe3: {  	[spmem:s2] =	stream.indirect.scatter.add.f32 [tilespmem:s26], [sflag:$0x7], $0x80, s16, s23, $0xb8;
	[tilespmem:$0x1DF78] =	vst v63  }
0xe4: {  	_ = 	snop  }
0xe5: {  	[spmem:s3] =	stream.indirect.scatter.add.f32 [tilespmem:s0], [sflag:$0xD], $0x1, s16, s23, $0xb8;
	[tilespmem:$0x1DF78] =	vst v63  }
0xe6: {  	_ =	swait.ge [sflag:s10], $0x1400  }
0xe7: {  	[sflag:s10] =	ssyncset.done $0x0  }
0xe8: {  	[sflag:s10] =	ssyncadd.s32 $0xFFFFEC00  }
0xe9: {  	_ =	swait.ge [sflag:s11], $0x28  }
0xea: {  	[sflag:s11] =	ssyncset.done $0x0  }
0xeb: {  	s22 =	simm.s32 $0xB;
	[sflag:s11] =	ssyncadd.s32 $0xFFFFFFD8  }
0xec: {  	_ =	swait.ge [sflag:s22], $0xC80  }
0xed: {  	[sflag:s22] =	ssyncset.done $0x0  }
0xee: {  	[sflag:s22] =	ssyncadd.s32 $0xFFFFF380  }
0xef: {  	_ =	swait.ge [sflag:s22], $0xC80  }
0xf0: {  	[sflag:s22] =	ssyncset.done $0x0  }
0xf1: {  	s7 =	simm.s32 $0x1000;
	[sflag:s22] =	ssyncadd.s32 $0xFFFFF380  }
0xf2: {  	[tilespmem:s24], [sflag:$0x1] =	stream.indirect.gather [hbm4b:s1+s23], $0x80, s7, s23, $0xb8;
	[tilespmem:$0x1DF78] =	vst v63  }
0xf3: {  	_ =	swait.ge [sflag:s12], $0x1400  }
0xf4: {  	[sflag:s12] =	ssyncset.done $0x0  }
0xf5: {  	s14 =	simm.s32 $0x2B00;
	[sflag:s12] =	ssyncadd.s32 $0xFFFFEC00  }
0xf6: {  	[spmem:s2] =	stream.indirect.scatter.add.f32 [tilespmem:s29], [sflag:$0x8], $0x80, s14, s23, $0xb8;
	[tilespmem:$0x1DF78] =	vst v63  }
0xf7: {  	_ = 	snop  }
0xf8: {  	[spmem:s3] =	stream.indirect.scatter.add.f32 [tilespmem:s0], [sflag:$0xE], $0x1, s14, s23, $0xb8;
	[tilespmem:$0x1DF78] =	vst v63  }
0xf9: {  	_ =	swait.ge [sflag:s17], $0x1400  }
0xfa: {  	[sflag:s17] =	ssyncset.done $0x0  }
0xfb: {  	[sflag:s17] =	ssyncadd.s32 $0xFFFFEC00  }
0xfc: {  	_ =	swait.ge [sflag:s18], $0x28  }
0xfd: {  	[sflag:s18] =	ssyncset.done $0x0  }
0xfe: {  	s16 =	simm.s32 $0x1080;
	[sflag:s18] =	ssyncadd.s32 $0xFFFFFFD8  }
0xff: {  	[tilespmem:s26], [sflag:$0x2] =	stream.indirect.gather [hbm4b:s1+s23], $0x80, s16, s23, $0xb8;
	[tilespmem:$0x1DF78] =	vst v63  }
0x100: {  	_ =	swait.ge [sflag:s19], $0x1400  }
0x101: {  	[sflag:s19] =	ssyncset.done $0x0  }
0x102: {  	s22 =	simm.s32 $0x2B80;
	[sflag:s19] =	ssyncadd.s32 $0xFFFFEC00  }
0x103: {  	[spmem:s2] =	stream.indirect.scatter.add.f32 [tilespmem:s31], [sflag:$0x9], $0x80, s22, s23, $0xb8;
	[tilespmem:$0x1DF78] =	vst v63  }
0x104: {  	_ = 	snop  }
0x105: {  	[spmem:s3] =	stream.indirect.scatter.add.f32 [tilespmem:s0], [sflag:$0xF], $0x1, s22, s23, $0xb8;
	[tilespmem:$0x1DF78] =	vst v63  }
0x106: {  	_ =	swait.ge [sflag:s20], $0x1400  }
0x107: {  	[sflag:s20] =	ssyncset.done $0x0  }
0x108: {  	[sflag:s20] =	ssyncadd.s32 $0xFFFFEC00  }
0x109: {  	_ =	swait.ge [sflag:s5], $0x28  }
0x10a: {  	[sflag:s5] =	ssyncset.done $0x0  }
0x10b: {  	s7 =	simm.s32 $0x1100;
	[sflag:s5] =	ssyncadd.s32 $0xFFFFFFD8  }
0x10c: {  	[tilespmem:s29], [sflag:$0x3] =	stream.indirect.gather [hbm4b:s1+s23], $0x80, s7, s23, $0xb8;
	[tilespmem:$0x1DF78] =	vst v63  }
0x10d: {  	_ =	swait.ge [sflag:s4], $0x1400  }
0x10e: {  	[sflag:s4] =	ssyncset.done $0x0  }
0x10f: {  	s14 =	simm.s32 $0x2C00;
	[sflag:s4] =	ssyncadd.s32 $0xFFFFEC00  }
0x110: {  	[spmem:s2] =	stream.indirect.scatter.add.f32 [tilespmem:s30], [sflag:$0xA], $0x80, s14, s23, $0xb8;
	[tilespmem:$0x1DF78] =	vst v63  }
0x111: {  	_ = 	snop  }
0x112: {  	[spmem:s3] =	stream.indirect.scatter.add.f32 [tilespmem:s0], [sflag:$0x10], $0x1, s14, s23, $0xb8;
	[tilespmem:$0x1DF78] =	vst v63  }
0x113: {  	_ =	swait.ge [sflag:s8], $0x1400  }
0x114: {  	[sflag:s8] =	ssyncset.done $0x0  }
0x115: {  	[sflag:s8] =	ssyncadd.s32 $0xFFFFEC00  }
0x116: {  	_ =	swait.ge [sflag:s13], $0x28  }
0x117: {  	s6 =	rddreg [dreg:$0xf]  }
0x118: {  	p5 =	seq.s32 s15, $0x4;
	[sflag:s13] =	ssyncset.done $0x0;
	s7 =	rddreg [dreg:$0x15]  }
0x119: {  	s16 =	simm.s32 $0x1180;
	[sflag:s13] =	ssyncadd.s32 $0xFFFFFFD8;
	s6 =	sadd.s32 @!p5 s7, s6  }
0x11a: {  	[tilespmem:s31], [sflag:$0x4] =	stream.indirect.gather [hbm4b:s1+s23], $0x80, s16, s23, $0xb8;
	[tilespmem:$0x1DF78] =	vst v63  }
0x11b: {  	s7 =	rddreg [dreg:$0x5];
	s6 =	sshrl.u32 @!p5 s6, $0x3  }
0x11c: {  	s14 =	simm.s32 @!p5 $0x0;
	s7 =	sadd.s32 @!p5 s7, s6  }
0x11d: {  	[tilespmem:s14], [sflag:$0xB] =	stream.linear.gather @!p5 [hbm4b:s7+s14], $0xC80, $0x38;
	[tilespmem:$0x1DF78] =	vst v63  }
0x11e: {  	s7 =	rddreg [dreg:$0x6]  }
0x11f: {  	s6 =	sadd.s32 @!p5 s7, s6;
	s7 =	simm.s32 @!p5 $0x2000  }
0x120: {  	[tilespmem:s7], [sflag:$0xB] =	stream.linear.gather @!p5 [hbm4b:s6+s14], $0xC80, $0x38;
	[tilespmem:$0x1DF78] =	vst v63  }
0x121: {  	_ =	swait.ge [sflag:s28], $0x1400  }
0x122: {  	[sflag:s28] =	ssyncset.done $0x0  }
0x123: {  	s22 =	simm.s32 $0x3000;
	[sflag:s28] =	ssyncadd.s32 $0xFFFFEC00  }
0x124: {  	[spmem:s2] =	stream.indirect.scatter.add.f32 [tilespmem:s24], [sflag:$0x6], $0x80, s22, s23, $0xb8;
	[tilespmem:$0x1DF78] =	vst v63  }
0x125: {  	_ = 	snop  }
0x126: {  	[spmem:s3] =	stream.indirect.scatter.add.f32 [tilespmem:s0], [sflag:$0xC], $0x1, s22, s23, $0xb8;
	[tilespmem:$0x1DF78] =	vst v63  }
0x127: {  	_ =	swait.ge [sflag:s21], $0x1400  }
0x128: {  	[sflag:s21] =	ssyncset.done $0x0  }
0x129: {  	[sflag:s21] =	ssyncadd.s32 $0xFFFFEC00  }
0x12a: {  	_ =	swait.ge [sflag:s25], $0x28  }
0x12b: {  	[sflag:s25] =	ssyncset.done $0x0  }
0x12c: {  	s7 =	simm.s32 $0x1200;
	[sflag:s25] =	ssyncadd.s32 $0xFFFFFFD8  }
0x12d: {  	[tilespmem:s30], [sflag:$0x5] =	stream.indirect.gather [hbm4b:s1+s23], $0x80, s7, s23, $0xb8;
	[tilespmem:$0x1DF78] =	vst v63  }
0x12e: {  	_ =	swait.ge [sflag:s9], $0x1400  }
0x12f: {  	[sflag:s9] =	ssyncset.done $0x0  }
0x130: {  	s14 =	simm.s32 $0x3080;
	[sflag:s9] =	ssyncadd.s32 $0xFFFFEC00  }
0x131: {  	[spmem:s2] =	stream.indirect.scatter.add.f32 [tilespmem:s26], [sflag:$0x7], $0x80, s14, s23, $0xb8;
	[tilespmem:$0x1DF78] =	vst v63  }
0x132: {  	_ = 	snop  }
0x133: {  	[spmem:s3] =	stream.indirect.scatter.add.f32 [tilespmem:s0], [sflag:$0xD], $0x1, s14, s23, $0xb8;
	[tilespmem:$0x1DF78] =	vst v63  }
0x134: {  	_ =	swait.ge [sflag:s10], $0x1400  }
0x135: {  	[sflag:s10] =	ssyncset.done $0x0  }
0x136: {  	[sflag:s10] =	ssyncadd.s32 $0xFFFFEC00  }
0x137: {  	_ =	swait.ge [sflag:s11], $0x28  }
0x138: {  	[sflag:s11] =	ssyncset.done $0x0  }
0x139: {  	s16 =	simm.s32 $0x1280;
	[sflag:s11] =	ssyncadd.s32 $0xFFFFFFD8  }
0x13a: {  	[tilespmem:s24], [sflag:$0x1] =	stream.indirect.gather [hbm4b:s1+s23], $0x80, s16, s23, $0xb8;
	[tilespmem:$0x1DF78] =	vst v63  }
0x13b: {  	_ =	swait.ge [sflag:s12], $0x1400  }
0x13c: {  	[sflag:s12] =	ssyncset.done $0x0  }
0x13d: {  	s22 =	simm.s32 $0x3100;
	[sflag:s12] =	ssyncadd.s32 $0xFFFFEC00  }
0x13e: {  	[spmem:s2] =	stream.indirect.scatter.add.f32 [tilespmem:s29], [sflag:$0x8], $0x80, s22, s23, $0xb8;
	[tilespmem:$0x1DF78] =	vst v63  }
0x13f: {  	_ = 	snop  }
0x140: {  	[spmem:s3] =	stream.indirect.scatter.add.f32 [tilespmem:s0], [sflag:$0xE], $0x1, s22, s23, $0xb8;
	[tilespmem:$0x1DF78] =	vst v63  }
0x141: {  	_ =	swait.ge [sflag:s17], $0x1400  }
0x142: {  	[sflag:s17] =	ssyncset.done $0x0  }
0x143: {  	[sflag:s17] =	ssyncadd.s32 $0xFFFFEC00  }
0x144: {  	_ =	swait.ge [sflag:s18], $0x28  }
0x145: {  	[sflag:s18] =	ssyncset.done $0x0  }
0x146: {  	s7 =	simm.s32 $0x1300;
	[sflag:s18] =	ssyncadd.s32 $0xFFFFFFD8  }
0x147: {  	[tilespmem:s26], [sflag:$0x2] =	stream.indirect.gather [hbm4b:s1+s23], $0x80, s7, s23, $0xb8;
	[tilespmem:$0x1DF78] =	vst v63  }
0x148: {  	_ =	swait.ge [sflag:s19], $0x1400  }
0x149: {  	[sflag:s19] =	ssyncset.done $0x0  }
0x14a: {  	s14 =	simm.s32 $0x3180;
	[sflag:s19] =	ssyncadd.s32 $0xFFFFEC00  }
0x14b: {  	[spmem:s2] =	stream.indirect.scatter.add.f32 [tilespmem:s31], [sflag:$0x9], $0x80, s14, s23, $0xb8;
	[tilespmem:$0x1DF78] =	vst v63  }
0x14c: {  	_ = 	snop  }
0x14d: {  	[spmem:s3] =	stream.indirect.scatter.add.f32 [tilespmem:s0], [sflag:$0xF], $0x1, s14, s23, $0xb8;
	[tilespmem:$0x1DF78] =	vst v63  }
0x14e: {  	_ =	swait.ge [sflag:s20], $0x1400  }
0x14f: {  	[sflag:s20] =	ssyncset.done $0x0  }
0x150: {  	[sflag:s20] =	ssyncadd.s32 $0xFFFFEC00  }
0x151: {  	_ =	swait.ge [sflag:s5], $0x28  }
0x152: {  	[sflag:s5] =	ssyncset.done $0x0  }
0x153: {  	s16 =	simm.s32 $0x1380;
	[sflag:s5] =	ssyncadd.s32 $0xFFFFFFD8  }
0x154: {  	[tilespmem:s29], [sflag:$0x3] =	stream.indirect.gather [hbm4b:s1+s23], $0x80, s16, s23, $0xb8;
	[tilespmem:$0x1DF78] =	vst v63  }
0x155: {  	_ =	swait.ge [sflag:s4], $0x1400  }
0x156: {  	[sflag:s4] =	ssyncset.done $0x0  }
0x157: {  	s22 =	simm.s32 $0x3200;
	[sflag:s4] =	ssyncadd.s32 $0xFFFFEC00  }
0x158: {  	[spmem:s2] =	stream.indirect.scatter.add.f32 [tilespmem:s30], [sflag:$0xA], $0x80, s22, s23, $0xb8;
	[tilespmem:$0x1DF78] =	vst v63  }
0x159: {  	_ = 	snop  }
0x15a: {  	[spmem:s3] =	stream.indirect.scatter.add.f32 [tilespmem:s0], [sflag:$0x10], $0x1, s22, s23, $0xb8;
	[tilespmem:$0x1DF78] =	vst v63  }
0x15b: {  	_ =	swait.ge [sflag:s8], $0x1400  }
0x15c: {  	[sflag:s8] =	ssyncset.done $0x0  }
0x15d: {  	[sflag:s8] =	ssyncadd.s32 $0xFFFFEC00  }
0x15e: {  	_ =	swait.ge [sflag:s13], $0x28  }
0x15f: {  	s15 =	sadd.s32 $0x1, s15;
	[sflag:s13] =	ssyncset.done $0x0  }
0x160: {  	s6 =	simm.s32 $0xA00;
	s7 =	simm.s32 $0x1400;
	[sflag:s13] =	ssyncadd.s32 $0xFFFFFFD8  }
.LBB2_5:
0x161: {  	[tilespmem:s31], [sflag:$0x4] =	stream.indirect.gather [hbm4b:s1+s23], $0x80, s7, s23, $0xb8;
	[tilespmem:$0x1DF78] =	vst v63  }
0x162: {  	s7 =	smov.u32 s6  }
0x163: {  	p6 =	sne.s32 s6, $0x1E00;
	s6 =	sadd.s32 $0xA00, s6;
	_ =	swait.ge [sflag:s28], $0x1400  }
0x164: {  	s7 =	sshra.s32 s7, $0x2;
	[sflag:s28] =	ssyncset.done $0x0  }
0x165: {  	s14 =	sadd.s32 $0x3000, s7;
	[sflag:s28] =	ssyncadd.s32 $0xFFFFEC00  }
0x166: {  	[spmem:s2] =	stream.indirect.scatter.add.f32 [tilespmem:s24], [sflag:$0x6], $0x80, s14, s23, $0xb8;
	[tilespmem:$0x1DF78] =	vst v63  }
0x167: {  	_ = 	snop  }
0x168: {  	[spmem:s3] =	stream.indirect.scatter.add.f32 [tilespmem:s0], [sflag:$0xC], $0x1, s14, s23, $0xb8;
	[tilespmem:$0x1DF78] =	vst v63  }
0x169: {  	_ =	swait.ge [sflag:s21], $0x1400  }
0x16a: {  	[sflag:s21] =	ssyncset.done $0x0  }
0x16b: {  	[sflag:s21] =	ssyncadd.s32 $0xFFFFEC00  }
0x16c: {  	_ =	swait.ge [sflag:s25], $0x28  }
0x16d: {  	[sflag:s25] =	ssyncset.done $0x0  }
0x16e: {  	s14 =	sadd.s32 $0x1200, s7;
	[sflag:s25] =	ssyncadd.s32 $0xFFFFFFD8  }
0x16f: {  	[tilespmem:s30], [sflag:$0x5] =	stream.indirect.gather [hbm4b:s1+s23], $0x80, s14, s23, $0xb8;
	[tilespmem:$0x1DF78] =	vst v63  }
0x170: {  	_ =	swait.ge [sflag:s9], $0x1400  }
0x171: {  	[sflag:s9] =	ssyncset.done $0x0  }
0x172: {  	s14 =	sadd.s32 $0x3080, s7;
	[sflag:s9] =	ssyncadd.s32 $0xFFFFEC00  }
0x173: {  	[spmem:s2] =	stream.indirect.scatter.add.f32 [tilespmem:s26], [sflag:$0x7], $0x80, s14, s23, $0xb8;
	[tilespmem:$0x1DF78] =	vst v63  }
0x174: {  	_ = 	snop  }
0x175: {  	[spmem:s3] =	stream.indirect.scatter.add.f32 [tilespmem:s0], [sflag:$0xD], $0x1, s14, s23, $0xb8;
	[tilespmem:$0x1DF78] =	vst v63  }
0x176: {  	_ =	swait.ge [sflag:s10], $0x1400  }
0x177: {  	[sflag:s10] =	ssyncset.done $0x0  }
0x178: {  	[sflag:s10] =	ssyncadd.s32 $0xFFFFEC00  }
0x179: {  	_ =	swait.ge [sflag:s11], $0x28  }
0x17a: {  	[sflag:s11] =	ssyncset.done $0x0  }
0x17b: {  	s14 =	sadd.s32 $0x1280, s7;
	[sflag:s11] =	ssyncadd.s32 $0xFFFFFFD8  }
0x17c: {  	[tilespmem:s24], [sflag:$0x1] =	stream.indirect.gather [hbm4b:s1+s23], $0x80, s14, s23, $0xb8;
	[tilespmem:$0x1DF78] =	vst v63  }
0x17d: {  	_ =	swait.ge [sflag:s12], $0x1400  }
0x17e: {  	[sflag:s12] =	ssyncset.done $0x0  }
0x17f: {  	s14 =	sadd.s32 $0x3100, s7;
	[sflag:s12] =	ssyncadd.s32 $0xFFFFEC00  }
0x180: {  	[spmem:s2] =	stream.indirect.scatter.add.f32 [tilespmem:s29], [sflag:$0x8], $0x80, s14, s23, $0xb8;
	[tilespmem:$0x1DF78] =	vst v63  }
0x181: {  	_ = 	snop  }
0x182: {  	[spmem:s3] =	stream.indirect.scatter.add.f32 [tilespmem:s0], [sflag:$0xE], $0x1, s14, s23, $0xb8;
	[tilespmem:$0x1DF78] =	vst v63  }
0x183: {  	_ =	swait.ge [sflag:s17], $0x1400  }
0x184: {  	[sflag:s17] =	ssyncset.done $0x0  }
0x185: {  	[sflag:s17] =	ssyncadd.s32 $0xFFFFEC00  }
0x186: {  	_ =	swait.ge [sflag:s18], $0x28  }
0x187: {  	[sflag:s18] =	ssyncset.done $0x0  }
0x188: {  	s14 =	sadd.s32 $0x1300, s7;
	[sflag:s18] =	ssyncadd.s32 $0xFFFFFFD8  }
0x189: {  	[tilespmem:s26], [sflag:$0x2] =	stream.indirect.gather [hbm4b:s1+s23], $0x80, s14, s23, $0xb8;
	[tilespmem:$0x1DF78] =	vst v63  }
0x18a: {  	_ =	swait.ge [sflag:s19], $0x1400  }
0x18b: {  	[sflag:s19] =	ssyncset.done $0x0  }
0x18c: {  	s14 =	sadd.s32 $0x3180, s7;
	[sflag:s19] =	ssyncadd.s32 $0xFFFFEC00  }
0x18d: {  	[spmem:s2] =	stream.indirect.scatter.add.f32 [tilespmem:s31], [sflag:$0x9], $0x80, s14, s23, $0xb8;
	[tilespmem:$0x1DF78] =	vst v63  }
0x18e: {  	_ = 	snop  }
0x18f: {  	[spmem:s3] =	stream.indirect.scatter.add.f32 [tilespmem:s0], [sflag:$0xF], $0x1, s14, s23, $0xb8;
	[tilespmem:$0x1DF78] =	vst v63  }
0x190: {  	_ =	swait.ge [sflag:s20], $0x1400  }
0x191: {  	[sflag:s20] =	ssyncset.done $0x0  }
0x192: {  	[sflag:s20] =	ssyncadd.s32 $0xFFFFEC00  }
0x193: {  	_ =	swait.ge [sflag:s5], $0x28  }
0x194: {  	[sflag:s5] =	ssyncset.done $0x0  }
0x195: {  	s14 =	sadd.s32 $0x1380, s7;
	[sflag:s5] =	ssyncadd.s32 $0xFFFFFFD8  }
0x196: {  	[tilespmem:s29], [sflag:$0x3] =	stream.indirect.gather [hbm4b:s1+s23], $0x80, s14, s23, $0xb8;
	[tilespmem:$0x1DF78] =	vst v63  }
0x197: {  	_ =	swait.ge [sflag:s4], $0x1400  }
0x198: {  	[sflag:s4] =	ssyncset.done $0x0  }
0x199: {  	s14 =	sadd.s32 $0x3200, s7;
	[sflag:s4] =	ssyncadd.s32 $0xFFFFEC00  }
0x19a: {  	[spmem:s2] =	stream.indirect.scatter.add.f32 [tilespmem:s30], [sflag:$0xA], $0x80, s14, s23, $0xb8;
	[tilespmem:$0x1DF78] =	vst v63  }
0x19b: {  	_ = 	snop  }
0x19c: {  	[spmem:s3] =	stream.indirect.scatter.add.f32 [tilespmem:s0], [sflag:$0x10], $0x1, s14, s23, $0xb8;
	[tilespmem:$0x1DF78] =	vst v63  }
0x19d: {  	_ =	swait.ge [sflag:s8], $0x1400  }
.Ltmp1:
0x19e: {  	[sflag:s8] =	ssyncset.done $0x0;
	(pc) =	sbr.rel @p6 .LBB2_5-.Ltmp1, $4  }
0x19f: {  	[sflag:s8] =	ssyncadd.s32 $0xFFFFEC00  }
0x1a0: {  	_ =	swait.ge [sflag:s13], $0x28  }
0x1a1: {  	[sflag:s13] =	ssyncset.done $0x0  }
0x1a2: {  	s7 =	sadd.s32 $0x1400, s7;
	[sflag:s13] =	ssyncadd.s32 $0xFFFFFFD8  }
0x1a3: {  	[tilespmem:s31], [sflag:$0x4] =	stream.indirect.gather [hbm4b:s1+s23], $0x80, s7, s23, $0xb8;
	[tilespmem:$0x1DF78] =	vst v63  }
0x1a4: {  	_ =	swait.ge [sflag:s28], $0x1400  }
0x1a5: {  	[sflag:s28] =	ssyncset.done $0x0  }
0x1a6: {  	s6 =	simm.s32 $0x3A00;
	[sflag:s28] =	ssyncadd.s32 $0xFFFFEC00  }
0x1a7: {  	[spmem:s2] =	stream.indirect.scatter.add.f32 [tilespmem:s24], [sflag:$0x6], $0x80, s6, s23, $0xb8;
	[tilespmem:$0x1DF78] =	vst v63  }
0x1a8: {  	_ = 	snop  }
0x1a9: {  	[spmem:s3] =	stream.indirect.scatter.add.f32 [tilespmem:s0], [sflag:$0xC], $0x1, s6, s23, $0xb8;
	[tilespmem:$0x1DF78] =	vst v63  }
0x1aa: {  	_ =	swait.ge [sflag:s21], $0x1400  }
0x1ab: {  	[sflag:s21] =	ssyncset.done $0x0  }
0x1ac: {  	[sflag:s21] =	ssyncadd.s32 $0xFFFFEC00  }
0x1ad: {  	_ =	swait.ge [sflag:s25], $0x28  }
0x1ae: {  	[sflag:s25] =	ssyncset.done $0x0  }
0x1af: {  	s22 =	simm.s32 $0x1C00;
	[sflag:s25] =	ssyncadd.s32 $0xFFFFFFD8  }
0x1b0: {  	[tilespmem:s30], [sflag:$0x5] =	stream.indirect.gather [hbm4b:s1+s23], $0x80, s22, s23, $0xb8;
	[tilespmem:$0x1DF78] =	vst v63  }
0x1b1: {  	_ =	swait.ge [sflag:s9], $0x1400  }
0x1b2: {  	[sflag:s9] =	ssyncset.done $0x0  }
0x1b3: {  	s7 =	simm.s32 $0x3A80;
	[sflag:s9] =	ssyncadd.s32 $0xFFFFEC00  }
0x1b4: {  	[spmem:s2] =	stream.indirect.scatter.add.f32 [tilespmem:s26], [sflag:$0x7], $0x80, s7, s23, $0xb8;
	[tilespmem:$0x1DF78] =	vst v63  }
0x1b5: {  	_ = 	snop  }
0x1b6: {  	[spmem:s3] =	stream.indirect.scatter.add.f32 [tilespmem:s0], [sflag:$0xD], $0x1, s7, s23, $0xb8;
	[tilespmem:$0x1DF78] =	vst v63  }
0x1b7: {  	_ =	swait.ge [sflag:s10], $0x1400  }
0x1b8: {  	[sflag:s10] =	ssyncset.done $0x0  }
0x1b9: {  	[sflag:s10] =	ssyncadd.s32 $0xFFFFEC00  }
0x1ba: {  	_ =	swait.ge [sflag:s11], $0x28  }
0x1bb: {  	[sflag:s11] =	ssyncset.done $0x0  }
0x1bc: {  	s6 =	simm.s32 @!p5 $0xB;
	[sflag:s11] =	ssyncadd.s32 $0xFFFFFFD8  }
0x1bd: {  	_ =	swait.ge @!p5 [sflag:s6], $0xC80  }
0x1be: {  	[sflag:s6] =	ssyncset.done @!p5 $0x0  }
0x1bf: {  	[sflag:s6] =	ssyncadd.s32 @!p5 $0xFFFFF380  }
0x1c0: {  	_ =	swait.ge @!p5 [sflag:s6], $0xC80  }
0x1c1: {  	s14 =	simm.s32 @!p5 $0x4000;
	[sflag:s6] =	ssyncset.done @!p5 $0x0  }
0x1c2: {  	s7 =	simm.s32 @!p5 $0x0;
	[sflag:s6] =	ssyncadd.s32 @!p5 $0xFFFFF380;
	s6 =	simm.s32 @!p5 $0x28  }
0x1c3: {  	[tilespmem:s14], [sflag:$0x1] =	stream.indirect.gather @!p5 [hbm4b:s1+s6], $0x80, s7, s6, $0xb8;
	[tilespmem:$0x1DF78] =	vst v63  }
0x1c4: {  	_ =	swait.ge [sflag:s12], $0x1400  }
0x1c5: {  	[sflag:s12] =	ssyncset.done $0x0  }
0x1c6: {  	s14 =	simm.s32 $0x3B00;
	[sflag:s12] =	ssyncadd.s32 $0xFFFFEC00  }
0x1c7: {  	[spmem:s2] =	stream.indirect.scatter.add.f32 [tilespmem:s29], [sflag:$0x8], $0x80, s14, s23, $0xb8;
	[tilespmem:$0x1DF78] =	vst v63  }
0x1c8: {  	_ = 	snop  }
0x1c9: {  	[spmem:s3] =	stream.indirect.scatter.add.f32 [tilespmem:s0], [sflag:$0xE], $0x1, s14, s23, $0xb8;
	[tilespmem:$0x1DF78] =	vst v63  }
0x1ca: {  	_ =	swait.ge [sflag:s17], $0x1400  }
0x1cb: {  	[sflag:s17] =	ssyncset.done $0x0  }
0x1cc: {  	[sflag:s17] =	ssyncadd.s32 $0xFFFFEC00  }
0x1cd: {  	_ =	swait.ge [sflag:s18], $0x28  }
0x1ce: {  	[sflag:s18] =	ssyncset.done $0x0  }
0x1cf: {  	s7 =	simm.s32 @!p5 $0x80;
	s14 =	simm.s32 @!p5 $0x5400;
	[sflag:s18] =	ssyncadd.s32 $0xFFFFFFD8  }
0x1d0: {  	[tilespmem:s14], [sflag:$0x2] =	stream.indirect.gather @!p5 [hbm4b:s1+s6], $0x80, s7, s6, $0xb8;
	[tilespmem:$0x1DF78] =	vst v63  }
0x1d1: {  	_ =	swait.ge [sflag:s19], $0x1400  }
0x1d2: {  	[sflag:s19] =	ssyncset.done $0x0  }
0x1d3: {  	s16 =	simm.s32 $0x3B80;
	[sflag:s19] =	ssyncadd.s32 $0xFFFFEC00  }
0x1d4: {  	[spmem:s2] =	stream.indirect.scatter.add.f32 [tilespmem:s31], [sflag:$0x9], $0x80, s16, s23, $0xb8;
	[tilespmem:$0x1DF78] =	vst v63  }
0x1d5: {  	_ = 	snop  }
0x1d6: {  	[spmem:s3] =	stream.indirect.scatter.add.f32 [tilespmem:s0], [sflag:$0xF], $0x1, s16, s23, $0xb8;
	[tilespmem:$0x1DF78] =	vst v63  }
0x1d7: {  	_ =	swait.ge [sflag:s20], $0x1400  }
0x1d8: {  	[sflag:s20] =	ssyncset.done $0x0  }
0x1d9: {  	[sflag:s20] =	ssyncadd.s32 $0xFFFFEC00  }
0x1da: {  	_ =	swait.ge [sflag:s5], $0x28  }
0x1db: {  	[sflag:s5] =	ssyncset.done $0x0  }
0x1dc: {  	s7 =	simm.s32 @!p5 $0x100;
	s14 =	simm.s32 @!p5 $0x6800;
	[sflag:s5] =	ssyncadd.s32 $0xFFFFFFD8  }
0x1dd: {  	[tilespmem:s14], [sflag:$0x3] =	stream.indirect.gather @!p5 [hbm4b:s1+s6], $0x80, s7, s6, $0xb8;
	[tilespmem:$0x1DF78] =	vst v63  }
0x1de: {  	_ =	swait.ge [sflag:s4], $0x1400  }
0x1df: {  	[sflag:s4] =	ssyncset.done $0x0  }
0x1e0: {  	s22 =	simm.s32 $0x3C00;
	[sflag:s4] =	ssyncadd.s32 $0xFFFFEC00  }
0x1e1: {  	[spmem:s2] =	stream.indirect.scatter.add.f32 [tilespmem:s30], [sflag:$0xA], $0x80, s22, s23, $0xb8;
	[tilespmem:$0x1DF78] =	vst v63  }
0x1e2: {  	_ = 	snop  }
0x1e3: {  	[spmem:s3] =	stream.indirect.scatter.add.f32 [tilespmem:s0], [sflag:$0x10], $0x1, s22, s23, $0xb8;
	[tilespmem:$0x1DF78] =	vst v63  }
0x1e4: {  	_ =	swait.ge [sflag:s8], $0x1400  }
0x1e5: {  	[sflag:s8] =	ssyncset.done $0x0  }
0x1e6: {  	[sflag:s8] =	ssyncadd.s32 $0xFFFFEC00  }
0x1e7: {  	_ =	swait.ge [sflag:s13], $0x28  }
0x1e8: {  	p6 =	sne.s32 @!p5 s15, $0x5;
	[sflag:s13] =	ssyncset.done $0x0  }
0x1e9: {  	s7 =	simm.s32 @!p5 $0x180;
	s14 =	simm.s32 @!p5 $0x7C00;
	[sflag:s13] =	ssyncadd.s32 $0xFFFFFFD8  }
0x1ea: {  	[tilespmem:s14], [sflag:$0x4] =	stream.indirect.gather @!p5 [hbm4b:s1+s6], $0x80, s7, s6, $0xb8;
	[tilespmem:$0x1DF78] =	vst v63  }
0x1eb: {  	p5 =	por p5, !p6  }
.Ltmp2:
0x1ec: {  	_ = 	snop;
	(pc) =	sbr.rel @!p5 .LBB2_2-.Ltmp2, $1  }
0x1ed: {  	_ =	sdelay $0x3  }
0x1ee: {  	_ =	swait.ge [sflag:s21], $0x1400  }
0x1ef: {  	[sflag:s21] =	ssyncset.done $0x0  }
0x1f0: {  	[sflag:s21] =	ssyncadd.s32 $0xFFFFEC00  }
0x1f1: {  	_ =	swait.ge [sflag:s25], $0x28  }
0x1f2: {  	[sflag:s25] =	ssyncset.done $0x0  }
0x1f3: {  	[sflag:s25] =	ssyncadd.s32 $0xFFFFFFD8  }
0x1f4: {  	[bflag:$0x0] =	sbarrier.arrive $0xFFFF  }
0x1f5: {  	s6 =	rddreg [dreg:$0xd]  }
0x1f6: {  	s7 =	simm.s32 @p3 $0x1FD1;
	s14 =	rddreg [dreg:$0x11];
	s6 =	sshrl.u32 @p3 s6, $0x3  }
0x1f7: {  	[hbm:s14], [sflag:s7] =	dma.local @p3 [spmem:s6], $0x2800  }
0x1f8: {  	s6 =	simm.s32 @p3 $0x11  }
0x1f9: {  	s16 =	stileid.u32;
	_ =	swait.ge @p3 [sflag:s6], $0x2800  }
0x1fa: {  	s7 =	sshll.u32 @!p3 s16, $0x6;
	[sflag:s6] =	ssyncset.done @p3 $0x0  }
0x1fb: {  	[sflag:s6] =	ssyncadd.s32 @p3 $0xFFFFD800;
	s6 =	sor.u32 @!p3 $0x1C11, s7;
	s7 =	rddreg [dreg:$0xc]  }
0x1fc: {  	s14 =	rddreg [dreg:$0x10];
	s7 =	sshrl.u32 @!p3 s7, $0x3  }
0x1fd: {  	[hbm:s14], [sflag:s6] =	dma.local @!p3 [spmem:s7], $0x2700  }
0x1fe: {  	s6 =	simm.s32 @!p3 $0x11  }
0x1ff: {  	_ =	swait.ge @!p3 [sflag:s6], $0x2700  }
0x200: {  	s7 =	sshll.u32 @p4 s16, $0x6;
	[sflag:s6] =	ssyncset.done @!p3 $0x0  }
0x201: {  	s14 =	rddreg [dreg:$0x12];
	[sflag:s6] =	ssyncadd.s32 @!p3 $0xFFFFD900;
	s6 =	sor.u32 @p4 $0x1C11, s7  }
0x202: {  	[dreg:$0x16] =	wrdreg s6;
	s6 =	sshrl.u32 @p4 s3, $0x3  }
0x203: {  	[dreg:$0x17] =	wrdreg s6  }
0x204: {  	s22 =	simm.s32 @p4 $0x1;
	s7 =	rddreg [dreg:$0x16]  }
0x205: {  	s16 =	simm.s32 @p4 $0x10;
	s6 =	simm.s32 @p4 $0x20;
	s15 =	rddreg [dreg:$0x17]  }
0x206: {  	[hbm:s14@s6], [sflag:s7] =	dma.strided @p4 [spmem:s15@s16], $0x4F0, s22, $0x10   }
0x207: {  	s6 =	simm.s32 @p4 $0x11  }
0x208: {  	s15 =	rddreg [dreg:$0xc];
	_ =	swait.ge @p4 [sflag:s6], $0x4F0  }
0x209: {  	s7 =	rddreg [dreg:$0x14]  }
0x20a: {  	s16 =	rddreg [dreg:$0x13];
	s14 =	sadd.s32 $0x1, s7  }
0x20b: {  	p5 =	sne.s32 s14, s16  }
.Ltmp3:
0x20c: {  	_ = 	snop;
	(pc) =	sbr.rel @p5 .LBB2_1-.Ltmp3, $3  }
0x20d: {  	_ =	sdelay $0x1  }
0x20e: {  	[sflag:s6] =	ssyncset.done @p4 $0x0  }
0x20f: {  	s22 =	stileid.u32;
	[sflag:s6] =	ssyncadd.s32 @p4 $0xFFFFFB10  }
0x210: {  	_ =	sfence.sel $0x180000  }
0x211: {  	[bflag:$0x0] =	sbarrier.arrive $0xFFFF  }
0x212: {  	_ =	strace $0x90000047  }
0x213: {  	[bflag:$0x2] =	sbarrier.arrive $0xFFFF  }
0x214: {  	p0 =	sne.s32 s22, $0x0;
	s0 =	rddreg [dreg:$0x4]  }
0x215: {  	s0 =	sadd.s32 @!p0 $0x100000, s0  }
0x216: {  	[sflag:s0] =	ssyncadd.tile.s32 @!p0 $0x1;
	_ =	shalt  }
.Lfunc_end2:
_tile_overlayer_lowered:
.L_overlay_start_2:
0x217: {  	(tag) =	ssettag $0x2  }
0x218: {  	s0 =	rddreg [dreg:$0x0];
	s2 =	stileid.u32  }
0x219: {  	s1 =	rddreg [dreg:$0x1];
	p0 =	sne.s32 s2, $0x0  }
0x21a: {  	s3 =	rddreg [dreg:$0x2];
	[bflag:$0x3] =	sbarrier.arrive $0xFFFF;
	s2 =	simm.s32 @!p0 $0x1C11  }
0x21b: {  	[timem:s3], [sflag:s2] =	dma.local @!p0 [hbm:s0], s1  }
0x21c: {  	s0 =	simm.s32 @!p0 $0x11  }
0x21d: {  	_ =	swait.ge @!p0 [sflag:s0], s1  }
0x21e: {  	s1 =	ssub.s32 @!p0 $0x0, s1;
	[sflag:s0] =	ssyncset.done @!p0 $0x0  }
0x21f: {  	[sflag:s0] =	ssyncadd.s32 @!p0 s1  }
0x220: {  	[bflag:$0x3] =	sbarrier.arrive $0xFFFF  }
0x221: {  	_ =	shalt  }

</sc_bundles>
